<compile_context>
chip_gen: v7x
topology: tpu7x:2x2x1
jax: 0.10.2.dev20260603
libtpu: 0.0.44.dev20260713+nightly
codegen_flags: <defaults>
</compile_context>

<pallas_src>
import functools

import jax
import jax.numpy as jnp
from jax import lax
from jax.experimental import pallas as pl
from jax.experimental.pallas import tpu as pltpu
from jax.experimental.pallas import tpu_sc as plsc

B = 16384
EMBED_DIM = 32
HIDDEN = 64
NCOL = 1_000_000
RW = 1024
FULLC = NCOL // RW
TAILN = NCOL - FULLC * RW
NCHUNK = FULLC + 1
SCR = NCHUNK * 32 * RW
CPW = (NCHUNK + 15) // 16


def _sc_linearize(uemb_t, iemb_t, utail, itail):
    mesh = plsc.VectorSubcoreMesh(core_axis_name="c", subcore_axis_name="s")

    @functools.partial(
        pl.kernel,
        mesh=mesh,
        out_type=[
            jax.ShapeDtypeStruct((SCR // 128, 128), jnp.float32),
            jax.ShapeDtypeStruct((SCR // 128, 128), jnp.float32),
        ],
        scratch_types=[
            pltpu.VMEM((32, RW), jnp.float32),
            pltpu.VMEM((32, RW), jnp.float32),
            pltpu.SemaphoreType.DMA,
            pltpu.SemaphoreType.DMA,
            pltpu.SemaphoreType.DMA,
            pltpu.SemaphoreType.DMA,
        ],
    )
    def lin_kernel(uemb_h, iemb_h, utail_h, itail_h, uout_h, iout_h,
                   buf0, buf1, rsem0, rsem1, wsem0, wsem1):
        cid = lax.axis_index("c")
        sid = lax.axis_index("s")

        def do_table(emb_h, tail_h, out2d):
            start = sid * CPW

            def chunk_at(j):
                return jnp.minimum(start + j, NCHUNK - 1)

            def read(c, buf, rsem):
                @pl.when(c < FULLC)
                def _():
                    pltpu.async_copy(
                        emb_h.at[:, pl.ds(c * RW, RW)], buf, rsem)

                @pl.when(c >= FULLC)
                def _():
                    pltpu.async_copy(tail_h, buf, rsem)

            def write(c, buf, wsem):
                for k in range(RW // 128):
                    pltpu.async_copy(
                        buf.at[:, pl.ds(k * 128, 128)],
                        out2d.at[pl.ds((c * (RW // 128) + k) * 32, 32), :],
                        wsem)

            def wait_r(sem):
                pltpu.make_async_copy(tail_h, buf0, sem).wait()

            def wait_w(sem):
                for _ in range(RW // 128):
                    pltpu.make_async_copy(
                        buf0.at[:, pl.ds(0, 128)],
                        out2d.at[pl.ds(0, 32), :], sem).wait()

            read(chunk_at(0), buf0, rsem0)
            read(chunk_at(1), buf1, rsem1)

            def body(p, _):
                wait_r(rsem0)
                write(chunk_at(2 * p), buf0, wsem0)
                wait_r(rsem1)
                write(chunk_at(2 * p + 1), buf1, wsem1)

                @pl.when(2 * p + 2 < CPW)
                def _():
                    wait_w(wsem0)
                    read(chunk_at(2 * p + 2), buf0, rsem0)

                @pl.when(2 * p + 3 < CPW)
                def _():
                    wait_w(wsem1)
                    read(chunk_at(2 * p + 3), buf1, rsem1)

                return 0

            lax.fori_loop(0, CPW // 2, body, 0)
            if CPW % 2 == 0:
                wait_w(wsem0)
                wait_w(wsem1)
            else:
                wait_w(wsem1)
                wait_r(rsem0)
                write(chunk_at(CPW - 1), buf0, wsem0)
                wait_w(wsem0)

        @pl.when(cid == 0)
        def _():
            do_table(uemb_h, utail_h, uout_h)

        @pl.when(cid == 1)
        def _():
            do_table(iemb_h, itail_h, iout_h)

    return lin_kernel(uemb_t, iemb_t, utail, itail)


def _sc_gather(uid, iid, uscr, iscr, nc, nw):
    b_per_w = B // nw
    nidx = b_per_w * EMBED_DIM
    ndesc = nidx // 128
    mesh = plsc.VectorSubcoreMesh(core_axis_name="c", subcore_axis_name="s")

    @functools.partial(
        pl.kernel,
        mesh=mesh,
        compiler_params=pltpu.CompilerParams(use_tc_tiling_on_sc=False),
        out_type=[
            jax.ShapeDtypeStruct((B * EMBED_DIM,), jnp.float32),
            jax.ShapeDtypeStruct((B * EMBED_DIM,), jnp.float32),
        ],
        scratch_types=[
            pltpu.VMEM((b_per_w,), jnp.int32),
            pltpu.VMEM((b_per_w,), jnp.int32),
            pltpu.VMEM((nidx,), jnp.int32),
            pltpu.VMEM((nidx,), jnp.int32),
            pltpu.VMEM((nidx,), jnp.float32),
            pltpu.VMEM((nidx,), jnp.float32),
            pltpu.SemaphoreType.DMA,
            pltpu.SemaphoreType.DMA,
        ],
    )
    def gather_kernel(uid_h, iid_h, uscr_h, iscr_h, uout_h, iout_h,
                      uids, iids, uidx, iidx, urows, irows, usem, isem):
        wid = lax.axis_index("s") * nc + lax.axis_index("c")
        base = wid * b_per_w
        pltpu.sync_copy(uid_h.at[pl.ds(base, b_per_w)], uids)
        pltpu.sync_copy(iid_h.at[pl.ds(base, b_per_w)], iids)

        dlo = lax.iota(jnp.int32, 16) * 128
        dhi = dlo + 16 * 128

        def idx_body(g, _):
            uvec = uids[pl.ds(g * 16, 16)]
            ubase = ((uvec >> 7) << 12) + (uvec & 127)
            ivec = iids[pl.ds(g * 16, 16)]
            ibase = ((ivec >> 7) << 12) + (ivec & 127)
            for l in range(16):
                j = g * 16 + l
                bu = ubase[l]
                uidx[pl.ds(j * 32, 16)] = bu + dlo
                uidx[pl.ds(j * 32 + 16, 16)] = bu + dhi
                bi = ibase[l]
                iidx[pl.ds(j * 32, 16)] = bi + dlo
                iidx[pl.ds(j * 32 + 16, 16)] = bi + dhi
            return 0

        lax.fori_loop(0, b_per_w // 16, idx_body, 0)

        def fire(g, _):
            pltpu.async_copy(uscr_h.at[uidx.at[pl.ds(g * 128, 128)]],
                             urows.at[pl.ds(g * 128, 128)], usem)
            pltpu.async_copy(iscr_h.at[iidx.at[pl.ds(g * 128, 128)]],
                             irows.at[pl.ds(g * 128, 128)], isem)
            return 0

        lax.fori_loop(0, ndesc, fire, 0)

        def drain(g, _):
            pltpu.make_async_copy(uscr_h.at[uidx.at[pl.ds(0, 128)]],
                                  urows.at[pl.ds(0, 128)], usem).wait()
            pltpu.make_async_copy(iscr_h.at[iidx.at[pl.ds(0, 128)]],
                                  irows.at[pl.ds(0, 128)], isem).wait()
            return 0

        lax.fori_loop(0, ndesc, drain, 0)

        pltpu.sync_copy(urows, uout_h.at[pl.ds(base * EMBED_DIM, nidx)])
        pltpu.sync_copy(irows, iout_h.at[pl.ds(base * EMBED_DIM, nidx)])

    return gather_kernel(uid, iid, uscr, iscr)


def _mlp_body(u_ref, v_ref, w1u_ref, w1v_ref, b1_ref, w2_ref, b2_ref, out_ref):
    dn = (((1,), (1,)), ((), ()))
    h = lax.dot_general(u_ref[...], w1u_ref[...], dn,
                        preferred_element_type=jnp.float32)
    h = h + lax.dot_general(v_ref[...], w1v_ref[...], dn,
                            preferred_element_type=jnp.float32)
    h = jnp.maximum(h + b1_ref[...][None, :], 0.0)
    out_ref[...] = jnp.sum(h * w2_ref[...][None, :], axis=1) + b2_ref[...]


def _tc_mlp(u, v, w1u, w1v, b1, w2, b2):
    bm = 2048
    grid = B // bm
    return pl.pallas_call(
        _mlp_body,
        grid=(grid,),
        in_specs=[
            pl.BlockSpec((bm, EMBED_DIM), lambda i: (i, 0)),
            pl.BlockSpec((bm, EMBED_DIM), lambda i: (i, 0)),
            pl.BlockSpec((HIDDEN, EMBED_DIM), lambda i: (0, 0)),
            pl.BlockSpec((HIDDEN, EMBED_DIM), lambda i: (0, 0)),
            pl.BlockSpec((HIDDEN,), lambda i: (0,)),
            pl.BlockSpec((HIDDEN,), lambda i: (0,)),
            pl.BlockSpec((1,), lambda i: (0,)),
        ],
        out_specs=pl.BlockSpec((bm,), lambda i: (i,)),
        out_shape=jax.ShapeDtypeStruct((B,), jnp.float32),
    )(u, v, w1u, w1v, b1, w2, b2)


def kernel(user_ids, item_ids, user_emb, item_emb, W1, b1, W2, b2):
    info = plsc.get_sparse_core_info()
    nc, ns = info.num_cores, info.num_subcores
    nw = nc * ns
    uid = user_ids.astype(jnp.int32)
    iid = item_ids.astype(jnp.int32)
    utail = jnp.pad(user_emb[FULLC * RW:, :].T, ((0, 0), (0, RW - TAILN)))
    itail = jnp.pad(item_emb[FULLC * RW:, :].T, ((0, 0), (0, RW - TAILN)))
    uscr, iscr = _sc_linearize(user_emb.T, item_emb.T, utail, itail)
    u1d, v1d = _sc_gather(uid, iid, uscr.reshape(SCR), iscr.reshape(SCR),
                          nc, nw)
    u = u1d.reshape(B, EMBED_DIM)
    v = v1d.reshape(B, EMBED_DIM)
    w1u = W1[:, :EMBED_DIM]
    w1v = W1[:, EMBED_DIM:]
    return _tc_mlp(u, v, w1u, w1v, b1, W2[0], b2)

# --- scband reference (transcript-rebuilt; emitter-appended) ---
"""Pipeline reference for scband-ncf-82454782148652 (READ-ONLY COPY).

The authoritative reference and input builder live on the scoring server;
editing this copy changes nothing except your own understanding.
"""

import jax, jax.numpy as jnp
import numpy as np

B = 16384
NUM_USERS = 1000000
NUM_ITEMS = 1000000
EMBED_DIM = 32
HIDDEN = 64


def setup_inputs(seed: int = 0) -> dict:
    key = jax.random.key(seed)
    ks = jax.random.split(key, 8)
    user_ids = jax.random.randint(ks[0], (B,), 0, NUM_USERS, dtype=jnp.int64 if jax.config.jax_enable_x64 else jnp.int32)
    item_ids = jax.random.randint(ks[1], (B,), 0, NUM_ITEMS, dtype=jnp.int64 if jax.config.jax_enable_x64 else jnp.int32)
    user_emb = jax.random.normal(ks[2], (NUM_USERS, EMBED_DIM), dtype=jnp.float32) * 0.05
    item_emb = jax.random.normal(ks[3], (NUM_ITEMS, EMBED_DIM), dtype=jnp.float32) * 0.05
    W1 = jax.random.normal(ks[4], (HIDDEN, EMBED_DIM * 2), dtype=jnp.float32) * 0.05
    b1 = jnp.zeros((HIDDEN,), dtype=jnp.float32)
    W2 = jax.random.normal(ks[5], (1, HIDDEN), dtype=jnp.float32) * 0.05
    b2 = jnp.zeros((1,), dtype=jnp.float32)
    return {"user_ids": user_ids, "item_ids": item_ids, "user_emb": user_emb, "item_emb": item_emb, "W1": W1, "b1": b1, "W2": W2, "b2": b2}


def reference(user_ids, item_ids, user_emb, item_emb, W1, b1, W2, b2):
    # user_embeds = self.user_embedding(user_ids)
    user_embeds = jnp.take(user_emb, user_ids, axis=0)
    # item_embeds = self.item_embedding(item_ids)
    item_embeds = jnp.take(item_emb, item_ids, axis=0)
    # x = torch.cat([user_embeds, item_embeds], dim=1)
    x = jnp.concatenate([user_embeds, item_embeds], axis=1)
    # x = self.relu(self.fc1(x))
    x = jax.nn.relu(x @ W1.T + b1)
    # x = self.fc2(x)
    x = x @ W2.T + b2
    # return x.squeeze()
    return jnp.squeeze(x, axis=-1)

if __name__ == "__main__":
    import jax
    _d = setup_inputs()
    print(jax.jit(kernel)(*tuple(_d.values())))

</pallas_src>

<mosaic_0001>
#map = affine_map<(d0, d1) -> (0, 0)>
module attributes {stable_mosaic.version = 14 : i64} {
  func.func @lin_kernel(%arg0: i32, %arg1: i32, %arg2: memref<32x1000000xf32, #tpu.memory_space<hbm>>, %arg3: memref<32x1000000xf32, #tpu.memory_space<hbm>>, %arg4: memref<32x1024xf32, #tpu.memory_space<hbm>>, %arg5: memref<32x1024xf32, #tpu.memory_space<hbm>>, %arg6: memref<250112x128xf32, #tpu.memory_space<hbm>>, %arg7: memref<250112x128xf32, #tpu.memory_space<hbm>>, %arg8: memref<32x1024xf32, #tpu.memory_space<vmem>>, %arg9: memref<32x1024xf32, #tpu.memory_space<vmem>>, %arg10: memref<!tpu.dma_semaphore, #tpu.memory_space<semaphore_mem>>, %arg11: memref<!tpu.dma_semaphore, #tpu.memory_space<semaphore_mem>>, %arg12: memref<!tpu.dma_semaphore, #tpu.memory_space<semaphore_mem>>, %arg13: memref<!tpu.dma_semaphore, #tpu.memory_space<semaphore_mem>>) attributes {dimension_semantics = [#tpu.dimension_semantics<core_parallel>, #tpu.dimension_semantics<subcore_parallel>], iteration_bounds = array<i64: 2, 16>, scalar_prefetch = 0 : i64, scratch_operands = 6 : i64, tpu.core_type = #tpu.core_type<sc_vector_subcore>, window_params = [{transform_indices = #map}, {transform_indices = #map}, {transform_indices = #map}, {transform_indices = #map}, {transform_indices = #map}, {transform_indices = #map}]} {
    %eq3A = arith.constant 0 : i32
    %eq3A_0 = arith.cmpi eq, %arg0, %eq3A : i32
    %convert_element_type3A = arith.extui %eq3A_0 : i1 to i32
    %cond3A = arith.constant 0 : i32
    %cond3A_1 = arith.cmpi ne, %convert_element_type3A, %cond3A : i32
    scf.if %cond3A_1 {
      %mul3A = arith.constant 62 : i32
      %mul3A_7 = arith.muli %arg1, %mul3A : i32
      %add3A = arith.constant 0 : i32
      %add3A_8 = arith.addi %mul3A_7, %add3A : i32
      %min3A = arith.constant 976 : i32
      %min3A_9 = arith.minsi %add3A_8, %min3A : i32
      %lt3A = arith.constant 976 : i32
      %lt3A_10 = arith.cmpi slt, %min3A_9, %lt3A : i32
      %convert_element_type3A_11 = arith.extui %lt3A_10 : i1 to i32
      %cond3A_12 = arith.constant 0 : i32
      %cond3A_13 = arith.cmpi ne, %convert_element_type3A_11, %cond3A_12 : i32
      scf.if %cond3A_13 {
        %mul3A_229 = arith.constant 1024 : i32
        %mul3A_230 = arith.muli %min3A_9, %mul3A_229 : i32
        %dma_start3A = arith.constant 0 : i32
        %dma_start3A_231 = tpu.memref_slice %arg2[%dma_start3A, %mul3A_230] : memref<32x1000000xf32, #tpu.memory_space<hbm>> -> memref<32x1024xf32, #tpu.memory_space<hbm>>
        %dma_start3A_232 = arith.constant 0 : i32
        %dma_start3A_233 = tpu.memref_slice %arg2[%dma_start3A_232, %mul3A_230] : memref<32x1000000xf32, #tpu.memory_space<hbm>> -> memref<32x1024xf32, #tpu.memory_space<hbm>>
        tpu.enqueue_dma source(%dma_start3A_233 : memref<32x1024xf32, #tpu.memory_space<hbm>>) target(%arg8 : memref<32x1024xf32, #tpu.memory_space<vmem>>) target_semaphore(%arg10 : memref<!tpu.dma_semaphore, #tpu.memory_space<semaphore_mem>>)
      } else {
      }
      %ge3A = arith.constant 976 : i32
      %ge3A_14 = arith.cmpi sge, %min3A_9, %ge3A : i32
      %convert_element_type3A_15 = arith.extui %ge3A_14 : i1 to i32
      %cond3A_16 = arith.constant 0 : i32
      %cond3A_17 = arith.cmpi ne, %convert_element_type3A_15, %cond3A_16 : i32
      scf.if %cond3A_17 {
        tpu.enqueue_dma source(%arg4 : memref<32x1024xf32, #tpu.memory_space<hbm>>) target(%arg8 : memref<32x1024xf32, #tpu.memory_space<vmem>>) target_semaphore(%arg10 : memref<!tpu.dma_semaphore, #tpu.memory_space<semaphore_mem>>)
      } else {
      }
      %add3A_18 = arith.constant 1 : i32
      %add3A_19 = arith.addi %mul3A_7, %add3A_18 : i32
      %min3A_20 = arith.constant 976 : i32
      %min3A_21 = arith.minsi %add3A_19, %min3A_20 : i32
      %lt3A_22 = arith.constant 976 : i32
      %lt3A_23 = arith.cmpi slt, %min3A_21, %lt3A_22 : i32
      %convert_element_type3A_24 = arith.extui %lt3A_23 : i1 to i32
      %cond3A_25 = arith.constant 0 : i32
      %cond3A_26 = arith.cmpi ne, %convert_element_type3A_24, %cond3A_25 : i32
      scf.if %cond3A_26 {
        %mul3A_229 = arith.constant 1024 : i32
        %mul3A_230 = arith.muli %min3A_21, %mul3A_229 : i32
        %dma_start3A = arith.constant 0 : i32
        %dma_start3A_231 = tpu.memref_slice %arg2[%dma_start3A, %mul3A_230] : memref<32x1000000xf32, #tpu.memory_space<hbm>> -> memref<32x1024xf32, #tpu.memory_space<hbm>>
        %dma_start3A_232 = arith.constant 0 : i32
        %dma_start3A_233 = tpu.memref_slice %arg2[%dma_start3A_232, %mul3A_230] : memref<32x1000000xf32, #tpu.memory_space<hbm>> -> memref<32x1024xf32, #tpu.memory_space<hbm>>
        tpu.enqueue_dma source(%dma_start3A_233 : memref<32x1024xf32, #tpu.memory_space<hbm>>) target(%arg9 : memref<32x1024xf32, #tpu.memory_space<vmem>>) target_semaphore(%arg11 : memref<!tpu.dma_semaphore, #tpu.memory_space<semaphore_mem>>)
      } else {
      }
      %ge3A_27 = arith.constant 976 : i32
      %ge3A_28 = arith.cmpi sge, %min3A_21, %ge3A_27 : i32
      %convert_element_type3A_29 = arith.extui %ge3A_28 : i1 to i32
      %cond3A_30 = arith.constant 0 : i32
      %cond3A_31 = arith.cmpi ne, %convert_element_type3A_29, %cond3A_30 : i32
      scf.if %cond3A_31 {
        tpu.enqueue_dma source(%arg4 : memref<32x1024xf32, #tpu.memory_space<hbm>>) target(%arg9 : memref<32x1024xf32, #tpu.memory_space<vmem>>) target_semaphore(%arg11 : memref<!tpu.dma_semaphore, #tpu.memory_space<semaphore_mem>>)
      } else {
      }
      %scan3A = arith.constant 0 : i32
      %scan3A_32 = arith.constant 0 : i32
      %scan3A_33 = arith.constant 31 : i32
      %scan3A_34 = arith.addi %scan3A_32, %scan3A_33 : i32
      %scan3A_35 = arith.constant 1 : i32
      %scan3A_36 = scf.for %scan3A_229 = %scan3A_32 to %scan3A_34 step %scan3A_35 iter_args(%scan3A_230 = %scan3A) -> (i32)  : i32 {
        tpu.wait_dma2 semaphore(%arg10 : memref<!tpu.dma_semaphore, #tpu.memory_space<semaphore_mem>>) src(%arg4 : memref<32x1024xf32, #tpu.memory_space<hbm>>) dst(%arg8 : memref<32x1024xf32, #tpu.memory_space<vmem>>)
        %mul3A_231 = arith.constant 2 : i32
        %mul3A_232 = arith.muli %mul3A_231, %scan3A_229 : i32
        %add3A_233 = arith.addi %mul3A_7, %mul3A_232 : i32
        %min3A_234 = arith.constant 976 : i32
        %min3A_235 = arith.minsi %add3A_233, %min3A_234 : i32
        %mul3A_236 = arith.constant 8 : i32
        %mul3A_237 = arith.muli %min3A_235, %mul3A_236 : i32
        %add3A_238 = arith.constant 0 : i32
        %add3A_239 = arith.addi %mul3A_237, %add3A_238 : i32
        %mul3A_240 = arith.constant 32 : i32
        %mul3A_241 = arith.muli %add3A_239, %mul3A_240 : i32
        %dma_start3A = arith.constant 0 : i32
        %dma_start3A_242 = arith.constant 0 : i32
        %dma_start3A_243 = tpu.memref_slice %arg8[%dma_start3A, %dma_start3A_242] : memref<32x1024xf32, #tpu.memory_space<vmem>> -> memref<32x128xf32, #tpu.memory_space<vmem>>
        %dma_start3A_244 = arith.constant 0 : i32
        %dma_start3A_245 = tpu.memref_slice %arg6[%mul3A_241, %dma_start3A_244] : memref<250112x128xf32, #tpu.memory_space<hbm>> -> memref<32x128xf32, #tpu.memory_space<hbm>>
        %dma_start3A_246 = arith.constant 0 : i32
        %dma_start3A_247 = tpu.memref_slice %arg6[%mul3A_241, %dma_start3A_246] : memref<250112x128xf32, #tpu.memory_space<hbm>> -> memref<32x128xf32, #tpu.memory_space<hbm>>
        %dma_start3A_248 = arith.constant 0 : i32
        %dma_start3A_249 = arith.constant 0 : i32
        %dma_start3A_250 = tpu.memref_slice %arg8[%dma_start3A_248, %dma_start3A_249] : memref<32x1024xf32, #tpu.memory_space<vmem>> -> memref<32x128xf32, #tpu.memory_space<vmem>>
        tpu.enqueue_dma source(%dma_start3A_250 : memref<32x128xf32, #tpu.memory_space<vmem>>) target(%dma_start3A_247 : memref<32x128xf32, #tpu.memory_space<hbm>>) target_semaphore(%arg12 : memref<!tpu.dma_semaphore, #tpu.memory_space<semaphore_mem>>)
        %mul3A_251 = arith.constant 8 : i32
        %mul3A_252 = arith.muli %min3A_235, %mul3A_251 : i32
        %add3A_253 = arith.constant 1 : i32
        %add3A_254 = arith.addi %mul3A_252, %add3A_253 : i32
        %mul3A_255 = arith.constant 32 : i32
        %mul3A_256 = arith.muli %add3A_254, %mul3A_255 : i32
        %dma_start3A_257 = arith.constant 0 : i32
        %dma_start3A_258 = arith.constant 128 : i32
        %dma_start3A_259 = tpu.memref_slice %arg8[%dma_start3A_257, %dma_start3A_258] : memref<32x1024xf32, #tpu.memory_space<vmem>> -> memref<32x128xf32, #tpu.memory_space<vmem>>
        %dma_start3A_260 = arith.constant 0 : i32
        %dma_start3A_261 = tpu.memref_slice %arg6[%mul3A_256, %dma_start3A_260] : memref<250112x128xf32, #tpu.memory_space<hbm>> -> memref<32x128xf32, #tpu.memory_space<hbm>>
        %dma_start3A_262 = arith.constant 0 : i32
        %dma_start3A_263 = tpu.memref_slice %arg6[%mul3A_256, %dma_start3A_262] : memref<250112x128xf32, #tpu.memory_space<hbm>> -> memref<32x128xf32, #tpu.memory_space<hbm>>
        %dma_start3A_264 = arith.constant 0 : i32
        %dma_start3A_265 = arith.constant 128 : i32
        %dma_start3A_266 = tpu.memref_slice %arg8[%dma_start3A_264, %dma_start3A_265] : memref<32x1024xf32, #tpu.memory_space<vmem>> -> memref<32x128xf32, #tpu.memory_space<vmem>>
        tpu.enqueue_dma source(%dma_start3A_266 : memref<32x128xf32, #tpu.memory_space<vmem>>) target(%dma_start3A_263 : memref<32x128xf32, #tpu.memory_space<hbm>>) target_semaphore(%arg12 : memref<!tpu.dma_semaphore, #tpu.memory_space<semaphore_mem>>)
        %mul3A_267 = arith.constant 8 : i32
        %mul3A_268 = arith.muli %min3A_235, %mul3A_267 : i32
        %add3A_269 = arith.constant 2 : i32
        %add3A_270 = arith.addi %mul3A_268, %add3A_269 : i32
        %mul3A_271 = arith.constant 32 : i32
        %mul3A_272 = arith.muli %add3A_270, %mul3A_271 : i32
        %dma_start3A_273 = arith.constant 0 : i32
        %dma_start3A_274 = arith.constant 256 : i32
        %dma_start3A_275 = tpu.memref_slice %arg8[%dma_start3A_273, %dma_start3A_274] : memref<32x1024xf32, #tpu.memory_space<vmem>> -> memref<32x128xf32, #tpu.memory_space<vmem>>
        %dma_start3A_276 = arith.constant 0 : i32
        %dma_start3A_277 = tpu.memref_slice %arg6[%mul3A_272, %dma_start3A_276] : memref<250112x128xf32, #tpu.memory_space<hbm>> -> memref<32x128xf32, #tpu.memory_space<hbm>>
        %dma_start3A_278 = arith.constant 0 : i32
        %dma_start3A_279 = tpu.memref_slice %arg6[%mul3A_272, %dma_start3A_278] : memref<250112x128xf32, #tpu.memory_space<hbm>> -> memref<32x128xf32, #tpu.memory_space<hbm>>
        %dma_start3A_280 = arith.constant 0 : i32
        %dma_start3A_281 = arith.constant 256 : i32
        %dma_start3A_282 = tpu.memref_slice %arg8[%dma_start3A_280, %dma_start3A_281] : memref<32x1024xf32, #tpu.memory_space<vmem>> -> memref<32x128xf32, #tpu.memory_space<vmem>>
        tpu.enqueue_dma source(%dma_start3A_282 : memref<32x128xf32, #tpu.memory_space<vmem>>) target(%dma_start3A_279 : memref<32x128xf32, #tpu.memory_space<hbm>>) target_semaphore(%arg12 : memref<!tpu.dma_semaphore, #tpu.memory_space<semaphore_mem>>)
        %mul3A_283 = arith.constant 8 : i32
        %mul3A_284 = arith.muli %min3A_235, %mul3A_283 : i32
        %add3A_285 = arith.constant 3 : i32
        %add3A_286 = arith.addi %mul3A_284, %add3A_285 : i32
        %mul3A_287 = arith.constant 32 : i32
        %mul3A_288 = arith.muli %add3A_286, %mul3A_287 : i32
        %dma_start3A_289 = arith.constant 0 : i32
        %dma_start3A_290 = arith.constant 384 : i32
        %dma_start3A_291 = tpu.memref_slice %arg8[%dma_start3A_289, %dma_start3A_290] : memref<32x1024xf32, #tpu.memory_space<vmem>> -> memref<32x128xf32, #tpu.memory_space<vmem>>
        %dma_start3A_292 = arith.constant 0 : i32
        %dma_start3A_293 = tpu.memref_slice %arg6[%mul3A_288, %dma_start3A_292] : memref<250112x128xf32, #tpu.memory_space<hbm>> -> memref<32x128xf32, #tpu.memory_space<hbm>>
        %dma_start3A_294 = arith.constant 0 : i32
        %dma_start3A_295 = tpu.memref_slice %arg6[%mul3A_288, %dma_start3A_294] : memref<250112x128xf32, #tpu.memory_space<hbm>> -> memref<32x128xf32, #tpu.memory_space<hbm>>
        %dma_start3A_296 = arith.constant 0 : i32
        %dma_start3A_297 = arith.constant 384 : i32
        %dma_start3A_298 = tpu.memref_slice %arg8[%dma_start3A_296, %dma_start3A_297] : memref<32x1024xf32, #tpu.memory_space<vmem>> -> memref<32x128xf32, #tpu.memory_space<vmem>>
        tpu.enqueue_dma source(%dma_start3A_298 : memref<32x128xf32, #tpu.memory_space<vmem>>) target(%dma_start3A_295 : memref<32x128xf32, #tpu.memory_space<hbm>>) target_semaphore(%arg12 : memref<!tpu.dma_semaphore, #tpu.memory_space<semaphore_mem>>)
        %mul3A_299 = arith.constant 8 : i32
        %mul3A_300 = arith.muli %min3A_235, %mul3A_299 : i32
        %add3A_301 = arith.constant 4 : i32
        %add3A_302 = arith.addi %mul3A_300, %add3A_301 : i32
        %mul3A_303 = arith.constant 32 : i32
        %mul3A_304 = arith.muli %add3A_302, %mul3A_303 : i32
        %dma_start3A_305 = arith.constant 0 : i32
        %dma_start3A_306 = arith.constant 512 : i32
        %dma_start3A_307 = tpu.memref_slice %arg8[%dma_start3A_305, %dma_start3A_306] : memref<32x1024xf32, #tpu.memory_space<vmem>> -> memref<32x128xf32, #tpu.memory_space<vmem>>
        %dma_start3A_308 = arith.constant 0 : i32
        %dma_start3A_309 = tpu.memref_slice %arg6[%mul3A_304, %dma_start3A_308] : memref<250112x128xf32, #tpu.memory_space<hbm>> -> memref<32x128xf32, #tpu.memory_space<hbm>>
        %dma_start3A_310 = arith.constant 0 : i32
        %dma_start3A_311 = tpu.memref_slice %arg6[%mul3A_304, %dma_start3A_310] : memref<250112x128xf32, #tpu.memory_space<hbm>> -> memref<32x128xf32, #tpu.memory_space<hbm>>
        %dma_start3A_312 = arith.constant 0 : i32
        %dma_start3A_313 = arith.constant 512 : i32
        %dma_start3A_314 = tpu.memref_slice %arg8[%dma_start3A_312, %dma_start3A_313] : memref<32x1024xf32, #tpu.memory_space<vmem>> -> memref<32x128xf32, #tpu.memory_space<vmem>>
        tpu.enqueue_dma source(%dma_start3A_314 : memref<32x128xf32, #tpu.memory_space<vmem>>) target(%dma_start3A_311 : memref<32x128xf32, #tpu.memory_space<hbm>>) target_semaphore(%arg12 : memref<!tpu.dma_semaphore, #tpu.memory_space<semaphore_mem>>)
        %mul3A_315 = arith.constant 8 : i32
        %mul3A_316 = arith.muli %min3A_235, %mul3A_315 : i32
        %add3A_317 = arith.constant 5 : i32
        %add3A_318 = arith.addi %mul3A_316, %add3A_317 : i32
        %mul3A_319 = arith.constant 32 : i32
        %mul3A_320 = arith.muli %add3A_318, %mul3A_319 : i32
        %dma_start3A_321 = arith.constant 0 : i32
        %dma_start3A_322 = arith.constant 640 : i32
        %dma_start3A_323 = tpu.memref_slice %arg8[%dma_start3A_321, %dma_start3A_322] : memref<32x1024xf32, #tpu.memory_space<vmem>> -> memref<32x128xf32, #tpu.memory_space<vmem>>
        %dma_start3A_324 = arith.constant 0 : i32
        %dma_start3A_325 = tpu.memref_slice %arg6[%mul3A_320, %dma_start3A_324] : memref<250112x128xf32, #tpu.memory_space<hbm>> -> memref<32x128xf32, #tpu.memory_space<hbm>>
        %dma_start3A_326 = arith.constant 0 : i32
        %dma_start3A_327 = tpu.memref_slice %arg6[%mul3A_320, %dma_start3A_326] : memref<250112x128xf32, #tpu.memory_space<hbm>> -> memref<32x128xf32, #tpu.memory_space<hbm>>
        %dma_start3A_328 = arith.constant 0 : i32
        %dma_start3A_329 = arith.constant 640 : i32
        %dma_start3A_330 = tpu.memref_slice %arg8[%dma_start3A_328, %dma_start3A_329] : memref<32x1024xf32, #tpu.memory_space<vmem>> -> memref<32x128xf32, #tpu.memory_space<vmem>>
        tpu.enqueue_dma source(%dma_start3A_330 : memref<32x128xf32, #tpu.memory_space<vmem>>) target(%dma_start3A_327 : memref<32x128xf32, #tpu.memory_space<hbm>>) target_semaphore(%arg12 : memref<!tpu.dma_semaphore, #tpu.memory_space<semaphore_mem>>)
        %mul3A_331 = arith.constant 8 : i32
        %mul3A_332 = arith.muli %min3A_235, %mul3A_331 : i32
        %add3A_333 = arith.constant 6 : i32
        %add3A_334 = arith.addi %mul3A_332, %add3A_333 : i32
        %mul3A_335 = arith.constant 32 : i32
        %mul3A_336 = arith.muli %add3A_334, %mul3A_335 : i32
        %dma_start3A_337 = arith.constant 0 : i32
        %dma_start3A_338 = arith.constant 768 : i32
        %dma_start3A_339 = tpu.memref_slice %arg8[%dma_start3A_337, %dma_start3A_338] : memref<32x1024xf32, #tpu.memory_space<vmem>> -> memref<32x128xf32, #tpu.memory_space<vmem>>
        %dma_start3A_340 = arith.constant 0 : i32
        %dma_start3A_341 = tpu.memref_slice %arg6[%mul3A_336, %dma_start3A_340] : memref<250112x128xf32, #tpu.memory_space<hbm>> -> memref<32x128xf32, #tpu.memory_space<hbm>>
        %dma_start3A_342 = arith.constant 0 : i32
        %dma_start3A_343 = tpu.memref_slice %arg6[%mul3A_336, %dma_start3A_342] : memref<250112x128xf32, #tpu.memory_space<hbm>> -> memref<32x128xf32, #tpu.memory_space<hbm>>
        %dma_start3A_344 = arith.constant 0 : i32
        %dma_start3A_345 = arith.constant 768 : i32
        %dma_start3A_346 = tpu.memref_slice %arg8[%dma_start3A_344, %dma_start3A_345] : memref<32x1024xf32, #tpu.memory_space<vmem>> -> memref<32x128xf32, #tpu.memory_space<vmem>>
        tpu.enqueue_dma source(%dma_start3A_346 : memref<32x128xf32, #tpu.memory_space<vmem>>) target(%dma_start3A_343 : memref<32x128xf32, #tpu.memory_space<hbm>>) target_semaphore(%arg12 : memref<!tpu.dma_semaphore, #tpu.memory_space<semaphore_mem>>)
        %mul3A_347 = arith.constant 8 : i32
        %mul3A_348 = arith.muli %min3A_235, %mul3A_347 : i32
        %add3A_349 = arith.constant 7 : i32
        %add3A_350 = arith.addi %mul3A_348, %add3A_349 : i32
        %mul3A_351 = arith.constant 32 : i32
        %mul3A_352 = arith.muli %add3A_350, %mul3A_351 : i32
        %dma_start3A_353 = arith.constant 0 : i32
        %dma_start3A_354 = arith.constant 896 : i32
        %dma_start3A_355 = tpu.memref_slice %arg8[%dma_start3A_353, %dma_start3A_354] : memref<32x1024xf32, #tpu.memory_space<vmem>> -> memref<32x128xf32, #tpu.memory_space<vmem>>
        %dma_start3A_356 = arith.constant 0 : i32
        %dma_start3A_357 = tpu.memref_slice %arg6[%mul3A_352, %dma_start3A_356] : memref<250112x128xf32, #tpu.memory_space<hbm>> -> memref<32x128xf32, #tpu.memory_space<hbm>>
        %dma_start3A_358 = arith.constant 0 : i32
        %dma_start3A_359 = tpu.memref_slice %arg6[%mul3A_352, %dma_start3A_358] : memref<250112x128xf32, #tpu.memory_space<hbm>> -> memref<32x128xf32, #tpu.memory_space<hbm>>
        %dma_start3A_360 = arith.constant 0 : i32
        %dma_start3A_361 = arith.constant 896 : i32
        %dma_start3A_362 = tpu.memref_slice %arg8[%dma_start3A_360, %dma_start3A_361] : memref<32x1024xf32, #tpu.memory_space<vmem>> -> memref<32x128xf32, #tpu.memory_space<vmem>>
        tpu.enqueue_dma source(%dma_start3A_362 : memref<32x128xf32, #tpu.memory_space<vmem>>) target(%dma_start3A_359 : memref<32x128xf32, #tpu.memory_space<hbm>>) target_semaphore(%arg12 : memref<!tpu.dma_semaphore, #tpu.memory_space<semaphore_mem>>)
        tpu.wait_dma2 semaphore(%arg11 : memref<!tpu.dma_semaphore, #tpu.memory_space<semaphore_mem>>) src(%arg4 : memref<32x1024xf32, #tpu.memory_space<hbm>>) dst(%arg8 : memref<32x1024xf32, #tpu.memory_space<vmem>>)
        %mul3A_363 = arith.constant 2 : i32
        %mul3A_364 = arith.muli %mul3A_363, %scan3A_229 : i32
        %add3A_365 = arith.constant 1 : i32
        %add3A_366 = arith.addi %mul3A_364, %add3A_365 : i32
        %add3A_367 = arith.addi %mul3A_7, %add3A_366 : i32
        %min3A_368 = arith.constant 976 : i32
        %min3A_369 = arith.minsi %add3A_367, %min3A_368 : i32
        %mul3A_370 = arith.constant 8 : i32
        %mul3A_371 = arith.muli %min3A_369, %mul3A_370 : i32
        %add3A_372 = arith.constant 0 : i32
        %add3A_373 = arith.addi %mul3A_371, %add3A_372 : i32
        %mul3A_374 = arith.constant 32 : i32
        %mul3A_375 = arith.muli %add3A_373, %mul3A_374 : i32
        %dma_start3A_376 = arith.constant 0 : i32
        %dma_start3A_377 = arith.constant 0 : i32
        %dma_start3A_378 = tpu.memref_slice %arg9[%dma_start3A_376, %dma_start3A_377] : memref<32x1024xf32, #tpu.memory_space<vmem>> -> memref<32x128xf32, #tpu.memory_space<vmem>>
        %dma_start3A_379 = arith.constant 0 : i32
        %dma_start3A_380 = tpu.memref_slice %arg6[%mul3A_375, %dma_start3A_379] : memref<250112x128xf32, #tpu.memory_space<hbm>> -> memref<32x128xf32, #tpu.memory_space<hbm>>
        %dma_start3A_381 = arith.constant 0 : i32
        %dma_start3A_382 = tpu.memref_slice %arg6[%mul3A_375, %dma_start3A_381] : memref<250112x128xf32, #tpu.memory_space<hbm>> -> memref<32x128xf32, #tpu.memory_space<hbm>>
        %dma_start3A_383 = arith.constant 0 : i32
        %dma_start3A_384 = arith.constant 0 : i32
        %dma_start3A_385 = tpu.memref_slice %arg9[%dma_start3A_383, %dma_start3A_384] : memref<32x1024xf32, #tpu.memory_space<vmem>> -> memref<32x128xf32, #tpu.memory_space<vmem>>
        tpu.enqueue_dma source(%dma_start3A_385 : memref<32x128xf32, #tpu.memory_space<vmem>>) target(%dma_start3A_382 : memref<32x128xf32, #tpu.memory_space<hbm>>) target_semaphore(%arg13 : memref<!tpu.dma_semaphore, #tpu.memory_space<semaphore_mem>>)
        %mul3A_386 = arith.constant 8 : i32
        %mul3A_387 = arith.muli %min3A_369, %mul3A_386 : i32
        %add3A_388 = arith.constant 1 : i32
        %add3A_389 = arith.addi %mul3A_387, %add3A_388 : i32
        %mul3A_390 = arith.constant 32 : i32
        %mul3A_391 = arith.muli %add3A_389, %mul3A_390 : i32
        %dma_start3A_392 = arith.constant 0 : i32
        %dma_start3A_393 = arith.constant 128 : i32
        %dma_start3A_394 = tpu.memref_slice %arg9[%dma_start3A_392, %dma_start3A_393] : memref<32x1024xf32, #tpu.memory_space<vmem>> -> memref<32x128xf32, #tpu.memory_space<vmem>>
        %dma_start3A_395 = arith.constant 0 : i32
        %dma_start3A_396 = tpu.memref_slice %arg6[%mul3A_391, %dma_start3A_395] : memref<250112x128xf32, #tpu.memory_space<hbm>> -> memref<32x128xf32, #tpu.memory_space<hbm>>
        %dma_start3A_397 = arith.constant 0 : i32
        %dma_start3A_398 = tpu.memref_slice %arg6[%mul3A_391, %dma_start3A_397] : memref<250112x128xf32, #tpu.memory_space<hbm>> -> memref<32x128xf32, #tpu.memory_space<hbm>>
        %dma_start3A_399 = arith.constant 0 : i32
        %dma_start3A_400 = arith.constant 128 : i32
        %dma_start3A_401 = tpu.memref_slice %arg9[%dma_start3A_399, %dma_start3A_400] : memref<32x1024xf32, #tpu.memory_space<vmem>> -> memref<32x128xf32, #tpu.memory_space<vmem>>
        tpu.enqueue_dma source(%dma_start3A_401 : memref<32x128xf32, #tpu.memory_space<vmem>>) target(%dma_start3A_398 : memref<32x128xf32, #tpu.memory_space<hbm>>) target_semaphore(%arg13 : memref<!tpu.dma_semaphore, #tpu.memory_space<semaphore_mem>>)
        %mul3A_402 = arith.constant 8 : i32
        %mul3A_403 = arith.muli %min3A_369, %mul3A_402 : i32
        %add3A_404 = arith.constant 2 : i32
        %add3A_405 = arith.addi %mul3A_403, %add3A_404 : i32
        %mul3A_406 = arith.constant 32 : i32
        %mul3A_407 = arith.muli %add3A_405, %mul3A_406 : i32
        %dma_start3A_408 = arith.constant 0 : i32
        %dma_start3A_409 = arith.constant 256 : i32
        %dma_start3A_410 = tpu.memref_slice %arg9[%dma_start3A_408, %dma_start3A_409] : memref<32x1024xf32, #tpu.memory_space<vmem>> -> memref<32x128xf32, #tpu.memory_space<vmem>>
        %dma_start3A_411 = arith.constant 0 : i32
        %dma_start3A_412 = tpu.memref_slice %arg6[%mul3A_407, %dma_start3A_411] : memref<250112x128xf32, #tpu.memory_space<hbm>> -> memref<32x128xf32, #tpu.memory_space<hbm>>
        %dma_start3A_413 = arith.constant 0 : i32
        %dma_start3A_414 = tpu.memref_slice %arg6[%mul3A_407, %dma_start3A_413] : memref<250112x128xf32, #tpu.memory_space<hbm>> -> memref<32x128xf32, #tpu.memory_space<hbm>>
        %dma_start3A_415 = arith.constant 0 : i32
        %dma_start3A_416 = arith.constant 256 : i32
        %dma_start3A_417 = tpu.memref_slice %arg9[%dma_start3A_415, %dma_start3A_416] : memref<32x1024xf32, #tpu.memory_space<vmem>> -> memref<32x128xf32, #tpu.memory_space<vmem>>
        tpu.enqueue_dma source(%dma_start3A_417 : memref<32x128xf32, #tpu.memory_space<vmem>>) target(%dma_start3A_414 : memref<32x128xf32, #tpu.memory_space<hbm>>) target_semaphore(%arg13 : memref<!tpu.dma_semaphore, #tpu.memory_space<semaphore_mem>>)
        %mul3A_418 = arith.constant 8 : i32
        %mul3A_419 = arith.muli %min3A_369, %mul3A_418 : i32
        %add3A_420 = arith.constant 3 : i32
        %add3A_421 = arith.addi %mul3A_419, %add3A_420 : i32
        %mul3A_422 = arith.constant 32 : i32
        %mul3A_423 = arith.muli %add3A_421, %mul3A_422 : i32
        %dma_start3A_424 = arith.constant 0 : i32
        %dma_start3A_425 = arith.constant 384 : i32
        %dma_start3A_426 = tpu.memref_slice %arg9[%dma_start3A_424, %dma_start3A_425] : memref<32x1024xf32, #tpu.memory_space<vmem>> -> memref<32x128xf32, #tpu.memory_space<vmem>>
        %dma_start3A_427 = arith.constant 0 : i32
        %dma_start3A_428 = tpu.memref_slice %arg6[%mul3A_423, %dma_start3A_427] : memref<250112x128xf32, #tpu.memory_space<hbm>> -> memref<32x128xf32, #tpu.memory_space<hbm>>
        %dma_start3A_429 = arith.constant 0 : i32
        %dma_start3A_430 = tpu.memref_slice %arg6[%mul3A_423, %dma_start3A_429] : memref<250112x128xf32, #tpu.memory_space<hbm>> -> memref<32x128xf32, #tpu.memory_space<hbm>>
        %dma_start3A_431 = arith.constant 0 : i32
        %dma_start3A_432 = arith.constant 384 : i32
        %dma_start3A_433 = tpu.memref_slice %arg9[%dma_start3A_431, %dma_start3A_432] : memref<32x1024xf32, #tpu.memory_space<vmem>> -> memref<32x128xf32, #tpu.memory_space<vmem>>
        tpu.enqueue_dma source(%dma_start3A_433 : memref<32x128xf32, #tpu.memory_space<vmem>>) target(%dma_start3A_430 : memref<32x128xf32, #tpu.memory_space<hbm>>) target_semaphore(%arg13 : memref<!tpu.dma_semaphore, #tpu.memory_space<semaphore_mem>>)
        %mul3A_434 = arith.constant 8 : i32
        %mul3A_435 = arith.muli %min3A_369, %mul3A_434 : i32
        %add3A_436 = arith.constant 4 : i32
        %add3A_437 = arith.addi %mul3A_435, %add3A_436 : i32
        %mul3A_438 = arith.constant 32 : i32
        %mul3A_439 = arith.muli %add3A_437, %mul3A_438 : i32
        %dma_start3A_440 = arith.constant 0 : i32
        %dma_start3A_441 = arith.constant 512 : i32
        %dma_start3A_442 = tpu.memref_slice %arg9[%dma_start3A_440, %dma_start3A_441] : memref<32x1024xf32, #tpu.memory_space<vmem>> -> memref<32x128xf32, #tpu.memory_space<vmem>>
        %dma_start3A_443 = arith.constant 0 : i32
        %dma_start3A_444 = tpu.memref_slice %arg6[%mul3A_439, %dma_start3A_443] : memref<250112x128xf32, #tpu.memory_space<hbm>> -> memref<32x128xf32, #tpu.memory_space<hbm>>
        %dma_start3A_445 = arith.constant 0 : i32
        %dma_start3A_446 = tpu.memref_slice %arg6[%mul3A_439, %dma_start3A_445] : memref<250112x128xf32, #tpu.memory_space<hbm>> -> memref<32x128xf32, #tpu.memory_space<hbm>>
        %dma_start3A_447 = arith.constant 0 : i32
        %dma_start3A_448 = arith.constant 512 : i32
        %dma_start3A_449 = tpu.memref_slice %arg9[%dma_start3A_447, %dma_start3A_448] : memref<32x1024xf32, #tpu.memory_space<vmem>> -> memref<32x128xf32, #tpu.memory_space<vmem>>
        tpu.enqueue_dma source(%dma_start3A_449 : memref<32x128xf32, #tpu.memory_space<vmem>>) target(%dma_start3A_446 : memref<32x128xf32, #tpu.memory_space<hbm>>) target_semaphore(%arg13 : memref<!tpu.dma_semaphore, #tpu.memory_space<semaphore_mem>>)
        %mul3A_450 = arith.constant 8 : i32
        %mul3A_451 = arith.muli %min3A_369, %mul3A_450 : i32
        %add3A_452 = arith.constant 5 : i32
        %add3A_453 = arith.addi %mul3A_451, %add3A_452 : i32
        %mul3A_454 = arith.constant 32 : i32
        %mul3A_455 = arith.muli %add3A_453, %mul3A_454 : i32
        %dma_start3A_456 = arith.constant 0 : i32
        %dma_start3A_457 = arith.constant 640 : i32
        %dma_start3A_458 = tpu.memref_slice %arg9[%dma_start3A_456, %dma_start3A_457] : memref<32x1024xf32, #tpu.memory_space<vmem>> -> memref<32x128xf32, #tpu.memory_space<vmem>>
        %dma_start3A_459 = arith.constant 0 : i32
        %dma_start3A_460 = tpu.memref_slice %arg6[%mul3A_455, %dma_start3A_459] : memref<250112x128xf32, #tpu.memory_space<hbm>> -> memref<32x128xf32, #tpu.memory_space<hbm>>
        %dma_start3A_461 = arith.constant 0 : i32
        %dma_start3A_462 = tpu.memref_slice %arg6[%mul3A_455, %dma_start3A_461] : memref<250112x128xf32, #tpu.memory_space<hbm>> -> memref<32x128xf32, #tpu.memory_space<hbm>>
        %dma_start3A_463 = arith.constant 0 : i32
        %dma_start3A_464 = arith.constant 640 : i32
        %dma_start3A_465 = tpu.memref_slice %arg9[%dma_start3A_463, %dma_start3A_464] : memref<32x1024xf32, #tpu.memory_space<vmem>> -> memref<32x128xf32, #tpu.memory_space<vmem>>
        tpu.enqueue_dma source(%dma_start3A_465 : memref<32x128xf32, #tpu.memory_space<vmem>>) target(%dma_start3A_462 : memref<32x128xf32, #tpu.memory_space<hbm>>) target_semaphore(%arg13 : memref<!tpu.dma_semaphore, #tpu.memory_space<semaphore_mem>>)
        %mul3A_466 = arith.constant 8 : i32
        %mul3A_467 = arith.muli %min3A_369, %mul3A_466 : i32
        %add3A_468 = arith.constant 6 : i32
        %add3A_469 = arith.addi %mul3A_467, %add3A_468 : i32
        %mul3A_470 = arith.constant 32 : i32
        %mul3A_471 = arith.muli %add3A_469, %mul3A_470 : i32
        %dma_start3A_472 = arith.constant 0 : i32
        %dma_start3A_473 = arith.constant 768 : i32
        %dma_start3A_474 = tpu.memref_slice %arg9[%dma_start3A_472, %dma_start3A_473] : memref<32x1024xf32, #tpu.memory_space<vmem>> -> memref<32x128xf32, #tpu.memory_space<vmem>>
        %dma_start3A_475 = arith.constant 0 : i32
        %dma_start3A_476 = tpu.memref_slice %arg6[%mul3A_471, %dma_start3A_475] : memref<250112x128xf32, #tpu.memory_space<hbm>> -> memref<32x128xf32, #tpu.memory_space<hbm>>
        %dma_start3A_477 = arith.constant 0 : i32
        %dma_start3A_478 = tpu.memref_slice %arg6[%mul3A_471, %dma_start3A_477] : memref<250112x128xf32, #tpu.memory_space<hbm>> -> memref<32x128xf32, #tpu.memory_space<hbm>>
        %dma_start3A_479 = arith.constant 0 : i32
        %dma_start3A_480 = arith.constant 768 : i32
        %dma_start3A_481 = tpu.memref_slice %arg9[%dma_start3A_479, %dma_start3A_480] : memref<32x1024xf32, #tpu.memory_space<vmem>> -> memref<32x128xf32, #tpu.memory_space<vmem>>
        tpu.enqueue_dma source(%dma_start3A_481 : memref<32x128xf32, #tpu.memory_space<vmem>>) target(%dma_start3A_478 : memref<32x128xf32, #tpu.memory_space<hbm>>) target_semaphore(%arg13 : memref<!tpu.dma_semaphore, #tpu.memory_space<semaphore_mem>>)
        %mul3A_482 = arith.constant 8 : i32
        %mul3A_483 = arith.muli %min3A_369, %mul3A_482 : i32
        %add3A_484 = arith.constant 7 : i32
        %add3A_485 = arith.addi %mul3A_483, %add3A_484 : i32
        %mul3A_486 = arith.constant 32 : i32
        %mul3A_487 = arith.muli %add3A_485, %mul3A_486 : i32
        %dma_start3A_488 = arith.constant 0 : i32
        %dma_start3A_489 = arith.constant 896 : i32
        %dma_start3A_490 = tpu.memref_slice %arg9[%dma_start3A_488, %dma_start3A_489] : memref<32x1024xf32, #tpu.memory_space<vmem>> -> memref<32x128xf32, #tpu.memory_space<vmem>>
        %dma_start3A_491 = arith.constant 0 : i32
        %dma_start3A_492 = tpu.memref_slice %arg6[%mul3A_487, %dma_start3A_491] : memref<250112x128xf32, #tpu.memory_space<hbm>> -> memref<32x128xf32, #tpu.memory_space<hbm>>
        %dma_start3A_493 = arith.constant 0 : i32
        %dma_start3A_494 = tpu.memref_slice %arg6[%mul3A_487, %dma_start3A_493] : memref<250112x128xf32, #tpu.memory_space<hbm>> -> memref<32x128xf32, #tpu.memory_space<hbm>>
        %dma_start3A_495 = arith.constant 0 : i32
        %dma_start3A_496 = arith.constant 896 : i32
        %dma_start3A_497 = tpu.memref_slice %arg9[%dma_start3A_495, %dma_start3A_496] : memref<32x1024xf32, #tpu.memory_space<vmem>> -> memref<32x128xf32, #tpu.memory_space<vmem>>
        tpu.enqueue_dma source(%dma_start3A_497 : memref<32x128xf32, #tpu.memory_space<vmem>>) target(%dma_start3A_494 : memref<32x128xf32, #tpu.memory_space<hbm>>) target_semaphore(%arg13 : memref<!tpu.dma_semaphore, #tpu.memory_space<semaphore_mem>>)
        %mul3A_498 = arith.constant 2 : i32
        %mul3A_499 = arith.muli %mul3A_498, %scan3A_229 : i32
        %add3A_500 = arith.constant 2 : i32
        %add3A_501 = arith.addi %mul3A_499, %add3A_500 : i32
        %lt3A_502 = arith.constant 62 : i32
        %lt3A_503 = arith.cmpi slt, %add3A_501, %lt3A_502 : i32
        %convert_element_type3A_504 = arith.extui %lt3A_503 : i1 to i32
        %cond3A_505 = arith.constant 0 : i32
        %cond3A_506 = arith.cmpi ne, %convert_element_type3A_504, %cond3A_505 : i32
        scf.if %cond3A_506 {
          %dma_wait3A_517 = arith.constant 0 : i32
          %dma_wait3A_518 = arith.constant 0 : i32
          %dma_wait3A_519 = tpu.memref_slice %arg8[%dma_wait3A_517, %dma_wait3A_518] : memref<32x1024xf32, #tpu.memory_space<vmem>> -> memref<32x128xf32, #tpu.memory_space<vmem>>
          %dma_wait3A_520 = arith.constant 0 : i32
          %dma_wait3A_521 = arith.constant 0 : i32
          %dma_wait3A_522 = tpu.memref_slice %arg6[%dma_wait3A_520, %dma_wait3A_521] : memref<250112x128xf32, #tpu.memory_space<hbm>> -> memref<32x128xf32, #tpu.memory_space<hbm>>
          %dma_wait3A_523 = arith.constant 0 : i32
          %dma_wait3A_524 = arith.constant 0 : i32
          %dma_wait3A_525 = tpu.memref_slice %arg6[%dma_wait3A_523, %dma_wait3A_524] : memref<250112x128xf32, #tpu.memory_space<hbm>> -> memref<32x128xf32, #tpu.memory_space<hbm>>
          %dma_wait3A_526 = arith.constant 0 : i32
          %dma_wait3A_527 = arith.constant 0 : i32
          %dma_wait3A_528 = tpu.memref_slice %arg8[%dma_wait3A_526, %dma_wait3A_527] : memref<32x1024xf32, #tpu.memory_space<vmem>> -> memref<32x128xf32, #tpu.memory_space<vmem>>
          tpu.wait_dma2 semaphore(%arg12 : memref<!tpu.dma_semaphore, #tpu.memory_space<semaphore_mem>>) src(%dma_wait3A_528 : memref<32x128xf32, #tpu.memory_space<vmem>>) dst(%dma_wait3A_525 : memref<32x128xf32, #tpu.memory_space<hbm>>)
          %dma_wait3A_529 = arith.constant 0 : i32
          %dma_wait3A_530 = arith.constant 0 : i32
          %dma_wait3A_531 = tpu.memref_slice %arg8[%dma_wait3A_529, %dma_wait3A_530] : memref<32x1024xf32, #tpu.memory_space<vmem>> -> memref<32x128xf32, #tpu.memory_space<vmem>>
          %dma_wait3A_532 = arith.constant 0 : i32
          %dma_wait3A_533 = arith.constant 0 : i32
          %dma_wait3A_534 = tpu.memref_slice %arg6[%dma_wait3A_532, %dma_wait3A_533] : memref<250112x128xf32, #tpu.memory_space<hbm>> -> memref<32x128xf32, #tpu.memory_space<hbm>>
          %dma_wait3A_535 = arith.constant 0 : i32
          %dma_wait3A_536 = arith.constant 0 : i32
          %dma_wait3A_537 = tpu.memref_slice %arg6[%dma_wait3A_535, %dma_wait3A_536] : memref<250112x128xf32, #tpu.memory_space<hbm>> -> memref<32x128xf32, #tpu.memory_space<hbm>>
          %dma_wait3A_538 = arith.constant 0 : i32
          %dma_wait3A_539 = arith.constant 0 : i32
          %dma_wait3A_540 = tpu.memref_slice %arg8[%dma_wait3A_538, %dma_wait3A_539] : memref<32x1024xf32, #tpu.memory_space<vmem>> -> memref<32x128xf32, #tpu.memory_space<vmem>>
          tpu.wait_dma2 semaphore(%arg12 : memref<!tpu.dma_semaphore, #tpu.memory_space<semaphore_mem>>) src(%dma_wait3A_540 : memref<32x128xf32, #tpu.memory_space<vmem>>) dst(%dma_wait3A_537 : memref<32x128xf32, #tpu.memory_space<hbm>>)
          %dma_wait3A_541 = arith.constant 0 : i32
          %dma_wait3A_542 = arith.constant 0 : i32
          %dma_wait3A_543 = tpu.memref_slice %arg8[%dma_wait3A_541, %dma_wait3A_542] : memref<32x1024xf32, #tpu.memory_space<vmem>> -> memref<32x128xf32, #tpu.memory_space<vmem>>
          %dma_wait3A_544 = arith.constant 0 : i32
          %dma_wait3A_545 = arith.constant 0 : i32
          %dma_wait3A_546 = tpu.memref_slice %arg6[%dma_wait3A_544, %dma_wait3A_545] : memref<250112x128xf32, #tpu.memory_space<hbm>> -> memref<32x128xf32, #tpu.memory_space<hbm>>
          %dma_wait3A_547 = arith.constant 0 : i32
          %dma_wait3A_548 = arith.constant 0 : i32
          %dma_wait3A_549 = tpu.memref_slice %arg6[%dma_wait3A_547, %dma_wait3A_548] : memref<250112x128xf32, #tpu.memory_space<hbm>> -> memref<32x128xf32, #tpu.memory_space<hbm>>
          %dma_wait3A_550 = arith.constant 0 : i32
          %dma_wait3A_551 = arith.constant 0 : i32
          %dma_wait3A_552 = tpu.memref_slice %arg8[%dma_wait3A_550, %dma_wait3A_551] : memref<32x1024xf32, #tpu.memory_space<vmem>> -> memref<32x128xf32, #tpu.memory_space<vmem>>
          tpu.wait_dma2 semaphore(%arg12 : memref<!tpu.dma_semaphore, #tpu.memory_space<semaphore_mem>>) src(%dma_wait3A_552 : memref<32x128xf32, #tpu.memory_space<vmem>>) dst(%dma_wait3A_549 : memref<32x128xf32, #tpu.memory_space<hbm>>)
          %dma_wait3A_553 = arith.constant 0 : i32
          %dma_wait3A_554 = arith.constant 0 : i32
          %dma_wait3A_555 = tpu.memref_slice %arg8[%dma_wait3A_553, %dma_wait3A_554] : memref<32x1024xf32, #tpu.memory_space<vmem>> -> memref<32x128xf32, #tpu.memory_space<vmem>>
          %dma_wait3A_556 = arith.constant 0 : i32
          %dma_wait3A_557 = arith.constant 0 : i32
          %dma_wait3A_558 = tpu.memref_slice %arg6[%dma_wait3A_556, %dma_wait3A_557] : memref<250112x128xf32, #tpu.memory_space<hbm>> -> memref<32x128xf32, #tpu.memory_space<hbm>>
          %dma_wait3A_559 = arith.constant 0 : i32
          %dma_wait3A_560 = arith.constant 0 : i32
          %dma_wait3A_561 = tpu.memref_slice %arg6[%dma_wait3A_559, %dma_wait3A_560] : memref<250112x128xf32, #tpu.memory_space<hbm>> -> memref<32x128xf32, #tpu.memory_space<hbm>>
          %dma_wait3A_562 = arith.constant 0 : i32
          %dma_wait3A_563 = arith.constant 0 : i32
          %dma_wait3A_564 = tpu.memref_slice %arg8[%dma_wait3A_562, %dma_wait3A_563] : memref<32x1024xf32, #tpu.memory_space<vmem>> -> memref<32x128xf32, #tpu.memory_space<vmem>>
          tpu.wait_dma2 semaphore(%arg12 : memref<!tpu.dma_semaphore, #tpu.memory_space<semaphore_mem>>) src(%dma_wait3A_564 : memref<32x128xf32, #tpu.memory_space<vmem>>) dst(%dma_wait3A_561 : memref<32x128xf32, #tpu.memory_space<hbm>>)
          %dma_wait3A_565 = arith.constant 0 : i32
          %dma_wait3A_566 = arith.constant 0 : i32
          %dma_wait3A_567 = tpu.memref_slice %arg8[%dma_wait3A_565, %dma_wait3A_566] : memref<32x1024xf32, #tpu.memory_space<vmem>> -> memref<32x128xf32, #tpu.memory_space<vmem>>
          %dma_wait3A_568 = arith.constant 0 : i32
          %dma_wait3A_569 = arith.constant 0 : i32
          %dma_wait3A_570 = tpu.memref_slice %arg6[%dma_wait3A_568, %dma_wait3A_569] : memref<250112x128xf32, #tpu.memory_space<hbm>> -> memref<32x128xf32, #tpu.memory_space<hbm>>
          %dma_wait3A_571 = arith.constant 0 : i32
          %dma_wait3A_572 = arith.constant 0 : i32
          %dma_wait3A_573 = tpu.memref_slice %arg6[%dma_wait3A_571, %dma_wait3A_572] : memref<250112x128xf32, #tpu.memory_space<hbm>> -> memref<32x128xf32, #tpu.memory_space<hbm>>
          %dma_wait3A_574 = arith.constant 0 : i32
          %dma_wait3A_575 = arith.constant 0 : i32
          %dma_wait3A_576 = tpu.memref_slice %arg8[%dma_wait3A_574, %dma_wait3A_575] : memref<32x1024xf32, #tpu.memory_space<vmem>> -> memref<32x128xf32, #tpu.memory_space<vmem>>
          tpu.wait_dma2 semaphore(%arg12 : memref<!tpu.dma_semaphore, #tpu.memory_space<semaphore_mem>>) src(%dma_wait3A_576 : memref<32x128xf32, #tpu.memory_space<vmem>>) dst(%dma_wait3A_573 : memref<32x128xf32, #tpu.memory_space<hbm>>)
          %dma_wait3A_577 = arith.constant 0 : i32
          %dma_wait3A_578 = arith.constant 0 : i32
          %dma_wait3A_579 = tpu.memref_slice %arg8[%dma_wait3A_577, %dma_wait3A_578] : memref<32x1024xf32, #tpu.memory_space<vmem>> -> memref<32x128xf32, #tpu.memory_space<vmem>>
          %dma_wait3A_580 = arith.constant 0 : i32
          %dma_wait3A_581 = arith.constant 0 : i32
          %dma_wait3A_582 = tpu.memref_slice %arg6[%dma_wait3A_580, %dma_wait3A_581] : memref<250112x128xf32, #tpu.memory_space<hbm>> -> memref<32x128xf32, #tpu.memory_space<hbm>>
          %dma_wait3A_583 = arith.constant 0 : i32
          %dma_wait3A_584 = arith.constant 0 : i32
          %dma_wait3A_585 = tpu.memref_slice %arg6[%dma_wait3A_583, %dma_wait3A_584] : memref<250112x128xf32, #tpu.memory_space<hbm>> -> memref<32x128xf32, #tpu.memory_space<hbm>>
          %dma_wait3A_586 = arith.constant 0 : i32
          %dma_wait3A_587 = arith.constant 0 : i32
          %dma_wait3A_588 = tpu.memref_slice %arg8[%dma_wait3A_586, %dma_wait3A_587] : memref<32x1024xf32, #tpu.memory_space<vmem>> -> memref<32x128xf32, #tpu.memory_space<vmem>>
          tpu.wait_dma2 semaphore(%arg12 : memref<!tpu.dma_semaphore, #tpu.memory_space<semaphore_mem>>) src(%dma_wait3A_588 : memref<32x128xf32, #tpu.memory_space<vmem>>) dst(%dma_wait3A_585 : memref<32x128xf32, #tpu.memory_space<hbm>>)
          %dma_wait3A_589 = arith.constant 0 : i32
          %dma_wait3A_590 = arith.constant 0 : i32
          %dma_wait3A_591 = tpu.memref_slice %arg8[%dma_wait3A_589, %dma_wait3A_590] : memref<32x1024xf32, #tpu.memory_space<vmem>> -> memref<32x128xf32, #tpu.memory_space<vmem>>
          %dma_wait3A_592 = arith.constant 0 : i32
          %dma_wait3A_593 = arith.constant 0 : i32
          %dma_wait3A_594 = tpu.memref_slice %arg6[%dma_wait3A_592, %dma_wait3A_593] : memref<250112x128xf32, #tpu.memory_space<hbm>> -> memref<32x128xf32, #tpu.memory_space<hbm>>
          %dma_wait3A_595 = arith.constant 0 : i32
          %dma_wait3A_596 = arith.constant 0 : i32
          %dma_wait3A_597 = tpu.memref_slice %arg6[%dma_wait3A_595, %dma_wait3A_596] : memref<250112x128xf32, #tpu.memory_space<hbm>> -> memref<32x128xf32, #tpu.memory_space<hbm>>
          %dma_wait3A_598 = arith.constant 0 : i32
          %dma_wait3A_599 = arith.constant 0 : i32
          %dma_wait3A_600 = tpu.memref_slice %arg8[%dma_wait3A_598, %dma_wait3A_599] : memref<32x1024xf32, #tpu.memory_space<vmem>> -> memref<32x128xf32, #tpu.memory_space<vmem>>
          tpu.wait_dma2 semaphore(%arg12 : memref<!tpu.dma_semaphore, #tpu.memory_space<semaphore_mem>>) src(%dma_wait3A_600 : memref<32x128xf32, #tpu.memory_space<vmem>>) dst(%dma_wait3A_597 : memref<32x128xf32, #tpu.memory_space<hbm>>)
          %dma_wait3A_601 = arith.constant 0 : i32
          %dma_wait3A_602 = arith.constant 0 : i32
          %dma_wait3A_603 = tpu.memref_slice %arg8[%dma_wait3A_601, %dma_wait3A_602] : memref<32x1024xf32, #tpu.memory_space<vmem>> -> memref<32x128xf32, #tpu.memory_space<vmem>>
          %dma_wait3A_604 = arith.constant 0 : i32
          %dma_wait3A_605 = arith.constant 0 : i32
          %dma_wait3A_606 = tpu.memref_slice %arg6[%dma_wait3A_604, %dma_wait3A_605] : memref<250112x128xf32, #tpu.memory_space<hbm>> -> memref<32x128xf32, #tpu.memory_space<hbm>>
          %dma_wait3A_607 = arith.constant 0 : i32
          %dma_wait3A_608 = arith.constant 0 : i32
          %dma_wait3A_609 = tpu.memref_slice %arg6[%dma_wait3A_607, %dma_wait3A_608] : memref<250112x128xf32, #tpu.memory_space<hbm>> -> memref<32x128xf32, #tpu.memory_space<hbm>>
          %dma_wait3A_610 = arith.constant 0 : i32
          %dma_wait3A_611 = arith.constant 0 : i32
          %dma_wait3A_612 = tpu.memref_slice %arg8[%dma_wait3A_610, %dma_wait3A_611] : memref<32x1024xf32, #tpu.memory_space<vmem>> -> memref<32x128xf32, #tpu.memory_space<vmem>>
          tpu.wait_dma2 semaphore(%arg12 : memref<!tpu.dma_semaphore, #tpu.memory_space<semaphore_mem>>) src(%dma_wait3A_612 : memref<32x128xf32, #tpu.memory_space<vmem>>) dst(%dma_wait3A_609 : memref<32x128xf32, #tpu.memory_space<hbm>>)
          %mul3A_613 = arith.constant 2 : i32
          %mul3A_614 = arith.muli %mul3A_613, %scan3A_229 : i32
          %add3A_615 = arith.constant 2 : i32
          %add3A_616 = arith.addi %mul3A_614, %add3A_615 : i32
          %add3A_617 = arith.addi %mul3A_7, %add3A_616 : i32
          %min3A_618 = arith.constant 976 : i32
          %min3A_619 = arith.minsi %add3A_617, %min3A_618 : i32
          %lt3A_620 = arith.constant 976 : i32
          %lt3A_621 = arith.cmpi slt, %min3A_619, %lt3A_620 : i32
          %convert_element_type3A_622 = arith.extui %lt3A_621 : i1 to i32
          %cond3A_623 = arith.constant 0 : i32
          %cond3A_624 = arith.cmpi ne, %convert_element_type3A_622, %cond3A_623 : i32
          scf.if %cond3A_624 {
            %mul3A_630 = arith.constant 1024 : i32
            %mul3A_631 = arith.muli %min3A_619, %mul3A_630 : i32
            %dma_start3A_632 = arith.constant 0 : i32
            %dma_start3A_633 = tpu.memref_slice %arg2[%dma_start3A_632, %mul3A_631] : memref<32x1000000xf32, #tpu.memory_space<hbm>> -> memref<32x1024xf32, #tpu.memory_space<hbm>>
            %dma_start3A_634 = arith.constant 0 : i32
            %dma_start3A_635 = tpu.memref_slice %arg2[%dma_start3A_634, %mul3A_631] : memref<32x1000000xf32, #tpu.memory_space<hbm>> -> memref<32x1024xf32, #tpu.memory_space<hbm>>
            tpu.enqueue_dma source(%dma_start3A_635 : memref<32x1024xf32, #tpu.memory_space<hbm>>) target(%arg8 : memref<32x1024xf32, #tpu.memory_space<vmem>>) target_semaphore(%arg10 : memref<!tpu.dma_semaphore, #tpu.memory_space<semaphore_mem>>)
          } else {
          }
          %ge3A_625 = arith.constant 976 : i32
          %ge3A_626 = arith.cmpi sge, %min3A_619, %ge3A_625 : i32
          %convert_element_type3A_627 = arith.extui %ge3A_626 : i1 to i32
          %cond3A_628 = arith.constant 0 : i32
          %cond3A_629 = arith.cmpi ne, %convert_element_type3A_627, %cond3A_628 : i32
          scf.if %cond3A_629 {
            tpu.enqueue_dma source(%arg4 : memref<32x1024xf32, #tpu.memory_space<hbm>>) target(%arg8 : memref<32x1024xf32, #tpu.memory_space<vmem>>) target_semaphore(%arg10 : memref<!tpu.dma_semaphore, #tpu.memory_space<semaphore_mem>>)
          } else {
          }
        } else {
        }
        %mul3A_507 = arith.constant 2 : i32
        %mul3A_508 = arith.muli %mul3A_507, %scan3A_229 : i32
        %add3A_509 = arith.constant 3 : i32
        %add3A_510 = arith.addi %mul3A_508, %add3A_509 : i32
        %lt3A_511 = arith.constant 62 : i32
        %lt3A_512 = arith.cmpi slt, %add3A_510, %lt3A_511 : i32
        %convert_element_type3A_513 = arith.extui %lt3A_512 : i1 to i32
        %cond3A_514 = arith.constant 0 : i32
        %cond3A_515 = arith.cmpi ne, %convert_element_type3A_513, %cond3A_514 : i32
        scf.if %cond3A_515 {
          %dma_wait3A_517 = arith.constant 0 : i32
          %dma_wait3A_518 = arith.constant 0 : i32
          %dma_wait3A_519 = tpu.memref_slice %arg8[%dma_wait3A_517, %dma_wait3A_518] : memref<32x1024xf32, #tpu.memory_space<vmem>> -> memref<32x128xf32, #tpu.memory_space<vmem>>
          %dma_wait3A_520 = arith.constant 0 : i32
          %dma_wait3A_521 = arith.constant 0 : i32
          %dma_wait3A_522 = tpu.memref_slice %arg6[%dma_wait3A_520, %dma_wait3A_521] : memref<250112x128xf32, #tpu.memory_space<hbm>> -> memref<32x128xf32, #tpu.memory_space<hbm>>
          %dma_wait3A_523 = arith.constant 0 : i32
          %dma_wait3A_524 = arith.constant 0 : i32
          %dma_wait3A_525 = tpu.memref_slice %arg6[%dma_wait3A_523, %dma_wait3A_524] : memref<250112x128xf32, #tpu.memory_space<hbm>> -> memref<32x128xf32, #tpu.memory_space<hbm>>
          %dma_wait3A_526 = arith.constant 0 : i32
          %dma_wait3A_527 = arith.constant 0 : i32
          %dma_wait3A_528 = tpu.memref_slice %arg8[%dma_wait3A_526, %dma_wait3A_527] : memref<32x1024xf32, #tpu.memory_space<vmem>> -> memref<32x128xf32, #tpu.memory_space<vmem>>
          tpu.wait_dma2 semaphore(%arg13 : memref<!tpu.dma_semaphore, #tpu.memory_space<semaphore_mem>>) src(%dma_wait3A_528 : memref<32x128xf32, #tpu.memory_space<vmem>>) dst(%dma_wait3A_525 : memref<32x128xf32, #tpu.memory_space<hbm>>)
          %dma_wait3A_529 = arith.constant 0 : i32
          %dma_wait3A_530 = arith.constant 0 : i32
          %dma_wait3A_531 = tpu.memref_slice %arg8[%dma_wait3A_529, %dma_wait3A_530] : memref<32x1024xf32, #tpu.memory_space<vmem>> -> memref<32x128xf32, #tpu.memory_space<vmem>>
          %dma_wait3A_532 = arith.constant 0 : i32
          %dma_wait3A_533 = arith.constant 0 : i32
          %dma_wait3A_534 = tpu.memref_slice %arg6[%dma_wait3A_532, %dma_wait3A_533] : memref<250112x128xf32, #tpu.memory_space<hbm>> -> memref<32x128xf32, #tpu.memory_space<hbm>>
          %dma_wait3A_535 = arith.constant 0 : i32
          %dma_wait3A_536 = arith.constant 0 : i32
          %dma_wait3A_537 = tpu.memref_slice %arg6[%dma_wait3A_535, %dma_wait3A_536] : memref<250112x128xf32, #tpu.memory_space<hbm>> -> memref<32x128xf32, #tpu.memory_space<hbm>>
          %dma_wait3A_538 = arith.constant 0 : i32
          %dma_wait3A_539 = arith.constant 0 : i32
          %dma_wait3A_540 = tpu.memref_slice %arg8[%dma_wait3A_538, %dma_wait3A_539] : memref<32x1024xf32, #tpu.memory_space<vmem>> -> memref<32x128xf32, #tpu.memory_space<vmem>>
          tpu.wait_dma2 semaphore(%arg13 : memref<!tpu.dma_semaphore, #tpu.memory_space<semaphore_mem>>) src(%dma_wait3A_540 : memref<32x128xf32, #tpu.memory_space<vmem>>) dst(%dma_wait3A_537 : memref<32x128xf32, #tpu.memory_space<hbm>>)
          %dma_wait3A_541 = arith.constant 0 : i32
          %dma_wait3A_542 = arith.constant 0 : i32
          %dma_wait3A_543 = tpu.memref_slice %arg8[%dma_wait3A_541, %dma_wait3A_542] : memref<32x1024xf32, #tpu.memory_space<vmem>> -> memref<32x128xf32, #tpu.memory_space<vmem>>
          %dma_wait3A_544 = arith.constant 0 : i32
          %dma_wait3A_545 = arith.constant 0 : i32
          %dma_wait3A_546 = tpu.memref_slice %arg6[%dma_wait3A_544, %dma_wait3A_545] : memref<250112x128xf32, #tpu.memory_space<hbm>> -> memref<32x128xf32, #tpu.memory_space<hbm>>
          %dma_wait3A_547 = arith.constant 0 : i32
          %dma_wait3A_548 = arith.constant 0 : i32
          %dma_wait3A_549 = tpu.memref_slice %arg6[%dma_wait3A_547, %dma_wait3A_548] : memref<250112x128xf32, #tpu.memory_space<hbm>> -> memref<32x128xf32, #tpu.memory_space<hbm>>
          %dma_wait3A_550 = arith.constant 0 : i32
          %dma_wait3A_551 = arith.constant 0 : i32
          %dma_wait3A_552 = tpu.memref_slice %arg8[%dma_wait3A_550, %dma_wait3A_551] : memref<32x1024xf32, #tpu.memory_space<vmem>> -> memref<32x128xf32, #tpu.memory_space<vmem>>
          tpu.wait_dma2 semaphore(%arg13 : memref<!tpu.dma_semaphore, #tpu.memory_space<semaphore_mem>>) src(%dma_wait3A_552 : memref<32x128xf32, #tpu.memory_space<vmem>>) dst(%dma_wait3A_549 : memref<32x128xf32, #tpu.memory_space<hbm>>)
          %dma_wait3A_553 = arith.constant 0 : i32
          %dma_wait3A_554 = arith.constant 0 : i32
          %dma_wait3A_555 = tpu.memref_slice %arg8[%dma_wait3A_553, %dma_wait3A_554] : memref<32x1024xf32, #tpu.memory_space<vmem>> -> memref<32x128xf32, #tpu.memory_space<vmem>>
          %dma_wait3A_556 = arith.constant 0 : i32
          %dma_wait3A_557 = arith.constant 0 : i32
          %dma_wait3A_558 = tpu.memref_slice %arg6[%dma_wait3A_556, %dma_wait3A_557] : memref<250112x128xf32, #tpu.memory_space<hbm>> -> memref<32x128xf32, #tpu.memory_space<hbm>>
          %dma_wait3A_559 = arith.constant 0 : i32
          %dma_wait3A_560 = arith.constant 0 : i32
          %dma_wait3A_561 = tpu.memref_slice %arg6[%dma_wait3A_559, %dma_wait3A_560] : memref<250112x128xf32, #tpu.memory_space<hbm>> -> memref<32x128xf32, #tpu.memory_space<hbm>>
          %dma_wait3A_562 = arith.constant 0 : i32
          %dma_wait3A_563 = arith.constant 0 : i32
          %dma_wait3A_564 = tpu.memref_slice %arg8[%dma_wait3A_562, %dma_wait3A_563] : memref<32x1024xf32, #tpu.memory_space<vmem>> -> memref<32x128xf32, #tpu.memory_space<vmem>>
          tpu.wait_dma2 semaphore(%arg13 : memref<!tpu.dma_semaphore, #tpu.memory_space<semaphore_mem>>) src(%dma_wait3A_564 : memref<32x128xf32, #tpu.memory_space<vmem>>) dst(%dma_wait3A_561 : memref<32x128xf32, #tpu.memory_space<hbm>>)
          %dma_wait3A_565 = arith.constant 0 : i32
          %dma_wait3A_566 = arith.constant 0 : i32
          %dma_wait3A_567 = tpu.memref_slice %arg8[%dma_wait3A_565, %dma_wait3A_566] : memref<32x1024xf32, #tpu.memory_space<vmem>> -> memref<32x128xf32, #tpu.memory_space<vmem>>
          %dma_wait3A_568 = arith.constant 0 : i32
          %dma_wait3A_569 = arith.constant 0 : i32
          %dma_wait3A_570 = tpu.memref_slice %arg6[%dma_wait3A_568, %dma_wait3A_569] : memref<250112x128xf32, #tpu.memory_space<hbm>> -> memref<32x128xf32, #tpu.memory_space<hbm>>
          %dma_wait3A_571 = arith.constant 0 : i32
          %dma_wait3A_572 = arith.constant 0 : i32
          %dma_wait3A_573 = tpu.memref_slice %arg6[%dma_wait3A_571, %dma_wait3A_572] : memref<250112x128xf32, #tpu.memory_space<hbm>> -> memref<32x128xf32, #tpu.memory_space<hbm>>
          %dma_wait3A_574 = arith.constant 0 : i32
          %dma_wait3A_575 = arith.constant 0 : i32
          %dma_wait3A_576 = tpu.memref_slice %arg8[%dma_wait3A_574, %dma_wait3A_575] : memref<32x1024xf32, #tpu.memory_space<vmem>> -> memref<32x128xf32, #tpu.memory_space<vmem>>
          tpu.wait_dma2 semaphore(%arg13 : memref<!tpu.dma_semaphore, #tpu.memory_space<semaphore_mem>>) src(%dma_wait3A_576 : memref<32x128xf32, #tpu.memory_space<vmem>>) dst(%dma_wait3A_573 : memref<32x128xf32, #tpu.memory_space<hbm>>)
          %dma_wait3A_577 = arith.constant 0 : i32
          %dma_wait3A_578 = arith.constant 0 : i32
          %dma_wait3A_579 = tpu.memref_slice %arg8[%dma_wait3A_577, %dma_wait3A_578] : memref<32x1024xf32, #tpu.memory_space<vmem>> -> memref<32x128xf32, #tpu.memory_space<vmem>>
          %dma_wait3A_580 = arith.constant 0 : i32
          %dma_wait3A_581 = arith.constant 0 : i32
          %dma_wait3A_582 = tpu.memref_slice %arg6[%dma_wait3A_580, %dma_wait3A_581] : memref<250112x128xf32, #tpu.memory_space<hbm>> -> memref<32x128xf32, #tpu.memory_space<hbm>>
          %dma_wait3A_583 = arith.constant 0 : i32
          %dma_wait3A_584 = arith.constant 0 : i32
          %dma_wait3A_585 = tpu.memref_slice %arg6[%dma_wait3A_583, %dma_wait3A_584] : memref<250112x128xf32, #tpu.memory_space<hbm>> -> memref<32x128xf32, #tpu.memory_space<hbm>>
          %dma_wait3A_586 = arith.constant 0 : i32
          %dma_wait3A_587 = arith.constant 0 : i32
          %dma_wait3A_588 = tpu.memref_slice %arg8[%dma_wait3A_586, %dma_wait3A_587] : memref<32x1024xf32, #tpu.memory_space<vmem>> -> memref<32x128xf32, #tpu.memory_space<vmem>>
          tpu.wait_dma2 semaphore(%arg13 : memref<!tpu.dma_semaphore, #tpu.memory_space<semaphore_mem>>) src(%dma_wait3A_588 : memref<32x128xf32, #tpu.memory_space<vmem>>) dst(%dma_wait3A_585 : memref<32x128xf32, #tpu.memory_space<hbm>>)
          %dma_wait3A_589 = arith.constant 0 : i32
          %dma_wait3A_590 = arith.constant 0 : i32
          %dma_wait3A_591 = tpu.memref_slice %arg8[%dma_wait3A_589, %dma_wait3A_590] : memref<32x1024xf32, #tpu.memory_space<vmem>> -> memref<32x128xf32, #tpu.memory_space<vmem>>
          %dma_wait3A_592 = arith.constant 0 : i32
          %dma_wait3A_593 = arith.constant 0 : i32
          %dma_wait3A_594 = tpu.memref_slice %arg6[%dma_wait3A_592, %dma_wait3A_593] : memref<250112x128xf32, #tpu.memory_space<hbm>> -> memref<32x128xf32, #tpu.memory_space<hbm>>
          %dma_wait3A_595 = arith.constant 0 : i32
          %dma_wait3A_596 = arith.constant 0 : i32
          %dma_wait3A_597 = tpu.memref_slice %arg6[%dma_wait3A_595, %dma_wait3A_596] : memref<250112x128xf32, #tpu.memory_space<hbm>> -> memref<32x128xf32, #tpu.memory_space<hbm>>
          %dma_wait3A_598 = arith.constant 0 : i32
          %dma_wait3A_599 = arith.constant 0 : i32
          %dma_wait3A_600 = tpu.memref_slice %arg8[%dma_wait3A_598, %dma_wait3A_599] : memref<32x1024xf32, #tpu.memory_space<vmem>> -> memref<32x128xf32, #tpu.memory_space<vmem>>
          tpu.wait_dma2 semaphore(%arg13 : memref<!tpu.dma_semaphore, #tpu.memory_space<semaphore_mem>>) src(%dma_wait3A_600 : memref<32x128xf32, #tpu.memory_space<vmem>>) dst(%dma_wait3A_597 : memref<32x128xf32, #tpu.memory_space<hbm>>)
          %dma_wait3A_601 = arith.constant 0 : i32
          %dma_wait3A_602 = arith.constant 0 : i32
          %dma_wait3A_603 = tpu.memref_slice %arg8[%dma_wait3A_601, %dma_wait3A_602] : memref<32x1024xf32, #tpu.memory_space<vmem>> -> memref<32x128xf32, #tpu.memory_space<vmem>>
          %dma_wait3A_604 = arith.constant 0 : i32
          %dma_wait3A_605 = arith.constant 0 : i32
          %dma_wait3A_606 = tpu.memref_slice %arg6[%dma_wait3A_604, %dma_wait3A_605] : memref<250112x128xf32, #tpu.memory_space<hbm>> -> memref<32x128xf32, #tpu.memory_space<hbm>>
          %dma_wait3A_607 = arith.constant 0 : i32
          %dma_wait3A_608 = arith.constant 0 : i32
          %dma_wait3A_609 = tpu.memref_slice %arg6[%dma_wait3A_607, %dma_wait3A_608] : memref<250112x128xf32, #tpu.memory_space<hbm>> -> memref<32x128xf32, #tpu.memory_space<hbm>>
          %dma_wait3A_610 = arith.constant 0 : i32
          %dma_wait3A_611 = arith.constant 0 : i32
          %dma_wait3A_612 = tpu.memref_slice %arg8[%dma_wait3A_610, %dma_wait3A_611] : memref<32x1024xf32, #tpu.memory_space<vmem>> -> memref<32x128xf32, #tpu.memory_space<vmem>>
          tpu.wait_dma2 semaphore(%arg13 : memref<!tpu.dma_semaphore, #tpu.memory_space<semaphore_mem>>) src(%dma_wait3A_612 : memref<32x128xf32, #tpu.memory_space<vmem>>) dst(%dma_wait3A_609 : memref<32x128xf32, #tpu.memory_space<hbm>>)
          %mul3A_613 = arith.constant 2 : i32
          %mul3A_614 = arith.muli %mul3A_613, %scan3A_229 : i32
          %add3A_615 = arith.constant 3 : i32
          %add3A_616 = arith.addi %mul3A_614, %add3A_615 : i32
          %add3A_617 = arith.addi %mul3A_7, %add3A_616 : i32
          %min3A_618 = arith.constant 976 : i32
          %min3A_619 = arith.minsi %add3A_617, %min3A_618 : i32
          %lt3A_620 = arith.constant 976 : i32
          %lt3A_621 = arith.cmpi slt, %min3A_619, %lt3A_620 : i32
          %convert_element_type3A_622 = arith.extui %lt3A_621 : i1 to i32
          %cond3A_623 = arith.constant 0 : i32
          %cond3A_624 = arith.cmpi ne, %convert_element_type3A_622, %cond3A_623 : i32
          scf.if %cond3A_624 {
            %mul3A_630 = arith.constant 1024 : i32
            %mul3A_631 = arith.muli %min3A_619, %mul3A_630 : i32
            %dma_start3A_632 = arith.constant 0 : i32
            %dma_start3A_633 = tpu.memref_slice %arg2[%dma_start3A_632, %mul3A_631] : memref<32x1000000xf32, #tpu.memory_space<hbm>> -> memref<32x1024xf32, #tpu.memory_space<hbm>>
            %dma_start3A_634 = arith.constant 0 : i32
            %dma_start3A_635 = tpu.memref_slice %arg2[%dma_start3A_634, %mul3A_631] : memref<32x1000000xf32, #tpu.memory_space<hbm>> -> memref<32x1024xf32, #tpu.memory_space<hbm>>
            tpu.enqueue_dma source(%dma_start3A_635 : memref<32x1024xf32, #tpu.memory_space<hbm>>) target(%arg9 : memref<32x1024xf32, #tpu.memory_space<vmem>>) target_semaphore(%arg11 : memref<!tpu.dma_semaphore, #tpu.memory_space<semaphore_mem>>)
          } else {
          }
          %ge3A_625 = arith.constant 976 : i32
          %ge3A_626 = arith.cmpi sge, %min3A_619, %ge3A_625 : i32
          %convert_element_type3A_627 = arith.extui %ge3A_626 : i1 to i32
          %cond3A_628 = arith.constant 0 : i32
          %cond3A_629 = arith.cmpi ne, %convert_element_type3A_627, %cond3A_628 : i32
          scf.if %cond3A_629 {
            tpu.enqueue_dma source(%arg4 : memref<32x1024xf32, #tpu.memory_space<hbm>>) target(%arg9 : memref<32x1024xf32, #tpu.memory_space<vmem>>) target_semaphore(%arg11 : memref<!tpu.dma_semaphore, #tpu.memory_space<semaphore_mem>>)
          } else {
          }
        } else {
        }
        %scan3A_516 = arith.constant 0 : i32
        scf.yield %scan3A_516 : i32
      }
      %scan3A_37 = arith.constant 31 : i32
      %dma_wait3A = arith.constant 0 : i32
      %dma_wait3A_38 = arith.constant 0 : i32
      %dma_wait3A_39 = tpu.memref_slice %arg8[%dma_wait3A, %dma_wait3A_38] : memref<32x1024xf32, #tpu.memory_space<vmem>> -> memref<32x128xf32, #tpu.memory_space<vmem>>
      %dma_wait3A_40 = arith.constant 0 : i32
      %dma_wait3A_41 = arith.constant 0 : i32
      %dma_wait3A_42 = tpu.memref_slice %arg6[%dma_wait3A_40, %dma_wait3A_41] : memref<250112x128xf32, #tpu.memory_space<hbm>> -> memref<32x128xf32, #tpu.memory_space<hbm>>
      %dma_wait3A_43 = arith.constant 0 : i32
      %dma_wait3A_44 = arith.constant 0 : i32
      %dma_wait3A_45 = tpu.memref_slice %arg6[%dma_wait3A_43, %dma_wait3A_44] : memref<250112x128xf32, #tpu.memory_space<hbm>> -> memref<32x128xf32, #tpu.memory_space<hbm>>
      %dma_wait3A_46 = arith.constant 0 : i32
      %dma_wait3A_47 = arith.constant 0 : i32
      %dma_wait3A_48 = tpu.memref_slice %arg8[%dma_wait3A_46, %dma_wait3A_47] : memref<32x1024xf32, #tpu.memory_space<vmem>> -> memref<32x128xf32, #tpu.memory_space<vmem>>
      tpu.wait_dma2 semaphore(%arg12 : memref<!tpu.dma_semaphore, #tpu.memory_space<semaphore_mem>>) src(%dma_wait3A_48 : memref<32x128xf32, #tpu.memory_space<vmem>>) dst(%dma_wait3A_45 : memref<32x128xf32, #tpu.memory_space<hbm>>)
      %dma_wait3A_49 = arith.constant 0 : i32
      %dma_wait3A_50 = arith.constant 0 : i32
      %dma_wait3A_51 = tpu.memref_slice %arg8[%dma_wait3A_49, %dma_wait3A_50] : memref<32x1024xf32, #tpu.memory_space<vmem>> -> memref<32x128xf32, #tpu.memory_space<vmem>>
      %dma_wait3A_52 = arith.constant 0 : i32
      %dma_wait3A_53 = arith.constant 0 : i32
      %dma_wait3A_54 = tpu.memref_slice %arg6[%dma_wait3A_52, %dma_wait3A_53] : memref<250112x128xf32, #tpu.memory_space<hbm>> -> memref<32x128xf32, #tpu.memory_space<hbm>>
      %dma_wait3A_55 = arith.constant 0 : i32
      %dma_wait3A_56 = arith.constant 0 : i32
      %dma_wait3A_57 = tpu.memref_slice %arg6[%dma_wait3A_55, %dma_wait3A_56] : memref<250112x128xf32, #tpu.memory_space<hbm>> -> memref<32x128xf32, #tpu.memory_space<hbm>>
      %dma_wait3A_58 = arith.constant 0 : i32
      %dma_wait3A_59 = arith.constant 0 : i32
      %dma_wait3A_60 = tpu.memref_slice %arg8[%dma_wait3A_58, %dma_wait3A_59] : memref<32x1024xf32, #tpu.memory_space<vmem>> -> memref<32x128xf32, #tpu.memory_space<vmem>>
      tpu.wait_dma2 semaphore(%arg12 : memref<!tpu.dma_semaphore, #tpu.memory_space<semaphore_mem>>) src(%dma_wait3A_60 : memref<32x128xf32, #tpu.memory_space<vmem>>) dst(%dma_wait3A_57 : memref<32x128xf32, #tpu.memory_space<hbm>>)
      %dma_wait3A_61 = arith.constant 0 : i32
      %dma_wait3A_62 = arith.constant 0 : i32
      %dma_wait3A_63 = tpu.memref_slice %arg8[%dma_wait3A_61, %dma_wait3A_62] : memref<32x1024xf32, #tpu.memory_space<vmem>> -> memref<32x128xf32, #tpu.memory_space<vmem>>
      %dma_wait3A_64 = arith.constant 0 : i32
      %dma_wait3A_65 = arith.constant 0 : i32
      %dma_wait3A_66 = tpu.memref_slice %arg6[%dma_wait3A_64, %dma_wait3A_65] : memref<250112x128xf32, #tpu.memory_space<hbm>> -> memref<32x128xf32, #tpu.memory_space<hbm>>
      %dma_wait3A_67 = arith.constant 0 : i32
      %dma_wait3A_68 = arith.constant 0 : i32
      %dma_wait3A_69 = tpu.memref_slice %arg6[%dma_wait3A_67, %dma_wait3A_68] : memref<250112x128xf32, #tpu.memory_space<hbm>> -> memref<32x128xf32, #tpu.memory_space<hbm>>
      %dma_wait3A_70 = arith.constant 0 : i32
      %dma_wait3A_71 = arith.constant 0 : i32
      %dma_wait3A_72 = tpu.memref_slice %arg8[%dma_wait3A_70, %dma_wait3A_71] : memref<32x1024xf32, #tpu.memory_space<vmem>> -> memref<32x128xf32, #tpu.memory_space<vmem>>
      tpu.wait_dma2 semaphore(%arg12 : memref<!tpu.dma_semaphore, #tpu.memory_space<semaphore_mem>>) src(%dma_wait3A_72 : memref<32x128xf32, #tpu.memory_space<vmem>>) dst(%dma_wait3A_69 : memref<32x128xf32, #tpu.memory_space<hbm>>)
      %dma_wait3A_73 = arith.constant 0 : i32
      %dma_wait3A_74 = arith.constant 0 : i32
      %dma_wait3A_75 = tpu.memref_slice %arg8[%dma_wait3A_73, %dma_wait3A_74] : memref<32x1024xf32, #tpu.memory_space<vmem>> -> memref<32x128xf32, #tpu.memory_space<vmem>>
      %dma_wait3A_76 = arith.constant 0 : i32
      %dma_wait3A_77 = arith.constant 0 : i32
      %dma_wait3A_78 = tpu.memref_slice %arg6[%dma_wait3A_76, %dma_wait3A_77] : memref<250112x128xf32, #tpu.memory_space<hbm>> -> memref<32x128xf32, #tpu.memory_space<hbm>>
      %dma_wait3A_79 = arith.constant 0 : i32
      %dma_wait3A_80 = arith.constant 0 : i32
      %dma_wait3A_81 = tpu.memref_slice %arg6[%dma_wait3A_79, %dma_wait3A_80] : memref<250112x128xf32, #tpu.memory_space<hbm>> -> memref<32x128xf32, #tpu.memory_space<hbm>>
      %dma_wait3A_82 = arith.constant 0 : i32
      %dma_wait3A_83 = arith.constant 0 : i32
      %dma_wait3A_84 = tpu.memref_slice %arg8[%dma_wait3A_82, %dma_wait3A_83] : memref<32x1024xf32, #tpu.memory_space<vmem>> -> memref<32x128xf32, #tpu.memory_space<vmem>>
      tpu.wait_dma2 semaphore(%arg12 : memref<!tpu.dma_semaphore, #tpu.memory_space<semaphore_mem>>) src(%dma_wait3A_84 : memref<32x128xf32, #tpu.memory_space<vmem>>) dst(%dma_wait3A_81 : memref<32x128xf32, #tpu.memory_space<hbm>>)
      %dma_wait3A_85 = arith.constant 0 : i32
      %dma_wait3A_86 = arith.constant 0 : i32
      %dma_wait3A_87 = tpu.memref_slice %arg8[%dma_wait3A_85, %dma_wait3A_86] : memref<32x1024xf32, #tpu.memory_space<vmem>> -> memref<32x128xf32, #tpu.memory_space<vmem>>
      %dma_wait3A_88 = arith.constant 0 : i32
      %dma_wait3A_89 = arith.constant 0 : i32
      %dma_wait3A_90 = tpu.memref_slice %arg6[%dma_wait3A_88, %dma_wait3A_89] : memref<250112x128xf32, #tpu.memory_space<hbm>> -> memref<32x128xf32, #tpu.memory_space<hbm>>
      %dma_wait3A_91 = arith.constant 0 : i32
      %dma_wait3A_92 = arith.constant 0 : i32
      %dma_wait3A_93 = tpu.memref_slice %arg6[%dma_wait3A_91, %dma_wait3A_92] : memref<250112x128xf32, #tpu.memory_space<hbm>> -> memref<32x128xf32, #tpu.memory_space<hbm>>
      %dma_wait3A_94 = arith.constant 0 : i32
      %dma_wait3A_95 = arith.constant 0 : i32
      %dma_wait3A_96 = tpu.memref_slice %arg8[%dma_wait3A_94, %dma_wait3A_95] : memref<32x1024xf32, #tpu.memory_space<vmem>> -> memref<32x128xf32, #tpu.memory_space<vmem>>
      tpu.wait_dma2 semaphore(%arg12 : memref<!tpu.dma_semaphore, #tpu.memory_space<semaphore_mem>>) src(%dma_wait3A_96 : memref<32x128xf32, #tpu.memory_space<vmem>>) dst(%dma_wait3A_93 : memref<32x128xf32, #tpu.memory_space<hbm>>)
      %dma_wait3A_97 = arith.constant 0 : i32
      %dma_wait3A_98 = arith.constant 0 : i32
      %dma_wait3A_99 = tpu.memref_slice %arg8[%dma_wait3A_97, %dma_wait3A_98] : memref<32x1024xf32, #tpu.memory_space<vmem>> -> memref<32x128xf32, #tpu.memory_space<vmem>>
      %dma_wait3A_100 = arith.constant 0 : i32
      %dma_wait3A_101 = arith.constant 0 : i32
      %dma_wait3A_102 = tpu.memref_slice %arg6[%dma_wait3A_100, %dma_wait3A_101] : memref<250112x128xf32, #tpu.memory_space<hbm>> -> memref<32x128xf32, #tpu.memory_space<hbm>>
      %dma_wait3A_103 = arith.constant 0 : i32
      %dma_wait3A_104 = arith.constant 0 : i32
      %dma_wait3A_105 = tpu.memref_slice %arg6[%dma_wait3A_103, %dma_wait3A_104] : memref<250112x128xf32, #tpu.memory_space<hbm>> -> memref<32x128xf32, #tpu.memory_space<hbm>>
      %dma_wait3A_106 = arith.constant 0 : i32
      %dma_wait3A_107 = arith.constant 0 : i32
      %dma_wait3A_108 = tpu.memref_slice %arg8[%dma_wait3A_106, %dma_wait3A_107] : memref<32x1024xf32, #tpu.memory_space<vmem>> -> memref<32x128xf32, #tpu.memory_space<vmem>>
      tpu.wait_dma2 semaphore(%arg12 : memref<!tpu.dma_semaphore, #tpu.memory_space<semaphore_mem>>) src(%dma_wait3A_108 : memref<32x128xf32, #tpu.memory_space<vmem>>) dst(%dma_wait3A_105 : memref<32x128xf32, #tpu.memory_space<hbm>>)
      %dma_wait3A_109 = arith.constant 0 : i32
      %dma_wait3A_110 = arith.constant 0 : i32
      %dma_wait3A_111 = tpu.memref_slice %arg8[%dma_wait3A_109, %dma_wait3A_110] : memref<32x1024xf32, #tpu.memory_space<vmem>> -> memref<32x128xf32, #tpu.memory_space<vmem>>
      %dma_wait3A_112 = arith.constant 0 : i32
      %dma_wait3A_113 = arith.constant 0 : i32
      %dma_wait3A_114 = tpu.memref_slice %arg6[%dma_wait3A_112, %dma_wait3A_113] : memref<250112x128xf32, #tpu.memory_space<hbm>> -> memref<32x128xf32, #tpu.memory_space<hbm>>
      %dma_wait3A_115 = arith.constant 0 : i32
      %dma_wait3A_116 = arith.constant 0 : i32
      %dma_wait3A_117 = tpu.memref_slice %arg6[%dma_wait3A_115, %dma_wait3A_116] : memref<250112x128xf32, #tpu.memory_space<hbm>> -> memref<32x128xf32, #tpu.memory_space<hbm>>
      %dma_wait3A_118 = arith.constant 0 : i32
      %dma_wait3A_119 = arith.constant 0 : i32
      %dma_wait3A_120 = tpu.memref_slice %arg8[%dma_wait3A_118, %dma_wait3A_119] : memref<32x1024xf32, #tpu.memory_space<vmem>> -> memref<32x128xf32, #tpu.memory_space<vmem>>
      tpu.wait_dma2 semaphore(%arg12 : memref<!tpu.dma_semaphore, #tpu.memory_space<semaphore_mem>>) src(%dma_wait3A_120 : memref<32x128xf32, #tpu.memory_space<vmem>>) dst(%dma_wait3A_117 : memref<32x128xf32, #tpu.memory_space<hbm>>)
      %dma_wait3A_121 = arith.constant 0 : i32
      %dma_wait3A_122 = arith.constant 0 : i32
      %dma_wait3A_123 = tpu.memref_slice %arg8[%dma_wait3A_121, %dma_wait3A_122] : memref<32x1024xf32, #tpu.memory_space<vmem>> -> memref<32x128xf32, #tpu.memory_space<vmem>>
      %dma_wait3A_124 = arith.constant 0 : i32
      %dma_wait3A_125 = arith.constant 0 : i32
      %dma_wait3A_126 = tpu.memref_slice %arg6[%dma_wait3A_124, %dma_wait3A_125] : memref<250112x128xf32, #tpu.memory_space<hbm>> -> memref<32x128xf32, #tpu.memory_space<hbm>>
      %dma_wait3A_127 = arith.constant 0 : i32
      %dma_wait3A_128 = arith.constant 0 : i32
      %dma_wait3A_129 = tpu.memref_slice %arg6[%dma_wait3A_127, %dma_wait3A_128] : memref<250112x128xf32, #tpu.memory_space<hbm>> -> memref<32x128xf32, #tpu.memory_space<hbm>>
      %dma_wait3A_130 = arith.constant 0 : i32
      %dma_wait3A_131 = arith.constant 0 : i32
      %dma_wait3A_132 = tpu.memref_slice %arg8[%dma_wait3A_130, %dma_wait3A_131] : memref<32x1024xf32, #tpu.memory_space<vmem>> -> memref<32x128xf32, #tpu.memory_space<vmem>>
      tpu.wait_dma2 semaphore(%arg12 : memref<!tpu.dma_semaphore, #tpu.memory_space<semaphore_mem>>) src(%dma_wait3A_132 : memref<32x128xf32, #tpu.memory_space<vmem>>) dst(%dma_wait3A_129 : memref<32x128xf32, #tpu.memory_space<hbm>>)
      %dma_wait3A_133 = arith.constant 0 : i32
      %dma_wait3A_134 = arith.constant 0 : i32
      %dma_wait3A_135 = tpu.memref_slice %arg8[%dma_wait3A_133, %dma_wait3A_134] : memref<32x1024xf32, #tpu.memory_space<vmem>> -> memref<32x128xf32, #tpu.memory_space<vmem>>
      %dma_wait3A_136 = arith.constant 0 : i32
      %dma_wait3A_137 = arith.constant 0 : i32
      %dma_wait3A_138 = tpu.memref_slice %arg6[%dma_wait3A_136, %dma_wait3A_137] : memref<250112x128xf32, #tpu.memory_space<hbm>> -> memref<32x128xf32, #tpu.memory_space<hbm>>
      %dma_wait3A_139 = arith.constant 0 : i32
      %dma_wait3A_140 = arith.constant 0 : i32
      %dma_wait3A_141 = tpu.memref_slice %arg6[%dma_wait3A_139, %dma_wait3A_140] : memref<250112x128xf32, #tpu.memory_space<hbm>> -> memref<32x128xf32, #tpu.memory_space<hbm>>
      %dma_wait3A_142 = arith.constant 0 : i32
      %dma_wait3A_143 = arith.constant 0 : i32
      %dma_wait3A_144 = tpu.memref_slice %arg8[%dma_wait3A_142, %dma_wait3A_143] : memref<32x1024xf32, #tpu.memory_space<vmem>> -> memref<32x128xf32, #tpu.memory_space<vmem>>
      tpu.wait_dma2 semaphore(%arg13 : memref<!tpu.dma_semaphore, #tpu.memory_space<semaphore_mem>>) src(%dma_wait3A_144 : memref<32x128xf32, #tpu.memory_space<vmem>>) dst(%dma_wait3A_141 : memref<32x128xf32, #tpu.memory_space<hbm>>)
      %dma_wait3A_145 = arith.constant 0 : i32
      %dma_wait3A_146 = arith.constant 0 : i32
      %dma_wait3A_147 = tpu.memref_slice %arg8[%dma_wait3A_145, %dma_wait3A_146] : memref<32x1024xf32, #tpu.memory_space<vmem>> -> memref<32x128xf32, #tpu.memory_space<vmem>>
      %dma_wait3A_148 = arith.constant 0 : i32
      %dma_wait3A_149 = arith.constant 0 : i32
      %dma_wait3A_150 = tpu.memref_slice %arg6[%dma_wait3A_148, %dma_wait3A_149] : memref<250112x128xf32, #tpu.memory_space<hbm>> -> memref<32x128xf32, #tpu.memory_space<hbm>>
      %dma_wait3A_151 = arith.constant 0 : i32
      %dma_wait3A_152 = arith.constant 0 : i32
      %dma_wait3A_153 = tpu.memref_slice %arg6[%dma_wait3A_151, %dma_wait3A_152] : memref<250112x128xf32, #tpu.memory_space<hbm>> -> memref<32x128xf32, #tpu.memory_space<hbm>>
      %dma_wait3A_154 = arith.constant 0 : i32
      %dma_wait3A_155 = arith.constant 0 : i32
      %dma_wait3A_156 = tpu.memref_slice %arg8[%dma_wait3A_154, %dma_wait3A_155] : memref<32x1024xf32, #tpu.memory_space<vmem>> -> memref<32x128xf32, #tpu.memory_space<vmem>>
      tpu.wait_dma2 semaphore(%arg13 : memref<!tpu.dma_semaphore, #tpu.memory_space<semaphore_mem>>) src(%dma_wait3A_156 : memref<32x128xf32, #tpu.memory_space<vmem>>) dst(%dma_wait3A_153 : memref<32x128xf32, #tpu.memory_space<hbm>>)
      %dma_wait3A_157 = arith.constant 0 : i32
      %dma_wait3A_158 = arith.constant 0 : i32
      %dma_wait3A_159 = tpu.memref_slice %arg8[%dma_wait3A_157, %dma_wait3A_158] : memref<32x1024xf32, #tpu.memory_space<vmem>> -> memref<32x128xf32, #tpu.memory_space<vmem>>
      %dma_wait3A_160 = arith.constant 0 : i32
      %dma_wait3A_161 = arith.constant 0 : i32
      %dma_wait3A_162 = tpu.memref_slice %arg6[%dma_wait3A_160, %dma_wait3A_161] : memref<250112x128xf32, #tpu.memory_space<hbm>> -> memref<32x128xf32, #tpu.memory_space<hbm>>
      %dma_wait3A_163 = arith.constant 0 : i32
      %dma_wait3A_164 = arith.constant 0 : i32
      %dma_wait3A_165 = tpu.memref_slice %arg6[%dma_wait3A_163, %dma_wait3A_164] : memref<250112x128xf32, #tpu.memory_space<hbm>> -> memref<32x128xf32, #tpu.memory_space<hbm>>
      %dma_wait3A_166 = arith.constant 0 : i32
      %dma_wait3A_167 = arith.constant 0 : i32
      %dma_wait3A_168 = tpu.memref_slice %arg8[%dma_wait3A_166, %dma_wait3A_167] : memref<32x1024xf32, #tpu.memory_space<vmem>> -> memref<32x128xf32, #tpu.memory_space<vmem>>
      tpu.wait_dma2 semaphore(%arg13 : memref<!tpu.dma_semaphore, #tpu.memory_space<semaphore_mem>>) src(%dma_wait3A_168 : memref<32x128xf32, #tpu.memory_space<vmem>>) dst(%dma_wait3A_165 : memref<32x128xf32, #tpu.memory_space<hbm>>)
      %dma_wait3A_169 = arith.constant 0 : i32
      %dma_wait3A_170 = arith.constant 0 : i32
      %dma_wait3A_171 = tpu.memref_slice %arg8[%dma_wait3A_169, %dma_wait3A_170] : memref<32x1024xf32, #tpu.memory_space<vmem>> -> memref<32x128xf32, #tpu.memory_space<vmem>>
      %dma_wait3A_172 = arith.constant 0 : i32
      %dma_wait3A_173 = arith.constant 0 : i32
      %dma_wait3A_174 = tpu.memref_slice %arg6[%dma_wait3A_172, %dma_wait3A_173] : memref<250112x128xf32, #tpu.memory_space<hbm>> -> memref<32x128xf32, #tpu.memory_space<hbm>>
      %dma_wait3A_175 = arith.constant 0 : i32
      %dma_wait3A_176 = arith.constant 0 : i32
      %dma_wait3A_177 = tpu.memref_slice %arg6[%dma_wait3A_175, %dma_wait3A_176] : memref<250112x128xf32, #tpu.memory_space<hbm>> -> memref<32x128xf32, #tpu.memory_space<hbm>>
      %dma_wait3A_178 = arith.constant 0 : i32
      %dma_wait3A_179 = arith.constant 0 : i32
      %dma_wait3A_180 = tpu.memref_slice %arg8[%dma_wait3A_178, %dma_wait3A_179] : memref<32x1024xf32, #tpu.memory_space<vmem>> -> memref<32x128xf32, #tpu.memory_space<vmem>>
      tpu.wait_dma2 semaphore(%arg13 : memref<!tpu.dma_semaphore, #tpu.memory_space<semaphore_mem>>) src(%dma_wait3A_180 : memref<32x128xf32, #tpu.memory_space<vmem>>) dst(%dma_wait3A_177 : memref<32x128xf32, #tpu.memory_space<hbm>>)
      %dma_wait3A_181 = arith.constant 0 : i32
      %dma_wait3A_182 = arith.constant 0 : i32
      %dma_wait3A_183 = tpu.memref_slice %arg8[%dma_wait3A_181, %dma_wait3A_182] : memref<32x1024xf32, #tpu.memory_space<vmem>> -> memref<32x128xf32, #tpu.memory_space<vmem>>
      %dma_wait3A_184 = arith.constant 0 : i32
      %dma_wait3A_185 = arith.constant 0 : i32
      %dma_wait3A_186 = tpu.memref_slice %arg6[%dma_wait3A_184, %dma_wait3A_185] : memref<250112x128xf32, #tpu.memory_space<hbm>> -> memref<32x128xf32, #tpu.memory_space<hbm>>
      %dma_wait3A_187 = arith.constant 0 : i32
      %dma_wait3A_188 = arith.constant 0 : i32
      %dma_wait3A_189 = tpu.memref_slice %arg6[%dma_wait3A_187, %dma_wait3A_188] : memref<250112x128xf32, #tpu.memory_space<hbm>> -> memref<32x128xf32, #tpu.memory_space<hbm>>
      %dma_wait3A_190 = arith.constant 0 : i32
      %dma_wait3A_191 = arith.constant 0 : i32
      %dma_wait3A_192 = tpu.memref_slice %arg8[%dma_wait3A_190, %dma_wait3A_191] : memref<32x1024xf32, #tpu.memory_space<vmem>> -> memref<32x128xf32, #tpu.memory_space<vmem>>
      tpu.wait_dma2 semaphore(%arg13 : memref<!tpu.dma_semaphore, #tpu.memory_space<semaphore_mem>>) src(%dma_wait3A_192 : memref<32x128xf32, #tpu.memory_space<vmem>>) dst(%dma_wait3A_189 : memref<32x128xf32, #tpu.memory_space<hbm>>)
      %dma_wait3A_193 = arith.constant 0 : i32
      %dma_wait3A_194 = arith.constant 0 : i32
      %dma_wait3A_195 = tpu.memref_slice %arg8[%dma_wait3A_193, %dma_wait3A_194] : memref<32x1024xf32, #tpu.memory_space<vmem>> -> memref<32x128xf32, #tpu.memory_space<vmem>>
      %dma_wait3A_196 = arith.constant 0 : i32
      %dma_wait3A_197 = arith.constant 0 : i32
      %dma_wait3A_198 = tpu.memref_slice %arg6[%dma_wait3A_196, %dma_wait3A_197] : memref<250112x128xf32, #tpu.memory_space<hbm>> -> memref<32x128xf32, #tpu.memory_space<hbm>>
      %dma_wait3A_199 = arith.constant 0 : i32
      %dma_wait3A_200 = arith.constant 0 : i32
      %dma_wait3A_201 = tpu.memref_slice %arg6[%dma_wait3A_199, %dma_wait3A_200] : memref<250112x128xf32, #tpu.memory_space<hbm>> -> memref<32x128xf32, #tpu.memory_space<hbm>>
      %dma_wait3A_202 = arith.constant 0 : i32
      %dma_wait3A_203 = arith.constant 0 : i32
      %dma_wait3A_204 = tpu.memref_slice %arg8[%dma_wait3A_202, %dma_wait3A_203] : memref<32x1024xf32, #tpu.memory_space<vmem>> -> memref<32x128xf32, #tpu.memory_space<vmem>>
      tpu.wait_dma2 semaphore(%arg13 : memref<!tpu.dma_semaphore, #tpu.memory_space<semaphore_mem>>) src(%dma_wait3A_204 : memref<32x128xf32, #tpu.memory_space<vmem>>) dst(%dma_wait3A_201 : memref<32x128xf32, #tpu.memory_space<hbm>>)
      %dma_wait3A_205 = arith.constant 0 : i32
      %dma_wait3A_206 = arith.constant 0 : i32
      %dma_wait3A_207 = tpu.memref_slice %arg8[%dma_wait3A_205, %dma_wait3A_206] : memref<32x1024xf32, #tpu.memory_space<vmem>> -> memref<32x128xf32, #tpu.memory_space<vmem>>
      %dma_wait3A_208 = arith.constant 0 : i32
      %dma_wait3A_209 = arith.constant 0 : i32
      %dma_wait3A_210 = tpu.memref_slice %arg6[%dma_wait3A_208, %dma_wait3A_209] : memref<250112x128xf32, #tpu.memory_space<hbm>> -> memref<32x128xf32, #tpu.memory_space<hbm>>
      %dma_wait3A_211 = arith.constant 0 : i32
      %dma_wait3A_212 = arith.constant 0 : i32
      %dma_wait3A_213 = tpu.memref_slice %arg6[%dma_wait3A_211, %dma_wait3A_212] : memref<250112x128xf32, #tpu.memory_space<hbm>> -> memref<32x128xf32, #tpu.memory_space<hbm>>
      %dma_wait3A_214 = arith.constant 0 : i32
      %dma_wait3A_215 = arith.constant 0 : i32
      %dma_wait3A_216 = tpu.memref_slice %arg8[%dma_wait3A_214, %dma_wait3A_215] : memref<32x1024xf32, #tpu.memory_space<vmem>> -> memref<32x128xf32, #tpu.memory_space<vmem>>
      tpu.wait_dma2 semaphore(%arg13 : memref<!tpu.dma_semaphore, #tpu.memory_space<semaphore_mem>>) src(%dma_wait3A_216 : memref<32x128xf32, #tpu.memory_space<vmem>>) dst(%dma_wait3A_213 : memref<32x128xf32, #tpu.memory_space<hbm>>)
      %dma_wait3A_217 = arith.constant 0 : i32
      %dma_wait3A_218 = arith.constant 0 : i32
      %dma_wait3A_219 = tpu.memref_slice %arg8[%dma_wait3A_217, %dma_wait3A_218] : memref<32x1024xf32, #tpu.memory_space<vmem>> -> memref<32x128xf32, #tpu.memory_space<vmem>>
      %dma_wait3A_220 = arith.constant 0 : i32
      %dma_wait3A_221 = arith.constant 0 : i32
      %dma_wait3A_222 = tpu.memref_slice %arg6[%dma_wait3A_220, %dma_wait3A_221] : memref<250112x128xf32, #tpu.memory_space<hbm>> -> memref<32x128xf32, #tpu.memory_space<hbm>>
      %dma_wait3A_223 = arith.constant 0 : i32
      %dma_wait3A_224 = arith.constant 0 : i32
      %dma_wait3A_225 = tpu.memref_slice %arg6[%dma_wait3A_223, %dma_wait3A_224] : memref<250112x128xf32, #tpu.memory_space<hbm>> -> memref<32x128xf32, #tpu.memory_space<hbm>>
      %dma_wait3A_226 = arith.constant 0 : i32
      %dma_wait3A_227 = arith.constant 0 : i32
      %dma_wait3A_228 = tpu.memref_slice %arg8[%dma_wait3A_226, %dma_wait3A_227] : memref<32x1024xf32, #tpu.memory_space<vmem>> -> memref<32x128xf32, #tpu.memory_space<vmem>>
      tpu.wait_dma2 semaphore(%arg13 : memref<!tpu.dma_semaphore, #tpu.memory_space<semaphore_mem>>) src(%dma_wait3A_228 : memref<32x128xf32, #tpu.memory_space<vmem>>) dst(%dma_wait3A_225 : memref<32x128xf32, #tpu.memory_space<hbm>>)
    } else {
    }
    %eq3A_2 = arith.constant 1 : i32
    %eq3A_3 = arith.cmpi eq, %arg0, %eq3A_2 : i32
    %convert_element_type3A_4 = arith.extui %eq3A_3 : i1 to i32
    %cond3A_5 = arith.constant 0 : i32
    %cond3A_6 = arith.cmpi ne, %convert_element_type3A_4, %cond3A_5 : i32
    scf.if %cond3A_6 {
      %mul3A = arith.constant 62 : i32
      %mul3A_7 = arith.muli %arg1, %mul3A : i32
      %add3A = arith.constant 0 : i32
      %add3A_8 = arith.addi %mul3A_7, %add3A : i32
      %min3A = arith.constant 976 : i32
      %min3A_9 = arith.minsi %add3A_8, %min3A : i32
      %lt3A = arith.constant 976 : i32
      %lt3A_10 = arith.cmpi slt, %min3A_9, %lt3A : i32
      %convert_element_type3A_11 = arith.extui %lt3A_10 : i1 to i32
      %cond3A_12 = arith.constant 0 : i32
      %cond3A_13 = arith.cmpi ne, %convert_element_type3A_11, %cond3A_12 : i32
      scf.if %cond3A_13 {
        %mul3A_229 = arith.constant 1024 : i32
        %mul3A_230 = arith.muli %min3A_9, %mul3A_229 : i32
        %dma_start3A = arith.constant 0 : i32
        %dma_start3A_231 = tpu.memref_slice %arg3[%dma_start3A, %mul3A_230] : memref<32x1000000xf32, #tpu.memory_space<hbm>> -> memref<32x1024xf32, #tpu.memory_space<hbm>>
        %dma_start3A_232 = arith.constant 0 : i32
        %dma_start3A_233 = tpu.memref_slice %arg3[%dma_start3A_232, %mul3A_230] : memref<32x1000000xf32, #tpu.memory_space<hbm>> -> memref<32x1024xf32, #tpu.memory_space<hbm>>
        tpu.enqueue_dma source(%dma_start3A_233 : memref<32x1024xf32, #tpu.memory_space<hbm>>) target(%arg8 : memref<32x1024xf32, #tpu.memory_space<vmem>>) target_semaphore(%arg10 : memref<!tpu.dma_semaphore, #tpu.memory_space<semaphore_mem>>)
      } else {
      }
      %ge3A = arith.constant 976 : i32
      %ge3A_14 = arith.cmpi sge, %min3A_9, %ge3A : i32
      %convert_element_type3A_15 = arith.extui %ge3A_14 : i1 to i32
      %cond3A_16 = arith.constant 0 : i32
      %cond3A_17 = arith.cmpi ne, %convert_element_type3A_15, %cond3A_16 : i32
      scf.if %cond3A_17 {
        tpu.enqueue_dma source(%arg5 : memref<32x1024xf32, #tpu.memory_space<hbm>>) target(%arg8 : memref<32x1024xf32, #tpu.memory_space<vmem>>) target_semaphore(%arg10 : memref<!tpu.dma_semaphore, #tpu.memory_space<semaphore_mem>>)
      } else {
      }
      %add3A_18 = arith.constant 1 : i32
      %add3A_19 = arith.addi %mul3A_7, %add3A_18 : i32
      %min3A_20 = arith.constant 976 : i32
      %min3A_21 = arith.minsi %add3A_19, %min3A_20 : i32
      %lt3A_22 = arith.constant 976 : i32
      %lt3A_23 = arith.cmpi slt, %min3A_21, %lt3A_22 : i32
      %convert_element_type3A_24 = arith.extui %lt3A_23 : i1 to i32
      %cond3A_25 = arith.constant 0 : i32
      %cond3A_26 = arith.cmpi ne, %convert_element_type3A_24, %cond3A_25 : i32
      scf.if %cond3A_26 {
        %mul3A_229 = arith.constant 1024 : i32
        %mul3A_230 = arith.muli %min3A_21, %mul3A_229 : i32
        %dma_start3A = arith.constant 0 : i32
        %dma_start3A_231 = tpu.memref_slice %arg3[%dma_start3A, %mul3A_230] : memref<32x1000000xf32, #tpu.memory_space<hbm>> -> memref<32x1024xf32, #tpu.memory_space<hbm>>
        %dma_start3A_232 = arith.constant 0 : i32
        %dma_start3A_233 = tpu.memref_slice %arg3[%dma_start3A_232, %mul3A_230] : memref<32x1000000xf32, #tpu.memory_space<hbm>> -> memref<32x1024xf32, #tpu.memory_space<hbm>>
        tpu.enqueue_dma source(%dma_start3A_233 : memref<32x1024xf32, #tpu.memory_space<hbm>>) target(%arg9 : memref<32x1024xf32, #tpu.memory_space<vmem>>) target_semaphore(%arg11 : memref<!tpu.dma_semaphore, #tpu.memory_space<semaphore_mem>>)
      } else {
      }
      %ge3A_27 = arith.constant 976 : i32
      %ge3A_28 = arith.cmpi sge, %min3A_21, %ge3A_27 : i32
      %convert_element_type3A_29 = arith.extui %ge3A_28 : i1 to i32
      %cond3A_30 = arith.constant 0 : i32
      %cond3A_31 = arith.cmpi ne, %convert_element_type3A_29, %cond3A_30 : i32
      scf.if %cond3A_31 {
        tpu.enqueue_dma source(%arg5 : memref<32x1024xf32, #tpu.memory_space<hbm>>) target(%arg9 : memref<32x1024xf32, #tpu.memory_space<vmem>>) target_semaphore(%arg11 : memref<!tpu.dma_semaphore, #tpu.memory_space<semaphore_mem>>)
      } else {
      }
      %scan3A = arith.constant 0 : i32
      %scan3A_32 = arith.constant 0 : i32
      %scan3A_33 = arith.constant 31 : i32
      %scan3A_34 = arith.addi %scan3A_32, %scan3A_33 : i32
      %scan3A_35 = arith.constant 1 : i32
      %scan3A_36 = scf.for %scan3A_229 = %scan3A_32 to %scan3A_34 step %scan3A_35 iter_args(%scan3A_230 = %scan3A) -> (i32)  : i32 {
        tpu.wait_dma2 semaphore(%arg10 : memref<!tpu.dma_semaphore, #tpu.memory_space<semaphore_mem>>) src(%arg5 : memref<32x1024xf32, #tpu.memory_space<hbm>>) dst(%arg8 : memref<32x1024xf32, #tpu.memory_space<vmem>>)
        %mul3A_231 = arith.constant 2 : i32
        %mul3A_232 = arith.muli %mul3A_231, %scan3A_229 : i32
        %add3A_233 = arith.addi %mul3A_7, %mul3A_232 : i32
        %min3A_234 = arith.constant 976 : i32
        %min3A_235 = arith.minsi %add3A_233, %min3A_234 : i32
        %mul3A_236 = arith.constant 8 : i32
        %mul3A_237 = arith.muli %min3A_235, %mul3A_236 : i32
        %add3A_238 = arith.constant 0 : i32
        %add3A_239 = arith.addi %mul3A_237, %add3A_238 : i32
        %mul3A_240 = arith.constant 32 : i32
        %mul3A_241 = arith.muli %add3A_239, %mul3A_240 : i32
        %dma_start3A = arith.constant 0 : i32
        %dma_start3A_242 = arith.constant 0 : i32
        %dma_start3A_243 = tpu.memref_slice %arg8[%dma_start3A, %dma_start3A_242] : memref<32x1024xf32, #tpu.memory_space<vmem>> -> memref<32x128xf32, #tpu.memory_space<vmem>>
        %dma_start3A_244 = arith.constant 0 : i32
        %dma_start3A_245 = tpu.memref_slice %arg7[%mul3A_241, %dma_start3A_244] : memref<250112x128xf32, #tpu.memory_space<hbm>> -> memref<32x128xf32, #tpu.memory_space<hbm>>
        %dma_start3A_246 = arith.constant 0 : i32
        %dma_start3A_247 = tpu.memref_slice %arg7[%mul3A_241, %dma_start3A_246] : memref<250112x128xf32, #tpu.memory_space<hbm>> -> memref<32x128xf32, #tpu.memory_space<hbm>>
        %dma_start3A_248 = arith.constant 0 : i32
        %dma_start3A_249 = arith.constant 0 : i32
        %dma_start3A_250 = tpu.memref_slice %arg8[%dma_start3A_248, %dma_start3A_249] : memref<32x1024xf32, #tpu.memory_space<vmem>> -> memref<32x128xf32, #tpu.memory_space<vmem>>
        tpu.enqueue_dma source(%dma_start3A_250 : memref<32x128xf32, #tpu.memory_space<vmem>>) target(%dma_start3A_247 : memref<32x128xf32, #tpu.memory_space<hbm>>) target_semaphore(%arg12 : memref<!tpu.dma_semaphore, #tpu.memory_space<semaphore_mem>>)
        %mul3A_251 = arith.constant 8 : i32
        %mul3A_252 = arith.muli %min3A_235, %mul3A_251 : i32
        %add3A_253 = arith.constant 1 : i32
        %add3A_254 = arith.addi %mul3A_252, %add3A_253 : i32
        %mul3A_255 = arith.constant 32 : i32
        %mul3A_256 = arith.muli %add3A_254, %mul3A_255 : i32
        %dma_start3A_257 = arith.constant 0 : i32
        %dma_start3A_258 = arith.constant 128 : i32
        %dma_start3A_259 = tpu.memref_slice %arg8[%dma_start3A_257, %dma_start3A_258] : memref<32x1024xf32, #tpu.memory_space<vmem>> -> memref<32x128xf32, #tpu.memory_space<vmem>>
        %dma_start3A_260 = arith.constant 0 : i32
        %dma_start3A_261 = tpu.memref_slice %arg7[%mul3A_256, %dma_start3A_260] : memref<250112x128xf32, #tpu.memory_space<hbm>> -> memref<32x128xf32, #tpu.memory_space<hbm>>
        %dma_start3A_262 = arith.constant 0 : i32
        %dma_start3A_263 = tpu.memref_slice %arg7[%mul3A_256, %dma_start3A_262] : memref<250112x128xf32, #tpu.memory_space<hbm>> -> memref<32x128xf32, #tpu.memory_space<hbm>>
        %dma_start3A_264 = arith.constant 0 : i32
        %dma_start3A_265 = arith.constant 128 : i32
        %dma_start3A_266 = tpu.memref_slice %arg8[%dma_start3A_264, %dma_start3A_265] : memref<32x1024xf32, #tpu.memory_space<vmem>> -> memref<32x128xf32, #tpu.memory_space<vmem>>
        tpu.enqueue_dma source(%dma_start3A_266 : memref<32x128xf32, #tpu.memory_space<vmem>>) target(%dma_start3A_263 : memref<32x128xf32, #tpu.memory_space<hbm>>) target_semaphore(%arg12 : memref<!tpu.dma_semaphore, #tpu.memory_space<semaphore_mem>>)
        %mul3A_267 = arith.constant 8 : i32
        %mul3A_268 = arith.muli %min3A_235, %mul3A_267 : i32
        %add3A_269 = arith.constant 2 : i32
        %add3A_270 = arith.addi %mul3A_268, %add3A_269 : i32
        %mul3A_271 = arith.constant 32 : i32
        %mul3A_272 = arith.muli %add3A_270, %mul3A_271 : i32
        %dma_start3A_273 = arith.constant 0 : i32
        %dma_start3A_274 = arith.constant 256 : i32
        %dma_start3A_275 = tpu.memref_slice %arg8[%dma_start3A_273, %dma_start3A_274] : memref<32x1024xf32, #tpu.memory_space<vmem>> -> memref<32x128xf32, #tpu.memory_space<vmem>>
        %dma_start3A_276 = arith.constant 0 : i32
        %dma_start3A_277 = tpu.memref_slice %arg7[%mul3A_272, %dma_start3A_276] : memref<250112x128xf32, #tpu.memory_space<hbm>> -> memref<32x128xf32, #tpu.memory_space<hbm>>
        %dma_start3A_278 = arith.constant 0 : i32
        %dma_start3A_279 = tpu.memref_slice %arg7[%mul3A_272, %dma_start3A_278] : memref<250112x128xf32, #tpu.memory_space<hbm>> -> memref<32x128xf32, #tpu.memory_space<hbm>>
        %dma_start3A_280 = arith.constant 0 : i32
        %dma_start3A_281 = arith.constant 256 : i32
        %dma_start3A_282 = tpu.memref_slice %arg8[%dma_start3A_280, %dma_start3A_281] : memref<32x1024xf32, #tpu.memory_space<vmem>> -> memref<32x128xf32, #tpu.memory_space<vmem>>
        tpu.enqueue_dma source(%dma_start3A_282 : memref<32x128xf32, #tpu.memory_space<vmem>>) target(%dma_start3A_279 : memref<32x128xf32, #tpu.memory_space<hbm>>) target_semaphore(%arg12 : memref<!tpu.dma_semaphore, #tpu.memory_space<semaphore_mem>>)
        %mul3A_283 = arith.constant 8 : i32
        %mul3A_284 = arith.muli %min3A_235, %mul3A_283 : i32
        %add3A_285 = arith.constant 3 : i32
        %add3A_286 = arith.addi %mul3A_284, %add3A_285 : i32
        %mul3A_287 = arith.constant 32 : i32
        %mul3A_288 = arith.muli %add3A_286, %mul3A_287 : i32
        %dma_start3A_289 = arith.constant 0 : i32
        %dma_start3A_290 = arith.constant 384 : i32
        %dma_start3A_291 = tpu.memref_slice %arg8[%dma_start3A_289, %dma_start3A_290] : memref<32x1024xf32, #tpu.memory_space<vmem>> -> memref<32x128xf32, #tpu.memory_space<vmem>>
        %dma_start3A_292 = arith.constant 0 : i32
        %dma_start3A_293 = tpu.memref_slice %arg7[%mul3A_288, %dma_start3A_292] : memref<250112x128xf32, #tpu.memory_space<hbm>> -> memref<32x128xf32, #tpu.memory_space<hbm>>
        %dma_start3A_294 = arith.constant 0 : i32
        %dma_start3A_295 = tpu.memref_slice %arg7[%mul3A_288, %dma_start3A_294] : memref<250112x128xf32, #tpu.memory_space<hbm>> -> memref<32x128xf32, #tpu.memory_space<hbm>>
        %dma_start3A_296 = arith.constant 0 : i32
        %dma_start3A_297 = arith.constant 384 : i32
        %dma_start3A_298 = tpu.memref_slice %arg8[%dma_start3A_296, %dma_start3A_297] : memref<32x1024xf32, #tpu.memory_space<vmem>> -> memref<32x128xf32, #tpu.memory_space<vmem>>
        tpu.enqueue_dma source(%dma_start3A_298 : memref<32x128xf32, #tpu.memory_space<vmem>>) target(%dma_start3A_295 : memref<32x128xf32, #tpu.memory_space<hbm>>) target_semaphore(%arg12 : memref<!tpu.dma_semaphore, #tpu.memory_space<semaphore_mem>>)
        %mul3A_299 = arith.constant 8 : i32
        %mul3A_300 = arith.muli %min3A_235, %mul3A_299 : i32
        %add3A_301 = arith.constant 4 : i32
        %add3A_302 = arith.addi %mul3A_300, %add3A_301 : i32
        %mul3A_303 = arith.constant 32 : i32
        %mul3A_304 = arith.muli %add3A_302, %mul3A_303 : i32
        %dma_start3A_305 = arith.constant 0 : i32
        %dma_start3A_306 = arith.constant 512 : i32
        %dma_start3A_307 = tpu.memref_slice %arg8[%dma_start3A_305, %dma_start3A_306] : memref<32x1024xf32, #tpu.memory_space<vmem>> -> memref<32x128xf32, #tpu.memory_space<vmem>>
        %dma_start3A_308 = arith.constant 0 : i32
        %dma_start3A_309 = tpu.memref_slice %arg7[%mul3A_304, %dma_start3A_308] : memref<250112x128xf32, #tpu.memory_space<hbm>> -> memref<32x128xf32, #tpu.memory_space<hbm>>
        %dma_start3A_310 = arith.constant 0 : i32
        %dma_start3A_311 = tpu.memref_slice %arg7[%mul3A_304, %dma_start3A_310] : memref<250112x128xf32, #tpu.memory_space<hbm>> -> memref<32x128xf32, #tpu.memory_space<hbm>>
        %dma_start3A_312 = arith.constant 0 : i32
        %dma_start3A_313 = arith.constant 512 : i32
        %dma_start3A_314 = tpu.memref_slice %arg8[%dma_start3A_312, %dma_start3A_313] : memref<32x1024xf32, #tpu.memory_space<vmem>> -> memref<32x128xf32, #tpu.memory_space<vmem>>
        tpu.enqueue_dma source(%dma_start3A_314 : memref<32x128xf32, #tpu.memory_space<vmem>>) target(%dma_start3A_311 : memref<32x128xf32, #tpu.memory_space<hbm>>) target_semaphore(%arg12 : memref<!tpu.dma_semaphore, #tpu.memory_space<semaphore_mem>>)
        %mul3A_315 = arith.constant 8 : i32
        %mul3A_316 = arith.muli %min3A_235, %mul3A_315 : i32
        %add3A_317 = arith.constant 5 : i32
        %add3A_318 = arith.addi %mul3A_316, %add3A_317 : i32
        %mul3A_319 = arith.constant 32 : i32
        %mul3A_320 = arith.muli %add3A_318, %mul3A_319 : i32
        %dma_start3A_321 = arith.constant 0 : i32
        %dma_start3A_322 = arith.constant 640 : i32
        %dma_start3A_323 = tpu.memref_slice %arg8[%dma_start3A_321, %dma_start3A_322] : memref<32x1024xf32, #tpu.memory_space<vmem>> -> memref<32x128xf32, #tpu.memory_space<vmem>>
        %dma_start3A_324 = arith.constant 0 : i32
        %dma_start3A_325 = tpu.memref_slice %arg7[%mul3A_320, %dma_start3A_324] : memref<250112x128xf32, #tpu.memory_space<hbm>> -> memref<32x128xf32, #tpu.memory_space<hbm>>
        %dma_start3A_326 = arith.constant 0 : i32
        %dma_start3A_327 = tpu.memref_slice %arg7[%mul3A_320, %dma_start3A_326] : memref<250112x128xf32, #tpu.memory_space<hbm>> -> memref<32x128xf32, #tpu.memory_space<hbm>>
        %dma_start3A_328 = arith.constant 0 : i32
        %dma_start3A_329 = arith.constant 640 : i32
        %dma_start3A_330 = tpu.memref_slice %arg8[%dma_start3A_328, %dma_start3A_329] : memref<32x1024xf32, #tpu.memory_space<vmem>> -> memref<32x128xf32, #tpu.memory_space<vmem>>
        tpu.enqueue_dma source(%dma_start3A_330 : memref<32x128xf32, #tpu.memory_space<vmem>>) target(%dma_start3A_327 : memref<32x128xf32, #tpu.memory_space<hbm>>) target_semaphore(%arg12 : memref<!tpu.dma_semaphore, #tpu.memory_space<semaphore_mem>>)
        %mul3A_331 = arith.constant 8 : i32
        %mul3A_332 = arith.muli %min3A_235, %mul3A_331 : i32
        %add3A_333 = arith.constant 6 : i32
        %add3A_334 = arith.addi %mul3A_332, %add3A_333 : i32
        %mul3A_335 = arith.constant 32 : i32
        %mul3A_336 = arith.muli %add3A_334, %mul3A_335 : i32
        %dma_start3A_337 = arith.constant 0 : i32
        %dma_start3A_338 = arith.constant 768 : i32
        %dma_start3A_339 = tpu.memref_slice %arg8[%dma_start3A_337, %dma_start3A_338] : memref<32x1024xf32, #tpu.memory_space<vmem>> -> memref<32x128xf32, #tpu.memory_space<vmem>>
        %dma_start3A_340 = arith.constant 0 : i32
        %dma_start3A_341 = tpu.memref_slice %arg7[%mul3A_336, %dma_start3A_340] : memref<250112x128xf32, #tpu.memory_space<hbm>> -> memref<32x128xf32, #tpu.memory_space<hbm>>
        %dma_start3A_342 = arith.constant 0 : i32
        %dma_start3A_343 = tpu.memref_slice %arg7[%mul3A_336, %dma_start3A_342] : memref<250112x128xf32, #tpu.memory_space<hbm>> -> memref<32x128xf32, #tpu.memory_space<hbm>>
        %dma_start3A_344 = arith.constant 0 : i32
        %dma_start3A_345 = arith.constant 768 : i32
        %dma_start3A_346 = tpu.memref_slice %arg8[%dma_start3A_344, %dma_start3A_345] : memref<32x1024xf32, #tpu.memory_space<vmem>> -> memref<32x128xf32, #tpu.memory_space<vmem>>
        tpu.enqueue_dma source(%dma_start3A_346 : memref<32x128xf32, #tpu.memory_space<vmem>>) target(%dma_start3A_343 : memref<32x128xf32, #tpu.memory_space<hbm>>) target_semaphore(%arg12 : memref<!tpu.dma_semaphore, #tpu.memory_space<semaphore_mem>>)
        %mul3A_347 = arith.constant 8 : i32
        %mul3A_348 = arith.muli %min3A_235, %mul3A_347 : i32
        %add3A_349 = arith.constant 7 : i32
        %add3A_350 = arith.addi %mul3A_348, %add3A_349 : i32
        %mul3A_351 = arith.constant 32 : i32
        %mul3A_352 = arith.muli %add3A_350, %mul3A_351 : i32
        %dma_start3A_353 = arith.constant 0 : i32
        %dma_start3A_354 = arith.constant 896 : i32
        %dma_start3A_355 = tpu.memref_slice %arg8[%dma_start3A_353, %dma_start3A_354] : memref<32x1024xf32, #tpu.memory_space<vmem>> -> memref<32x128xf32, #tpu.memory_space<vmem>>
        %dma_start3A_356 = arith.constant 0 : i32
        %dma_start3A_357 = tpu.memref_slice %arg7[%mul3A_352, %dma_start3A_356] : memref<250112x128xf32, #tpu.memory_space<hbm>> -> memref<32x128xf32, #tpu.memory_space<hbm>>
        %dma_start3A_358 = arith.constant 0 : i32
        %dma_start3A_359 = tpu.memref_slice %arg7[%mul3A_352, %dma_start3A_358] : memref<250112x128xf32, #tpu.memory_space<hbm>> -> memref<32x128xf32, #tpu.memory_space<hbm>>
        %dma_start3A_360 = arith.constant 0 : i32
        %dma_start3A_361 = arith.constant 896 : i32
        %dma_start3A_362 = tpu.memref_slice %arg8[%dma_start3A_360, %dma_start3A_361] : memref<32x1024xf32, #tpu.memory_space<vmem>> -> memref<32x128xf32, #tpu.memory_space<vmem>>
        tpu.enqueue_dma source(%dma_start3A_362 : memref<32x128xf32, #tpu.memory_space<vmem>>) target(%dma_start3A_359 : memref<32x128xf32, #tpu.memory_space<hbm>>) target_semaphore(%arg12 : memref<!tpu.dma_semaphore, #tpu.memory_space<semaphore_mem>>)
        tpu.wait_dma2 semaphore(%arg11 : memref<!tpu.dma_semaphore, #tpu.memory_space<semaphore_mem>>) src(%arg5 : memref<32x1024xf32, #tpu.memory_space<hbm>>) dst(%arg8 : memref<32x1024xf32, #tpu.memory_space<vmem>>)
        %mul3A_363 = arith.constant 2 : i32
        %mul3A_364 = arith.muli %mul3A_363, %scan3A_229 : i32
        %add3A_365 = arith.constant 1 : i32
        %add3A_366 = arith.addi %mul3A_364, %add3A_365 : i32
        %add3A_367 = arith.addi %mul3A_7, %add3A_366 : i32
        %min3A_368 = arith.constant 976 : i32
        %min3A_369 = arith.minsi %add3A_367, %min3A_368 : i32
        %mul3A_370 = arith.constant 8 : i32
        %mul3A_371 = arith.muli %min3A_369, %mul3A_370 : i32
        %add3A_372 = arith.constant 0 : i32
        %add3A_373 = arith.addi %mul3A_371, %add3A_372 : i32
        %mul3A_374 = arith.constant 32 : i32
        %mul3A_375 = arith.muli %add3A_373, %mul3A_374 : i32
        %dma_start3A_376 = arith.constant 0 : i32
        %dma_start3A_377 = arith.constant 0 : i32
        %dma_start3A_378 = tpu.memref_slice %arg9[%dma_start3A_376, %dma_start3A_377] : memref<32x1024xf32, #tpu.memory_space<vmem>> -> memref<32x128xf32, #tpu.memory_space<vmem>>
        %dma_start3A_379 = arith.constant 0 : i32
        %dma_start3A_380 = tpu.memref_slice %arg7[%mul3A_375, %dma_start3A_379] : memref<250112x128xf32, #tpu.memory_space<hbm>> -> memref<32x128xf32, #tpu.memory_space<hbm>>
        %dma_start3A_381 = arith.constant 0 : i32
        %dma_start3A_382 = tpu.memref_slice %arg7[%mul3A_375, %dma_start3A_381] : memref<250112x128xf32, #tpu.memory_space<hbm>> -> memref<32x128xf32, #tpu.memory_space<hbm>>
        %dma_start3A_383 = arith.constant 0 : i32
        %dma_start3A_384 = arith.constant 0 : i32
        %dma_start3A_385 = tpu.memref_slice %arg9[%dma_start3A_383, %dma_start3A_384] : memref<32x1024xf32, #tpu.memory_space<vmem>> -> memref<32x128xf32, #tpu.memory_space<vmem>>
        tpu.enqueue_dma source(%dma_start3A_385 : memref<32x128xf32, #tpu.memory_space<vmem>>) target(%dma_start3A_382 : memref<32x128xf32, #tpu.memory_space<hbm>>) target_semaphore(%arg13 : memref<!tpu.dma_semaphore, #tpu.memory_space<semaphore_mem>>)
        %mul3A_386 = arith.constant 8 : i32
        %mul3A_387 = arith.muli %min3A_369, %mul3A_386 : i32
        %add3A_388 = arith.constant 1 : i32
        %add3A_389 = arith.addi %mul3A_387, %add3A_388 : i32
        %mul3A_390 = arith.constant 32 : i32
        %mul3A_391 = arith.muli %add3A_389, %mul3A_390 : i32
        %dma_start3A_392 = arith.constant 0 : i32
        %dma_start3A_393 = arith.constant 128 : i32
        %dma_start3A_394 = tpu.memref_slice %arg9[%dma_start3A_392, %dma_start3A_393] : memref<32x1024xf32, #tpu.memory_space<vmem>> -> memref<32x128xf32, #tpu.memory_space<vmem>>
        %dma_start3A_395 = arith.constant 0 : i32
        %dma_start3A_396 = tpu.memref_slice %arg7[%mul3A_391, %dma_start3A_395] : memref<250112x128xf32, #tpu.memory_space<hbm>> -> memref<32x128xf32, #tpu.memory_space<hbm>>
        %dma_start3A_397 = arith.constant 0 : i32
        %dma_start3A_398 = tpu.memref_slice %arg7[%mul3A_391, %dma_start3A_397] : memref<250112x128xf32, #tpu.memory_space<hbm>> -> memref<32x128xf32, #tpu.memory_space<hbm>>
        %dma_start3A_399 = arith.constant 0 : i32
        %dma_start3A_400 = arith.constant 128 : i32
        %dma_start3A_401 = tpu.memref_slice %arg9[%dma_start3A_399, %dma_start3A_400] : memref<32x1024xf32, #tpu.memory_space<vmem>> -> memref<32x128xf32, #tpu.memory_space<vmem>>
        tpu.enqueue_dma source(%dma_start3A_401 : memref<32x128xf32, #tpu.memory_space<vmem>>) target(%dma_start3A_398 : memref<32x128xf32, #tpu.memory_space<hbm>>) target_semaphore(%arg13 : memref<!tpu.dma_semaphore, #tpu.memory_space<semaphore_mem>>)
        %mul3A_402 = arith.constant 8 : i32
        %mul3A_403 = arith.muli %min3A_369, %mul3A_402 : i32
        %add3A_404 = arith.constant 2 : i32
        %add3A_405 = arith.addi %mul3A_403, %add3A_404 : i32
        %mul3A_406 = arith.constant 32 : i32
        %mul3A_407 = arith.muli %add3A_405, %mul3A_406 : i32
        %dma_start3A_408 = arith.constant 0 : i32
        %dma_start3A_409 = arith.constant 256 : i32
        %dma_start3A_410 = tpu.memref_slice %arg9[%dma_start3A_408, %dma_start3A_409] : memref<32x1024xf32, #tpu.memory_space<vmem>> -> memref<32x128xf32, #tpu.memory_space<vmem>>
        %dma_start3A_411 = arith.constant 0 : i32
        %dma_start3A_412 = tpu.memref_slice %arg7[%mul3A_407, %dma_start3A_411] : memref<250112x128xf32, #tpu.memory_space<hbm>> -> memref<32x128xf32, #tpu.memory_space<hbm>>
        %dma_start3A_413 = arith.constant 0 : i32
        %dma_start3A_414 = tpu.memref_slice %arg7[%mul3A_407, %dma_start3A_413] : memref<250112x128xf32, #tpu.memory_space<hbm>> -> memref<32x128xf32, #tpu.memory_space<hbm>>
        %dma_start3A_415 = arith.constant 0 : i32
        %dma_start3A_416 = arith.constant 256 : i32
        %dma_start3A_417 = tpu.memref_slice %arg9[%dma_start3A_415, %dma_start3A_416] : memref<32x1024xf32, #tpu.memory_space<vmem>> -> memref<32x128xf32, #tpu.memory_space<vmem>>
        tpu.enqueue_dma source(%dma_start3A_417 : memref<32x128xf32, #tpu.memory_space<vmem>>) target(%dma_start3A_414 : memref<32x128xf32, #tpu.memory_space<hbm>>) target_semaphore(%arg13 : memref<!tpu.dma_semaphore, #tpu.memory_space<semaphore_mem>>)
        %mul3A_418 = arith.constant 8 : i32
        %mul3A_419 = arith.muli %min3A_369, %mul3A_418 : i32
        %add3A_420 = arith.constant 3 : i32
        %add3A_421 = arith.addi %mul3A_419, %add3A_420 : i32
        %mul3A_422 = arith.constant 32 : i32
        %mul3A_423 = arith.muli %add3A_421, %mul3A_422 : i32
        %dma_start3A_424 = arith.constant 0 : i32
        %dma_start3A_425 = arith.constant 384 : i32
        %dma_start3A_426 = tpu.memref_slice %arg9[%dma_start3A_424, %dma_start3A_425] : memref<32x1024xf32, #tpu.memory_space<vmem>> -> memref<32x128xf32, #tpu.memory_space<vmem>>
        %dma_start3A_427 = arith.constant 0 : i32
        %dma_start3A_428 = tpu.memref_slice %arg7[%mul3A_423, %dma_start3A_427] : memref<250112x128xf32, #tpu.memory_space<hbm>> -> memref<32x128xf32, #tpu.memory_space<hbm>>
        %dma_start3A_429 = arith.constant 0 : i32
        %dma_start3A_430 = tpu.memref_slice %arg7[%mul3A_423, %dma_start3A_429] : memref<250112x128xf32, #tpu.memory_space<hbm>> -> memref<32x128xf32, #tpu.memory_space<hbm>>
        %dma_start3A_431 = arith.constant 0 : i32
        %dma_start3A_432 = arith.constant 384 : i32
        %dma_start3A_433 = tpu.memref_slice %arg9[%dma_start3A_431, %dma_start3A_432] : memref<32x1024xf32, #tpu.memory_space<vmem>> -> memref<32x128xf32, #tpu.memory_space<vmem>>
        tpu.enqueue_dma source(%dma_start3A_433 : memref<32x128xf32, #tpu.memory_space<vmem>>) target(%dma_start3A_430 : memref<32x128xf32, #tpu.memory_space<hbm>>) target_semaphore(%arg13 : memref<!tpu.dma_semaphore, #tpu.memory_space<semaphore_mem>>)
        %mul3A_434 = arith.constant 8 : i32
        %mul3A_435 = arith.muli %min3A_369, %mul3A_434 : i32
        %add3A_436 = arith.constant 4 : i32
        %add3A_437 = arith.addi %mul3A_435, %add3A_436 : i32
        %mul3A_438 = arith.constant 32 : i32
        %mul3A_439 = arith.muli %add3A_437, %mul3A_438 : i32
        %dma_start3A_440 = arith.constant 0 : i32
        %dma_start3A_441 = arith.constant 512 : i32
        %dma_start3A_442 = tpu.memref_slice %arg9[%dma_start3A_440, %dma_start3A_441] : memref<32x1024xf32, #tpu.memory_space<vmem>> -> memref<32x128xf32, #tpu.memory_space<vmem>>
        %dma_start3A_443 = arith.constant 0 : i32
        %dma_start3A_444 = tpu.memref_slice %arg7[%mul3A_439, %dma_start3A_443] : memref<250112x128xf32, #tpu.memory_space<hbm>> -> memref<32x128xf32, #tpu.memory_space<hbm>>
        %dma_start3A_445 = arith.constant 0 : i32
        %dma_start3A_446 = tpu.memref_slice %arg7[%mul3A_439, %dma_start3A_445] : memref<250112x128xf32, #tpu.memory_space<hbm>> -> memref<32x128xf32, #tpu.memory_space<hbm>>
        %dma_start3A_447 = arith.constant 0 : i32
        %dma_start3A_448 = arith.constant 512 : i32
        %dma_start3A_449 = tpu.memref_slice %arg9[%dma_start3A_447, %dma_start3A_448] : memref<32x1024xf32, #tpu.memory_space<vmem>> -> memref<32x128xf32, #tpu.memory_space<vmem>>
        tpu.enqueue_dma source(%dma_start3A_449 : memref<32x128xf32, #tpu.memory_space<vmem>>) target(%dma_start3A_446 : memref<32x128xf32, #tpu.memory_space<hbm>>) target_semaphore(%arg13 : memref<!tpu.dma_semaphore, #tpu.memory_space<semaphore_mem>>)
        %mul3A_450 = arith.constant 8 : i32
        %mul3A_451 = arith.muli %min3A_369, %mul3A_450 : i32
        %add3A_452 = arith.constant 5 : i32
        %add3A_453 = arith.addi %mul3A_451, %add3A_452 : i32
        %mul3A_454 = arith.constant 32 : i32
        %mul3A_455 = arith.muli %add3A_453, %mul3A_454 : i32
        %dma_start3A_456 = arith.constant 0 : i32
        %dma_start3A_457 = arith.constant 640 : i32
        %dma_start3A_458 = tpu.memref_slice %arg9[%dma_start3A_456, %dma_start3A_457] : memref<32x1024xf32, #tpu.memory_space<vmem>> -> memref<32x128xf32, #tpu.memory_space<vmem>>
        %dma_start3A_459 = arith.constant 0 : i32
        %dma_start3A_460 = tpu.memref_slice %arg7[%mul3A_455, %dma_start3A_459] : memref<250112x128xf32, #tpu.memory_space<hbm>> -> memref<32x128xf32, #tpu.memory_space<hbm>>
        %dma_start3A_461 = arith.constant 0 : i32
        %dma_start3A_462 = tpu.memref_slice %arg7[%mul3A_455, %dma_start3A_461] : memref<250112x128xf32, #tpu.memory_space<hbm>> -> memref<32x128xf32, #tpu.memory_space<hbm>>
        %dma_start3A_463 = arith.constant 0 : i32
        %dma_start3A_464 = arith.constant 640 : i32
        %dma_start3A_465 = tpu.memref_slice %arg9[%dma_start3A_463, %dma_start3A_464] : memref<32x1024xf32, #tpu.memory_space<vmem>> -> memref<32x128xf32, #tpu.memory_space<vmem>>
        tpu.enqueue_dma source(%dma_start3A_465 : memref<32x128xf32, #tpu.memory_space<vmem>>) target(%dma_start3A_462 : memref<32x128xf32, #tpu.memory_space<hbm>>) target_semaphore(%arg13 : memref<!tpu.dma_semaphore, #tpu.memory_space<semaphore_mem>>)
        %mul3A_466 = arith.constant 8 : i32
        %mul3A_467 = arith.muli %min3A_369, %mul3A_466 : i32
        %add3A_468 = arith.constant 6 : i32
        %add3A_469 = arith.addi %mul3A_467, %add3A_468 : i32
        %mul3A_470 = arith.constant 32 : i32
        %mul3A_471 = arith.muli %add3A_469, %mul3A_470 : i32
        %dma_start3A_472 = arith.constant 0 : i32
        %dma_start3A_473 = arith.constant 768 : i32
        %dma_start3A_474 = tpu.memref_slice %arg9[%dma_start3A_472, %dma_start3A_473] : memref<32x1024xf32, #tpu.memory_space<vmem>> -> memref<32x128xf32, #tpu.memory_space<vmem>>
        %dma_start3A_475 = arith.constant 0 : i32
        %dma_start3A_476 = tpu.memref_slice %arg7[%mul3A_471, %dma_start3A_475] : memref<250112x128xf32, #tpu.memory_space<hbm>> -> memref<32x128xf32, #tpu.memory_space<hbm>>
        %dma_start3A_477 = arith.constant 0 : i32
        %dma_start3A_478 = tpu.memref_slice %arg7[%mul3A_471, %dma_start3A_477] : memref<250112x128xf32, #tpu.memory_space<hbm>> -> memref<32x128xf32, #tpu.memory_space<hbm>>
        %dma_start3A_479 = arith.constant 0 : i32
        %dma_start3A_480 = arith.constant 768 : i32
        %dma_start3A_481 = tpu.memref_slice %arg9[%dma_start3A_479, %dma_start3A_480] : memref<32x1024xf32, #tpu.memory_space<vmem>> -> memref<32x128xf32, #tpu.memory_space<vmem>>
        tpu.enqueue_dma source(%dma_start3A_481 : memref<32x128xf32, #tpu.memory_space<vmem>>) target(%dma_start3A_478 : memref<32x128xf32, #tpu.memory_space<hbm>>) target_semaphore(%arg13 : memref<!tpu.dma_semaphore, #tpu.memory_space<semaphore_mem>>)
        %mul3A_482 = arith.constant 8 : i32
        %mul3A_483 = arith.muli %min3A_369, %mul3A_482 : i32
        %add3A_484 = arith.constant 7 : i32
        %add3A_485 = arith.addi %mul3A_483, %add3A_484 : i32
        %mul3A_486 = arith.constant 32 : i32
        %mul3A_487 = arith.muli %add3A_485, %mul3A_486 : i32
        %dma_start3A_488 = arith.constant 0 : i32
        %dma_start3A_489 = arith.constant 896 : i32
        %dma_start3A_490 = tpu.memref_slice %arg9[%dma_start3A_488, %dma_start3A_489] : memref<32x1024xf32, #tpu.memory_space<vmem>> -> memref<32x128xf32, #tpu.memory_space<vmem>>
        %dma_start3A_491 = arith.constant 0 : i32
        %dma_start3A_492 = tpu.memref_slice %arg7[%mul3A_487, %dma_start3A_491] : memref<250112x128xf32, #tpu.memory_space<hbm>> -> memref<32x128xf32, #tpu.memory_space<hbm>>
        %dma_start3A_493 = arith.constant 0 : i32
        %dma_start3A_494 = tpu.memref_slice %arg7[%mul3A_487, %dma_start3A_493] : memref<250112x128xf32, #tpu.memory_space<hbm>> -> memref<32x128xf32, #tpu.memory_space<hbm>>
        %dma_start3A_495 = arith.constant 0 : i32
        %dma_start3A_496 = arith.constant 896 : i32
        %dma_start3A_497 = tpu.memref_slice %arg9[%dma_start3A_495, %dma_start3A_496] : memref<32x1024xf32, #tpu.memory_space<vmem>> -> memref<32x128xf32, #tpu.memory_space<vmem>>
        tpu.enqueue_dma source(%dma_start3A_497 : memref<32x128xf32, #tpu.memory_space<vmem>>) target(%dma_start3A_494 : memref<32x128xf32, #tpu.memory_space<hbm>>) target_semaphore(%arg13 : memref<!tpu.dma_semaphore, #tpu.memory_space<semaphore_mem>>)
        %mul3A_498 = arith.constant 2 : i32
        %mul3A_499 = arith.muli %mul3A_498, %scan3A_229 : i32
        %add3A_500 = arith.constant 2 : i32
        %add3A_501 = arith.addi %mul3A_499, %add3A_500 : i32
        %lt3A_502 = arith.constant 62 : i32
        %lt3A_503 = arith.cmpi slt, %add3A_501, %lt3A_502 : i32
        %convert_element_type3A_504 = arith.extui %lt3A_503 : i1 to i32
        %cond3A_505 = arith.constant 0 : i32
        %cond3A_506 = arith.cmpi ne, %convert_element_type3A_504, %cond3A_505 : i32
        scf.if %cond3A_506 {
          %dma_wait3A_517 = arith.constant 0 : i32
          %dma_wait3A_518 = arith.constant 0 : i32
          %dma_wait3A_519 = tpu.memref_slice %arg8[%dma_wait3A_517, %dma_wait3A_518] : memref<32x1024xf32, #tpu.memory_space<vmem>> -> memref<32x128xf32, #tpu.memory_space<vmem>>
          %dma_wait3A_520 = arith.constant 0 : i32
          %dma_wait3A_521 = arith.constant 0 : i32
          %dma_wait3A_522 = tpu.memref_slice %arg7[%dma_wait3A_520, %dma_wait3A_521] : memref<250112x128xf32, #tpu.memory_space<hbm>> -> memref<32x128xf32, #tpu.memory_space<hbm>>
          %dma_wait3A_523 = arith.constant 0 : i32
          %dma_wait3A_524 = arith.constant 0 : i32
          %dma_wait3A_525 = tpu.memref_slice %arg7[%dma_wait3A_523, %dma_wait3A_524] : memref<250112x128xf32, #tpu.memory_space<hbm>> -> memref<32x128xf32, #tpu.memory_space<hbm>>
          %dma_wait3A_526 = arith.constant 0 : i32
          %dma_wait3A_527 = arith.constant 0 : i32
          %dma_wait3A_528 = tpu.memref_slice %arg8[%dma_wait3A_526, %dma_wait3A_527] : memref<32x1024xf32, #tpu.memory_space<vmem>> -> memref<32x128xf32, #tpu.memory_space<vmem>>
          tpu.wait_dma2 semaphore(%arg12 : memref<!tpu.dma_semaphore, #tpu.memory_space<semaphore_mem>>) src(%dma_wait3A_528 : memref<32x128xf32, #tpu.memory_space<vmem>>) dst(%dma_wait3A_525 : memref<32x128xf32, #tpu.memory_space<hbm>>)
          %dma_wait3A_529 = arith.constant 0 : i32
          %dma_wait3A_530 = arith.constant 0 : i32
          %dma_wait3A_531 = tpu.memref_slice %arg8[%dma_wait3A_529, %dma_wait3A_530] : memref<32x1024xf32, #tpu.memory_space<vmem>> -> memref<32x128xf32, #tpu.memory_space<vmem>>
          %dma_wait3A_532 = arith.constant 0 : i32
          %dma_wait3A_533 = arith.constant 0 : i32
          %dma_wait3A_534 = tpu.memref_slice %arg7[%dma_wait3A_532, %dma_wait3A_533] : memref<250112x128xf32, #tpu.memory_space<hbm>> -> memref<32x128xf32, #tpu.memory_space<hbm>>
          %dma_wait3A_535 = arith.constant 0 : i32
          %dma_wait3A_536 = arith.constant 0 : i32
          %dma_wait3A_537 = tpu.memref_slice %arg7[%dma_wait3A_535, %dma_wait3A_536] : memref<250112x128xf32, #tpu.memory_space<hbm>> -> memref<32x128xf32, #tpu.memory_space<hbm>>
          %dma_wait3A_538 = arith.constant 0 : i32
          %dma_wait3A_539 = arith.constant 0 : i32
          %dma_wait3A_540 = tpu.memref_slice %arg8[%dma_wait3A_538, %dma_wait3A_539] : memref<32x1024xf32, #tpu.memory_space<vmem>> -> memref<32x128xf32, #tpu.memory_space<vmem>>
          tpu.wait_dma2 semaphore(%arg12 : memref<!tpu.dma_semaphore, #tpu.memory_space<semaphore_mem>>) src(%dma_wait3A_540 : memref<32x128xf32, #tpu.memory_space<vmem>>) dst(%dma_wait3A_537 : memref<32x128xf32, #tpu.memory_space<hbm>>)
          %dma_wait3A_541 = arith.constant 0 : i32
          %dma_wait3A_542 = arith.constant 0 : i32
          %dma_wait3A_543 = tpu.memref_slice %arg8[%dma_wait3A_541, %dma_wait3A_542] : memref<32x1024xf32, #tpu.memory_space<vmem>> -> memref<32x128xf32, #tpu.memory_space<vmem>>
          %dma_wait3A_544 = arith.constant 0 : i32
          %dma_wait3A_545 = arith.constant 0 : i32
          %dma_wait3A_546 = tpu.memref_slice %arg7[%dma_wait3A_544, %dma_wait3A_545] : memref<250112x128xf32, #tpu.memory_space<hbm>> -> memref<32x128xf32, #tpu.memory_space<hbm>>
          %dma_wait3A_547 = arith.constant 0 : i32
          %dma_wait3A_548 = arith.constant 0 : i32
          %dma_wait3A_549 = tpu.memref_slice %arg7[%dma_wait3A_547, %dma_wait3A_548] : memref<250112x128xf32, #tpu.memory_space<hbm>> -> memref<32x128xf32, #tpu.memory_space<hbm>>
          %dma_wait3A_550 = arith.constant 0 : i32
          %dma_wait3A_551 = arith.constant 0 : i32
          %dma_wait3A_552 = tpu.memref_slice %arg8[%dma_wait3A_550, %dma_wait3A_551] : memref<32x1024xf32, #tpu.memory_space<vmem>> -> memref<32x128xf32, #tpu.memory_space<vmem>>
          tpu.wait_dma2 semaphore(%arg12 : memref<!tpu.dma_semaphore, #tpu.memory_space<semaphore_mem>>) src(%dma_wait3A_552 : memref<32x128xf32, #tpu.memory_space<vmem>>) dst(%dma_wait3A_549 : memref<32x128xf32, #tpu.memory_space<hbm>>)
          %dma_wait3A_553 = arith.constant 0 : i32
          %dma_wait3A_554 = arith.constant 0 : i32
          %dma_wait3A_555 = tpu.memref_slice %arg8[%dma_wait3A_553, %dma_wait3A_554] : memref<32x1024xf32, #tpu.memory_space<vmem>> -> memref<32x128xf32, #tpu.memory_space<vmem>>
          %dma_wait3A_556 = arith.constant 0 : i32
          %dma_wait3A_557 = arith.constant 0 : i32
          %dma_wait3A_558 = tpu.memref_slice %arg7[%dma_wait3A_556, %dma_wait3A_557] : memref<250112x128xf32, #tpu.memory_space<hbm>> -> memref<32x128xf32, #tpu.memory_space<hbm>>
          %dma_wait3A_559 = arith.constant 0 : i32
          %dma_wait3A_560 = arith.constant 0 : i32
          %dma_wait3A_561 = tpu.memref_slice %arg7[%dma_wait3A_559, %dma_wait3A_560] : memref<250112x128xf32, #tpu.memory_space<hbm>> -> memref<32x128xf32, #tpu.memory_space<hbm>>
          %dma_wait3A_562 = arith.constant 0 : i32
          %dma_wait3A_563 = arith.constant 0 : i32
          %dma_wait3A_564 = tpu.memref_slice %arg8[%dma_wait3A_562, %dma_wait3A_563] : memref<32x1024xf32, #tpu.memory_space<vmem>> -> memref<32x128xf32, #tpu.memory_space<vmem>>
          tpu.wait_dma2 semaphore(%arg12 : memref<!tpu.dma_semaphore, #tpu.memory_space<semaphore_mem>>) src(%dma_wait3A_564 : memref<32x128xf32, #tpu.memory_space<vmem>>) dst(%dma_wait3A_561 : memref<32x128xf32, #tpu.memory_space<hbm>>)
          %dma_wait3A_565 = arith.constant 0 : i32
          %dma_wait3A_566 = arith.constant 0 : i32
          %dma_wait3A_567 = tpu.memref_slice %arg8[%dma_wait3A_565, %dma_wait3A_566] : memref<32x1024xf32, #tpu.memory_space<vmem>> -> memref<32x128xf32, #tpu.memory_space<vmem>>
          %dma_wait3A_568 = arith.constant 0 : i32
          %dma_wait3A_569 = arith.constant 0 : i32
          %dma_wait3A_570 = tpu.memref_slice %arg7[%dma_wait3A_568, %dma_wait3A_569] : memref<250112x128xf32, #tpu.memory_space<hbm>> -> memref<32x128xf32, #tpu.memory_space<hbm>>
          %dma_wait3A_571 = arith.constant 0 : i32
          %dma_wait3A_572 = arith.constant 0 : i32
          %dma_wait3A_573 = tpu.memref_slice %arg7[%dma_wait3A_571, %dma_wait3A_572] : memref<250112x128xf32, #tpu.memory_space<hbm>> -> memref<32x128xf32, #tpu.memory_space<hbm>>
          %dma_wait3A_574 = arith.constant 0 : i32
          %dma_wait3A_575 = arith.constant 0 : i32
          %dma_wait3A_576 = tpu.memref_slice %arg8[%dma_wait3A_574, %dma_wait3A_575] : memref<32x1024xf32, #tpu.memory_space<vmem>> -> memref<32x128xf32, #tpu.memory_space<vmem>>
          tpu.wait_dma2 semaphore(%arg12 : memref<!tpu.dma_semaphore, #tpu.memory_space<semaphore_mem>>) src(%dma_wait3A_576 : memref<32x128xf32, #tpu.memory_space<vmem>>) dst(%dma_wait3A_573 : memref<32x128xf32, #tpu.memory_space<hbm>>)
          %dma_wait3A_577 = arith.constant 0 : i32
          %dma_wait3A_578 = arith.constant 0 : i32
          %dma_wait3A_579 = tpu.memref_slice %arg8[%dma_wait3A_577, %dma_wait3A_578] : memref<32x1024xf32, #tpu.memory_space<vmem>> -> memref<32x128xf32, #tpu.memory_space<vmem>>
          %dma_wait3A_580 = arith.constant 0 : i32
          %dma_wait3A_581 = arith.constant 0 : i32
          %dma_wait3A_582 = tpu.memref_slice %arg7[%dma_wait3A_580, %dma_wait3A_581] : memref<250112x128xf32, #tpu.memory_space<hbm>> -> memref<32x128xf32, #tpu.memory_space<hbm>>
          %dma_wait3A_583 = arith.constant 0 : i32
          %dma_wait3A_584 = arith.constant 0 : i32
          %dma_wait3A_585 = tpu.memref_slice %arg7[%dma_wait3A_583, %dma_wait3A_584] : memref<250112x128xf32, #tpu.memory_space<hbm>> -> memref<32x128xf32, #tpu.memory_space<hbm>>
          %dma_wait3A_586 = arith.constant 0 : i32
          %dma_wait3A_587 = arith.constant 0 : i32
          %dma_wait3A_588 = tpu.memref_slice %arg8[%dma_wait3A_586, %dma_wait3A_587] : memref<32x1024xf32, #tpu.memory_space<vmem>> -> memref<32x128xf32, #tpu.memory_space<vmem>>
          tpu.wait_dma2 semaphore(%arg12 : memref<!tpu.dma_semaphore, #tpu.memory_space<semaphore_mem>>) src(%dma_wait3A_588 : memref<32x128xf32, #tpu.memory_space<vmem>>) dst(%dma_wait3A_585 : memref<32x128xf32, #tpu.memory_space<hbm>>)
          %dma_wait3A_589 = arith.constant 0 : i32
          %dma_wait3A_590 = arith.constant 0 : i32
          %dma_wait3A_591 = tpu.memref_slice %arg8[%dma_wait3A_589, %dma_wait3A_590] : memref<32x1024xf32, #tpu.memory_space<vmem>> -> memref<32x128xf32, #tpu.memory_space<vmem>>
          %dma_wait3A_592 = arith.constant 0 : i32
          %dma_wait3A_593 = arith.constant 0 : i32
          %dma_wait3A_594 = tpu.memref_slice %arg7[%dma_wait3A_592, %dma_wait3A_593] : memref<250112x128xf32, #tpu.memory_space<hbm>> -> memref<32x128xf32, #tpu.memory_space<hbm>>
          %dma_wait3A_595 = arith.constant 0 : i32
          %dma_wait3A_596 = arith.constant 0 : i32
          %dma_wait3A_597 = tpu.memref_slice %arg7[%dma_wait3A_595, %dma_wait3A_596] : memref<250112x128xf32, #tpu.memory_space<hbm>> -> memref<32x128xf32, #tpu.memory_space<hbm>>
          %dma_wait3A_598 = arith.constant 0 : i32
          %dma_wait3A_599 = arith.constant 0 : i32
          %dma_wait3A_600 = tpu.memref_slice %arg8[%dma_wait3A_598, %dma_wait3A_599] : memref<32x1024xf32, #tpu.memory_space<vmem>> -> memref<32x128xf32, #tpu.memory_space<vmem>>
          tpu.wait_dma2 semaphore(%arg12 : memref<!tpu.dma_semaphore, #tpu.memory_space<semaphore_mem>>) src(%dma_wait3A_600 : memref<32x128xf32, #tpu.memory_space<vmem>>) dst(%dma_wait3A_597 : memref<32x128xf32, #tpu.memory_space<hbm>>)
          %dma_wait3A_601 = arith.constant 0 : i32
          %dma_wait3A_602 = arith.constant 0 : i32
          %dma_wait3A_603 = tpu.memref_slice %arg8[%dma_wait3A_601, %dma_wait3A_602] : memref<32x1024xf32, #tpu.memory_space<vmem>> -> memref<32x128xf32, #tpu.memory_space<vmem>>
          %dma_wait3A_604 = arith.constant 0 : i32
          %dma_wait3A_605 = arith.constant 0 : i32
          %dma_wait3A_606 = tpu.memref_slice %arg7[%dma_wait3A_604, %dma_wait3A_605] : memref<250112x128xf32, #tpu.memory_space<hbm>> -> memref<32x128xf32, #tpu.memory_space<hbm>>
          %dma_wait3A_607 = arith.constant 0 : i32
          %dma_wait3A_608 = arith.constant 0 : i32
          %dma_wait3A_609 = tpu.memref_slice %arg7[%dma_wait3A_607, %dma_wait3A_608] : memref<250112x128xf32, #tpu.memory_space<hbm>> -> memref<32x128xf32, #tpu.memory_space<hbm>>
          %dma_wait3A_610 = arith.constant 0 : i32
          %dma_wait3A_611 = arith.constant 0 : i32
          %dma_wait3A_612 = tpu.memref_slice %arg8[%dma_wait3A_610, %dma_wait3A_611] : memref<32x1024xf32, #tpu.memory_space<vmem>> -> memref<32x128xf32, #tpu.memory_space<vmem>>
          tpu.wait_dma2 semaphore(%arg12 : memref<!tpu.dma_semaphore, #tpu.memory_space<semaphore_mem>>) src(%dma_wait3A_612 : memref<32x128xf32, #tpu.memory_space<vmem>>) dst(%dma_wait3A_609 : memref<32x128xf32, #tpu.memory_space<hbm>>)
          %mul3A_613 = arith.constant 2 : i32
          %mul3A_614 = arith.muli %mul3A_613, %scan3A_229 : i32
          %add3A_615 = arith.constant 2 : i32
          %add3A_616 = arith.addi %mul3A_614, %add3A_615 : i32
          %add3A_617 = arith.addi %mul3A_7, %add3A_616 : i32
          %min3A_618 = arith.constant 976 : i32
          %min3A_619 = arith.minsi %add3A_617, %min3A_618 : i32
          %lt3A_620 = arith.constant 976 : i32
          %lt3A_621 = arith.cmpi slt, %min3A_619, %lt3A_620 : i32
          %convert_element_type3A_622 = arith.extui %lt3A_621 : i1 to i32
          %cond3A_623 = arith.constant 0 : i32
          %cond3A_624 = arith.cmpi ne, %convert_element_type3A_622, %cond3A_623 : i32
          scf.if %cond3A_624 {
            %mul3A_630 = arith.constant 1024 : i32
            %mul3A_631 = arith.muli %min3A_619, %mul3A_630 : i32
            %dma_start3A_632 = arith.constant 0 : i32
            %dma_start3A_633 = tpu.memref_slice %arg3[%dma_start3A_632, %mul3A_631] : memref<32x1000000xf32, #tpu.memory_space<hbm>> -> memref<32x1024xf32, #tpu.memory_space<hbm>>
            %dma_start3A_634 = arith.constant 0 : i32
            %dma_start3A_635 = tpu.memref_slice %arg3[%dma_start3A_634, %mul3A_631] : memref<32x1000000xf32, #tpu.memory_space<hbm>> -> memref<32x1024xf32, #tpu.memory_space<hbm>>
            tpu.enqueue_dma source(%dma_start3A_635 : memref<32x1024xf32, #tpu.memory_space<hbm>>) target(%arg8 : memref<32x1024xf32, #tpu.memory_space<vmem>>) target_semaphore(%arg10 : memref<!tpu.dma_semaphore, #tpu.memory_space<semaphore_mem>>)
          } else {
          }
          %ge3A_625 = arith.constant 976 : i32
          %ge3A_626 = arith.cmpi sge, %min3A_619, %ge3A_625 : i32
          %convert_element_type3A_627 = arith.extui %ge3A_626 : i1 to i32
          %cond3A_628 = arith.constant 0 : i32
          %cond3A_629 = arith.cmpi ne, %convert_element_type3A_627, %cond3A_628 : i32
          scf.if %cond3A_629 {
            tpu.enqueue_dma source(%arg5 : memref<32x1024xf32, #tpu.memory_space<hbm>>) target(%arg8 : memref<32x1024xf32, #tpu.memory_space<vmem>>) target_semaphore(%arg10 : memref<!tpu.dma_semaphore, #tpu.memory_space<semaphore_mem>>)
          } else {
          }
        } else {
        }
        %mul3A_507 = arith.constant 2 : i32
        %mul3A_508 = arith.muli %mul3A_507, %scan3A_229 : i32
        %add3A_509 = arith.constant 3 : i32
        %add3A_510 = arith.addi %mul3A_508, %add3A_509 : i32
        %lt3A_511 = arith.constant 62 : i32
        %lt3A_512 = arith.cmpi slt, %add3A_510, %lt3A_511 : i32
        %convert_element_type3A_513 = arith.extui %lt3A_512 : i1 to i32
        %cond3A_514 = arith.constant 0 : i32
        %cond3A_515 = arith.cmpi ne, %convert_element_type3A_513, %cond3A_514 : i32
        scf.if %cond3A_515 {
          %dma_wait3A_517 = arith.constant 0 : i32
          %dma_wait3A_518 = arith.constant 0 : i32
          %dma_wait3A_519 = tpu.memref_slice %arg8[%dma_wait3A_517, %dma_wait3A_518] : memref<32x1024xf32, #tpu.memory_space<vmem>> -> memref<32x128xf32, #tpu.memory_space<vmem>>
          %dma_wait3A_520 = arith.constant 0 : i32
          %dma_wait3A_521 = arith.constant 0 : i32
          %dma_wait3A_522 = tpu.memref_slice %arg7[%dma_wait3A_520, %dma_wait3A_521] : memref<250112x128xf32, #tpu.memory_space<hbm>> -> memref<32x128xf32, #tpu.memory_space<hbm>>
          %dma_wait3A_523 = arith.constant 0 : i32
          %dma_wait3A_524 = arith.constant 0 : i32
          %dma_wait3A_525 = tpu.memref_slice %arg7[%dma_wait3A_523, %dma_wait3A_524] : memref<250112x128xf32, #tpu.memory_space<hbm>> -> memref<32x128xf32, #tpu.memory_space<hbm>>
          %dma_wait3A_526 = arith.constant 0 : i32
          %dma_wait3A_527 = arith.constant 0 : i32
          %dma_wait3A_528 = tpu.memref_slice %arg8[%dma_wait3A_526, %dma_wait3A_527] : memref<32x1024xf32, #tpu.memory_space<vmem>> -> memref<32x128xf32, #tpu.memory_space<vmem>>
          tpu.wait_dma2 semaphore(%arg13 : memref<!tpu.dma_semaphore, #tpu.memory_space<semaphore_mem>>) src(%dma_wait3A_528 : memref<32x128xf32, #tpu.memory_space<vmem>>) dst(%dma_wait3A_525 : memref<32x128xf32, #tpu.memory_space<hbm>>)
          %dma_wait3A_529 = arith.constant 0 : i32
          %dma_wait3A_530 = arith.constant 0 : i32
          %dma_wait3A_531 = tpu.memref_slice %arg8[%dma_wait3A_529, %dma_wait3A_530] : memref<32x1024xf32, #tpu.memory_space<vmem>> -> memref<32x128xf32, #tpu.memory_space<vmem>>
          %dma_wait3A_532 = arith.constant 0 : i32
          %dma_wait3A_533 = arith.constant 0 : i32
          %dma_wait3A_534 = tpu.memref_slice %arg7[%dma_wait3A_532, %dma_wait3A_533] : memref<250112x128xf32, #tpu.memory_space<hbm>> -> memref<32x128xf32, #tpu.memory_space<hbm>>
          %dma_wait3A_535 = arith.constant 0 : i32
          %dma_wait3A_536 = arith.constant 0 : i32
          %dma_wait3A_537 = tpu.memref_slice %arg7[%dma_wait3A_535, %dma_wait3A_536] : memref<250112x128xf32, #tpu.memory_space<hbm>> -> memref<32x128xf32, #tpu.memory_space<hbm>>
          %dma_wait3A_538 = arith.constant 0 : i32
          %dma_wait3A_539 = arith.constant 0 : i32
          %dma_wait3A_540 = tpu.memref_slice %arg8[%dma_wait3A_538, %dma_wait3A_539] : memref<32x1024xf32, #tpu.memory_space<vmem>> -> memref<32x128xf32, #tpu.memory_space<vmem>>
          tpu.wait_dma2 semaphore(%arg13 : memref<!tpu.dma_semaphore, #tpu.memory_space<semaphore_mem>>) src(%dma_wait3A_540 : memref<32x128xf32, #tpu.memory_space<vmem>>) dst(%dma_wait3A_537 : memref<32x128xf32, #tpu.memory_space<hbm>>)
          %dma_wait3A_541 = arith.constant 0 : i32
          %dma_wait3A_542 = arith.constant 0 : i32
          %dma_wait3A_543 = tpu.memref_slice %arg8[%dma_wait3A_541, %dma_wait3A_542] : memref<32x1024xf32, #tpu.memory_space<vmem>> -> memref<32x128xf32, #tpu.memory_space<vmem>>
          %dma_wait3A_544 = arith.constant 0 : i32
          %dma_wait3A_545 = arith.constant 0 : i32
          %dma_wait3A_546 = tpu.memref_slice %arg7[%dma_wait3A_544, %dma_wait3A_545] : memref<250112x128xf32, #tpu.memory_space<hbm>> -> memref<32x128xf32, #tpu.memory_space<hbm>>
          %dma_wait3A_547 = arith.constant 0 : i32
          %dma_wait3A_548 = arith.constant 0 : i32
          %dma_wait3A_549 = tpu.memref_slice %arg7[%dma_wait3A_547, %dma_wait3A_548] : memref<250112x128xf32, #tpu.memory_space<hbm>> -> memref<32x128xf32, #tpu.memory_space<hbm>>
          %dma_wait3A_550 = arith.constant 0 : i32
          %dma_wait3A_551 = arith.constant 0 : i32
          %dma_wait3A_552 = tpu.memref_slice %arg8[%dma_wait3A_550, %dma_wait3A_551] : memref<32x1024xf32, #tpu.memory_space<vmem>> -> memref<32x128xf32, #tpu.memory_space<vmem>>
          tpu.wait_dma2 semaphore(%arg13 : memref<!tpu.dma_semaphore, #tpu.memory_space<semaphore_mem>>) src(%dma_wait3A_552 : memref<32x128xf32, #tpu.memory_space<vmem>>) dst(%dma_wait3A_549 : memref<32x128xf32, #tpu.memory_space<hbm>>)
          %dma_wait3A_553 = arith.constant 0 : i32
          %dma_wait3A_554 = arith.constant 0 : i32
          %dma_wait3A_555 = tpu.memref_slice %arg8[%dma_wait3A_553, %dma_wait3A_554] : memref<32x1024xf32, #tpu.memory_space<vmem>> -> memref<32x128xf32, #tpu.memory_space<vmem>>
          %dma_wait3A_556 = arith.constant 0 : i32
          %dma_wait3A_557 = arith.constant 0 : i32
          %dma_wait3A_558 = tpu.memref_slice %arg7[%dma_wait3A_556, %dma_wait3A_557] : memref<250112x128xf32, #tpu.memory_space<hbm>> -> memref<32x128xf32, #tpu.memory_space<hbm>>
          %dma_wait3A_559 = arith.constant 0 : i32
          %dma_wait3A_560 = arith.constant 0 : i32
          %dma_wait3A_561 = tpu.memref_slice %arg7[%dma_wait3A_559, %dma_wait3A_560] : memref<250112x128xf32, #tpu.memory_space<hbm>> -> memref<32x128xf32, #tpu.memory_space<hbm>>
          %dma_wait3A_562 = arith.constant 0 : i32
          %dma_wait3A_563 = arith.constant 0 : i32
          %dma_wait3A_564 = tpu.memref_slice %arg8[%dma_wait3A_562, %dma_wait3A_563] : memref<32x1024xf32, #tpu.memory_space<vmem>> -> memref<32x128xf32, #tpu.memory_space<vmem>>
          tpu.wait_dma2 semaphore(%arg13 : memref<!tpu.dma_semaphore, #tpu.memory_space<semaphore_mem>>) src(%dma_wait3A_564 : memref<32x128xf32, #tpu.memory_space<vmem>>) dst(%dma_wait3A_561 : memref<32x128xf32, #tpu.memory_space<hbm>>)
          %dma_wait3A_565 = arith.constant 0 : i32
          %dma_wait3A_566 = arith.constant 0 : i32
          %dma_wait3A_567 = tpu.memref_slice %arg8[%dma_wait3A_565, %dma_wait3A_566] : memref<32x1024xf32, #tpu.memory_space<vmem>> -> memref<32x128xf32, #tpu.memory_space<vmem>>
          %dma_wait3A_568 = arith.constant 0 : i32
          %dma_wait3A_569 = arith.constant 0 : i32
          %dma_wait3A_570 = tpu.memref_slice %arg7[%dma_wait3A_568, %dma_wait3A_569] : memref<250112x128xf32, #tpu.memory_space<hbm>> -> memref<32x128xf32, #tpu.memory_space<hbm>>
          %dma_wait3A_571 = arith.constant 0 : i32
          %dma_wait3A_572 = arith.constant 0 : i32
          %dma_wait3A_573 = tpu.memref_slice %arg7[%dma_wait3A_571, %dma_wait3A_572] : memref<250112x128xf32, #tpu.memory_space<hbm>> -> memref<32x128xf32, #tpu.memory_space<hbm>>
          %dma_wait3A_574 = arith.constant 0 : i32
          %dma_wait3A_575 = arith.constant 0 : i32
          %dma_wait3A_576 = tpu.memref_slice %arg8[%dma_wait3A_574, %dma_wait3A_575] : memref<32x1024xf32, #tpu.memory_space<vmem>> -> memref<32x128xf32, #tpu.memory_space<vmem>>
          tpu.wait_dma2 semaphore(%arg13 : memref<!tpu.dma_semaphore, #tpu.memory_space<semaphore_mem>>) src(%dma_wait3A_576 : memref<32x128xf32, #tpu.memory_space<vmem>>) dst(%dma_wait3A_573 : memref<32x128xf32, #tpu.memory_space<hbm>>)
          %dma_wait3A_577 = arith.constant 0 : i32
          %dma_wait3A_578 = arith.constant 0 : i32
          %dma_wait3A_579 = tpu.memref_slice %arg8[%dma_wait3A_577, %dma_wait3A_578] : memref<32x1024xf32, #tpu.memory_space<vmem>> -> memref<32x128xf32, #tpu.memory_space<vmem>>
          %dma_wait3A_580 = arith.constant 0 : i32
          %dma_wait3A_581 = arith.constant 0 : i32
          %dma_wait3A_582 = tpu.memref_slice %arg7[%dma_wait3A_580, %dma_wait3A_581] : memref<250112x128xf32, #tpu.memory_space<hbm>> -> memref<32x128xf32, #tpu.memory_space<hbm>>
          %dma_wait3A_583 = arith.constant 0 : i32
          %dma_wait3A_584 = arith.constant 0 : i32
          %dma_wait3A_585 = tpu.memref_slice %arg7[%dma_wait3A_583, %dma_wait3A_584] : memref<250112x128xf32, #tpu.memory_space<hbm>> -> memref<32x128xf32, #tpu.memory_space<hbm>>
          %dma_wait3A_586 = arith.constant 0 : i32
          %dma_wait3A_587 = arith.constant 0 : i32
          %dma_wait3A_588 = tpu.memref_slice %arg8[%dma_wait3A_586, %dma_wait3A_587] : memref<32x1024xf32, #tpu.memory_space<vmem>> -> memref<32x128xf32, #tpu.memory_space<vmem>>
          tpu.wait_dma2 semaphore(%arg13 : memref<!tpu.dma_semaphore, #tpu.memory_space<semaphore_mem>>) src(%dma_wait3A_588 : memref<32x128xf32, #tpu.memory_space<vmem>>) dst(%dma_wait3A_585 : memref<32x128xf32, #tpu.memory_space<hbm>>)
          %dma_wait3A_589 = arith.constant 0 : i32
          %dma_wait3A_590 = arith.constant 0 : i32
          %dma_wait3A_591 = tpu.memref_slice %arg8[%dma_wait3A_589, %dma_wait3A_590] : memref<32x1024xf32, #tpu.memory_space<vmem>> -> memref<32x128xf32, #tpu.memory_space<vmem>>
          %dma_wait3A_592 = arith.constant 0 : i32
          %dma_wait3A_593 = arith.constant 0 : i32
          %dma_wait3A_594 = tpu.memref_slice %arg7[%dma_wait3A_592, %dma_wait3A_593] : memref<250112x128xf32, #tpu.memory_space<hbm>> -> memref<32x128xf32, #tpu.memory_space<hbm>>
          %dma_wait3A_595 = arith.constant 0 : i32
          %dma_wait3A_596 = arith.constant 0 : i32
          %dma_wait3A_597 = tpu.memref_slice %arg7[%dma_wait3A_595, %dma_wait3A_596] : memref<250112x128xf32, #tpu.memory_space<hbm>> -> memref<32x128xf32, #tpu.memory_space<hbm>>
          %dma_wait3A_598 = arith.constant 0 : i32
          %dma_wait3A_599 = arith.constant 0 : i32
          %dma_wait3A_600 = tpu.memref_slice %arg8[%dma_wait3A_598, %dma_wait3A_599] : memref<32x1024xf32, #tpu.memory_space<vmem>> -> memref<32x128xf32, #tpu.memory_space<vmem>>
          tpu.wait_dma2 semaphore(%arg13 : memref<!tpu.dma_semaphore, #tpu.memory_space<semaphore_mem>>) src(%dma_wait3A_600 : memref<32x128xf32, #tpu.memory_space<vmem>>) dst(%dma_wait3A_597 : memref<32x128xf32, #tpu.memory_space<hbm>>)
          %dma_wait3A_601 = arith.constant 0 : i32
          %dma_wait3A_602 = arith.constant 0 : i32
          %dma_wait3A_603 = tpu.memref_slice %arg8[%dma_wait3A_601, %dma_wait3A_602] : memref<32x1024xf32, #tpu.memory_space<vmem>> -> memref<32x128xf32, #tpu.memory_space<vmem>>
          %dma_wait3A_604 = arith.constant 0 : i32
          %dma_wait3A_605 = arith.constant 0 : i32
          %dma_wait3A_606 = tpu.memref_slice %arg7[%dma_wait3A_604, %dma_wait3A_605] : memref<250112x128xf32, #tpu.memory_space<hbm>> -> memref<32x128xf32, #tpu.memory_space<hbm>>
          %dma_wait3A_607 = arith.constant 0 : i32
          %dma_wait3A_608 = arith.constant 0 : i32
          %dma_wait3A_609 = tpu.memref_slice %arg7[%dma_wait3A_607, %dma_wait3A_608] : memref<250112x128xf32, #tpu.memory_space<hbm>> -> memref<32x128xf32, #tpu.memory_space<hbm>>
          %dma_wait3A_610 = arith.constant 0 : i32
          %dma_wait3A_611 = arith.constant 0 : i32
          %dma_wait3A_612 = tpu.memref_slice %arg8[%dma_wait3A_610, %dma_wait3A_611] : memref<32x1024xf32, #tpu.memory_space<vmem>> -> memref<32x128xf32, #tpu.memory_space<vmem>>
          tpu.wait_dma2 semaphore(%arg13 : memref<!tpu.dma_semaphore, #tpu.memory_space<semaphore_mem>>) src(%dma_wait3A_612 : memref<32x128xf32, #tpu.memory_space<vmem>>) dst(%dma_wait3A_609 : memref<32x128xf32, #tpu.memory_space<hbm>>)
          %mul3A_613 = arith.constant 2 : i32
          %mul3A_614 = arith.muli %mul3A_613, %scan3A_229 : i32
          %add3A_615 = arith.constant 3 : i32
          %add3A_616 = arith.addi %mul3A_614, %add3A_615 : i32
          %add3A_617 = arith.addi %mul3A_7, %add3A_616 : i32
          %min3A_618 = arith.constant 976 : i32
          %min3A_619 = arith.minsi %add3A_617, %min3A_618 : i32
          %lt3A_620 = arith.constant 976 : i32
          %lt3A_621 = arith.cmpi slt, %min3A_619, %lt3A_620 : i32
          %convert_element_type3A_622 = arith.extui %lt3A_621 : i1 to i32
          %cond3A_623 = arith.constant 0 : i32
          %cond3A_624 = arith.cmpi ne, %convert_element_type3A_622, %cond3A_623 : i32
          scf.if %cond3A_624 {
            %mul3A_630 = arith.constant 1024 : i32
            %mul3A_631 = arith.muli %min3A_619, %mul3A_630 : i32
            %dma_start3A_632 = arith.constant 0 : i32
            %dma_start3A_633 = tpu.memref_slice %arg3[%dma_start3A_632, %mul3A_631] : memref<32x1000000xf32, #tpu.memory_space<hbm>> -> memref<32x1024xf32, #tpu.memory_space<hbm>>
            %dma_start3A_634 = arith.constant 0 : i32
            %dma_start3A_635 = tpu.memref_slice %arg3[%dma_start3A_634, %mul3A_631] : memref<32x1000000xf32, #tpu.memory_space<hbm>> -> memref<32x1024xf32, #tpu.memory_space<hbm>>
            tpu.enqueue_dma source(%dma_start3A_635 : memref<32x1024xf32, #tpu.memory_space<hbm>>) target(%arg9 : memref<32x1024xf32, #tpu.memory_space<vmem>>) target_semaphore(%arg11 : memref<!tpu.dma_semaphore, #tpu.memory_space<semaphore_mem>>)
          } else {
          }
          %ge3A_625 = arith.constant 976 : i32
          %ge3A_626 = arith.cmpi sge, %min3A_619, %ge3A_625 : i32
          %convert_element_type3A_627 = arith.extui %ge3A_626 : i1 to i32
          %cond3A_628 = arith.constant 0 : i32
          %cond3A_629 = arith.cmpi ne, %convert_element_type3A_627, %cond3A_628 : i32
          scf.if %cond3A_629 {
            tpu.enqueue_dma source(%arg5 : memref<32x1024xf32, #tpu.memory_space<hbm>>) target(%arg9 : memref<32x1024xf32, #tpu.memory_space<vmem>>) target_semaphore(%arg11 : memref<!tpu.dma_semaphore, #tpu.memory_space<semaphore_mem>>)
          } else {
          }
        } else {
        }
        %scan3A_516 = arith.constant 0 : i32
        scf.yield %scan3A_516 : i32
      }
      %scan3A_37 = arith.constant 31 : i32
      %dma_wait3A = arith.constant 0 : i32
      %dma_wait3A_38 = arith.constant 0 : i32
      %dma_wait3A_39 = tpu.memref_slice %arg8[%dma_wait3A, %dma_wait3A_38] : memref<32x1024xf32, #tpu.memory_space<vmem>> -> memref<32x128xf32, #tpu.memory_space<vmem>>
      %dma_wait3A_40 = arith.constant 0 : i32
      %dma_wait3A_41 = arith.constant 0 : i32
      %dma_wait3A_42 = tpu.memref_slice %arg7[%dma_wait3A_40, %dma_wait3A_41] : memref<250112x128xf32, #tpu.memory_space<hbm>> -> memref<32x128xf32, #tpu.memory_space<hbm>>
      %dma_wait3A_43 = arith.constant 0 : i32
      %dma_wait3A_44 = arith.constant 0 : i32
      %dma_wait3A_45 = tpu.memref_slice %arg7[%dma_wait3A_43, %dma_wait3A_44] : memref<250112x128xf32, #tpu.memory_space<hbm>> -> memref<32x128xf32, #tpu.memory_space<hbm>>
      %dma_wait3A_46 = arith.constant 0 : i32
      %dma_wait3A_47 = arith.constant 0 : i32
      %dma_wait3A_48 = tpu.memref_slice %arg8[%dma_wait3A_46, %dma_wait3A_47] : memref<32x1024xf32, #tpu.memory_space<vmem>> -> memref<32x128xf32, #tpu.memory_space<vmem>>
      tpu.wait_dma2 semaphore(%arg12 : memref<!tpu.dma_semaphore, #tpu.memory_space<semaphore_mem>>) src(%dma_wait3A_48 : memref<32x128xf32, #tpu.memory_space<vmem>>) dst(%dma_wait3A_45 : memref<32x128xf32, #tpu.memory_space<hbm>>)
      %dma_wait3A_49 = arith.constant 0 : i32
      %dma_wait3A_50 = arith.constant 0 : i32
      %dma_wait3A_51 = tpu.memref_slice %arg8[%dma_wait3A_49, %dma_wait3A_50] : memref<32x1024xf32, #tpu.memory_space<vmem>> -> memref<32x128xf32, #tpu.memory_space<vmem>>
      %dma_wait3A_52 = arith.constant 0 : i32
      %dma_wait3A_53 = arith.constant 0 : i32
      %dma_wait3A_54 = tpu.memref_slice %arg7[%dma_wait3A_52, %dma_wait3A_53] : memref<250112x128xf32, #tpu.memory_space<hbm>> -> memref<32x128xf32, #tpu.memory_space<hbm>>
      %dma_wait3A_55 = arith.constant 0 : i32
      %dma_wait3A_56 = arith.constant 0 : i32
      %dma_wait3A_57 = tpu.memref_slice %arg7[%dma_wait3A_55, %dma_wait3A_56] : memref<250112x128xf32, #tpu.memory_space<hbm>> -> memref<32x128xf32, #tpu.memory_space<hbm>>
      %dma_wait3A_58 = arith.constant 0 : i32
      %dma_wait3A_59 = arith.constant 0 : i32
      %dma_wait3A_60 = tpu.memref_slice %arg8[%dma_wait3A_58, %dma_wait3A_59] : memref<32x1024xf32, #tpu.memory_space<vmem>> -> memref<32x128xf32, #tpu.memory_space<vmem>>
      tpu.wait_dma2 semaphore(%arg12 : memref<!tpu.dma_semaphore, #tpu.memory_space<semaphore_mem>>) src(%dma_wait3A_60 : memref<32x128xf32, #tpu.memory_space<vmem>>) dst(%dma_wait3A_57 : memref<32x128xf32, #tpu.memory_space<hbm>>)
      %dma_wait3A_61 = arith.constant 0 : i32
      %dma_wait3A_62 = arith.constant 0 : i32
      %dma_wait3A_63 = tpu.memref_slice %arg8[%dma_wait3A_61, %dma_wait3A_62] : memref<32x1024xf32, #tpu.memory_space<vmem>> -> memref<32x128xf32, #tpu.memory_space<vmem>>
      %dma_wait3A_64 = arith.constant 0 : i32
      %dma_wait3A_65 = arith.constant 0 : i32
      %dma_wait3A_66 = tpu.memref_slice %arg7[%dma_wait3A_64, %dma_wait3A_65] : memref<250112x128xf32, #tpu.memory_space<hbm>> -> memref<32x128xf32, #tpu.memory_space<hbm>>
      %dma_wait3A_67 = arith.constant 0 : i32
      %dma_wait3A_68 = arith.constant 0 : i32
      %dma_wait3A_69 = tpu.memref_slice %arg7[%dma_wait3A_67, %dma_wait3A_68] : memref<250112x128xf32, #tpu.memory_space<hbm>> -> memref<32x128xf32, #tpu.memory_space<hbm>>
      %dma_wait3A_70 = arith.constant 0 : i32
      %dma_wait3A_71 = arith.constant 0 : i32
      %dma_wait3A_72 = tpu.memref_slice %arg8[%dma_wait3A_70, %dma_wait3A_71] : memref<32x1024xf32, #tpu.memory_space<vmem>> -> memref<32x128xf32, #tpu.memory_space<vmem>>
      tpu.wait_dma2 semaphore(%arg12 : memref<!tpu.dma_semaphore, #tpu.memory_space<semaphore_mem>>) src(%dma_wait3A_72 : memref<32x128xf32, #tpu.memory_space<vmem>>) dst(%dma_wait3A_69 : memref<32x128xf32, #tpu.memory_space<hbm>>)
      %dma_wait3A_73 = arith.constant 0 : i32
      %dma_wait3A_74 = arith.constant 0 : i32
      %dma_wait3A_75 = tpu.memref_slice %arg8[%dma_wait3A_73, %dma_wait3A_74] : memref<32x1024xf32, #tpu.memory_space<vmem>> -> memref<32x128xf32, #tpu.memory_space<vmem>>
      %dma_wait3A_76 = arith.constant 0 : i32
      %dma_wait3A_77 = arith.constant 0 : i32
      %dma_wait3A_78 = tpu.memref_slice %arg7[%dma_wait3A_76, %dma_wait3A_77] : memref<250112x128xf32, #tpu.memory_space<hbm>> -> memref<32x128xf32, #tpu.memory_space<hbm>>
      %dma_wait3A_79 = arith.constant 0 : i32
      %dma_wait3A_80 = arith.constant 0 : i32
      %dma_wait3A_81 = tpu.memref_slice %arg7[%dma_wait3A_79, %dma_wait3A_80] : memref<250112x128xf32, #tpu.memory_space<hbm>> -> memref<32x128xf32, #tpu.memory_space<hbm>>
      %dma_wait3A_82 = arith.constant 0 : i32
      %dma_wait3A_83 = arith.constant 0 : i32
      %dma_wait3A_84 = tpu.memref_slice %arg8[%dma_wait3A_82, %dma_wait3A_83] : memref<32x1024xf32, #tpu.memory_space<vmem>> -> memref<32x128xf32, #tpu.memory_space<vmem>>
      tpu.wait_dma2 semaphore(%arg12 : memref<!tpu.dma_semaphore, #tpu.memory_space<semaphore_mem>>) src(%dma_wait3A_84 : memref<32x128xf32, #tpu.memory_space<vmem>>) dst(%dma_wait3A_81 : memref<32x128xf32, #tpu.memory_space<hbm>>)
      %dma_wait3A_85 = arith.constant 0 : i32
      %dma_wait3A_86 = arith.constant 0 : i32
      %dma_wait3A_87 = tpu.memref_slice %arg8[%dma_wait3A_85, %dma_wait3A_86] : memref<32x1024xf32, #tpu.memory_space<vmem>> -> memref<32x128xf32, #tpu.memory_space<vmem>>
      %dma_wait3A_88 = arith.constant 0 : i32
      %dma_wait3A_89 = arith.constant 0 : i32
      %dma_wait3A_90 = tpu.memref_slice %arg7[%dma_wait3A_88, %dma_wait3A_89] : memref<250112x128xf32, #tpu.memory_space<hbm>> -> memref<32x128xf32, #tpu.memory_space<hbm>>
      %dma_wait3A_91 = arith.constant 0 : i32
      %dma_wait3A_92 = arith.constant 0 : i32
      %dma_wait3A_93 = tpu.memref_slice %arg7[%dma_wait3A_91, %dma_wait3A_92] : memref<250112x128xf32, #tpu.memory_space<hbm>> -> memref<32x128xf32, #tpu.memory_space<hbm>>
      %dma_wait3A_94 = arith.constant 0 : i32
      %dma_wait3A_95 = arith.constant 0 : i32
      %dma_wait3A_96 = tpu.memref_slice %arg8[%dma_wait3A_94, %dma_wait3A_95] : memref<32x1024xf32, #tpu.memory_space<vmem>> -> memref<32x128xf32, #tpu.memory_space<vmem>>
      tpu.wait_dma2 semaphore(%arg12 : memref<!tpu.dma_semaphore, #tpu.memory_space<semaphore_mem>>) src(%dma_wait3A_96 : memref<32x128xf32, #tpu.memory_space<vmem>>) dst(%dma_wait3A_93 : memref<32x128xf32, #tpu.memory_space<hbm>>)
      %dma_wait3A_97 = arith.constant 0 : i32
      %dma_wait3A_98 = arith.constant 0 : i32
      %dma_wait3A_99 = tpu.memref_slice %arg8[%dma_wait3A_97, %dma_wait3A_98] : memref<32x1024xf32, #tpu.memory_space<vmem>> -> memref<32x128xf32, #tpu.memory_space<vmem>>
      %dma_wait3A_100 = arith.constant 0 : i32
      %dma_wait3A_101 = arith.constant 0 : i32
      %dma_wait3A_102 = tpu.memref_slice %arg7[%dma_wait3A_100, %dma_wait3A_101] : memref<250112x128xf32, #tpu.memory_space<hbm>> -> memref<32x128xf32, #tpu.memory_space<hbm>>
      %dma_wait3A_103 = arith.constant 0 : i32
      %dma_wait3A_104 = arith.constant 0 : i32
      %dma_wait3A_105 = tpu.memref_slice %arg7[%dma_wait3A_103, %dma_wait3A_104] : memref<250112x128xf32, #tpu.memory_space<hbm>> -> memref<32x128xf32, #tpu.memory_space<hbm>>
      %dma_wait3A_106 = arith.constant 0 : i32
      %dma_wait3A_107 = arith.constant 0 : i32
      %dma_wait3A_108 = tpu.memref_slice %arg8[%dma_wait3A_106, %dma_wait3A_107] : memref<32x1024xf32, #tpu.memory_space<vmem>> -> memref<32x128xf32, #tpu.memory_space<vmem>>
      tpu.wait_dma2 semaphore(%arg12 : memref<!tpu.dma_semaphore, #tpu.memory_space<semaphore_mem>>) src(%dma_wait3A_108 : memref<32x128xf32, #tpu.memory_space<vmem>>) dst(%dma_wait3A_105 : memref<32x128xf32, #tpu.memory_space<hbm>>)
      %dma_wait3A_109 = arith.constant 0 : i32
      %dma_wait3A_110 = arith.constant 0 : i32
      %dma_wait3A_111 = tpu.memref_slice %arg8[%dma_wait3A_109, %dma_wait3A_110] : memref<32x1024xf32, #tpu.memory_space<vmem>> -> memref<32x128xf32, #tpu.memory_space<vmem>>
      %dma_wait3A_112 = arith.constant 0 : i32
      %dma_wait3A_113 = arith.constant 0 : i32
      %dma_wait3A_114 = tpu.memref_slice %arg7[%dma_wait3A_112, %dma_wait3A_113] : memref<250112x128xf32, #tpu.memory_space<hbm>> -> memref<32x128xf32, #tpu.memory_space<hbm>>
      %dma_wait3A_115 = arith.constant 0 : i32
      %dma_wait3A_116 = arith.constant 0 : i32
      %dma_wait3A_117 = tpu.memref_slice %arg7[%dma_wait3A_115, %dma_wait3A_116] : memref<250112x128xf32, #tpu.memory_space<hbm>> -> memref<32x128xf32, #tpu.memory_space<hbm>>
      %dma_wait3A_118 = arith.constant 0 : i32
      %dma_wait3A_119 = arith.constant 0 : i32
      %dma_wait3A_120 = tpu.memref_slice %arg8[%dma_wait3A_118, %dma_wait3A_119] : memref<32x1024xf32, #tpu.memory_space<vmem>> -> memref<32x128xf32, #tpu.memory_space<vmem>>
      tpu.wait_dma2 semaphore(%arg12 : memref<!tpu.dma_semaphore, #tpu.memory_space<semaphore_mem>>) src(%dma_wait3A_120 : memref<32x128xf32, #tpu.memory_space<vmem>>) dst(%dma_wait3A_117 : memref<32x128xf32, #tpu.memory_space<hbm>>)
      %dma_wait3A_121 = arith.constant 0 : i32
      %dma_wait3A_122 = arith.constant 0 : i32
      %dma_wait3A_123 = tpu.memref_slice %arg8[%dma_wait3A_121, %dma_wait3A_122] : memref<32x1024xf32, #tpu.memory_space<vmem>> -> memref<32x128xf32, #tpu.memory_space<vmem>>
      %dma_wait3A_124 = arith.constant 0 : i32
      %dma_wait3A_125 = arith.constant 0 : i32
      %dma_wait3A_126 = tpu.memref_slice %arg7[%dma_wait3A_124, %dma_wait3A_125] : memref<250112x128xf32, #tpu.memory_space<hbm>> -> memref<32x128xf32, #tpu.memory_space<hbm>>
      %dma_wait3A_127 = arith.constant 0 : i32
      %dma_wait3A_128 = arith.constant 0 : i32
      %dma_wait3A_129 = tpu.memref_slice %arg7[%dma_wait3A_127, %dma_wait3A_128] : memref<250112x128xf32, #tpu.memory_space<hbm>> -> memref<32x128xf32, #tpu.memory_space<hbm>>
      %dma_wait3A_130 = arith.constant 0 : i32
      %dma_wait3A_131 = arith.constant 0 : i32
      %dma_wait3A_132 = tpu.memref_slice %arg8[%dma_wait3A_130, %dma_wait3A_131] : memref<32x1024xf32, #tpu.memory_space<vmem>> -> memref<32x128xf32, #tpu.memory_space<vmem>>
      tpu.wait_dma2 semaphore(%arg12 : memref<!tpu.dma_semaphore, #tpu.memory_space<semaphore_mem>>) src(%dma_wait3A_132 : memref<32x128xf32, #tpu.memory_space<vmem>>) dst(%dma_wait3A_129 : memref<32x128xf32, #tpu.memory_space<hbm>>)
      %dma_wait3A_133 = arith.constant 0 : i32
      %dma_wait3A_134 = arith.constant 0 : i32
      %dma_wait3A_135 = tpu.memref_slice %arg8[%dma_wait3A_133, %dma_wait3A_134] : memref<32x1024xf32, #tpu.memory_space<vmem>> -> memref<32x128xf32, #tpu.memory_space<vmem>>
      %dma_wait3A_136 = arith.constant 0 : i32
      %dma_wait3A_137 = arith.constant 0 : i32
      %dma_wait3A_138 = tpu.memref_slice %arg7[%dma_wait3A_136, %dma_wait3A_137] : memref<250112x128xf32, #tpu.memory_space<hbm>> -> memref<32x128xf32, #tpu.memory_space<hbm>>
      %dma_wait3A_139 = arith.constant 0 : i32
      %dma_wait3A_140 = arith.constant 0 : i32
      %dma_wait3A_141 = tpu.memref_slice %arg7[%dma_wait3A_139, %dma_wait3A_140] : memref<250112x128xf32, #tpu.memory_space<hbm>> -> memref<32x128xf32, #tpu.memory_space<hbm>>
      %dma_wait3A_142 = arith.constant 0 : i32
      %dma_wait3A_143 = arith.constant 0 : i32
      %dma_wait3A_144 = tpu.memref_slice %arg8[%dma_wait3A_142, %dma_wait3A_143] : memref<32x1024xf32, #tpu.memory_space<vmem>> -> memref<32x128xf32, #tpu.memory_space<vmem>>
      tpu.wait_dma2 semaphore(%arg13 : memref<!tpu.dma_semaphore, #tpu.memory_space<semaphore_mem>>) src(%dma_wait3A_144 : memref<32x128xf32, #tpu.memory_space<vmem>>) dst(%dma_wait3A_141 : memref<32x128xf32, #tpu.memory_space<hbm>>)
      %dma_wait3A_145 = arith.constant 0 : i32
      %dma_wait3A_146 = arith.constant 0 : i32
      %dma_wait3A_147 = tpu.memref_slice %arg8[%dma_wait3A_145, %dma_wait3A_146] : memref<32x1024xf32, #tpu.memory_space<vmem>> -> memref<32x128xf32, #tpu.memory_space<vmem>>
      %dma_wait3A_148 = arith.constant 0 : i32
      %dma_wait3A_149 = arith.constant 0 : i32
      %dma_wait3A_150 = tpu.memref_slice %arg7[%dma_wait3A_148, %dma_wait3A_149] : memref<250112x128xf32, #tpu.memory_space<hbm>> -> memref<32x128xf32, #tpu.memory_space<hbm>>
      %dma_wait3A_151 = arith.constant 0 : i32
      %dma_wait3A_152 = arith.constant 0 : i32
      %dma_wait3A_153 = tpu.memref_slice %arg7[%dma_wait3A_151, %dma_wait3A_152] : memref<250112x128xf32, #tpu.memory_space<hbm>> -> memref<32x128xf32, #tpu.memory_space<hbm>>
      %dma_wait3A_154 = arith.constant 0 : i32
      %dma_wait3A_155 = arith.constant 0 : i32
      %dma_wait3A_156 = tpu.memref_slice %arg8[%dma_wait3A_154, %dma_wait3A_155] : memref<32x1024xf32, #tpu.memory_space<vmem>> -> memref<32x128xf32, #tpu.memory_space<vmem>>
      tpu.wait_dma2 semaphore(%arg13 : memref<!tpu.dma_semaphore, #tpu.memory_space<semaphore_mem>>) src(%dma_wait3A_156 : memref<32x128xf32, #tpu.memory_space<vmem>>) dst(%dma_wait3A_153 : memref<32x128xf32, #tpu.memory_space<hbm>>)
      %dma_wait3A_157 = arith.constant 0 : i32
      %dma_wait3A_158 = arith.constant 0 : i32
      %dma_wait3A_159 = tpu.memref_slice %arg8[%dma_wait3A_157, %dma_wait3A_158] : memref<32x1024xf32, #tpu.memory_space<vmem>> -> memref<32x128xf32, #tpu.memory_space<vmem>>
      %dma_wait3A_160 = arith.constant 0 : i32
      %dma_wait3A_161 = arith.constant 0 : i32
      %dma_wait3A_162 = tpu.memref_slice %arg7[%dma_wait3A_160, %dma_wait3A_161] : memref<250112x128xf32, #tpu.memory_space<hbm>> -> memref<32x128xf32, #tpu.memory_space<hbm>>
      %dma_wait3A_163 = arith.constant 0 : i32
      %dma_wait3A_164 = arith.constant 0 : i32
      %dma_wait3A_165 = tpu.memref_slice %arg7[%dma_wait3A_163, %dma_wait3A_164] : memref<250112x128xf32, #tpu.memory_space<hbm>> -> memref<32x128xf32, #tpu.memory_space<hbm>>
      %dma_wait3A_166 = arith.constant 0 : i32
      %dma_wait3A_167 = arith.constant 0 : i32
      %dma_wait3A_168 = tpu.memref_slice %arg8[%dma_wait3A_166, %dma_wait3A_167] : memref<32x1024xf32, #tpu.memory_space<vmem>> -> memref<32x128xf32, #tpu.memory_space<vmem>>
      tpu.wait_dma2 semaphore(%arg13 : memref<!tpu.dma_semaphore, #tpu.memory_space<semaphore_mem>>) src(%dma_wait3A_168 : memref<32x128xf32, #tpu.memory_space<vmem>>) dst(%dma_wait3A_165 : memref<32x128xf32, #tpu.memory_space<hbm>>)
      %dma_wait3A_169 = arith.constant 0 : i32
      %dma_wait3A_170 = arith.constant 0 : i32
      %dma_wait3A_171 = tpu.memref_slice %arg8[%dma_wait3A_169, %dma_wait3A_170] : memref<32x1024xf32, #tpu.memory_space<vmem>> -> memref<32x128xf32, #tpu.memory_space<vmem>>
      %dma_wait3A_172 = arith.constant 0 : i32
      %dma_wait3A_173 = arith.constant 0 : i32
      %dma_wait3A_174 = tpu.memref_slice %arg7[%dma_wait3A_172, %dma_wait3A_173] : memref<250112x128xf32, #tpu.memory_space<hbm>> -> memref<32x128xf32, #tpu.memory_space<hbm>>
      %dma_wait3A_175 = arith.constant 0 : i32
      %dma_wait3A_176 = arith.constant 0 : i32
      %dma_wait3A_177 = tpu.memref_slice %arg7[%dma_wait3A_175, %dma_wait3A_176] : memref<250112x128xf32, #tpu.memory_space<hbm>> -> memref<32x128xf32, #tpu.memory_space<hbm>>
      %dma_wait3A_178 = arith.constant 0 : i32
      %dma_wait3A_179 = arith.constant 0 : i32
      %dma_wait3A_180 = tpu.memref_slice %arg8[%dma_wait3A_178, %dma_wait3A_179] : memref<32x1024xf32, #tpu.memory_space<vmem>> -> memref<32x128xf32, #tpu.memory_space<vmem>>
      tpu.wait_dma2 semaphore(%arg13 : memref<!tpu.dma_semaphore, #tpu.memory_space<semaphore_mem>>) src(%dma_wait3A_180 : memref<32x128xf32, #tpu.memory_space<vmem>>) dst(%dma_wait3A_177 : memref<32x128xf32, #tpu.memory_space<hbm>>)
      %dma_wait3A_181 = arith.constant 0 : i32
      %dma_wait3A_182 = arith.constant 0 : i32
      %dma_wait3A_183 = tpu.memref_slice %arg8[%dma_wait3A_181, %dma_wait3A_182] : memref<32x1024xf32, #tpu.memory_space<vmem>> -> memref<32x128xf32, #tpu.memory_space<vmem>>
      %dma_wait3A_184 = arith.constant 0 : i32
      %dma_wait3A_185 = arith.constant 0 : i32
      %dma_wait3A_186 = tpu.memref_slice %arg7[%dma_wait3A_184, %dma_wait3A_185] : memref<250112x128xf32, #tpu.memory_space<hbm>> -> memref<32x128xf32, #tpu.memory_space<hbm>>
      %dma_wait3A_187 = arith.constant 0 : i32
      %dma_wait3A_188 = arith.constant 0 : i32
      %dma_wait3A_189 = tpu.memref_slice %arg7[%dma_wait3A_187, %dma_wait3A_188] : memref<250112x128xf32, #tpu.memory_space<hbm>> -> memref<32x128xf32, #tpu.memory_space<hbm>>
      %dma_wait3A_190 = arith.constant 0 : i32
      %dma_wait3A_191 = arith.constant 0 : i32
      %dma_wait3A_192 = tpu.memref_slice %arg8[%dma_wait3A_190, %dma_wait3A_191] : memref<32x1024xf32, #tpu.memory_space<vmem>> -> memref<32x128xf32, #tpu.memory_space<vmem>>
      tpu.wait_dma2 semaphore(%arg13 : memref<!tpu.dma_semaphore, #tpu.memory_space<semaphore_mem>>) src(%dma_wait3A_192 : memref<32x128xf32, #tpu.memory_space<vmem>>) dst(%dma_wait3A_189 : memref<32x128xf32, #tpu.memory_space<hbm>>)
      %dma_wait3A_193 = arith.constant 0 : i32
      %dma_wait3A_194 = arith.constant 0 : i32
      %dma_wait3A_195 = tpu.memref_slice %arg8[%dma_wait3A_193, %dma_wait3A_194] : memref<32x1024xf32, #tpu.memory_space<vmem>> -> memref<32x128xf32, #tpu.memory_space<vmem>>
      %dma_wait3A_196 = arith.constant 0 : i32
      %dma_wait3A_197 = arith.constant 0 : i32
      %dma_wait3A_198 = tpu.memref_slice %arg7[%dma_wait3A_196, %dma_wait3A_197] : memref<250112x128xf32, #tpu.memory_space<hbm>> -> memref<32x128xf32, #tpu.memory_space<hbm>>
      %dma_wait3A_199 = arith.constant 0 : i32
      %dma_wait3A_200 = arith.constant 0 : i32
      %dma_wait3A_201 = tpu.memref_slice %arg7[%dma_wait3A_199, %dma_wait3A_200] : memref<250112x128xf32, #tpu.memory_space<hbm>> -> memref<32x128xf32, #tpu.memory_space<hbm>>
      %dma_wait3A_202 = arith.constant 0 : i32
      %dma_wait3A_203 = arith.constant 0 : i32
      %dma_wait3A_204 = tpu.memref_slice %arg8[%dma_wait3A_202, %dma_wait3A_203] : memref<32x1024xf32, #tpu.memory_space<vmem>> -> memref<32x128xf32, #tpu.memory_space<vmem>>
      tpu.wait_dma2 semaphore(%arg13 : memref<!tpu.dma_semaphore, #tpu.memory_space<semaphore_mem>>) src(%dma_wait3A_204 : memref<32x128xf32, #tpu.memory_space<vmem>>) dst(%dma_wait3A_201 : memref<32x128xf32, #tpu.memory_space<hbm>>)
      %dma_wait3A_205 = arith.constant 0 : i32
      %dma_wait3A_206 = arith.constant 0 : i32
      %dma_wait3A_207 = tpu.memref_slice %arg8[%dma_wait3A_205, %dma_wait3A_206] : memref<32x1024xf32, #tpu.memory_space<vmem>> -> memref<32x128xf32, #tpu.memory_space<vmem>>
      %dma_wait3A_208 = arith.constant 0 : i32
      %dma_wait3A_209 = arith.constant 0 : i32
      %dma_wait3A_210 = tpu.memref_slice %arg7[%dma_wait3A_208, %dma_wait3A_209] : memref<250112x128xf32, #tpu.memory_space<hbm>> -> memref<32x128xf32, #tpu.memory_space<hbm>>
      %dma_wait3A_211 = arith.constant 0 : i32
      %dma_wait3A_212 = arith.constant 0 : i32
      %dma_wait3A_213 = tpu.memref_slice %arg7[%dma_wait3A_211, %dma_wait3A_212] : memref<250112x128xf32, #tpu.memory_space<hbm>> -> memref<32x128xf32, #tpu.memory_space<hbm>>
      %dma_wait3A_214 = arith.constant 0 : i32
      %dma_wait3A_215 = arith.constant 0 : i32
      %dma_wait3A_216 = tpu.memref_slice %arg8[%dma_wait3A_214, %dma_wait3A_215] : memref<32x1024xf32, #tpu.memory_space<vmem>> -> memref<32x128xf32, #tpu.memory_space<vmem>>
      tpu.wait_dma2 semaphore(%arg13 : memref<!tpu.dma_semaphore, #tpu.memory_space<semaphore_mem>>) src(%dma_wait3A_216 : memref<32x128xf32, #tpu.memory_space<vmem>>) dst(%dma_wait3A_213 : memref<32x128xf32, #tpu.memory_space<hbm>>)
      %dma_wait3A_217 = arith.constant 0 : i32
      %dma_wait3A_218 = arith.constant 0 : i32
      %dma_wait3A_219 = tpu.memref_slice %arg8[%dma_wait3A_217, %dma_wait3A_218] : memref<32x1024xf32, #tpu.memory_space<vmem>> -> memref<32x128xf32, #tpu.memory_space<vmem>>
      %dma_wait3A_220 = arith.constant 0 : i32
      %dma_wait3A_221 = arith.constant 0 : i32
      %dma_wait3A_222 = tpu.memref_slice %arg7[%dma_wait3A_220, %dma_wait3A_221] : memref<250112x128xf32, #tpu.memory_space<hbm>> -> memref<32x128xf32, #tpu.memory_space<hbm>>
      %dma_wait3A_223 = arith.constant 0 : i32
      %dma_wait3A_224 = arith.constant 0 : i32
      %dma_wait3A_225 = tpu.memref_slice %arg7[%dma_wait3A_223, %dma_wait3A_224] : memref<250112x128xf32, #tpu.memory_space<hbm>> -> memref<32x128xf32, #tpu.memory_space<hbm>>
      %dma_wait3A_226 = arith.constant 0 : i32
      %dma_wait3A_227 = arith.constant 0 : i32
      %dma_wait3A_228 = tpu.memref_slice %arg8[%dma_wait3A_226, %dma_wait3A_227] : memref<32x1024xf32, #tpu.memory_space<vmem>> -> memref<32x128xf32, #tpu.memory_space<vmem>>
      tpu.wait_dma2 semaphore(%arg13 : memref<!tpu.dma_semaphore, #tpu.memory_space<semaphore_mem>>) src(%dma_wait3A_228 : memref<32x128xf32, #tpu.memory_space<vmem>>) dst(%dma_wait3A_225 : memref<32x128xf32, #tpu.memory_space<hbm>>)
    } else {
    }
    return
  }
}

#map = affine_map<(d0, d1) -> (0)>
module attributes {stable_mosaic.version = 14 : i64} {
  func.func @gather_kernel(%arg0: i32, %arg1: i32, %arg2: memref<16384xi32, #tpu.memory_space<hbm>>, %arg3: memref<16384xi32, #tpu.memory_space<hbm>>, %arg4: memref<32014336xf32, #tpu.memory_space<hbm>>, %arg5: memref<32014336xf32, #tpu.memory_space<hbm>>, %arg6: memref<524288xf32, #tpu.memory_space<hbm>>, %arg7: memref<524288xf32, #tpu.memory_space<hbm>>, %arg8: memref<512xi32, #tpu.memory_space<vmem>>, %arg9: memref<512xi32, #tpu.memory_space<vmem>>, %arg10: memref<16384xi32, #tpu.memory_space<vmem>>, %arg11: memref<16384xi32, #tpu.memory_space<vmem>>, %arg12: memref<16384xf32, #tpu.memory_space<vmem>>, %arg13: memref<16384xf32, #tpu.memory_space<vmem>>, %arg14: memref<!tpu.dma_semaphore, #tpu.memory_space<semaphore_mem>>, %arg15: memref<!tpu.dma_semaphore, #tpu.memory_space<semaphore_mem>>) attributes {dimension_semantics = [#tpu.dimension_semantics<core_parallel>, #tpu.dimension_semantics<subcore_parallel>], iteration_bounds = array<i64: 2, 16>, scalar_prefetch = 0 : i64, scratch_operands = 8 : i64, tpu.core_type = #tpu.core_type<sc_vector_subcore>, window_params = [{transform_indices = #map}, {transform_indices = #map}, {transform_indices = #map}, {transform_indices = #map}, {transform_indices = #map}, {transform_indices = #map}]} {
    %mul3A = arith.constant 2 : i32
    %mul3A_0 = arith.muli %arg1, %mul3A : i32
    %add3A = arith.addi %mul3A_0, %arg0 : i32
    %mul3A_1 = arith.constant 512 : i32
    %mul3A_2 = arith.muli %add3A, %mul3A_1 : i32
    "tpu.region"() ({
      %run_scoped3A = tpu.sem_alloc : memref<!tpu.dma_semaphore, #tpu.memory_space<semaphore_mem>>
      %dma_start3A = tpu.memref_slice %arg2[%mul3A_2] : memref<16384xi32, #tpu.memory_space<hbm>> -> memref<512xi32, #tpu.memory_space<hbm>>
      %dma_start3A_33 = tpu.memref_slice %arg2[%mul3A_2] : memref<16384xi32, #tpu.memory_space<hbm>> -> memref<512xi32, #tpu.memory_space<hbm>>
      tpu.enqueue_dma source(%dma_start3A_33 : memref<512xi32, #tpu.memory_space<hbm>>) target(%arg8 : memref<512xi32, #tpu.memory_space<vmem>>) target_semaphore(%run_scoped3A : memref<!tpu.dma_semaphore, #tpu.memory_space<semaphore_mem>>)
      %dma_wait3A = tpu.memref_slice %arg2[%mul3A_2] : memref<16384xi32, #tpu.memory_space<hbm>> -> memref<512xi32, #tpu.memory_space<hbm>>
      %dma_wait3A_34 = tpu.memref_slice %arg2[%mul3A_2] : memref<16384xi32, #tpu.memory_space<hbm>> -> memref<512xi32, #tpu.memory_space<hbm>>
      tpu.wait_dma2 semaphore(%run_scoped3A : memref<!tpu.dma_semaphore, #tpu.memory_space<semaphore_mem>>) src(%dma_wait3A_34 : memref<512xi32, #tpu.memory_space<hbm>>) dst(%arg8 : memref<512xi32, #tpu.memory_space<vmem>>)
      tpu.yield
    }) : () -> ()
    "tpu.region"() ({
      %run_scoped3A = tpu.sem_alloc : memref<!tpu.dma_semaphore, #tpu.memory_space<semaphore_mem>>
      %dma_start3A = tpu.memref_slice %arg3[%mul3A_2] : memref<16384xi32, #tpu.memory_space<hbm>> -> memref<512xi32, #tpu.memory_space<hbm>>
      %dma_start3A_33 = tpu.memref_slice %arg3[%mul3A_2] : memref<16384xi32, #tpu.memory_space<hbm>> -> memref<512xi32, #tpu.memory_space<hbm>>
      tpu.enqueue_dma source(%dma_start3A_33 : memref<512xi32, #tpu.memory_space<hbm>>) target(%arg9 : memref<512xi32, #tpu.memory_space<vmem>>) target_semaphore(%run_scoped3A : memref<!tpu.dma_semaphore, #tpu.memory_space<semaphore_mem>>)
      %dma_wait3A = tpu.memref_slice %arg3[%mul3A_2] : memref<16384xi32, #tpu.memory_space<hbm>> -> memref<512xi32, #tpu.memory_space<hbm>>
      %dma_wait3A_34 = tpu.memref_slice %arg3[%mul3A_2] : memref<16384xi32, #tpu.memory_space<hbm>> -> memref<512xi32, #tpu.memory_space<hbm>>
      tpu.wait_dma2 semaphore(%run_scoped3A : memref<!tpu.dma_semaphore, #tpu.memory_space<semaphore_mem>>) src(%dma_wait3A_34 : memref<512xi32, #tpu.memory_space<hbm>>) dst(%arg9 : memref<512xi32, #tpu.memory_space<vmem>>)
      tpu.yield
    }) : () -> ()
    %iota3A = tpu.iota {dimensions = array<i32: 0>} : vector<16xi32>
    %mul3A_3 = arith.constant 128 : i32
    %mul3A_4 = vector.broadcast %mul3A_3 : i32 to vector<16xi32>
    %mul3A_5 = arith.muli %iota3A, %mul3A_4 : vector<16xi32>
    %add3A_6 = arith.constant 2048 : i32
    %add3A_7 = vector.broadcast %add3A_6 : i32 to vector<16xi32>
    %add3A_8 = arith.addi %mul3A_5, %add3A_7 : vector<16xi32>
    %scan3A = arith.constant 0 : i32
    %scan3A_9 = arith.constant 0 : i32
    %scan3A_10 = arith.constant 32 : i32
    %scan3A_11 = arith.addi %scan3A_9, %scan3A_10 : i32
    %scan3A_12 = arith.constant 1 : i32
    %scan3A_13 = scf.for %scan3A_33 = %scan3A_9 to %scan3A_11 step %scan3A_12 iter_args(%scan3A_34 = %scan3A) -> (i32)  : i32 {
      %mul3A_35 = arith.constant 16 : i32
      %mul3A_36 = arith.muli %scan3A_33, %mul3A_35 : i32
      %get3A = arith.index_cast %mul3A_36 : i32 to index
      %get3A_37 = tpu.vector_load %arg8[%get3A] {strides = array<i32>} : memref<512xi32, #tpu.memory_space<vmem>>, vector<16xi32>,
      %get3A_38 = vector.shape_cast %get3A_37 : vector<16xi32> to vector<16xi32>
      %shift_right_arithmetic3A = arith.constant 7 : i32
      %shift_right_arithmetic3A_39 = vector.broadcast %shift_right_arithmetic3A : i32 to vector<16xi32>
      %shift_right_arithmetic3A_40 = arith.shrsi %get3A_38, %shift_right_arithmetic3A_39 : vector<16xi32>
      %shift_left3A = arith.constant 12 : i32
      %shift_left3A_41 = vector.broadcast %shift_left3A : i32 to vector<16xi32>
      %shift_left3A_42 = arith.shli %shift_right_arithmetic3A_40, %shift_left3A_41 : vector<16xi32>
      %and3A = arith.constant 127 : i32
      %and3A_43 = vector.broadcast %and3A : i32 to vector<16xi32>
      %and3A_44 = arith.andi %get3A_38, %and3A_43 : vector<16xi32>
      %add3A_45 = arith.addi %shift_left3A_42, %and3A_44 : vector<16xi32>
      %mul3A_46 = arith.constant 16 : i32
      %mul3A_47 = arith.muli %scan3A_33, %mul3A_46 : i32
      %get3A_48 = arith.index_cast %mul3A_47 : i32 to index
      %get3A_49 = tpu.vector_load %arg9[%get3A_48] {strides = array<i32>} : memref<512xi32, #tpu.memory_space<vmem>>, vector<16xi32>,
      %get3A_50 = vector.shape_cast %get3A_49 : vector<16xi32> to vector<16xi32>
      %shift_right_arithmetic3A_51 = arith.constant 7 : i32
      %shift_right_arithmetic3A_52 = vector.broadcast %shift_right_arithmetic3A_51 : i32 to vector<16xi32>
      %shift_right_arithmetic3A_53 = arith.shrsi %get3A_50, %shift_right_arithmetic3A_52 : vector<16xi32>
      %shift_left3A_54 = arith.constant 12 : i32
      %shift_left3A_55 = vector.broadcast %shift_left3A_54 : i32 to vector<16xi32>
      %shift_left3A_56 = arith.shli %shift_right_arithmetic3A_53, %shift_left3A_55 : vector<16xi32>
      %and3A_57 = arith.constant 127 : i32
      %and3A_58 = vector.broadcast %and3A_57 : i32 to vector<16xi32>
      %and3A_59 = arith.andi %get3A_50, %and3A_58 : vector<16xi32>
      %add3A_60 = arith.addi %shift_left3A_56, %and3A_59 : vector<16xi32>
      %mul3A_61 = arith.constant 16 : i32
      %mul3A_62 = arith.muli %scan3A_33, %mul3A_61 : i32
      %add3A_63 = arith.constant 0 : i32
      %add3A_64 = arith.addi %mul3A_62, %add3A_63 : i32
      %slice3A = vector.extract_strided_slice %add3A_45 {offsets = [0], sizes = [1], strides = [1]} : vector<16xi32> to vector<1xi32>
      %squeeze3A = vector.extract %slice3A[0] : i32 from vector<1xi32>
      %add3A_65 = vector.broadcast %squeeze3A : i32 to vector<16xi32>
      %add3A_66 = arith.addi %add3A_65, %mul3A_5 : vector<16xi32>
      %mul3A_67 = arith.constant 32 : i32
      %mul3A_68 = arith.muli %add3A_64, %mul3A_67 : i32
      %swap3A = arith.index_cast %mul3A_68 : i32 to index
      %swap3A_69 = tpu.vector_load %arg10[%swap3A] {strides = array<i32>} : memref<16384xi32, #tpu.memory_space<vmem>>, vector<16xi32>,
      %swap3A_70 = vector.shape_cast %swap3A_69 : vector<16xi32> to vector<16xi32>
      %swap3A_71 = vector.shape_cast %add3A_66 : vector<16xi32> to vector<16xi32>
      tpu.vector_store %arg10[%swap3A], %swap3A_71 {strides = array<i32>} : memref<16384xi32, #tpu.memory_space<vmem>>, vector<16xi32>,
      %add3A_72 = vector.broadcast %squeeze3A : i32 to vector<16xi32>
      %add3A_73 = arith.addi %add3A_72, %add3A_8 : vector<16xi32>
      %mul3A_74 = arith.constant 32 : i32
      %mul3A_75 = arith.muli %add3A_64, %mul3A_74 : i32
      %add3A_76 = arith.constant 16 : i32
      %add3A_77 = arith.addi %mul3A_75, %add3A_76 : i32
      %swap3A_78 = arith.index_cast %add3A_77 : i32 to index
      %swap3A_79 = tpu.vector_load %arg10[%swap3A_78] {strides = array<i32>} : memref<16384xi32, #tpu.memory_space<vmem>>, vector<16xi32>,
      %swap3A_80 = vector.shape_cast %swap3A_79 : vector<16xi32> to vector<16xi32>
      %swap3A_81 = vector.shape_cast %add3A_73 : vector<16xi32> to vector<16xi32>
      tpu.vector_store %arg10[%swap3A_78], %swap3A_81 {strides = array<i32>} : memref<16384xi32, #tpu.memory_space<vmem>>, vector<16xi32>,
      %slice3A_82 = vector.extract_strided_slice %add3A_60 {offsets = [0], sizes = [1], strides = [1]} : vector<16xi32> to vector<1xi32>
      %squeeze3A_83 = vector.extract %slice3A_82[0] : i32 from vector<1xi32>
      %add3A_84 = vector.broadcast %squeeze3A_83 : i32 to vector<16xi32>
      %add3A_85 = arith.addi %add3A_84, %mul3A_5 : vector<16xi32>
      %mul3A_86 = arith.constant 32 : i32
      %mul3A_87 = arith.muli %add3A_64, %mul3A_86 : i32
      %swap3A_88 = arith.index_cast %mul3A_87 : i32 to index
      %swap3A_89 = tpu.vector_load %arg11[%swap3A_88] {strides = array<i32>} : memref<16384xi32, #tpu.memory_space<vmem>>, vector<16xi32>,
      %swap3A_90 = vector.shape_cast %swap3A_89 : vector<16xi32> to vector<16xi32>
      %swap3A_91 = vector.shape_cast %add3A_85 : vector<16xi32> to vector<16xi32>
      tpu.vector_store %arg11[%swap3A_88], %swap3A_91 {strides = array<i32>} : memref<16384xi32, #tpu.memory_space<vmem>>, vector<16xi32>,
      %add3A_92 = vector.broadcast %squeeze3A_83 : i32 to vector<16xi32>
      %add3A_93 = arith.addi %add3A_92, %add3A_8 : vector<16xi32>
      %mul3A_94 = arith.constant 32 : i32
      %mul3A_95 = arith.muli %add3A_64, %mul3A_94 : i32
      %add3A_96 = arith.constant 16 : i32
      %add3A_97 = arith.addi %mul3A_95, %add3A_96 : i32
      %swap3A_98 = arith.index_cast %add3A_97 : i32 to index
      %swap3A_99 = tpu.vector_load %arg11[%swap3A_98] {strides = array<i32>} : memref<16384xi32, #tpu.memory_space<vmem>>, vector<16xi32>,
      %swap3A_100 = vector.shape_cast %swap3A_99 : vector<16xi32> to vector<16xi32>
      %swap3A_101 = vector.shape_cast %add3A_93 : vector<16xi32> to vector<16xi32>
      tpu.vector_store %arg11[%swap3A_98], %swap3A_101 {strides = array<i32>} : memref<16384xi32, #tpu.memory_space<vmem>>, vector<16xi32>,
      %mul3A_102 = arith.constant 16 : i32
      %mul3A_103 = arith.muli %scan3A_33, %mul3A_102 : i32
      %add3A_104 = arith.constant 1 : i32
      %add3A_105 = arith.addi %mul3A_103, %add3A_104 : i32
      %slice3A_106 = vector.extract_strided_slice %add3A_45 {offsets = [1], sizes = [1], strides = [1]} : vector<16xi32> to vector<1xi32>
      %squeeze3A_107 = vector.extract %slice3A_106[0] : i32 from vector<1xi32>
      %add3A_108 = vector.broadcast %squeeze3A_107 : i32 to vector<16xi32>
      %add3A_109 = arith.addi %add3A_108, %mul3A_5 : vector<16xi32>
      %mul3A_110 = arith.constant 32 : i32
      %mul3A_111 = arith.muli %add3A_105, %mul3A_110 : i32
      %swap3A_112 = arith.index_cast %mul3A_111 : i32 to index
      %swap3A_113 = tpu.vector_load %arg10[%swap3A_112] {strides = array<i32>} : memref<16384xi32, #tpu.memory_space<vmem>>, vector<16xi32>,
      %swap3A_114 = vector.shape_cast %swap3A_113 : vector<16xi32> to vector<16xi32>
      %swap3A_115 = vector.shape_cast %add3A_109 : vector<16xi32> to vector<16xi32>
      tpu.vector_store %arg10[%swap3A_112], %swap3A_115 {strides = array<i32>} : memref<16384xi32, #tpu.memory_space<vmem>>, vector<16xi32>,
      %add3A_116 = vector.broadcast %squeeze3A_107 : i32 to vector<16xi32>
      %add3A_117 = arith.addi %add3A_116, %add3A_8 : vector<16xi32>
      %mul3A_118 = arith.constant 32 : i32
      %mul3A_119 = arith.muli %add3A_105, %mul3A_118 : i32
      %add3A_120 = arith.constant 16 : i32
      %add3A_121 = arith.addi %mul3A_119, %add3A_120 : i32
      %swap3A_122 = arith.index_cast %add3A_121 : i32 to index
      %swap3A_123 = tpu.vector_load %arg10[%swap3A_122] {strides = array<i32>} : memref<16384xi32, #tpu.memory_space<vmem>>, vector<16xi32>,
      %swap3A_124 = vector.shape_cast %swap3A_123 : vector<16xi32> to vector<16xi32>
      %swap3A_125 = vector.shape_cast %add3A_117 : vector<16xi32> to vector<16xi32>
      tpu.vector_store %arg10[%swap3A_122], %swap3A_125 {strides = array<i32>} : memref<16384xi32, #tpu.memory_space<vmem>>, vector<16xi32>,
      %slice3A_126 = vector.extract_strided_slice %add3A_60 {offsets = [1], sizes = [1], strides = [1]} : vector<16xi32> to vector<1xi32>
      %squeeze3A_127 = vector.extract %slice3A_126[0] : i32 from vector<1xi32>
      %add3A_128 = vector.broadcast %squeeze3A_127 : i32 to vector<16xi32>
      %add3A_129 = arith.addi %add3A_128, %mul3A_5 : vector<16xi32>
      %mul3A_130 = arith.constant 32 : i32
      %mul3A_131 = arith.muli %add3A_105, %mul3A_130 : i32
      %swap3A_132 = arith.index_cast %mul3A_131 : i32 to index
      %swap3A_133 = tpu.vector_load %arg11[%swap3A_132] {strides = array<i32>} : memref<16384xi32, #tpu.memory_space<vmem>>, vector<16xi32>,
      %swap3A_134 = vector.shape_cast %swap3A_133 : vector<16xi32> to vector<16xi32>
      %swap3A_135 = vector.shape_cast %add3A_129 : vector<16xi32> to vector<16xi32>
      tpu.vector_store %arg11[%swap3A_132], %swap3A_135 {strides = array<i32>} : memref<16384xi32, #tpu.memory_space<vmem>>, vector<16xi32>,
      %add3A_136 = vector.broadcast %squeeze3A_127 : i32 to vector<16xi32>
      %add3A_137 = arith.addi %add3A_136, %add3A_8 : vector<16xi32>
      %mul3A_138 = arith.constant 32 : i32
      %mul3A_139 = arith.muli %add3A_105, %mul3A_138 : i32
      %add3A_140 = arith.constant 16 : i32
      %add3A_141 = arith.addi %mul3A_139, %add3A_140 : i32
      %swap3A_142 = arith.index_cast %add3A_141 : i32 to index
      %swap3A_143 = tpu.vector_load %arg11[%swap3A_142] {strides = array<i32>} : memref<16384xi32, #tpu.memory_space<vmem>>, vector<16xi32>,
      %swap3A_144 = vector.shape_cast %swap3A_143 : vector<16xi32> to vector<16xi32>
      %swap3A_145 = vector.shape_cast %add3A_137 : vector<16xi32> to vector<16xi32>
      tpu.vector_store %arg11[%swap3A_142], %swap3A_145 {strides = array<i32>} : memref<16384xi32, #tpu.memory_space<vmem>>, vector<16xi32>,
      %mul3A_146 = arith.constant 16 : i32
      %mul3A_147 = arith.muli %scan3A_33, %mul3A_146 : i32
      %add3A_148 = arith.constant 2 : i32
      %add3A_149 = arith.addi %mul3A_147, %add3A_148 : i32
      %slice3A_150 = vector.extract_strided_slice %add3A_45 {offsets = [2], sizes = [1], strides = [1]} : vector<16xi32> to vector<1xi32>
      %squeeze3A_151 = vector.extract %slice3A_150[0] : i32 from vector<1xi32>
      %add3A_152 = vector.broadcast %squeeze3A_151 : i32 to vector<16xi32>
      %add3A_153 = arith.addi %add3A_152, %mul3A_5 : vector<16xi32>
      %mul3A_154 = arith.constant 32 : i32
      %mul3A_155 = arith.muli %add3A_149, %mul3A_154 : i32
      %swap3A_156 = arith.index_cast %mul3A_155 : i32 to index
      %swap3A_157 = tpu.vector_load %arg10[%swap3A_156] {strides = array<i32>} : memref<16384xi32, #tpu.memory_space<vmem>>, vector<16xi32>,
      %swap3A_158 = vector.shape_cast %swap3A_157 : vector<16xi32> to vector<16xi32>
      %swap3A_159 = vector.shape_cast %add3A_153 : vector<16xi32> to vector<16xi32>
      tpu.vector_store %arg10[%swap3A_156], %swap3A_159 {strides = array<i32>} : memref<16384xi32, #tpu.memory_space<vmem>>, vector<16xi32>,
      %add3A_160 = vector.broadcast %squeeze3A_151 : i32 to vector<16xi32>
      %add3A_161 = arith.addi %add3A_160, %add3A_8 : vector<16xi32>
      %mul3A_162 = arith.constant 32 : i32
      %mul3A_163 = arith.muli %add3A_149, %mul3A_162 : i32
      %add3A_164 = arith.constant 16 : i32
      %add3A_165 = arith.addi %mul3A_163, %add3A_164 : i32
      %swap3A_166 = arith.index_cast %add3A_165 : i32 to index
      %swap3A_167 = tpu.vector_load %arg10[%swap3A_166] {strides = array<i32>} : memref<16384xi32, #tpu.memory_space<vmem>>, vector<16xi32>,
      %swap3A_168 = vector.shape_cast %swap3A_167 : vector<16xi32> to vector<16xi32>
      %swap3A_169 = vector.shape_cast %add3A_161 : vector<16xi32> to vector<16xi32>
      tpu.vector_store %arg10[%swap3A_166], %swap3A_169 {strides = array<i32>} : memref<16384xi32, #tpu.memory_space<vmem>>, vector<16xi32>,
      %slice3A_170 = vector.extract_strided_slice %add3A_60 {offsets = [2], sizes = [1], strides = [1]} : vector<16xi32> to vector<1xi32>
      %squeeze3A_171 = vector.extract %slice3A_170[0] : i32 from vector<1xi32>
      %add3A_172 = vector.broadcast %squeeze3A_171 : i32 to vector<16xi32>
      %add3A_173 = arith.addi %add3A_172, %mul3A_5 : vector<16xi32>
      %mul3A_174 = arith.constant 32 : i32
      %mul3A_175 = arith.muli %add3A_149, %mul3A_174 : i32
      %swap3A_176 = arith.index_cast %mul3A_175 : i32 to index
      %swap3A_177 = tpu.vector_load %arg11[%swap3A_176] {strides = array<i32>} : memref<16384xi32, #tpu.memory_space<vmem>>, vector<16xi32>,
      %swap3A_178 = vector.shape_cast %swap3A_177 : vector<16xi32> to vector<16xi32>
      %swap3A_179 = vector.shape_cast %add3A_173 : vector<16xi32> to vector<16xi32>
      tpu.vector_store %arg11[%swap3A_176], %swap3A_179 {strides = array<i32>} : memref<16384xi32, #tpu.memory_space<vmem>>, vector<16xi32>,
      %add3A_180 = vector.broadcast %squeeze3A_171 : i32 to vector<16xi32>
      %add3A_181 = arith.addi %add3A_180, %add3A_8 : vector<16xi32>
      %mul3A_182 = arith.constant 32 : i32
      %mul3A_183 = arith.muli %add3A_149, %mul3A_182 : i32
      %add3A_184 = arith.constant 16 : i32
      %add3A_185 = arith.addi %mul3A_183, %add3A_184 : i32
      %swap3A_186 = arith.index_cast %add3A_185 : i32 to index
      %swap3A_187 = tpu.vector_load %arg11[%swap3A_186] {strides = array<i32>} : memref<16384xi32, #tpu.memory_space<vmem>>, vector<16xi32>,
      %swap3A_188 = vector.shape_cast %swap3A_187 : vector<16xi32> to vector<16xi32>
      %swap3A_189 = vector.shape_cast %add3A_181 : vector<16xi32> to vector<16xi32>
      tpu.vector_store %arg11[%swap3A_186], %swap3A_189 {strides = array<i32>} : memref<16384xi32, #tpu.memory_space<vmem>>, vector<16xi32>,
      %mul3A_190 = arith.constant 16 : i32
      %mul3A_191 = arith.muli %scan3A_33, %mul3A_190 : i32
      %add3A_192 = arith.constant 3 : i32
      %add3A_193 = arith.addi %mul3A_191, %add3A_192 : i32
      %slice3A_194 = vector.extract_strided_slice %add3A_45 {offsets = [3], sizes = [1], strides = [1]} : vector<16xi32> to vector<1xi32>
      %squeeze3A_195 = vector.extract %slice3A_194[0] : i32 from vector<1xi32>
      %add3A_196 = vector.broadcast %squeeze3A_195 : i32 to vector<16xi32>
      %add3A_197 = arith.addi %add3A_196, %mul3A_5 : vector<16xi32>
      %mul3A_198 = arith.constant 32 : i32
      %mul3A_199 = arith.muli %add3A_193, %mul3A_198 : i32
      %swap3A_200 = arith.index_cast %mul3A_199 : i32 to index
      %swap3A_201 = tpu.vector_load %arg10[%swap3A_200] {strides = array<i32>} : memref<16384xi32, #tpu.memory_space<vmem>>, vector<16xi32>,
      %swap3A_202 = vector.shape_cast %swap3A_201 : vector<16xi32> to vector<16xi32>
      %swap3A_203 = vector.shape_cast %add3A_197 : vector<16xi32> to vector<16xi32>
      tpu.vector_store %arg10[%swap3A_200], %swap3A_203 {strides = array<i32>} : memref<16384xi32, #tpu.memory_space<vmem>>, vector<16xi32>,
      %add3A_204 = vector.broadcast %squeeze3A_195 : i32 to vector<16xi32>
      %add3A_205 = arith.addi %add3A_204, %add3A_8 : vector<16xi32>
      %mul3A_206 = arith.constant 32 : i32
      %mul3A_207 = arith.muli %add3A_193, %mul3A_206 : i32
      %add3A_208 = arith.constant 16 : i32
      %add3A_209 = arith.addi %mul3A_207, %add3A_208 : i32
      %swap3A_210 = arith.index_cast %add3A_209 : i32 to index
      %swap3A_211 = tpu.vector_load %arg10[%swap3A_210] {strides = array<i32>} : memref<16384xi32, #tpu.memory_space<vmem>>, vector<16xi32>,
      %swap3A_212 = vector.shape_cast %swap3A_211 : vector<16xi32> to vector<16xi32>
      %swap3A_213 = vector.shape_cast %add3A_205 : vector<16xi32> to vector<16xi32>
      tpu.vector_store %arg10[%swap3A_210], %swap3A_213 {strides = array<i32>} : memref<16384xi32, #tpu.memory_space<vmem>>, vector<16xi32>,
      %slice3A_214 = vector.extract_strided_slice %add3A_60 {offsets = [3], sizes = [1], strides = [1]} : vector<16xi32> to vector<1xi32>
      %squeeze3A_215 = vector.extract %slice3A_214[0] : i32 from vector<1xi32>
      %add3A_216 = vector.broadcast %squeeze3A_215 : i32 to vector<16xi32>
      %add3A_217 = arith.addi %add3A_216, %mul3A_5 : vector<16xi32>
      %mul3A_218 = arith.constant 32 : i32
      %mul3A_219 = arith.muli %add3A_193, %mul3A_218 : i32
      %swap3A_220 = arith.index_cast %mul3A_219 : i32 to index
      %swap3A_221 = tpu.vector_load %arg11[%swap3A_220] {strides = array<i32>} : memref<16384xi32, #tpu.memory_space<vmem>>, vector<16xi32>,
      %swap3A_222 = vector.shape_cast %swap3A_221 : vector<16xi32> to vector<16xi32>
      %swap3A_223 = vector.shape_cast %add3A_217 : vector<16xi32> to vector<16xi32>
      tpu.vector_store %arg11[%swap3A_220], %swap3A_223 {strides = array<i32>} : memref<16384xi32, #tpu.memory_space<vmem>>, vector<16xi32>,
      %add3A_224 = vector.broadcast %squeeze3A_215 : i32 to vector<16xi32>
      %add3A_225 = arith.addi %add3A_224, %add3A_8 : vector<16xi32>
      %mul3A_226 = arith.constant 32 : i32
      %mul3A_227 = arith.muli %add3A_193, %mul3A_226 : i32
      %add3A_228 = arith.constant 16 : i32
      %add3A_229 = arith.addi %mul3A_227, %add3A_228 : i32
      %swap3A_230 = arith.index_cast %add3A_229 : i32 to index
      %swap3A_231 = tpu.vector_load %arg11[%swap3A_230] {strides = array<i32>} : memref<16384xi32, #tpu.memory_space<vmem>>, vector<16xi32>,
      %swap3A_232 = vector.shape_cast %swap3A_231 : vector<16xi32> to vector<16xi32>
      %swap3A_233 = vector.shape_cast %add3A_225 : vector<16xi32> to vector<16xi32>
      tpu.vector_store %arg11[%swap3A_230], %swap3A_233 {strides = array<i32>} : memref<16384xi32, #tpu.memory_space<vmem>>, vector<16xi32>,
      %mul3A_234 = arith.constant 16 : i32
      %mul3A_235 = arith.muli %scan3A_33, %mul3A_234 : i32
      %add3A_236 = arith.constant 4 : i32
      %add3A_237 = arith.addi %mul3A_235, %add3A_236 : i32
      %slice3A_238 = vector.extract_strided_slice %add3A_45 {offsets = [4], sizes = [1], strides = [1]} : vector<16xi32> to vector<1xi32>
      %squeeze3A_239 = vector.extract %slice3A_238[0] : i32 from vector<1xi32>
      %add3A_240 = vector.broadcast %squeeze3A_239 : i32 to vector<16xi32>
      %add3A_241 = arith.addi %add3A_240, %mul3A_5 : vector<16xi32>
      %mul3A_242 = arith.constant 32 : i32
      %mul3A_243 = arith.muli %add3A_237, %mul3A_242 : i32
      %swap3A_244 = arith.index_cast %mul3A_243 : i32 to index
      %swap3A_245 = tpu.vector_load %arg10[%swap3A_244] {strides = array<i32>} : memref<16384xi32, #tpu.memory_space<vmem>>, vector<16xi32>,
      %swap3A_246 = vector.shape_cast %swap3A_245 : vector<16xi32> to vector<16xi32>
      %swap3A_247 = vector.shape_cast %add3A_241 : vector<16xi32> to vector<16xi32>
      tpu.vector_store %arg10[%swap3A_244], %swap3A_247 {strides = array<i32>} : memref<16384xi32, #tpu.memory_space<vmem>>, vector<16xi32>,
      %add3A_248 = vector.broadcast %squeeze3A_239 : i32 to vector<16xi32>
      %add3A_249 = arith.addi %add3A_248, %add3A_8 : vector<16xi32>
      %mul3A_250 = arith.constant 32 : i32
      %mul3A_251 = arith.muli %add3A_237, %mul3A_250 : i32
      %add3A_252 = arith.constant 16 : i32
      %add3A_253 = arith.addi %mul3A_251, %add3A_252 : i32
      %swap3A_254 = arith.index_cast %add3A_253 : i32 to index
      %swap3A_255 = tpu.vector_load %arg10[%swap3A_254] {strides = array<i32>} : memref<16384xi32, #tpu.memory_space<vmem>>, vector<16xi32>,
      %swap3A_256 = vector.shape_cast %swap3A_255 : vector<16xi32> to vector<16xi32>
      %swap3A_257 = vector.shape_cast %add3A_249 : vector<16xi32> to vector<16xi32>
      tpu.vector_store %arg10[%swap3A_254], %swap3A_257 {strides = array<i32>} : memref<16384xi32, #tpu.memory_space<vmem>>, vector<16xi32>,
      %slice3A_258 = vector.extract_strided_slice %add3A_60 {offsets = [4], sizes = [1], strides = [1]} : vector<16xi32> to vector<1xi32>
      %squeeze3A_259 = vector.extract %slice3A_258[0] : i32 from vector<1xi32>
      %add3A_260 = vector.broadcast %squeeze3A_259 : i32 to vector<16xi32>
      %add3A_261 = arith.addi %add3A_260, %mul3A_5 : vector<16xi32>
      %mul3A_262 = arith.constant 32 : i32
      %mul3A_263 = arith.muli %add3A_237, %mul3A_262 : i32
      %swap3A_264 = arith.index_cast %mul3A_263 : i32 to index
      %swap3A_265 = tpu.vector_load %arg11[%swap3A_264] {strides = array<i32>} : memref<16384xi32, #tpu.memory_space<vmem>>, vector<16xi32>,
      %swap3A_266 = vector.shape_cast %swap3A_265 : vector<16xi32> to vector<16xi32>
      %swap3A_267 = vector.shape_cast %add3A_261 : vector<16xi32> to vector<16xi32>
      tpu.vector_store %arg11[%swap3A_264], %swap3A_267 {strides = array<i32>} : memref<16384xi32, #tpu.memory_space<vmem>>, vector<16xi32>,
      %add3A_268 = vector.broadcast %squeeze3A_259 : i32 to vector<16xi32>
      %add3A_269 = arith.addi %add3A_268, %add3A_8 : vector<16xi32>
      %mul3A_270 = arith.constant 32 : i32
      %mul3A_271 = arith.muli %add3A_237, %mul3A_270 : i32
      %add3A_272 = arith.constant 16 : i32
      %add3A_273 = arith.addi %mul3A_271, %add3A_272 : i32
      %swap3A_274 = arith.index_cast %add3A_273 : i32 to index
      %swap3A_275 = tpu.vector_load %arg11[%swap3A_274] {strides = array<i32>} : memref<16384xi32, #tpu.memory_space<vmem>>, vector<16xi32>,
      %swap3A_276 = vector.shape_cast %swap3A_275 : vector<16xi32> to vector<16xi32>
      %swap3A_277 = vector.shape_cast %add3A_269 : vector<16xi32> to vector<16xi32>
      tpu.vector_store %arg11[%swap3A_274], %swap3A_277 {strides = array<i32>} : memref<16384xi32, #tpu.memory_space<vmem>>, vector<16xi32>,
      %mul3A_278 = arith.constant 16 : i32
      %mul3A_279 = arith.muli %scan3A_33, %mul3A_278 : i32
      %add3A_280 = arith.constant 5 : i32
      %add3A_281 = arith.addi %mul3A_279, %add3A_280 : i32
      %slice3A_282 = vector.extract_strided_slice %add3A_45 {offsets = [5], sizes = [1], strides = [1]} : vector<16xi32> to vector<1xi32>
      %squeeze3A_283 = vector.extract %slice3A_282[0] : i32 from vector<1xi32>
      %add3A_284 = vector.broadcast %squeeze3A_283 : i32 to vector<16xi32>
      %add3A_285 = arith.addi %add3A_284, %mul3A_5 : vector<16xi32>
      %mul3A_286 = arith.constant 32 : i32
      %mul3A_287 = arith.muli %add3A_281, %mul3A_286 : i32
      %swap3A_288 = arith.index_cast %mul3A_287 : i32 to index
      %swap3A_289 = tpu.vector_load %arg10[%swap3A_288] {strides = array<i32>} : memref<16384xi32, #tpu.memory_space<vmem>>, vector<16xi32>,
      %swap3A_290 = vector.shape_cast %swap3A_289 : vector<16xi32> to vector<16xi32>
      %swap3A_291 = vector.shape_cast %add3A_285 : vector<16xi32> to vector<16xi32>
      tpu.vector_store %arg10[%swap3A_288], %swap3A_291 {strides = array<i32>} : memref<16384xi32, #tpu.memory_space<vmem>>, vector<16xi32>,
      %add3A_292 = vector.broadcast %squeeze3A_283 : i32 to vector<16xi32>
      %add3A_293 = arith.addi %add3A_292, %add3A_8 : vector<16xi32>
      %mul3A_294 = arith.constant 32 : i32
      %mul3A_295 = arith.muli %add3A_281, %mul3A_294 : i32
      %add3A_296 = arith.constant 16 : i32
      %add3A_297 = arith.addi %mul3A_295, %add3A_296 : i32
      %swap3A_298 = arith.index_cast %add3A_297 : i32 to index
      %swap3A_299 = tpu.vector_load %arg10[%swap3A_298] {strides = array<i32>} : memref<16384xi32, #tpu.memory_space<vmem>>, vector<16xi32>,
      %swap3A_300 = vector.shape_cast %swap3A_299 : vector<16xi32> to vector<16xi32>
      %swap3A_301 = vector.shape_cast %add3A_293 : vector<16xi32> to vector<16xi32>
      tpu.vector_store %arg10[%swap3A_298], %swap3A_301 {strides = array<i32>} : memref<16384xi32, #tpu.memory_space<vmem>>, vector<16xi32>,
      %slice3A_302 = vector.extract_strided_slice %add3A_60 {offsets = [5], sizes = [1], strides = [1]} : vector<16xi32> to vector<1xi32>
      %squeeze3A_303 = vector.extract %slice3A_302[0] : i32 from vector<1xi32>
      %add3A_304 = vector.broadcast %squeeze3A_303 : i32 to vector<16xi32>
      %add3A_305 = arith.addi %add3A_304, %mul3A_5 : vector<16xi32>
      %mul3A_306 = arith.constant 32 : i32
      %mul3A_307 = arith.muli %add3A_281, %mul3A_306 : i32
      %swap3A_308 = arith.index_cast %mul3A_307 : i32 to index
      %swap3A_309 = tpu.vector_load %arg11[%swap3A_308] {strides = array<i32>} : memref<16384xi32, #tpu.memory_space<vmem>>, vector<16xi32>,
      %swap3A_310 = vector.shape_cast %swap3A_309 : vector<16xi32> to vector<16xi32>
      %swap3A_311 = vector.shape_cast %add3A_305 : vector<16xi32> to vector<16xi32>
      tpu.vector_store %arg11[%swap3A_308], %swap3A_311 {strides = array<i32>} : memref<16384xi32, #tpu.memory_space<vmem>>, vector<16xi32>,
      %add3A_312 = vector.broadcast %squeeze3A_303 : i32 to vector<16xi32>
      %add3A_313 = arith.addi %add3A_312, %add3A_8 : vector<16xi32>
      %mul3A_314 = arith.constant 32 : i32
      %mul3A_315 = arith.muli %add3A_281, %mul3A_314 : i32
      %add3A_316 = arith.constant 16 : i32
      %add3A_317 = arith.addi %mul3A_315, %add3A_316 : i32
      %swap3A_318 = arith.index_cast %add3A_317 : i32 to index
      %swap3A_319 = tpu.vector_load %arg11[%swap3A_318] {strides = array<i32>} : memref<16384xi32, #tpu.memory_space<vmem>>, vector<16xi32>,
      %swap3A_320 = vector.shape_cast %swap3A_319 : vector<16xi32> to vector<16xi32>
      %swap3A_321 = vector.shape_cast %add3A_313 : vector<16xi32> to vector<16xi32>
      tpu.vector_store %arg11[%swap3A_318], %swap3A_321 {strides = array<i32>} : memref<16384xi32, #tpu.memory_space<vmem>>, vector<16xi32>,
      %mul3A_322 = arith.constant 16 : i32
      %mul3A_323 = arith.muli %scan3A_33, %mul3A_322 : i32
      %add3A_324 = arith.constant 6 : i32
      %add3A_325 = arith.addi %mul3A_323, %add3A_324 : i32
      %slice3A_326 = vector.extract_strided_slice %add3A_45 {offsets = [6], sizes = [1], strides = [1]} : vector<16xi32> to vector<1xi32>
      %squeeze3A_327 = vector.extract %slice3A_326[0] : i32 from vector<1xi32>
      %add3A_328 = vector.broadcast %squeeze3A_327 : i32 to vector<16xi32>
      %add3A_329 = arith.addi %add3A_328, %mul3A_5 : vector<16xi32>
      %mul3A_330 = arith.constant 32 : i32
      %mul3A_331 = arith.muli %add3A_325, %mul3A_330 : i32
      %swap3A_332 = arith.index_cast %mul3A_331 : i32 to index
      %swap3A_333 = tpu.vector_load %arg10[%swap3A_332] {strides = array<i32>} : memref<16384xi32, #tpu.memory_space<vmem>>, vector<16xi32>,
      %swap3A_334 = vector.shape_cast %swap3A_333 : vector<16xi32> to vector<16xi32>
      %swap3A_335 = vector.shape_cast %add3A_329 : vector<16xi32> to vector<16xi32>
      tpu.vector_store %arg10[%swap3A_332], %swap3A_335 {strides = array<i32>} : memref<16384xi32, #tpu.memory_space<vmem>>, vector<16xi32>,
      %add3A_336 = vector.broadcast %squeeze3A_327 : i32 to vector<16xi32>
      %add3A_337 = arith.addi %add3A_336, %add3A_8 : vector<16xi32>
      %mul3A_338 = arith.constant 32 : i32
      %mul3A_339 = arith.muli %add3A_325, %mul3A_338 : i32
      %add3A_340 = arith.constant 16 : i32
      %add3A_341 = arith.addi %mul3A_339, %add3A_340 : i32
      %swap3A_342 = arith.index_cast %add3A_341 : i32 to index
      %swap3A_343 = tpu.vector_load %arg10[%swap3A_342] {strides = array<i32>} : memref<16384xi32, #tpu.memory_space<vmem>>, vector<16xi32>,
      %swap3A_344 = vector.shape_cast %swap3A_343 : vector<16xi32> to vector<16xi32>
      %swap3A_345 = vector.shape_cast %add3A_337 : vector<16xi32> to vector<16xi32>
      tpu.vector_store %arg10[%swap3A_342], %swap3A_345 {strides = array<i32>} : memref<16384xi32, #tpu.memory_space<vmem>>, vector<16xi32>,
      %slice3A_346 = vector.extract_strided_slice %add3A_60 {offsets = [6], sizes = [1], strides = [1]} : vector<16xi32> to vector<1xi32>
      %squeeze3A_347 = vector.extract %slice3A_346[0] : i32 from vector<1xi32>
      %add3A_348 = vector.broadcast %squeeze3A_347 : i32 to vector<16xi32>
      %add3A_349 = arith.addi %add3A_348, %mul3A_5 : vector<16xi32>
      %mul3A_350 = arith.constant 32 : i32
      %mul3A_351 = arith.muli %add3A_325, %mul3A_350 : i32
      %swap3A_352 = arith.index_cast %mul3A_351 : i32 to index
      %swap3A_353 = tpu.vector_load %arg11[%swap3A_352] {strides = array<i32>} : memref<16384xi32, #tpu.memory_space<vmem>>, vector<16xi32>,
      %swap3A_354 = vector.shape_cast %swap3A_353 : vector<16xi32> to vector<16xi32>
      %swap3A_355 = vector.shape_cast %add3A_349 : vector<16xi32> to vector<16xi32>
      tpu.vector_store %arg11[%swap3A_352], %swap3A_355 {strides = array<i32>} : memref<16384xi32, #tpu.memory_space<vmem>>, vector<16xi32>,
      %add3A_356 = vector.broadcast %squeeze3A_347 : i32 to vector<16xi32>
      %add3A_357 = arith.addi %add3A_356, %add3A_8 : vector<16xi32>
      %mul3A_358 = arith.constant 32 : i32
      %mul3A_359 = arith.muli %add3A_325, %mul3A_358 : i32
      %add3A_360 = arith.constant 16 : i32
      %add3A_361 = arith.addi %mul3A_359, %add3A_360 : i32
      %swap3A_362 = arith.index_cast %add3A_361 : i32 to index
      %swap3A_363 = tpu.vector_load %arg11[%swap3A_362] {strides = array<i32>} : memref<16384xi32, #tpu.memory_space<vmem>>, vector<16xi32>,
      %swap3A_364 = vector.shape_cast %swap3A_363 : vector<16xi32> to vector<16xi32>
      %swap3A_365 = vector.shape_cast %add3A_357 : vector<16xi32> to vector<16xi32>
      tpu.vector_store %arg11[%swap3A_362], %swap3A_365 {strides = array<i32>} : memref<16384xi32, #tpu.memory_space<vmem>>, vector<16xi32>,
      %mul3A_366 = arith.constant 16 : i32
      %mul3A_367 = arith.muli %scan3A_33, %mul3A_366 : i32
      %add3A_368 = arith.constant 7 : i32
      %add3A_369 = arith.addi %mul3A_367, %add3A_368 : i32
      %slice3A_370 = vector.extract_strided_slice %add3A_45 {offsets = [7], sizes = [1], strides = [1]} : vector<16xi32> to vector<1xi32>
      %squeeze3A_371 = vector.extract %slice3A_370[0] : i32 from vector<1xi32>
      %add3A_372 = vector.broadcast %squeeze3A_371 : i32 to vector<16xi32>
      %add3A_373 = arith.addi %add3A_372, %mul3A_5 : vector<16xi32>
      %mul3A_374 = arith.constant 32 : i32
      %mul3A_375 = arith.muli %add3A_369, %mul3A_374 : i32
      %swap3A_376 = arith.index_cast %mul3A_375 : i32 to index
      %swap3A_377 = tpu.vector_load %arg10[%swap3A_376] {strides = array<i32>} : memref<16384xi32, #tpu.memory_space<vmem>>, vector<16xi32>,
      %swap3A_378 = vector.shape_cast %swap3A_377 : vector<16xi32> to vector<16xi32>
      %swap3A_379 = vector.shape_cast %add3A_373 : vector<16xi32> to vector<16xi32>
      tpu.vector_store %arg10[%swap3A_376], %swap3A_379 {strides = array<i32>} : memref<16384xi32, #tpu.memory_space<vmem>>, vector<16xi32>,
      %add3A_380 = vector.broadcast %squeeze3A_371 : i32 to vector<16xi32>
      %add3A_381 = arith.addi %add3A_380, %add3A_8 : vector<16xi32>
      %mul3A_382 = arith.constant 32 : i32
      %mul3A_383 = arith.muli %add3A_369, %mul3A_382 : i32
      %add3A_384 = arith.constant 16 : i32
      %add3A_385 = arith.addi %mul3A_383, %add3A_384 : i32
      %swap3A_386 = arith.index_cast %add3A_385 : i32 to index
      %swap3A_387 = tpu.vector_load %arg10[%swap3A_386] {strides = array<i32>} : memref<16384xi32, #tpu.memory_space<vmem>>, vector<16xi32>,
      %swap3A_388 = vector.shape_cast %swap3A_387 : vector<16xi32> to vector<16xi32>
      %swap3A_389 = vector.shape_cast %add3A_381 : vector<16xi32> to vector<16xi32>
      tpu.vector_store %arg10[%swap3A_386], %swap3A_389 {strides = array<i32>} : memref<16384xi32, #tpu.memory_space<vmem>>, vector<16xi32>,
      %slice3A_390 = vector.extract_strided_slice %add3A_60 {offsets = [7], sizes = [1], strides = [1]} : vector<16xi32> to vector<1xi32>
      %squeeze3A_391 = vector.extract %slice3A_390[0] : i32 from vector<1xi32>
      %add3A_392 = vector.broadcast %squeeze3A_391 : i32 to vector<16xi32>
      %add3A_393 = arith.addi %add3A_392, %mul3A_5 : vector<16xi32>
      %mul3A_394 = arith.constant 32 : i32
      %mul3A_395 = arith.muli %add3A_369, %mul3A_394 : i32
      %swap3A_396 = arith.index_cast %mul3A_395 : i32 to index
      %swap3A_397 = tpu.vector_load %arg11[%swap3A_396] {strides = array<i32>} : memref<16384xi32, #tpu.memory_space<vmem>>, vector<16xi32>,
      %swap3A_398 = vector.shape_cast %swap3A_397 : vector<16xi32> to vector<16xi32>
      %swap3A_399 = vector.shape_cast %add3A_393 : vector<16xi32> to vector<16xi32>
      tpu.vector_store %arg11[%swap3A_396], %swap3A_399 {strides = array<i32>} : memref<16384xi32, #tpu.memory_space<vmem>>, vector<16xi32>,
      %add3A_400 = vector.broadcast %squeeze3A_391 : i32 to vector<16xi32>
      %add3A_401 = arith.addi %add3A_400, %add3A_8 : vector<16xi32>
      %mul3A_402 = arith.constant 32 : i32
      %mul3A_403 = arith.muli %add3A_369, %mul3A_402 : i32
      %add3A_404 = arith.constant 16 : i32
      %add3A_405 = arith.addi %mul3A_403, %add3A_404 : i32
      %swap3A_406 = arith.index_cast %add3A_405 : i32 to index
      %swap3A_407 = tpu.vector_load %arg11[%swap3A_406] {strides = array<i32>} : memref<16384xi32, #tpu.memory_space<vmem>>, vector<16xi32>,
      %swap3A_408 = vector.shape_cast %swap3A_407 : vector<16xi32> to vector<16xi32>
      %swap3A_409 = vector.shape_cast %add3A_401 : vector<16xi32> to vector<16xi32>
      tpu.vector_store %arg11[%swap3A_406], %swap3A_409 {strides = array<i32>} : memref<16384xi32, #tpu.memory_space<vmem>>, vector<16xi32>,
      %mul3A_410 = arith.constant 16 : i32
      %mul3A_411 = arith.muli %scan3A_33, %mul3A_410 : i32
      %add3A_412 = arith.constant 8 : i32
      %add3A_413 = arith.addi %mul3A_411, %add3A_412 : i32
      %slice3A_414 = vector.extract_strided_slice %add3A_45 {offsets = [8], sizes = [1], strides = [1]} : vector<16xi32> to vector<1xi32>
      %squeeze3A_415 = vector.extract %slice3A_414[0] : i32 from vector<1xi32>
      %add3A_416 = vector.broadcast %squeeze3A_415 : i32 to vector<16xi32>
      %add3A_417 = arith.addi %add3A_416, %mul3A_5 : vector<16xi32>
      %mul3A_418 = arith.constant 32 : i32
      %mul3A_419 = arith.muli %add3A_413, %mul3A_418 : i32
      %swap3A_420 = arith.index_cast %mul3A_419 : i32 to index
      %swap3A_421 = tpu.vector_load %arg10[%swap3A_420] {strides = array<i32>} : memref<16384xi32, #tpu.memory_space<vmem>>, vector<16xi32>,
      %swap3A_422 = vector.shape_cast %swap3A_421 : vector<16xi32> to vector<16xi32>
      %swap3A_423 = vector.shape_cast %add3A_417 : vector<16xi32> to vector<16xi32>
      tpu.vector_store %arg10[%swap3A_420], %swap3A_423 {strides = array<i32>} : memref<16384xi32, #tpu.memory_space<vmem>>, vector<16xi32>,
      %add3A_424 = vector.broadcast %squeeze3A_415 : i32 to vector<16xi32>
      %add3A_425 = arith.addi %add3A_424, %add3A_8 : vector<16xi32>
      %mul3A_426 = arith.constant 32 : i32
      %mul3A_427 = arith.muli %add3A_413, %mul3A_426 : i32
      %add3A_428 = arith.constant 16 : i32
      %add3A_429 = arith.addi %mul3A_427, %add3A_428 : i32
      %swap3A_430 = arith.index_cast %add3A_429 : i32 to index
      %swap3A_431 = tpu.vector_load %arg10[%swap3A_430] {strides = array<i32>} : memref<16384xi32, #tpu.memory_space<vmem>>, vector<16xi32>,
      %swap3A_432 = vector.shape_cast %swap3A_431 : vector<16xi32> to vector<16xi32>
      %swap3A_433 = vector.shape_cast %add3A_425 : vector<16xi32> to vector<16xi32>
      tpu.vector_store %arg10[%swap3A_430], %swap3A_433 {strides = array<i32>} : memref<16384xi32, #tpu.memory_space<vmem>>, vector<16xi32>,
      %slice3A_434 = vector.extract_strided_slice %add3A_60 {offsets = [8], sizes = [1], strides = [1]} : vector<16xi32> to vector<1xi32>
      %squeeze3A_435 = vector.extract %slice3A_434[0] : i32 from vector<1xi32>
      %add3A_436 = vector.broadcast %squeeze3A_435 : i32 to vector<16xi32>
      %add3A_437 = arith.addi %add3A_436, %mul3A_5 : vector<16xi32>
      %mul3A_438 = arith.constant 32 : i32
      %mul3A_439 = arith.muli %add3A_413, %mul3A_438 : i32
      %swap3A_440 = arith.index_cast %mul3A_439 : i32 to index
      %swap3A_441 = tpu.vector_load %arg11[%swap3A_440] {strides = array<i32>} : memref<16384xi32, #tpu.memory_space<vmem>>, vector<16xi32>,
      %swap3A_442 = vector.shape_cast %swap3A_441 : vector<16xi32> to vector<16xi32>
      %swap3A_443 = vector.shape_cast %add3A_437 : vector<16xi32> to vector<16xi32>
      tpu.vector_store %arg11[%swap3A_440], %swap3A_443 {strides = array<i32>} : memref<16384xi32, #tpu.memory_space<vmem>>, vector<16xi32>,
      %add3A_444 = vector.broadcast %squeeze3A_435 : i32 to vector<16xi32>
      %add3A_445 = arith.addi %add3A_444, %add3A_8 : vector<16xi32>
      %mul3A_446 = arith.constant 32 : i32
      %mul3A_447 = arith.muli %add3A_413, %mul3A_446 : i32
      %add3A_448 = arith.constant 16 : i32
      %add3A_449 = arith.addi %mul3A_447, %add3A_448 : i32
      %swap3A_450 = arith.index_cast %add3A_449 : i32 to index
      %swap3A_451 = tpu.vector_load %arg11[%swap3A_450] {strides = array<i32>} : memref<16384xi32, #tpu.memory_space<vmem>>, vector<16xi32>,
      %swap3A_452 = vector.shape_cast %swap3A_451 : vector<16xi32> to vector<16xi32>
      %swap3A_453 = vector.shape_cast %add3A_445 : vector<16xi32> to vector<16xi32>
      tpu.vector_store %arg11[%swap3A_450], %swap3A_453 {strides = array<i32>} : memref<16384xi32, #tpu.memory_space<vmem>>, vector<16xi32>,
      %mul3A_454 = arith.constant 16 : i32
      %mul3A_455 = arith.muli %scan3A_33, %mul3A_454 : i32
      %add3A_456 = arith.constant 9 : i32
      %add3A_457 = arith.addi %mul3A_455, %add3A_456 : i32
      %slice3A_458 = vector.extract_strided_slice %add3A_45 {offsets = [9], sizes = [1], strides = [1]} : vector<16xi32> to vector<1xi32>
      %squeeze3A_459 = vector.extract %slice3A_458[0] : i32 from vector<1xi32>
      %add3A_460 = vector.broadcast %squeeze3A_459 : i32 to vector<16xi32>
      %add3A_461 = arith.addi %add3A_460, %mul3A_5 : vector<16xi32>
      %mul3A_462 = arith.constant 32 : i32
      %mul3A_463 = arith.muli %add3A_457, %mul3A_462 : i32
      %swap3A_464 = arith.index_cast %mul3A_463 : i32 to index
      %swap3A_465 = tpu.vector_load %arg10[%swap3A_464] {strides = array<i32>} : memref<16384xi32, #tpu.memory_space<vmem>>, vector<16xi32>,
      %swap3A_466 = vector.shape_cast %swap3A_465 : vector<16xi32> to vector<16xi32>
      %swap3A_467 = vector.shape_cast %add3A_461 : vector<16xi32> to vector<16xi32>
      tpu.vector_store %arg10[%swap3A_464], %swap3A_467 {strides = array<i32>} : memref<16384xi32, #tpu.memory_space<vmem>>, vector<16xi32>,
      %add3A_468 = vector.broadcast %squeeze3A_459 : i32 to vector<16xi32>
      %add3A_469 = arith.addi %add3A_468, %add3A_8 : vector<16xi32>
      %mul3A_470 = arith.constant 32 : i32
      %mul3A_471 = arith.muli %add3A_457, %mul3A_470 : i32
      %add3A_472 = arith.constant 16 : i32
      %add3A_473 = arith.addi %mul3A_471, %add3A_472 : i32
      %swap3A_474 = arith.index_cast %add3A_473 : i32 to index
      %swap3A_475 = tpu.vector_load %arg10[%swap3A_474] {strides = array<i32>} : memref<16384xi32, #tpu.memory_space<vmem>>, vector<16xi32>,
      %swap3A_476 = vector.shape_cast %swap3A_475 : vector<16xi32> to vector<16xi32>
      %swap3A_477 = vector.shape_cast %add3A_469 : vector<16xi32> to vector<16xi32>
      tpu.vector_store %arg10[%swap3A_474], %swap3A_477 {strides = array<i32>} : memref<16384xi32, #tpu.memory_space<vmem>>, vector<16xi32>,
      %slice3A_478 = vector.extract_strided_slice %add3A_60 {offsets = [9], sizes = [1], strides = [1]} : vector<16xi32> to vector<1xi32>
      %squeeze3A_479 = vector.extract %slice3A_478[0] : i32 from vector<1xi32>
      %add3A_480 = vector.broadcast %squeeze3A_479 : i32 to vector<16xi32>
      %add3A_481 = arith.addi %add3A_480, %mul3A_5 : vector<16xi32>
      %mul3A_482 = arith.constant 32 : i32
      %mul3A_483 = arith.muli %add3A_457, %mul3A_482 : i32
      %swap3A_484 = arith.index_cast %mul3A_483 : i32 to index
      %swap3A_485 = tpu.vector_load %arg11[%swap3A_484] {strides = array<i32>} : memref<16384xi32, #tpu.memory_space<vmem>>, vector<16xi32>,
      %swap3A_486 = vector.shape_cast %swap3A_485 : vector<16xi32> to vector<16xi32>
      %swap3A_487 = vector.shape_cast %add3A_481 : vector<16xi32> to vector<16xi32>
      tpu.vector_store %arg11[%swap3A_484], %swap3A_487 {strides = array<i32>} : memref<16384xi32, #tpu.memory_space<vmem>>, vector<16xi32>,
      %add3A_488 = vector.broadcast %squeeze3A_479 : i32 to vector<16xi32>
      %add3A_489 = arith.addi %add3A_488, %add3A_8 : vector<16xi32>
      %mul3A_490 = arith.constant 32 : i32
      %mul3A_491 = arith.muli %add3A_457, %mul3A_490 : i32
      %add3A_492 = arith.constant 16 : i32
      %add3A_493 = arith.addi %mul3A_491, %add3A_492 : i32
      %swap3A_494 = arith.index_cast %add3A_493 : i32 to index
      %swap3A_495 = tpu.vector_load %arg11[%swap3A_494] {strides = array<i32>} : memref<16384xi32, #tpu.memory_space<vmem>>, vector<16xi32>,
      %swap3A_496 = vector.shape_cast %swap3A_495 : vector<16xi32> to vector<16xi32>
      %swap3A_497 = vector.shape_cast %add3A_489 : vector<16xi32> to vector<16xi32>
      tpu.vector_store %arg11[%swap3A_494], %swap3A_497 {strides = array<i32>} : memref<16384xi32, #tpu.memory_space<vmem>>, vector<16xi32>,
      %mul3A_498 = arith.constant 16 : i32
      %mul3A_499 = arith.muli %scan3A_33, %mul3A_498 : i32
      %add3A_500 = arith.constant 10 : i32
      %add3A_501 = arith.addi %mul3A_499, %add3A_500 : i32
      %slice3A_502 = vector.extract_strided_slice %add3A_45 {offsets = [10], sizes = [1], strides = [1]} : vector<16xi32> to vector<1xi32>
      %squeeze3A_503 = vector.extract %slice3A_502[0] : i32 from vector<1xi32>
      %add3A_504 = vector.broadcast %squeeze3A_503 : i32 to vector<16xi32>
      %add3A_505 = arith.addi %add3A_504, %mul3A_5 : vector<16xi32>
      %mul3A_506 = arith.constant 32 : i32
      %mul3A_507 = arith.muli %add3A_501, %mul3A_506 : i32
      %swap3A_508 = arith.index_cast %mul3A_507 : i32 to index
      %swap3A_509 = tpu.vector_load %arg10[%swap3A_508] {strides = array<i32>} : memref<16384xi32, #tpu.memory_space<vmem>>, vector<16xi32>,
      %swap3A_510 = vector.shape_cast %swap3A_509 : vector<16xi32> to vector<16xi32>
      %swap3A_511 = vector.shape_cast %add3A_505 : vector<16xi32> to vector<16xi32>
      tpu.vector_store %arg10[%swap3A_508], %swap3A_511 {strides = array<i32>} : memref<16384xi32, #tpu.memory_space<vmem>>, vector<16xi32>,
      %add3A_512 = vector.broadcast %squeeze3A_503 : i32 to vector<16xi32>
      %add3A_513 = arith.addi %add3A_512, %add3A_8 : vector<16xi32>
      %mul3A_514 = arith.constant 32 : i32
      %mul3A_515 = arith.muli %add3A_501, %mul3A_514 : i32
      %add3A_516 = arith.constant 16 : i32
      %add3A_517 = arith.addi %mul3A_515, %add3A_516 : i32
      %swap3A_518 = arith.index_cast %add3A_517 : i32 to index
      %swap3A_519 = tpu.vector_load %arg10[%swap3A_518] {strides = array<i32>} : memref<16384xi32, #tpu.memory_space<vmem>>, vector<16xi32>,
      %swap3A_520 = vector.shape_cast %swap3A_519 : vector<16xi32> to vector<16xi32>
      %swap3A_521 = vector.shape_cast %add3A_513 : vector<16xi32> to vector<16xi32>
      tpu.vector_store %arg10[%swap3A_518], %swap3A_521 {strides = array<i32>} : memref<16384xi32, #tpu.memory_space<vmem>>, vector<16xi32>,
      %slice3A_522 = vector.extract_strided_slice %add3A_60 {offsets = [10], sizes = [1], strides = [1]} : vector<16xi32> to vector<1xi32>
      %squeeze3A_523 = vector.extract %slice3A_522[0] : i32 from vector<1xi32>
      %add3A_524 = vector.broadcast %squeeze3A_523 : i32 to vector<16xi32>
      %add3A_525 = arith.addi %add3A_524, %mul3A_5 : vector<16xi32>
      %mul3A_526 = arith.constant 32 : i32
      %mul3A_527 = arith.muli %add3A_501, %mul3A_526 : i32
      %swap3A_528 = arith.index_cast %mul3A_527 : i32 to index
      %swap3A_529 = tpu.vector_load %arg11[%swap3A_528] {strides = array<i32>} : memref<16384xi32, #tpu.memory_space<vmem>>, vector<16xi32>,
      %swap3A_530 = vector.shape_cast %swap3A_529 : vector<16xi32> to vector<16xi32>
      %swap3A_531 = vector.shape_cast %add3A_525 : vector<16xi32> to vector<16xi32>
      tpu.vector_store %arg11[%swap3A_528], %swap3A_531 {strides = array<i32>} : memref<16384xi32, #tpu.memory_space<vmem>>, vector<16xi32>,
      %add3A_532 = vector.broadcast %squeeze3A_523 : i32 to vector<16xi32>
      %add3A_533 = arith.addi %add3A_532, %add3A_8 : vector<16xi32>
      %mul3A_534 = arith.constant 32 : i32
      %mul3A_535 = arith.muli %add3A_501, %mul3A_534 : i32
      %add3A_536 = arith.constant 16 : i32
      %add3A_537 = arith.addi %mul3A_535, %add3A_536 : i32
      %swap3A_538 = arith.index_cast %add3A_537 : i32 to index
      %swap3A_539 = tpu.vector_load %arg11[%swap3A_538] {strides = array<i32>} : memref<16384xi32, #tpu.memory_space<vmem>>, vector<16xi32>,
      %swap3A_540 = vector.shape_cast %swap3A_539 : vector<16xi32> to vector<16xi32>
      %swap3A_541 = vector.shape_cast %add3A_533 : vector<16xi32> to vector<16xi32>
      tpu.vector_store %arg11[%swap3A_538], %swap3A_541 {strides = array<i32>} : memref<16384xi32, #tpu.memory_space<vmem>>, vector<16xi32>,
      %mul3A_542 = arith.constant 16 : i32
      %mul3A_543 = arith.muli %scan3A_33, %mul3A_542 : i32
      %add3A_544 = arith.constant 11 : i32
      %add3A_545 = arith.addi %mul3A_543, %add3A_544 : i32
      %slice3A_546 = vector.extract_strided_slice %add3A_45 {offsets = [11], sizes = [1], strides = [1]} : vector<16xi32> to vector<1xi32>
      %squeeze3A_547 = vector.extract %slice3A_546[0] : i32 from vector<1xi32>
      %add3A_548 = vector.broadcast %squeeze3A_547 : i32 to vector<16xi32>
      %add3A_549 = arith.addi %add3A_548, %mul3A_5 : vector<16xi32>
      %mul3A_550 = arith.constant 32 : i32
      %mul3A_551 = arith.muli %add3A_545, %mul3A_550 : i32
      %swap3A_552 = arith.index_cast %mul3A_551 : i32 to index
      %swap3A_553 = tpu.vector_load %arg10[%swap3A_552] {strides = array<i32>} : memref<16384xi32, #tpu.memory_space<vmem>>, vector<16xi32>,
      %swap3A_554 = vector.shape_cast %swap3A_553 : vector<16xi32> to vector<16xi32>
      %swap3A_555 = vector.shape_cast %add3A_549 : vector<16xi32> to vector<16xi32>
      tpu.vector_store %arg10[%swap3A_552], %swap3A_555 {strides = array<i32>} : memref<16384xi32, #tpu.memory_space<vmem>>, vector<16xi32>,
      %add3A_556 = vector.broadcast %squeeze3A_547 : i32 to vector<16xi32>
      %add3A_557 = arith.addi %add3A_556, %add3A_8 : vector<16xi32>
      %mul3A_558 = arith.constant 32 : i32
      %mul3A_559 = arith.muli %add3A_545, %mul3A_558 : i32
      %add3A_560 = arith.constant 16 : i32
      %add3A_561 = arith.addi %mul3A_559, %add3A_560 : i32
      %swap3A_562 = arith.index_cast %add3A_561 : i32 to index
      %swap3A_563 = tpu.vector_load %arg10[%swap3A_562] {strides = array<i32>} : memref<16384xi32, #tpu.memory_space<vmem>>, vector<16xi32>,
      %swap3A_564 = vector.shape_cast %swap3A_563 : vector<16xi32> to vector<16xi32>
      %swap3A_565 = vector.shape_cast %add3A_557 : vector<16xi32> to vector<16xi32>
      tpu.vector_store %arg10[%swap3A_562], %swap3A_565 {strides = array<i32>} : memref<16384xi32, #tpu.memory_space<vmem>>, vector<16xi32>,
      %slice3A_566 = vector.extract_strided_slice %add3A_60 {offsets = [11], sizes = [1], strides = [1]} : vector<16xi32> to vector<1xi32>
      %squeeze3A_567 = vector.extract %slice3A_566[0] : i32 from vector<1xi32>
      %add3A_568 = vector.broadcast %squeeze3A_567 : i32 to vector<16xi32>
      %add3A_569 = arith.addi %add3A_568, %mul3A_5 : vector<16xi32>
      %mul3A_570 = arith.constant 32 : i32
      %mul3A_571 = arith.muli %add3A_545, %mul3A_570 : i32
      %swap3A_572 = arith.index_cast %mul3A_571 : i32 to index
      %swap3A_573 = tpu.vector_load %arg11[%swap3A_572] {strides = array<i32>} : memref<16384xi32, #tpu.memory_space<vmem>>, vector<16xi32>,
      %swap3A_574 = vector.shape_cast %swap3A_573 : vector<16xi32> to vector<16xi32>
      %swap3A_575 = vector.shape_cast %add3A_569 : vector<16xi32> to vector<16xi32>
      tpu.vector_store %arg11[%swap3A_572], %swap3A_575 {strides = array<i32>} : memref<16384xi32, #tpu.memory_space<vmem>>, vector<16xi32>,
      %add3A_576 = vector.broadcast %squeeze3A_567 : i32 to vector<16xi32>
      %add3A_577 = arith.addi %add3A_576, %add3A_8 : vector<16xi32>
      %mul3A_578 = arith.constant 32 : i32
      %mul3A_579 = arith.muli %add3A_545, %mul3A_578 : i32
      %add3A_580 = arith.constant 16 : i32
      %add3A_581 = arith.addi %mul3A_579, %add3A_580 : i32
      %swap3A_582 = arith.index_cast %add3A_581 : i32 to index
      %swap3A_583 = tpu.vector_load %arg11[%swap3A_582] {strides = array<i32>} : memref<16384xi32, #tpu.memory_space<vmem>>, vector<16xi32>,
      %swap3A_584 = vector.shape_cast %swap3A_583 : vector<16xi32> to vector<16xi32>
      %swap3A_585 = vector.shape_cast %add3A_577 : vector<16xi32> to vector<16xi32>
      tpu.vector_store %arg11[%swap3A_582], %swap3A_585 {strides = array<i32>} : memref<16384xi32, #tpu.memory_space<vmem>>, vector<16xi32>,
      %mul3A_586 = arith.constant 16 : i32
      %mul3A_587 = arith.muli %scan3A_33, %mul3A_586 : i32
      %add3A_588 = arith.constant 12 : i32
      %add3A_589 = arith.addi %mul3A_587, %add3A_588 : i32
      %slice3A_590 = vector.extract_strided_slice %add3A_45 {offsets = [12], sizes = [1], strides = [1]} : vector<16xi32> to vector<1xi32>
      %squeeze3A_591 = vector.extract %slice3A_590[0] : i32 from vector<1xi32>
      %add3A_592 = vector.broadcast %squeeze3A_591 : i32 to vector<16xi32>
      %add3A_593 = arith.addi %add3A_592, %mul3A_5 : vector<16xi32>
      %mul3A_594 = arith.constant 32 : i32
      %mul3A_595 = arith.muli %add3A_589, %mul3A_594 : i32
      %swap3A_596 = arith.index_cast %mul3A_595 : i32 to index
      %swap3A_597 = tpu.vector_load %arg10[%swap3A_596] {strides = array<i32>} : memref<16384xi32, #tpu.memory_space<vmem>>, vector<16xi32>,
      %swap3A_598 = vector.shape_cast %swap3A_597 : vector<16xi32> to vector<16xi32>
      %swap3A_599 = vector.shape_cast %add3A_593 : vector<16xi32> to vector<16xi32>
      tpu.vector_store %arg10[%swap3A_596], %swap3A_599 {strides = array<i32>} : memref<16384xi32, #tpu.memory_space<vmem>>, vector<16xi32>,
      %add3A_600 = vector.broadcast %squeeze3A_591 : i32 to vector<16xi32>
      %add3A_601 = arith.addi %add3A_600, %add3A_8 : vector<16xi32>
      %mul3A_602 = arith.constant 32 : i32
      %mul3A_603 = arith.muli %add3A_589, %mul3A_602 : i32
      %add3A_604 = arith.constant 16 : i32
      %add3A_605 = arith.addi %mul3A_603, %add3A_604 : i32
      %swap3A_606 = arith.index_cast %add3A_605 : i32 to index
      %swap3A_607 = tpu.vector_load %arg10[%swap3A_606] {strides = array<i32>} : memref<16384xi32, #tpu.memory_space<vmem>>, vector<16xi32>,
      %swap3A_608 = vector.shape_cast %swap3A_607 : vector<16xi32> to vector<16xi32>
      %swap3A_609 = vector.shape_cast %add3A_601 : vector<16xi32> to vector<16xi32>
      tpu.vector_store %arg10[%swap3A_606], %swap3A_609 {strides = array<i32>} : memref<16384xi32, #tpu.memory_space<vmem>>, vector<16xi32>,
      %slice3A_610 = vector.extract_strided_slice %add3A_60 {offsets = [12], sizes = [1], strides = [1]} : vector<16xi32> to vector<1xi32>
      %squeeze3A_611 = vector.extract %slice3A_610[0] : i32 from vector<1xi32>
      %add3A_612 = vector.broadcast %squeeze3A_611 : i32 to vector<16xi32>
      %add3A_613 = arith.addi %add3A_612, %mul3A_5 : vector<16xi32>
      %mul3A_614 = arith.constant 32 : i32
      %mul3A_615 = arith.muli %add3A_589, %mul3A_614 : i32
      %swap3A_616 = arith.index_cast %mul3A_615 : i32 to index
      %swap3A_617 = tpu.vector_load %arg11[%swap3A_616] {strides = array<i32>} : memref<16384xi32, #tpu.memory_space<vmem>>, vector<16xi32>,
      %swap3A_618 = vector.shape_cast %swap3A_617 : vector<16xi32> to vector<16xi32>
      %swap3A_619 = vector.shape_cast %add3A_613 : vector<16xi32> to vector<16xi32>
      tpu.vector_store %arg11[%swap3A_616], %swap3A_619 {strides = array<i32>} : memref<16384xi32, #tpu.memory_space<vmem>>, vector<16xi32>,
      %add3A_620 = vector.broadcast %squeeze3A_611 : i32 to vector<16xi32>
      %add3A_621 = arith.addi %add3A_620, %add3A_8 : vector<16xi32>
      %mul3A_622 = arith.constant 32 : i32
      %mul3A_623 = arith.muli %add3A_589, %mul3A_622 : i32
      %add3A_624 = arith.constant 16 : i32
      %add3A_625 = arith.addi %mul3A_623, %add3A_624 : i32
      %swap3A_626 = arith.index_cast %add3A_625 : i32 to index
      %swap3A_627 = tpu.vector_load %arg11[%swap3A_626] {strides = array<i32>} : memref<16384xi32, #tpu.memory_space<vmem>>, vector<16xi32>,
      %swap3A_628 = vector.shape_cast %swap3A_627 : vector<16xi32> to vector<16xi32>
      %swap3A_629 = vector.shape_cast %add3A_621 : vector<16xi32> to vector<16xi32>
      tpu.vector_store %arg11[%swap3A_626], %swap3A_629 {strides = array<i32>} : memref<16384xi32, #tpu.memory_space<vmem>>, vector<16xi32>,
      %mul3A_630 = arith.constant 16 : i32
      %mul3A_631 = arith.muli %scan3A_33, %mul3A_630 : i32
      %add3A_632 = arith.constant 13 : i32
      %add3A_633 = arith.addi %mul3A_631, %add3A_632 : i32
      %slice3A_634 = vector.extract_strided_slice %add3A_45 {offsets = [13], sizes = [1], strides = [1]} : vector<16xi32> to vector<1xi32>
      %squeeze3A_635 = vector.extract %slice3A_634[0] : i32 from vector<1xi32>
      %add3A_636 = vector.broadcast %squeeze3A_635 : i32 to vector<16xi32>
      %add3A_637 = arith.addi %add3A_636, %mul3A_5 : vector<16xi32>
      %mul3A_638 = arith.constant 32 : i32
      %mul3A_639 = arith.muli %add3A_633, %mul3A_638 : i32
      %swap3A_640 = arith.index_cast %mul3A_639 : i32 to index
      %swap3A_641 = tpu.vector_load %arg10[%swap3A_640] {strides = array<i32>} : memref<16384xi32, #tpu.memory_space<vmem>>, vector<16xi32>,
      %swap3A_642 = vector.shape_cast %swap3A_641 : vector<16xi32> to vector<16xi32>
      %swap3A_643 = vector.shape_cast %add3A_637 : vector<16xi32> to vector<16xi32>
      tpu.vector_store %arg10[%swap3A_640], %swap3A_643 {strides = array<i32>} : memref<16384xi32, #tpu.memory_space<vmem>>, vector<16xi32>,
      %add3A_644 = vector.broadcast %squeeze3A_635 : i32 to vector<16xi32>
      %add3A_645 = arith.addi %add3A_644, %add3A_8 : vector<16xi32>
      %mul3A_646 = arith.constant 32 : i32
      %mul3A_647 = arith.muli %add3A_633, %mul3A_646 : i32
      %add3A_648 = arith.constant 16 : i32
      %add3A_649 = arith.addi %mul3A_647, %add3A_648 : i32
      %swap3A_650 = arith.index_cast %add3A_649 : i32 to index
      %swap3A_651 = tpu.vector_load %arg10[%swap3A_650] {strides = array<i32>} : memref<16384xi32, #tpu.memory_space<vmem>>, vector<16xi32>,
      %swap3A_652 = vector.shape_cast %swap3A_651 : vector<16xi32> to vector<16xi32>
      %swap3A_653 = vector.shape_cast %add3A_645 : vector<16xi32> to vector<16xi32>
      tpu.vector_store %arg10[%swap3A_650], %swap3A_653 {strides = array<i32>} : memref<16384xi32, #tpu.memory_space<vmem>>, vector<16xi32>,
      %slice3A_654 = vector.extract_strided_slice %add3A_60 {offsets = [13], sizes = [1], strides = [1]} : vector<16xi32> to vector<1xi32>
      %squeeze3A_655 = vector.extract %slice3A_654[0] : i32 from vector<1xi32>
      %add3A_656 = vector.broadcast %squeeze3A_655 : i32 to vector<16xi32>
      %add3A_657 = arith.addi %add3A_656, %mul3A_5 : vector<16xi32>
      %mul3A_658 = arith.constant 32 : i32
      %mul3A_659 = arith.muli %add3A_633, %mul3A_658 : i32
      %swap3A_660 = arith.index_cast %mul3A_659 : i32 to index
      %swap3A_661 = tpu.vector_load %arg11[%swap3A_660] {strides = array<i32>} : memref<16384xi32, #tpu.memory_space<vmem>>, vector<16xi32>,
      %swap3A_662 = vector.shape_cast %swap3A_661 : vector<16xi32> to vector<16xi32>
      %swap3A_663 = vector.shape_cast %add3A_657 : vector<16xi32> to vector<16xi32>
      tpu.vector_store %arg11[%swap3A_660], %swap3A_663 {strides = array<i32>} : memref<16384xi32, #tpu.memory_space<vmem>>, vector<16xi32>,
      %add3A_664 = vector.broadcast %squeeze3A_655 : i32 to vector<16xi32>
      %add3A_665 = arith.addi %add3A_664, %add3A_8 : vector<16xi32>
      %mul3A_666 = arith.constant 32 : i32
      %mul3A_667 = arith.muli %add3A_633, %mul3A_666 : i32
      %add3A_668 = arith.constant 16 : i32
      %add3A_669 = arith.addi %mul3A_667, %add3A_668 : i32
      %swap3A_670 = arith.index_cast %add3A_669 : i32 to index
      %swap3A_671 = tpu.vector_load %arg11[%swap3A_670] {strides = array<i32>} : memref<16384xi32, #tpu.memory_space<vmem>>, vector<16xi32>,
      %swap3A_672 = vector.shape_cast %swap3A_671 : vector<16xi32> to vector<16xi32>
      %swap3A_673 = vector.shape_cast %add3A_665 : vector<16xi32> to vector<16xi32>
      tpu.vector_store %arg11[%swap3A_670], %swap3A_673 {strides = array<i32>} : memref<16384xi32, #tpu.memory_space<vmem>>, vector<16xi32>,
      %mul3A_674 = arith.constant 16 : i32
      %mul3A_675 = arith.muli %scan3A_33, %mul3A_674 : i32
      %add3A_676 = arith.constant 14 : i32
      %add3A_677 = arith.addi %mul3A_675, %add3A_676 : i32
      %slice3A_678 = vector.extract_strided_slice %add3A_45 {offsets = [14], sizes = [1], strides = [1]} : vector<16xi32> to vector<1xi32>
      %squeeze3A_679 = vector.extract %slice3A_678[0] : i32 from vector<1xi32>
      %add3A_680 = vector.broadcast %squeeze3A_679 : i32 to vector<16xi32>
      %add3A_681 = arith.addi %add3A_680, %mul3A_5 : vector<16xi32>
      %mul3A_682 = arith.constant 32 : i32
      %mul3A_683 = arith.muli %add3A_677, %mul3A_682 : i32
      %swap3A_684 = arith.index_cast %mul3A_683 : i32 to index
      %swap3A_685 = tpu.vector_load %arg10[%swap3A_684] {strides = array<i32>} : memref<16384xi32, #tpu.memory_space<vmem>>, vector<16xi32>,
      %swap3A_686 = vector.shape_cast %swap3A_685 : vector<16xi32> to vector<16xi32>
      %swap3A_687 = vector.shape_cast %add3A_681 : vector<16xi32> to vector<16xi32>
      tpu.vector_store %arg10[%swap3A_684], %swap3A_687 {strides = array<i32>} : memref<16384xi32, #tpu.memory_space<vmem>>, vector<16xi32>,
      %add3A_688 = vector.broadcast %squeeze3A_679 : i32 to vector<16xi32>
      %add3A_689 = arith.addi %add3A_688, %add3A_8 : vector<16xi32>
      %mul3A_690 = arith.constant 32 : i32
      %mul3A_691 = arith.muli %add3A_677, %mul3A_690 : i32
      %add3A_692 = arith.constant 16 : i32
      %add3A_693 = arith.addi %mul3A_691, %add3A_692 : i32
      %swap3A_694 = arith.index_cast %add3A_693 : i32 to index
      %swap3A_695 = tpu.vector_load %arg10[%swap3A_694] {strides = array<i32>} : memref<16384xi32, #tpu.memory_space<vmem>>, vector<16xi32>,
      %swap3A_696 = vector.shape_cast %swap3A_695 : vector<16xi32> to vector<16xi32>
      %swap3A_697 = vector.shape_cast %add3A_689 : vector<16xi32> to vector<16xi32>
      tpu.vector_store %arg10[%swap3A_694], %swap3A_697 {strides = array<i32>} : memref<16384xi32, #tpu.memory_space<vmem>>, vector<16xi32>,
      %slice3A_698 = vector.extract_strided_slice %add3A_60 {offsets = [14], sizes = [1], strides = [1]} : vector<16xi32> to vector<1xi32>
      %squeeze3A_699 = vector.extract %slice3A_698[0] : i32 from vector<1xi32>
      %add3A_700 = vector.broadcast %squeeze3A_699 : i32 to vector<16xi32>
      %add3A_701 = arith.addi %add3A_700, %mul3A_5 : vector<16xi32>
      %mul3A_702 = arith.constant 32 : i32
      %mul3A_703 = arith.muli %add3A_677, %mul3A_702 : i32
      %swap3A_704 = arith.index_cast %mul3A_703 : i32 to index
      %swap3A_705 = tpu.vector_load %arg11[%swap3A_704] {strides = array<i32>} : memref<16384xi32, #tpu.memory_space<vmem>>, vector<16xi32>,
      %swap3A_706 = vector.shape_cast %swap3A_705 : vector<16xi32> to vector<16xi32>
      %swap3A_707 = vector.shape_cast %add3A_701 : vector<16xi32> to vector<16xi32>
      tpu.vector_store %arg11[%swap3A_704], %swap3A_707 {strides = array<i32>} : memref<16384xi32, #tpu.memory_space<vmem>>, vector<16xi32>,
      %add3A_708 = vector.broadcast %squeeze3A_699 : i32 to vector<16xi32>
      %add3A_709 = arith.addi %add3A_708, %add3A_8 : vector<16xi32>
      %mul3A_710 = arith.constant 32 : i32
      %mul3A_711 = arith.muli %add3A_677, %mul3A_710 : i32
      %add3A_712 = arith.constant 16 : i32
      %add3A_713 = arith.addi %mul3A_711, %add3A_712 : i32
      %swap3A_714 = arith.index_cast %add3A_713 : i32 to index
      %swap3A_715 = tpu.vector_load %arg11[%swap3A_714] {strides = array<i32>} : memref<16384xi32, #tpu.memory_space<vmem>>, vector<16xi32>,
      %swap3A_716 = vector.shape_cast %swap3A_715 : vector<16xi32> to vector<16xi32>
      %swap3A_717 = vector.shape_cast %add3A_709 : vector<16xi32> to vector<16xi32>
      tpu.vector_store %arg11[%swap3A_714], %swap3A_717 {strides = array<i32>} : memref<16384xi32, #tpu.memory_space<vmem>>, vector<16xi32>,
      %mul3A_718 = arith.constant 16 : i32
      %mul3A_719 = arith.muli %scan3A_33, %mul3A_718 : i32
      %add3A_720 = arith.constant 15 : i32
      %add3A_721 = arith.addi %mul3A_719, %add3A_720 : i32
      %slice3A_722 = vector.extract_strided_slice %add3A_45 {offsets = [15], sizes = [1], strides = [1]} : vector<16xi32> to vector<1xi32>
      %squeeze3A_723 = vector.extract %slice3A_722[0] : i32 from vector<1xi32>
      %add3A_724 = vector.broadcast %squeeze3A_723 : i32 to vector<16xi32>
      %add3A_725 = arith.addi %add3A_724, %mul3A_5 : vector<16xi32>
      %mul3A_726 = arith.constant 32 : i32
      %mul3A_727 = arith.muli %add3A_721, %mul3A_726 : i32
      %swap3A_728 = arith.index_cast %mul3A_727 : i32 to index
      %swap3A_729 = tpu.vector_load %arg10[%swap3A_728] {strides = array<i32>} : memref<16384xi32, #tpu.memory_space<vmem>>, vector<16xi32>,
      %swap3A_730 = vector.shape_cast %swap3A_729 : vector<16xi32> to vector<16xi32>
      %swap3A_731 = vector.shape_cast %add3A_725 : vector<16xi32> to vector<16xi32>
      tpu.vector_store %arg10[%swap3A_728], %swap3A_731 {strides = array<i32>} : memref<16384xi32, #tpu.memory_space<vmem>>, vector<16xi32>,
      %add3A_732 = vector.broadcast %squeeze3A_723 : i32 to vector<16xi32>
      %add3A_733 = arith.addi %add3A_732, %add3A_8 : vector<16xi32>
      %mul3A_734 = arith.constant 32 : i32
      %mul3A_735 = arith.muli %add3A_721, %mul3A_734 : i32
      %add3A_736 = arith.constant 16 : i32
      %add3A_737 = arith.addi %mul3A_735, %add3A_736 : i32
      %swap3A_738 = arith.index_cast %add3A_737 : i32 to index
      %swap3A_739 = tpu.vector_load %arg10[%swap3A_738] {strides = array<i32>} : memref<16384xi32, #tpu.memory_space<vmem>>, vector<16xi32>,
      %swap3A_740 = vector.shape_cast %swap3A_739 : vector<16xi32> to vector<16xi32>
      %swap3A_741 = vector.shape_cast %add3A_733 : vector<16xi32> to vector<16xi32>
      tpu.vector_store %arg10[%swap3A_738], %swap3A_741 {strides = array<i32>} : memref<16384xi32, #tpu.memory_space<vmem>>, vector<16xi32>,
      %slice3A_742 = vector.extract_strided_slice %add3A_60 {offsets = [15], sizes = [1], strides = [1]} : vector<16xi32> to vector<1xi32>
      %squeeze3A_743 = vector.extract %slice3A_742[0] : i32 from vector<1xi32>
      %add3A_744 = vector.broadcast %squeeze3A_743 : i32 to vector<16xi32>
      %add3A_745 = arith.addi %add3A_744, %mul3A_5 : vector<16xi32>
      %mul3A_746 = arith.constant 32 : i32
      %mul3A_747 = arith.muli %add3A_721, %mul3A_746 : i32
      %swap3A_748 = arith.index_cast %mul3A_747 : i32 to index
      %swap3A_749 = tpu.vector_load %arg11[%swap3A_748] {strides = array<i32>} : memref<16384xi32, #tpu.memory_space<vmem>>, vector<16xi32>,
      %swap3A_750 = vector.shape_cast %swap3A_749 : vector<16xi32> to vector<16xi32>
      %swap3A_751 = vector.shape_cast %add3A_745 : vector<16xi32> to vector<16xi32>
      tpu.vector_store %arg11[%swap3A_748], %swap3A_751 {strides = array<i32>} : memref<16384xi32, #tpu.memory_space<vmem>>, vector<16xi32>,
      %add3A_752 = vector.broadcast %squeeze3A_743 : i32 to vector<16xi32>
      %add3A_753 = arith.addi %add3A_752, %add3A_8 : vector<16xi32>
      %mul3A_754 = arith.constant 32 : i32
      %mul3A_755 = arith.muli %add3A_721, %mul3A_754 : i32
      %add3A_756 = arith.constant 16 : i32
      %add3A_757 = arith.addi %mul3A_755, %add3A_756 : i32
      %swap3A_758 = arith.index_cast %add3A_757 : i32 to index
      %swap3A_759 = tpu.vector_load %arg11[%swap3A_758] {strides = array<i32>} : memref<16384xi32, #tpu.memory_space<vmem>>, vector<16xi32>,
      %swap3A_760 = vector.shape_cast %swap3A_759 : vector<16xi32> to vector<16xi32>
      %swap3A_761 = vector.shape_cast %add3A_753 : vector<16xi32> to vector<16xi32>
      tpu.vector_store %arg11[%swap3A_758], %swap3A_761 {strides = array<i32>} : memref<16384xi32, #tpu.memory_space<vmem>>, vector<16xi32>,
      %scan3A_762 = arith.constant 0 : i32
      scf.yield %scan3A_762 : i32
    }
    %scan3A_14 = arith.constant 32 : i32
    %scan3A_15 = arith.constant 0 : i32
    %scan3A_16 = arith.constant 0 : i32
    %scan3A_17 = arith.constant 128 : i32
    %scan3A_18 = arith.addi %scan3A_16, %scan3A_17 : i32
    %scan3A_19 = arith.constant 1 : i32
    %scan3A_20 = scf.for %scan3A_33 = %scan3A_16 to %scan3A_18 step %scan3A_19 iter_args(%scan3A_34 = %scan3A_15) -> (i32)  : i32 {
      %mul3A_35 = arith.constant 128 : i32
      %mul3A_36 = arith.muli %scan3A_33, %mul3A_35 : i32
      %mul3A_37 = arith.constant 128 : i32
      %mul3A_38 = arith.muli %scan3A_33, %mul3A_37 : i32
      %dma_start3A = tpu.memref_slice %arg12[%mul3A_38] : memref<16384xf32, #tpu.memory_space<vmem>> -> memref<128xf32, #tpu.memory_space<vmem>>
      %dma_start3A_39 = tpu.memref_slice %arg10[%mul3A_36] : memref<16384xi32, #tpu.memory_space<vmem>> -> memref<128xi32, #tpu.memory_space<vmem>>
      %dma_start3A_40 = arith.constant 0 : i32
      %dma_start3A_41 = tpu.memref_slice %arg4[%dma_start3A_40] : memref<32014336xf32, #tpu.memory_space<hbm>> -> memref<32014336xf32, #tpu.memory_space<hbm>>
      tpu.enqueue_indirect_dma source(%dma_start3A_41 : memref<32014336xf32, #tpu.memory_space<hbm>>) target(%dma_start3A : memref<128xf32, #tpu.memory_space<vmem>>) offsets(%dma_start3A_39 : memref<128xi32, #tpu.memory_space<vmem>>) semaphore(%arg14 : memref<!tpu.dma_semaphore, #tpu.memory_space<semaphore_mem>>)
      %mul3A_42 = arith.constant 128 : i32
      %mul3A_43 = arith.muli %scan3A_33, %mul3A_42 : i32
      %mul3A_44 = arith.constant 128 : i32
      %mul3A_45 = arith.muli %scan3A_33, %mul3A_44 : i32
      %dma_start3A_46 = tpu.memref_slice %arg13[%mul3A_45] : memref<16384xf32, #tpu.memory_space<vmem>> -> memref<128xf32, #tpu.memory_space<vmem>>
      %dma_start3A_47 = tpu.memref_slice %arg11[%mul3A_43] : memref<16384xi32, #tpu.memory_space<vmem>> -> memref<128xi32, #tpu.memory_space<vmem>>
      %dma_start3A_48 = arith.constant 0 : i32
      %dma_start3A_49 = tpu.memref_slice %arg5[%dma_start3A_48] : memref<32014336xf32, #tpu.memory_space<hbm>> -> memref<32014336xf32, #tpu.memory_space<hbm>>
      tpu.enqueue_indirect_dma source(%dma_start3A_49 : memref<32014336xf32, #tpu.memory_space<hbm>>) target(%dma_start3A_46 : memref<128xf32, #tpu.memory_space<vmem>>) offsets(%dma_start3A_47 : memref<128xi32, #tpu.memory_space<vmem>>) semaphore(%arg15 : memref<!tpu.dma_semaphore, #tpu.memory_space<semaphore_mem>>)
      %scan3A_50 = arith.constant 0 : i32
      scf.yield %scan3A_50 : i32
    }
    %scan3A_21 = arith.constant 128 : i32
    %scan3A_22 = arith.constant 0 : i32
    %scan3A_23 = arith.constant 0 : i32
    %scan3A_24 = arith.constant 128 : i32
    %scan3A_25 = arith.addi %scan3A_23, %scan3A_24 : i32
    %scan3A_26 = arith.constant 1 : i32
    %scan3A_27 = scf.for %scan3A_33 = %scan3A_23 to %scan3A_25 step %scan3A_26 iter_args(%scan3A_34 = %scan3A_22) -> (i32)  : i32 {
      %dma_wait3A = arith.constant 0 : i32
      %dma_wait3A_35 = tpu.memref_slice %arg12[%dma_wait3A] : memref<16384xf32, #tpu.memory_space<vmem>> -> memref<128xf32, #tpu.memory_space<vmem>>
      %dma_wait3A_36 = arith.constant 0 : i32
      %dma_wait3A_37 = tpu.memref_slice %arg10[%dma_wait3A_36] : memref<16384xi32, #tpu.memory_space<vmem>> -> memref<128xi32, #tpu.memory_space<vmem>>
      %dma_wait3A_38 = arith.constant 0 : i32
      %dma_wait3A_39 = tpu.memref_slice %arg4[%dma_wait3A_38] : memref<32014336xf32, #tpu.memory_space<hbm>> -> memref<32014336xf32, #tpu.memory_space<hbm>>
      tpu.wait_indirect_dma semaphore(%arg14 : memref<!tpu.dma_semaphore, #tpu.memory_space<semaphore_mem>>) src(%dma_wait3A_39 : memref<32014336xf32, #tpu.memory_space<hbm>>) dst(%dma_wait3A_35 : memref<128xf32, #tpu.memory_space<vmem>>)
      %dma_wait3A_40 = arith.constant 0 : i32
      %dma_wait3A_41 = tpu.memref_slice %arg13[%dma_wait3A_40] : memref<16384xf32, #tpu.memory_space<vmem>> -> memref<128xf32, #tpu.memory_space<vmem>>
      %dma_wait3A_42 = arith.constant 0 : i32
      %dma_wait3A_43 = tpu.memref_slice %arg11[%dma_wait3A_42] : memref<16384xi32, #tpu.memory_space<vmem>> -> memref<128xi32, #tpu.memory_space<vmem>>
      %dma_wait3A_44 = arith.constant 0 : i32
      %dma_wait3A_45 = tpu.memref_slice %arg5[%dma_wait3A_44] : memref<32014336xf32, #tpu.memory_space<hbm>> -> memref<32014336xf32, #tpu.memory_space<hbm>>
      tpu.wait_indirect_dma semaphore(%arg15 : memref<!tpu.dma_semaphore, #tpu.memory_space<semaphore_mem>>) src(%dma_wait3A_45 : memref<32014336xf32, #tpu.memory_space<hbm>>) dst(%dma_wait3A_41 : memref<128xf32, #tpu.memory_space<vmem>>)
      %scan3A_46 = arith.constant 0 : i32
      scf.yield %scan3A_46 : i32
    }
    %scan3A_28 = arith.constant 128 : i32
    %mul3A_29 = arith.constant 32 : i32
    %mul3A_30 = arith.muli %mul3A_2, %mul3A_29 : i32
    "tpu.region"() ({
      %run_scoped3A = tpu.sem_alloc : memref<!tpu.dma_semaphore, #tpu.memory_space<semaphore_mem>>
      %dma_start3A = tpu.memref_slice %arg6[%mul3A_30] : memref<524288xf32, #tpu.memory_space<hbm>> -> memref<16384xf32, #tpu.memory_space<hbm>>
      %dma_start3A_33 = tpu.memref_slice %arg6[%mul3A_30] : memref<524288xf32, #tpu.memory_space<hbm>> -> memref<16384xf32, #tpu.memory_space<hbm>>
      tpu.enqueue_dma source(%arg12 : memref<16384xf32, #tpu.memory_space<vmem>>) target(%dma_start3A_33 : memref<16384xf32, #tpu.memory_space<hbm>>) target_semaphore(%run_scoped3A : memref<!tpu.dma_semaphore, #tpu.memory_space<semaphore_mem>>)
      %dma_wait3A = tpu.memref_slice %arg6[%mul3A_30] : memref<524288xf32, #tpu.memory_space<hbm>> -> memref<16384xf32, #tpu.memory_space<hbm>>
      %dma_wait3A_34 = tpu.memref_slice %arg6[%mul3A_30] : memref<524288xf32, #tpu.memory_space<hbm>> -> memref<16384xf32, #tpu.memory_space<hbm>>
      tpu.wait_dma2 semaphore(%run_scoped3A : memref<!tpu.dma_semaphore, #tpu.memory_space<semaphore_mem>>) src(%arg12 : memref<16384xf32, #tpu.memory_space<vmem>>) dst(%dma_wait3A_34 : memref<16384xf32, #tpu.memory_space<hbm>>)
      tpu.yield
    }) : () -> ()
    %mul3A_31 = arith.constant 32 : i32
    %mul3A_32 = arith.muli %mul3A_2, %mul3A_31 : i32
    "tpu.region"() ({
      %run_scoped3A = tpu.sem_alloc : memref<!tpu.dma_semaphore, #tpu.memory_space<semaphore_mem>>
      %dma_start3A = tpu.memref_slice %arg7[%mul3A_32] : memref<524288xf32, #tpu.memory_space<hbm>> -> memref<16384xf32, #tpu.memory_space<hbm>>
      %dma_start3A_33 = tpu.memref_slice %arg7[%mul3A_32] : memref<524288xf32, #tpu.memory_space<hbm>> -> memref<16384xf32, #tpu.memory_space<hbm>>
      tpu.enqueue_dma source(%arg13 : memref<16384xf32, #tpu.memory_space<vmem>>) target(%dma_start3A_33 : memref<16384xf32, #tpu.memory_space<hbm>>) target_semaphore(%run_scoped3A : memref<!tpu.dma_semaphore, #tpu.memory_space<semaphore_mem>>)
      %dma_wait3A = tpu.memref_slice %arg7[%mul3A_32] : memref<524288xf32, #tpu.memory_space<hbm>> -> memref<16384xf32, #tpu.memory_space<hbm>>
      %dma_wait3A_34 = tpu.memref_slice %arg7[%mul3A_32] : memref<524288xf32, #tpu.memory_space<hbm>> -> memref<16384xf32, #tpu.memory_space<hbm>>
      tpu.wait_dma2 semaphore(%run_scoped3A : memref<!tpu.dma_semaphore, #tpu.memory_space<semaphore_mem>>) src(%arg13 : memref<16384xf32, #tpu.memory_space<vmem>>) dst(%dma_wait3A_34 : memref<16384xf32, #tpu.memory_space<hbm>>)
      tpu.yield
    }) : () -> ()
    return
  }
}

module attributes {stable_mosaic.version = 14 : i64} {
  func.func @_mlp_body(%arg0: i32, %arg1: memref<2048x32xf32, #tpu.memory_space<vmem>>, %arg2: memref<2048x32xf32, #tpu.memory_space<vmem>>, %arg3: memref<64x32xf32, #tpu.memory_space<vmem>>, %arg4: memref<64x32xf32, #tpu.memory_space<vmem>>, %arg5: memref<64xf32, #tpu.memory_space<vmem>>, %arg6: memref<64xf32, #tpu.memory_space<vmem>>, %arg7: memref<1xf32, #tpu.memory_space<vmem>>, %arg8: memref<2048xf32, #tpu.memory_space<vmem>>) attributes {dimension_semantics = [#tpu.dimension_semantics<arbitrary>], iteration_bounds = array<i64: 8>, scalar_prefetch = 0 : i64, scratch_operands = 0 : i64, tpu.core_type = #tpu.core_type<tc>, window_params = [{transform_indices = @transform_0, window_bounds = array<i64: 2048, 32>}, {transform_indices = @transform_1, window_bounds = array<i64: 2048, 32>}, {pipeline_mode = #tpu.pipeline_mode<synchronous>, transform_indices = @transform_2, window_bounds = array<i64: 64, 32>}, {pipeline_mode = #tpu.pipeline_mode<synchronous>, transform_indices = @transform_3, window_bounds = array<i64: 64, 32>}, {pipeline_mode = #tpu.pipeline_mode<synchronous>, transform_indices = @transform_4, window_bounds = array<i64: 64>}, {pipeline_mode = #tpu.pipeline_mode<synchronous>, transform_indices = @transform_5, window_bounds = array<i64: 64>}, {pipeline_mode = #tpu.pipeline_mode<synchronous>, transform_indices = @transform_6, window_bounds = array<i64: 1>}, {transform_indices = @transform_7, window_bounds = array<i64: 2048>}]} {
    %get3A = arith.constant 0 : index
    %get3A_0 = arith.constant 0 : index
    %get3A_1 = vector.load %arg1[%get3A, %get3A_0] : memref<2048x32xf32, #tpu.memory_space<vmem>>, vector<2048x32xf32>
    %get3A_2 = arith.constant 0 : index
    %get3A_3 = arith.constant 0 : index
    %get3A_4 = vector.load %arg3[%get3A_2, %get3A_3] : memref<64x32xf32, #tpu.memory_space<vmem>>, vector<64x32xf32>
    %dot_general3A = arith.constant dense<0.000000e+00> : vector<2048x64xf32>
    %dot_general3A_5 = tpu.matmul %get3A_1, %get3A_4, %dot_general3A {dimension_numbers = #tpu.dot_dimension_numbers<[1], [1], [0], [0], [0, 0, 1, 0], [], []>, transpose_lhs_hint = false} : vector<2048x32xf32>, vector<64x32xf32>, vector<2048x64xf32> -> vector<2048x64xf32>
    %get3A_6 = arith.constant 0 : index
    %get3A_7 = arith.constant 0 : index
    %get3A_8 = vector.load %arg2[%get3A_6, %get3A_7] : memref<2048x32xf32, #tpu.memory_space<vmem>>, vector<2048x32xf32>
    %get3A_9 = arith.constant 0 : index
    %get3A_10 = arith.constant 0 : index
    %get3A_11 = vector.load %arg4[%get3A_9, %get3A_10] : memref<64x32xf32, #tpu.memory_space<vmem>>, vector<64x32xf32>
    %dot_general3A_12 = arith.constant dense<0.000000e+00> : vector<2048x64xf32>
    %dot_general3A_13 = tpu.matmul %get3A_8, %get3A_11, %dot_general3A_12 {dimension_numbers = #tpu.dot_dimension_numbers<[1], [1], [0], [0], [0, 0, 1, 0], [], []>, transpose_lhs_hint = false} : vector<2048x32xf32>, vector<64x32xf32>, vector<2048x64xf32> -> vector<2048x64xf32>
    %add3A = arith.addf %dot_general3A_5, %dot_general3A_13 : vector<2048x64xf32>
    %get3A_14 = arith.constant 0 : index
    %get3A_15 = vector.load %arg5[%get3A_14] : memref<64xf32, #tpu.memory_space<vmem>>, vector<64xf32>
    %broadcast_in_dim3A = vector.shape_cast %get3A_15 : vector<64xf32> to vector<1x64xf32>
    %add3A_16 = vector.broadcast %broadcast_in_dim3A : vector<1x64xf32> to vector<2048x64xf32>
    %add3A_17 = arith.addf %add3A, %add3A_16 : vector<2048x64xf32>
    %max3A = arith.constant 0.000000e+00 : f32
    %max3A_18 = vector.broadcast %max3A : f32 to vector<2048x64xf32>
    %max3A_19 = arith.maximumf %add3A_17, %max3A_18 : vector<2048x64xf32>
    %get3A_20 = arith.constant 0 : index
    %get3A_21 = vector.load %arg6[%get3A_20] : memref<64xf32, #tpu.memory_space<vmem>>, vector<64xf32>
    %broadcast_in_dim3A_22 = vector.shape_cast %get3A_21 : vector<64xf32> to vector<1x64xf32>
    %mul3A = vector.broadcast %broadcast_in_dim3A_22 : vector<1x64xf32> to vector<2048x64xf32>
    %mul3A_23 = arith.mulf %max3A_19, %mul3A : vector<2048x64xf32>
    %reduce_sum3A = arith.constant dense<0.000000e+00> : vector<2048xf32>
    %reduce_sum3A_24 = vector.multi_reduction <add>, %mul3A_23, %reduce_sum3A [1] : vector<2048x64xf32> to vector<2048xf32>
    %get3A_25 = arith.constant 0 : index
    %get3A_26 = vector.load %arg7[%get3A_25] : memref<1xf32, #tpu.memory_space<vmem>>, vector<1xf32>
    %add3A_27 = vector.broadcast %get3A_26 : vector<1xf32> to vector<2048xf32>
    %add3A_28 = arith.addf %reduce_sum3A_24, %add3A_27 : vector<2048xf32>
    %swap3A = arith.constant 0 : index
    %swap3A_29 = vector.load %arg8[%swap3A] : memref<2048xf32, #tpu.memory_space<vmem>>, vector<2048xf32>
    tpu.vector_store %arg8[%swap3A], %add3A_28 {strides = array<i32>} : memref<2048xf32, #tpu.memory_space<vmem>>, vector<2048xf32>,
    return
  }
  func.func @transform_0(%arg0: i32) -> (i32, i32) {
    %c0_i32 = arith.constant 0 : i32
    %c0_i32_0 = arith.constant 0 : i32
    return %arg0, %c0_i32 : i32, i32
  }
  func.func @transform_1(%arg0: i32) -> (i32, i32) {
    %c0_i32 = arith.constant 0 : i32
    %c0_i32_0 = arith.constant 0 : i32
    return %arg0, %c0_i32 : i32, i32
  }
  func.func @transform_2(%arg0: i32) -> (i32, i32) {
    %c0_i32 = arith.constant 0 : i32
    %c0_i32_0 = arith.constant 0 : i32
    %c0_i32_1 = arith.constant 0 : i32
    return %c0_i32, %c0_i32_0 : i32, i32
  }
  func.func @transform_3(%arg0: i32) -> (i32, i32) {
    %c0_i32 = arith.constant 0 : i32
    %c0_i32_0 = arith.constant 0 : i32
    %c0_i32_1 = arith.constant 0 : i32
    return %c0_i32, %c0_i32_0 : i32, i32
  }
  func.func @transform_4(%arg0: i32) -> i32 {
    %c0_i32 = arith.constant 0 : i32
    %c0_i32_0 = arith.constant 0 : i32
    return %c0_i32 : i32
  }
  func.func @transform_5(%arg0: i32) -> i32 {
    %c0_i32 = arith.constant 0 : i32
    %c0_i32_0 = arith.constant 0 : i32
    return %c0_i32 : i32
  }
  func.func @transform_6(%arg0: i32) -> i32 {
    %c0_i32 = arith.constant 0 : i32
    %c0_i32_0 = arith.constant 0 : i32
    return %c0_i32 : i32
  }
  func.func @transform_7(%arg0: i32) -> i32 {
    %c0_i32 = arith.constant 0 : i32
    return %arg0 : i32
  }
}

</mosaic_0001>

<sc_bundles>
// kernel: kernel.5.cloned.1.call-start
scs
__scs_entry_jumppad:
0x0: {  	(pc) =	sbr.rel $0x88, $3  }
0x1: {  	(tag) =	ssettag $0x0;
	lr =	simm.s32 $0x1  }
0x2: {  	[smem:$0x3F99] =	sst lr;
	_ =	strace $0xD0000000  }
0x3: {  	_ = 	snop  }
0x4: {  	_ = 	snop  }
0x5: {  	_ = 	snop  }
0x6: {  	_ = 	snop  }
0x7: {  	_ = 	snop  }
__scs_overlays_trampoline_lowered:
0x8: {  	[smem:$0x3FA8] =	sst s0  }
0x9: {  	[smem:$0x3FA9] =	sst s1  }
0xa: {  	[smem:$0x3FAA] =	sst s2  }
0xb: {  	[smem:$0x3FAB] =	sst s3  }
0xc: {  	[smem:$0x3FAC] =	sst s4  }
0xd: {  	[smem:$0x3FAD] =	sst s5  }
0xe: {  	[smem:$0x3FAE] =	sst s6  }
0xf: {  	[smem:$0x3FAF] =	sst s7  }
0x10: {  	[smem:$0x3FB0] =	sst s8  }
0x11: {  	[smem:$0x3FB1] =	sst s9;
	s0 =	simm.s32 @!p0 $0x0  }
0x12: {  	s1 =	sld [smem:$0x3F97];
	s0 =	simm.s32 @p0 $0x1  }
0x13: {  	[smem:$0x3FB2] =	sst s0;
	s0 =	simm.s32 @!p1 $0x0  }
0x14: {  	s2 =	sld [smem:$0x3F96];
	s0 =	simm.s32 @p1 $0x1  }
0x15: {  	[smem:$0x3FB3] =	sst s0;
	s0 =	simm.s32 @!p2 $0x0  }
0x16: {  	s3 =	sld [smem:$0x3FDB];
	s0 =	simm.s32 @p2 $0x1  }
0x17: {  	s4 =	simm.s32 $0x1BF5;
	[smem:$0x3FB5] =	sst s0  }
0x18: {  	s0 =	sld [smem:$0x3F98];
	_ =	swait.ge [sflag:s4], $0x0  }
0x19: {  	s7 =	sld [smem:$0x3F99]  }
0x1a: {  	s8 =	sadd.s32 $0xFFFFE003, lr  }
0x1b: {  	s9 =	sadd.s32 $0xFFFFFEF7, lr;
	s5 =	simm.s32 $0xFFFFFFFF;
	p2 =	slt.u32 s8, $0xFFFFF086  }
0x1c: {  	p1 =	slt.u32 s9, $0xF7A;
	s5 =	simm.s32 @!p2 $0x0  }
0x1d: {  	s5 =	simm.s32 @p1 $0x1;
	p0 =	seq.s32 s7, s2  }
0x1e: {  	s7 =	smul.u32 @!p0 $0xF7A, s2;
	p2 =	seq.s32 @!p0 s5, $0x0  }
0x1f: {  	s9 =	smul.u32 $0xF7A, s1;
	s8 =	simm.s32 @!p0 $0x1BF5;
	p2 =	por !p2, p0  }
0x20: {  	[sflag:s8] =	ssyncset.s32 @!p0 $0xFFFFF086;
	s6 =	sadd.s32 @!p0 s3, s7;
	s7 =	simm.s32 @!p0 $0x108  }
0x21: {  	s3 =	sadd.s32 s3, s9;
	s6 =	sadd.s32 @!p0 $0x88, s6;
	s7 =	simm.s32 @p2 $0x1082  }
0x22: {  	[simem:s7], [sflag:s8] =	dma.local @!p0 [hbm:s6], $0xF7A  }
0x23: {  	s9 =	sor.u32 $0xD0000000, s2;
	s6 =	simm.s32 $0x108;
	_ =	swait.ge @!p0 [sflag:s8], $0x0  }
0x24: {  	s3 =	sadd.s32 $0x88, s3;
	s6 =	simm.s32 @!p1 $0x1082;
	[sflag:s4] =	ssyncset.s32 $0xFFFFF086  }
0x25: {  	[simem:s6], [sflag:s4] =	dma.local [hbm:s3], $0xF7A  }
0x26: {  	[smem:$0x3F99] =	sst s1;
	(tag) =	ssettag s2;
	_ =	strace s9  }
0x27: {  	s1 =	sld [smem:$0x3FA9]  }
0x28: {  	s2 =	sld [smem:$0x3FAA]  }
0x29: {  	s4 =	sld [smem:$0x3FAC]  }
0x2a: {  	p0 =	seq.s32 s5, $0x0;
	s5 =	sld [smem:$0x3FAD]  }
0x2b: {  	s6 =	sld [smem:$0x3FAE]  }
0x2c: {  	s7 =	sld [smem:$0x3FAF]  }
0x2d: {  	s3 =	simm.s32 $0x108;
	s8 =	sld [smem:$0x3FB0]  }
0x2e: {  	s3 =	simm.s32 @!p0 $0x1082;
	s9 =	sld [smem:$0x3FB1]  }
0x2f: {  	lr =	sadd.s32 s0, s3;
	s0 =	sld [smem:$0x3FA8]  }
0x30: {  	s3 =	sld [smem:$0x3FAB]  }
0x31: {  	[smem:$0x3FB4] =	sst s10  }
0x32: {  	s10 =	sld [smem:$0x3FB2];
	_ =	sdelay $0x3  }
0x33: {  	p0 =	seq.s32 s10, $0x1;
	s10 =	sld [smem:$0x3FB4];
	_ =	sdelay $0x3  }
0x34: {  	[smem:$0x3FB4] =	sst s10  }
0x35: {  	s10 =	sld [smem:$0x3FB3];
	_ =	sdelay $0x3  }
0x36: {  	p1 =	seq.s32 s10, $0x1;
	s10 =	sld [smem:$0x3FB4];
	_ =	sdelay $0x3  }
0x37: {  	[smem:$0x3FB4] =	sst s10  }
0x38: {  	s10 =	sld [smem:$0x3FB5]  }
0x39: {  	_ = 	snop;
	(pc) =	sbr.ind lr, $3  }
0x3a: {  	_ = 	snop  }
0x3b: {  	_ = 	snop  }
0x3c: {  	p2 =	seq.s32 s10, $0x1;
	s10 =	sld [smem:$0x3FB4]  }
0x3d: {  	_ =	shalt  }
0x3e: {  	_ =	shalt  }
0x3f: {  	_ =	shalt  }
0x40: {  	_ =	shalt  }
0x41: {  	_ =	shalt  }
0x42: {  	_ =	shalt  }
0x43: {  	_ =	shalt  }
0x44: {  	_ =	shalt  }
0x45: {  	_ =	shalt  }
0x46: {  	_ =	shalt  }
0x47: {  	_ =	shalt  }
0x48: {  	_ =	shalt  }
0x49: {  	_ =	shalt  }
0x4a: {  	_ =	shalt  }
0x4b: {  	_ =	shalt  }
0x4c: {  	_ =	shalt  }
0x4d: {  	_ =	shalt  }
0x4e: {  	_ =	shalt  }
0x4f: {  	_ =	shalt  }
0x50: {  	_ =	shalt  }
0x51: {  	_ =	shalt  }
0x52: {  	_ =	shalt  }
0x53: {  	_ =	shalt  }
0x54: {  	_ =	shalt  }
0x55: {  	_ =	shalt  }
0x56: {  	_ =	shalt  }
0x57: {  	_ =	shalt  }
0x58: {  	_ =	shalt  }
0x59: {  	_ =	shalt  }
0x5a: {  	_ =	shalt  }
0x5b: {  	_ =	shalt  }
0x5c: {  	_ =	shalt  }
0x5d: {  	_ =	shalt  }
0x5e: {  	_ =	shalt  }
0x5f: {  	_ =	shalt  }
0x60: {  	_ =	shalt  }
0x61: {  	_ =	shalt  }
0x62: {  	_ =	shalt  }
0x63: {  	_ =	shalt  }
0x64: {  	_ =	shalt  }
0x65: {  	_ =	shalt  }
0x66: {  	_ =	shalt  }
0x67: {  	_ =	shalt  }
0x68: {  	_ =	shalt  }
0x69: {  	_ =	shalt  }
0x6a: {  	_ =	shalt  }
0x6b: {  	_ =	shalt  }
0x6c: {  	_ =	shalt  }
0x6d: {  	_ =	shalt  }
0x6e: {  	_ =	shalt  }
0x6f: {  	_ =	shalt  }
0x70: {  	_ =	shalt  }
0x71: {  	_ =	shalt  }
0x72: {  	_ =	shalt  }
0x73: {  	_ =	shalt  }
0x74: {  	_ =	shalt  }
0x75: {  	_ =	shalt  }
0x76: {  	_ =	shalt  }
0x77: {  	_ =	shalt  }
0x78: {  	_ =	shalt  }
0x79: {  	_ =	shalt  }
0x7a: {  	_ =	shalt  }
0x7b: {  	_ =	shalt  }
0x7c: {  	_ =	shalt  }
0x7d: {  	_ =	shalt  }
0x7e: {  	_ =	shalt  }
0x7f: {  	_ =	shalt  }
0x80: {  	_ =	shalt  }
0x81: {  	_ =	shalt  }
0x82: {  	_ =	shalt  }
0x83: {  	_ =	shalt  }
0x84: {  	_ =	shalt  }
0x85: {  	_ =	shalt  }
0x86: {  	_ =	shalt  }
0x87: {  	_ =	shalt  }
.Lfunc_end0:
.L_simem_size_0:
called_computation_lowered:
.L_overlay_start_0:
0x88: {  	s2 =	sld [smem:$0x3FD9]  }
0x89: {  	s3 =	sld [smem:$0x3FFE];
	_ =	sdelay $0x1  }
0x8a: {  	s1 =	srdreg.scid  }
0x8b: {  	s0 =	sand.u32 $0x1, s1  }
0x8c: {  	s17 =	sshll.u32 s0, $0xA;
	s2 =	sadd.s32 s3, s2  }
0x8d: {  	s2 =	sadd.s32 s2, s17  }
0x8e: {  	[smem:$0x3FC0] =	sst s2  }
0x8f: {  	_ = 	snop  }
0x90: {  	s2 =	sld [smem:$0x3FC7]  }
0x91: {  	s18 =	sld [smem:$0x3FC6];
	(tm) =	ssettm $0x1  }
0x92: {  	s4 =	sld [smem:$0x3FFB];
	_ =	sdelay $0x3  }
0x93: {  	_ =	strace s4  }
0x94: {  	s4 =	sld [smem:$0x3FFC];
	_ =	sdelay $0x3  }
0x95: {  	_ =	strace s4  }
0x96: {  	s4 =	sld [smem:$0x3FFD];
	_ =	sdelay $0x3  }
0x97: {  	_ =	strace s4  }
0x98: {  	_ =	strace $0x8FFFFFFF  }
0x99: {  	s19 =	sld [smem:$0x3FDB];
	_ =	sdelay $0x1  }
0x9a: {  	s5 =	simm.s32 $_scs_section_size  }
0x9b: {  	s6 =	simm.s32 $_size__tile_overlayer_lowered;
	s7 =	simm.s32 $_tile_overlayer_lowered  }
0x9c: {  	s22 =	simm.s32 $0x1BFF;
	s21 =	sshll.u32 s7, $0x1;
	s4 =	sadd.s32 s5, s19  }
0x9d: {  	s8 =	simm.s32 $0x0;
	s20 =	sshll.u32 s6, $0x1;
	s6 =	sadd.s32 s21, s4  }
0x9e: {  	[timem:s8], [sflag:s22] =	dma.local [hbm:s6], s20  }
0x9f: {  	_ =	swait.ge [sflag:s22], s20  }
0xa0: {  	s5 =	ssub.s32 $0x0, s20;
	[sflag:s22] =	ssyncset.done $0x0  }
0xa1: {  	[sflag:s22] =	ssyncadd.s32 s5;
	_ =	sdelay $0x1  }
0xa2: {  	s23 =	simm.s32 $0x1B8B  }
0xa3: {  	_ =	swait.ge [sflag:s23], $0x1  }
0xa4: {  	[sflag:s23] =	ssyncset.done $0x0  }
0xa5: {  	s25 =	simm.s32 $0x1B8E;
	s24 =	sld [smem:$0x3FFE];
	[sflag:s23] =	ssyncadd.s32 $0xFFFFFFFF  }
0xa6: {  	s26 =	simm.s32 $execute0_lowered;
	[smem:$0x3FD2] =	sst s25  }
0xa7: {  	s6 =	sshll.u32 s26, $0x1;
	_ =	strace $0x80000046;
	[dreg:$0x1] =	wrdreg $0xFFFFFFFF  }
0xa8: {  	s28 =	simm.s32 $_size_execute0_lowered;
	s4 =	sadd.s32 s4, s6;
	[dreg:$0x0] =	wrdreg $0x0  }
0xa9: {  	s6 =	sshll.u32 s28, $0x1;
	[dreg:$0x2] =	wrdreg s4  }
0xaa: {  	[dreg:$0x3] =	wrdreg s6  }
0xab: {  	[dreg:$0x4] =	wrdreg $0xC0  }
0xac: {  	_ =	task [dreg:s8], $0x5FFFF  }
0xad: {  	[dreg:$0x1] =	wrdreg $0xFFFFFFFF  }
0xae: {  	[dreg:$0x0] =	wrdreg $0x60  }
0xaf: {  	[dreg:$0x2] =	wrdreg s2  }
0xb0: {  	[dreg:$0x3] =	wrdreg s18  }
0xb1: {  	[dreg:$0x4] =	wrdreg s24  }
0xb2: {  	[dreg:$0x5] =	wrdreg $0x9  }
0xb3: {  	_ =	task.clear_ibuf [dreg:s8], $0x6FFFF;
	_ =	strace $0x90000046  }
0xb4: {  	s29 =	simm.s32 $0x9;
	_ =	strace $0x80000048  }
0xb5: {  	_ =	swait.ge [sflag:s29], $0x1  }
0xb6: {  	[sflag:s29] =	ssyncadd.s32 $0xFFFFFFFF  }
0xb7: {  	_ =	strace $0x90000048  }
0xb8: {  	_ =	sfence  }
0xb9: {  	s30 =	sld [smem:$0x0];
	_ =	sdelay $0x2  }
0xba: {  	s31 =	sshll.u32 s1, $0xD;
	s1 =	sshrl.u32 s1, $0x2  }
0xbb: {  	s3 =	sand.u32 $0x4000, s31;
	s1 =	sadd.s32 s1, s30  }
0xbc: {  	s0 =	sor.u32 s3, s0;
	s1 =	sshll.u32 s1, $0x11  }
0xbd: {  	s0 =	sor.u32 s1, s0  }
0xbe: {  	s0 =	sadd.s32 $0x8F2B, s0  }
0xbf: {  	[sflag:s0] =	ssyncadd.remote.s32 $0x1  }
0xc0: {  	_ =	sfence.sel $0xFFFF  }
0xc1: {  	[dreg:$0x0] =	wrdreg $0xFFFFFFFF;
	(pc) =	sbr.abs _section_cstart, $3  }
0xc2: {  	[dreg:$0x1] =	wrdreg $0xFFFFFFFF  }
0xc3: {  	_ =	task.clear_ibuf [dreg:s8], $0x2FFFF;
	_ =	strace $0x9FFFFFFF  }
0xc4: {  	(tm) =	ssettm $0x7FFFFFFF  }
0xc5: {  	_ =	shalt  }
tec
execute0_lowered:
.L_overlay_start_1:
0x0: {  	(tag) =	ssettag $0x1  }
0x1: {  	s0 =	rddreg [dreg:$0x0]  }
0x2: {  	s8 =	rddreg [dreg:$0x2];
	s2 =	simm.s32 $0x0;
	s3 =	srdreg.scid  }
0x3: {  	s6 =	stileid.u32;
	[smem:$0x7FF] =	sst s2;
	s9 =	sand.u32 $0x1, s3  }
0x4: {  	s3 =	sadd.s32 $0x1800, s8;
	s4 =	smul.u32 $0x3E, s6;
	s5 =	sadd.s32 $0x2800, s8  }
0x5: {  	s17 =	smul.u32 $0xF800, s6;
	s6 =	sadd.s32 $0x3800, s8;
	s7 =	sadd.s32 $0x3D4800, s8  }
0x6: {  	s12 =	sadd.s32 $0x4000, s8;
	s13 =	sadd.s32 $0x4200, s8;
	s14 =	sadd.s32 $0x4400, s8  }
0x7: {  	s1 =	rddreg [dreg:$0x1];
	s16 =	sadd.s32 $0x3D4A00, s8;
	s18 =	sadd.s32 $0x3D4C00, s8  }
0x8: {  	s15 =	sadd.s32 $0x4600, s8;
	s19 =	sadd.s32 $0x3D4E00, s8;
	s21 =	sadd.s32 $0x3D5000, s8  }
0x9: {  	s28 =	simm.s32 $0x4;
	s22 =	sadd.s32 $0x3D5200, s8;
	s24 =	sadd.s32 $0x3D5400, s8  }
0xa: {  	_ =	strace $0x80000047;
	s10 =	ssub.s32 $0x2, s9;
	p0 =	seq.s32 s9, $0x1  }
0xb: {  	s9 =	sadd.s32 $0x3A00, s8;
	s11 =	sshrl.u32 s10, $0x1;
	s26 =	sadd.s32 s0, s17  }
0xc: {  	s25 =	sshll.u32 s4, $0xA;
	s29 =	sadd.s32 s1, s17;
	s20 =	ssub.s32 s10, s11  }
0xd: {  	s23 =	sor.u32 $0x400, s25;
	s10 =	sadd.s32 $0x3C00, s8;
	[dreg:$0x4] =	wrdreg s26  }
0xe: {  	s11 =	sadd.s32 $0x3E00, s8;
	s31 =	sadd.s32 $0xC00, s26;
	[dreg:$0x6] =	wrdreg s29  }
.Ltmp0:
0xf: {  	s0 =	sadd.s32 s0, s23;
	[dreg:$0x9] =	wrdreg s31;
	(pc) =	sbr.rel .LBB2_1-.Ltmp0, $4  }
0x10: {  	s25 =	sadd.s32 $0x3D5600, s8;
	s1 =	sadd.s32 s1, s23;
	[dreg:$0x5] =	wrdreg s0  }
0x11: {  	s8 =	simm.s32 $0x0;
	s30 =	smax.u32 s20, $0x1;
	[dreg:$0x7] =	wrdreg s1  }
0x12: {  	s20 =	simm.s32 $0x2;
	[dreg:$0x8] =	wrdreg s30;
	s0 =	sadd.s32 $0xC00, s29  }
0x13: {  	s23 =	simm.s32 $0x3;
	s1 =	simm.s32 $0x1;
	[dreg:$0xa] =	wrdreg s0  }
.LBB2_8:
0x14: {  	_ =	swait.ge [sflag:s28], $0x1000  }
0x15: {  	[sflag:s28] =	ssyncset.done $0x0  }
0x16: {  	[sflag:s28] =	ssyncadd.s32 $0xFFFFF000  }
0x17: {  	_ =	swait.ge [sflag:s28], $0x1000  }
0x18: {  	[sflag:s28] =	ssyncset.done $0x0  }
0x19: {  	[sflag:s28] =	ssyncadd.s32 $0xFFFFF000  }
0x1a: {  	_ =	swait.ge [sflag:s28], $0x1000  }
0x1b: {  	[sflag:s28] =	ssyncset.done $0x0  }
0x1c: {  	[sflag:s28] =	ssyncadd.s32 $0xFFFFF000  }
0x1d: {  	_ =	swait.ge [sflag:s28], $0x1000  }
0x1e: {  	[sflag:s28] =	ssyncset.done $0x0  }
0x1f: {  	[sflag:s28] =	ssyncadd.s32 $0xFFFFF000  }
0x20: {  	_ =	swait.ge [sflag:s28], $0x1000  }
0x21: {  	[sflag:s28] =	ssyncset.done $0x0  }
0x22: {  	[sflag:s28] =	ssyncadd.s32 $0xFFFFF000  }
0x23: {  	_ =	swait.ge [sflag:s28], $0x1000  }
0x24: {  	[sflag:s28] =	ssyncset.done $0x0  }
0x25: {  	[sflag:s28] =	ssyncadd.s32 $0xFFFFF000  }
0x26: {  	_ =	swait.ge [sflag:s28], $0x1000  }
0x27: {  	[sflag:s28] =	ssyncset.done $0x0  }
0x28: {  	[sflag:s28] =	ssyncadd.s32 $0xFFFFF000  }
0x29: {  	_ =	swait.ge [sflag:s28], $0x1000  }
0x2a: {  	s8 =	rddreg [dreg:$0xb]  }
0x2b: {  	s0 =	rddreg [dreg:$0x8];
	s8 =	sadd.s32 $0x1, s8  }
0x2c: {  	p1 =	sne.s32 s8, s0  }
.Ltmp1:
0x2d: {  	_ = 	snop;
	(pc) =	sbr.rel @!p1 .LBB2_9-.Ltmp1, $3  }
0x2e: {  	_ =	sdelay $0x1  }
0x2f: {  	[sflag:s28] =	ssyncset.done $0x0  }
0x30: {  	[sflag:s28] =	ssyncadd.s32 $0xFFFFF000  }
.LBB2_1:
.Ltmp2:
0x31: {  	(pc) =	sbr.rel @!p0 .LBB2_2-.Ltmp2, $2  }
0x32: {  	_ =	sdelay $0x2  }
0x33: {  	[dreg:$0xb] =	wrdreg s8;
	s29 =	simm.s32 $0x0  }
0x34: {  	s0 =	rddreg [dreg:$0x6];
	s8 =	simm.s32 $0x2000;
	s17 =	simm.s32 $0x7A1400  }
0x35: {  	[tilespmem:s29], [sflag:$0x1] =	stream.strided.gather [hbm4b:s0+s8], $0x8000, s17, s8, $0x38;
	[tilespmem:$0x10000] =	vst v63  }
0x36: {  	s31 =	rddreg [dreg:$0x7];
	s26 =	simm.s32 $0x8000  }
0x37: {  	[tilespmem:s26], [sflag:$0x2] =	stream.strided.gather [hbm4b:s31+s8], $0x8000, s17, s8, $0x38;
	[tilespmem:$0x10000] =	vst v63  }
0x38: {  	s8 =	rddreg [dreg:$0xa]  }
.LBB2_6:
0x39: {  	s30 =	sadd.s32 s29, s4  }
0x3a: {  	p1 =	slt.s32 s30, $0x3D0;
	s0 =	smov.u32 s30  }
0x3b: {  	_ =	swait.ge [sflag:s1], $0x8000;
	s0 =	simm.s32 @!p1 $0x3D0  }
0x3c: {  	[sflag:s1] =	ssyncset.done $0x0;
	s0 =	sshll.u32 s0, $0xC  }
0x3d: {  	[sflag:s1] =	ssyncadd.s32 $0xFFFF8000;
	s17 =	sadd.s32 s7, s0  }
0x3e: {  	[hbm4b:s17+s2] =	stream.linear.scatter [tilespmem:s2], [sflag:$0x3], $0x400, $0x38;
	[tilespmem:$0x10000] =	vst v63  }
0x3f: {  	s31 =	simm.s32 $0x2000;
	s26 =	sadd.s32 $0x80, s17  }
0x40: {  	[hbm4b:s26+s2] =	stream.linear.scatter [tilespmem:s31], [sflag:$0x3], $0x400, $0x38;
	[tilespmem:$0x10000] =	vst v63  }
0x41: {  	s26 =	sadd.s32 $0x100, s17;
	s31 =	simm.s32 $0x4000  }
0x42: {  	[hbm4b:s26+s2] =	stream.linear.scatter [tilespmem:s31], [sflag:$0x3], $0x400, $0x38;
	[tilespmem:$0x10000] =	vst v63  }
0x43: {  	s17 =	sadd.s32 $0x180, s17;
	s31 =	simm.s32 $0x6000  }
0x44: {  	[hbm4b:s17+s2] =	stream.linear.scatter [tilespmem:s31], [sflag:$0x3], $0x400, $0x38;
	[tilespmem:$0x10000] =	vst v63  }
0x45: {  	s17 =	sadd.s32 s0, s16;
	s31 =	simm.s32 $0x400  }
0x46: {  	[hbm4b:s17+s2] =	stream.linear.scatter [tilespmem:s31], [sflag:$0x3], $0x400, $0x38;
	[tilespmem:$0x10000] =	vst v63  }
0x47: {  	s26 =	sadd.s32 $0x80, s17;
	s31 =	simm.s32 $0x2400  }
0x48: {  	[hbm4b:s26+s2] =	stream.linear.scatter [tilespmem:s31], [sflag:$0x3], $0x400, $0x38;
	[tilespmem:$0x10000] =	vst v63  }
0x49: {  	s26 =	sadd.s32 $0x100, s17;
	s31 =	simm.s32 $0x4400  }
0x4a: {  	[hbm4b:s26+s2] =	stream.linear.scatter [tilespmem:s31], [sflag:$0x3], $0x400, $0x38;
	[tilespmem:$0x10000] =	vst v63  }
0x4b: {  	s17 =	sadd.s32 $0x180, s17;
	s31 =	simm.s32 $0x6400  }
0x4c: {  	[hbm4b:s17+s2] =	stream.linear.scatter [tilespmem:s31], [sflag:$0x3], $0x400, $0x38;
	[tilespmem:$0x10000] =	vst v63  }
0x4d: {  	s17 =	sadd.s32 s0, s18;
	s31 =	simm.s32 $0x800  }
0x4e: {  	[hbm4b:s17+s2] =	stream.linear.scatter [tilespmem:s31], [sflag:$0x3], $0x400, $0x38;
	[tilespmem:$0x10000] =	vst v63  }
0x4f: {  	s26 =	sadd.s32 $0x80, s17;
	s31 =	simm.s32 $0x2800  }
0x50: {  	[hbm4b:s26+s2] =	stream.linear.scatter [tilespmem:s31], [sflag:$0x3], $0x400, $0x38;
	[tilespmem:$0x10000] =	vst v63  }
0x51: {  	s26 =	sadd.s32 $0x100, s17;
	s31 =	simm.s32 $0x4800  }
0x52: {  	[hbm4b:s26+s2] =	stream.linear.scatter [tilespmem:s31], [sflag:$0x3], $0x400, $0x38;
	[tilespmem:$0x10000] =	vst v63  }
0x53: {  	s17 =	sadd.s32 $0x180, s17;
	s31 =	simm.s32 $0x6800  }
0x54: {  	[hbm4b:s17+s2] =	stream.linear.scatter [tilespmem:s31], [sflag:$0x3], $0x400, $0x38;
	[tilespmem:$0x10000] =	vst v63  }
0x55: {  	s17 =	sadd.s32 s0, s19;
	s31 =	simm.s32 $0xC00  }
0x56: {  	[hbm4b:s17+s2] =	stream.linear.scatter [tilespmem:s31], [sflag:$0x3], $0x400, $0x38;
	[tilespmem:$0x10000] =	vst v63  }
0x57: {  	s26 =	sadd.s32 $0x80, s17;
	s31 =	simm.s32 $0x2C00  }
0x58: {  	[hbm4b:s26+s2] =	stream.linear.scatter [tilespmem:s31], [sflag:$0x3], $0x400, $0x38;
	[tilespmem:$0x10000] =	vst v63  }
0x59: {  	s26 =	sadd.s32 $0x100, s17;
	s31 =	simm.s32 $0x4C00  }
0x5a: {  	[hbm4b:s26+s2] =	stream.linear.scatter [tilespmem:s31], [sflag:$0x3], $0x400, $0x38;
	[tilespmem:$0x10000] =	vst v63  }
0x5b: {  	s17 =	sadd.s32 $0x180, s17;
	s31 =	simm.s32 $0x6C00  }
0x5c: {  	[hbm4b:s17+s2] =	stream.linear.scatter [tilespmem:s31], [sflag:$0x3], $0x400, $0x38;
	[tilespmem:$0x10000] =	vst v63  }
0x5d: {  	s17 =	sadd.s32 s0, s21;
	s31 =	simm.s32 $0x1000  }
0x5e: {  	[hbm4b:s17+s2] =	stream.linear.scatter [tilespmem:s31], [sflag:$0x3], $0x400, $0x38;
	[tilespmem:$0x10000] =	vst v63  }
0x5f: {  	s26 =	sadd.s32 $0x80, s17;
	s31 =	simm.s32 $0x3000  }
0x60: {  	[hbm4b:s26+s2] =	stream.linear.scatter [tilespmem:s31], [sflag:$0x3], $0x400, $0x38;
	[tilespmem:$0x10000] =	vst v63  }
0x61: {  	s26 =	sadd.s32 $0x100, s17;
	s31 =	simm.s32 $0x5000  }
0x62: {  	[hbm4b:s26+s2] =	stream.linear.scatter [tilespmem:s31], [sflag:$0x3], $0x400, $0x38;
	[tilespmem:$0x10000] =	vst v63  }
0x63: {  	s17 =	sadd.s32 $0x180, s17;
	s31 =	simm.s32 $0x7000  }
0x64: {  	[hbm4b:s17+s2] =	stream.linear.scatter [tilespmem:s31], [sflag:$0x3], $0x400, $0x38;
	[tilespmem:$0x10000] =	vst v63  }
0x65: {  	s17 =	sadd.s32 s0, s22;
	s31 =	simm.s32 $0x1400  }
0x66: {  	[hbm4b:s17+s2] =	stream.linear.scatter [tilespmem:s31], [sflag:$0x3], $0x400, $0x38;
	[tilespmem:$0x10000] =	vst v63  }
0x67: {  	s26 =	sadd.s32 $0x80, s17;
	s31 =	simm.s32 $0x3400  }
0x68: {  	[hbm4b:s26+s2] =	stream.linear.scatter [tilespmem:s31], [sflag:$0x3], $0x400, $0x38;
	[tilespmem:$0x10000] =	vst v63  }
0x69: {  	s26 =	sadd.s32 $0x100, s17;
	s31 =	simm.s32 $0x5400  }
0x6a: {  	[hbm4b:s26+s2] =	stream.linear.scatter [tilespmem:s31], [sflag:$0x3], $0x400, $0x38;
	[tilespmem:$0x10000] =	vst v63  }
0x6b: {  	s17 =	sadd.s32 $0x180, s17;
	s31 =	simm.s32 $0x7400  }
0x6c: {  	[hbm4b:s17+s2] =	stream.linear.scatter [tilespmem:s31], [sflag:$0x3], $0x400, $0x38;
	[tilespmem:$0x10000] =	vst v63  }
0x6d: {  	s17 =	sadd.s32 s0, s24;
	s31 =	simm.s32 $0x1800  }
0x6e: {  	[hbm4b:s17+s2] =	stream.linear.scatter [tilespmem:s31], [sflag:$0x3], $0x400, $0x38;
	[tilespmem:$0x10000] =	vst v63  }
0x6f: {  	s26 =	sadd.s32 $0x80, s17;
	s31 =	simm.s32 $0x3800  }
0x70: {  	[hbm4b:s26+s2] =	stream.linear.scatter [tilespmem:s31], [sflag:$0x3], $0x400, $0x38;
	[tilespmem:$0x10000] =	vst v63  }
0x71: {  	s26 =	sadd.s32 $0x100, s17;
	s31 =	simm.s32 $0x5800  }
0x72: {  	[hbm4b:s26+s2] =	stream.linear.scatter [tilespmem:s31], [sflag:$0x3], $0x400, $0x38;
	[tilespmem:$0x10000] =	vst v63  }
0x73: {  	s17 =	sadd.s32 $0x180, s17;
	s31 =	simm.s32 $0x7800  }
0x74: {  	[hbm4b:s17+s2] =	stream.linear.scatter [tilespmem:s31], [sflag:$0x3], $0x400, $0x38;
	[tilespmem:$0x10000] =	vst v63  }
0x75: {  	s0 =	sadd.s32 s0, s25;
	s31 =	simm.s32 $0x1C00  }
0x76: {  	[hbm4b:s0+s2] =	stream.linear.scatter [tilespmem:s31], [sflag:$0x3], $0x400, $0x38;
	[tilespmem:$0x10000] =	vst v63  }
0x77: {  	s26 =	sadd.s32 $0x80, s0;
	s31 =	simm.s32 $0x3C00  }
0x78: {  	[hbm4b:s26+s2] =	stream.linear.scatter [tilespmem:s31], [sflag:$0x3], $0x400, $0x38;
	[tilespmem:$0x10000] =	vst v63  }
0x79: {  	s26 =	sadd.s32 $0x100, s0;
	s31 =	simm.s32 $0x5C00  }
0x7a: {  	[hbm4b:s26+s2] =	stream.linear.scatter [tilespmem:s31], [sflag:$0x3], $0x400, $0x38;
	[tilespmem:$0x10000] =	vst v63  }
0x7b: {  	s0 =	sadd.s32 $0x180, s0;
	s26 =	simm.s32 $0x7C00  }
0x7c: {  	[hbm4b:s0+s2] =	stream.linear.scatter [tilespmem:s26], [sflag:$0x3], $0x400, $0x38;
	[tilespmem:$0x10000] =	vst v63  }
0x7d: {  	s0 =	sadd.s32 $0x1, s30  }
0x7e: {  	p1 =	slt.s32 s0, $0x3D0  }
0x7f: {  	_ =	swait.ge [sflag:s20], $0x8000;
	s0 =	simm.s32 @!p1 $0x3D0  }
0x80: {  	[sflag:s20] =	ssyncset.done $0x0;
	s0 =	sshll.u32 s0, $0xC  }
0x81: {  	s31 =	simm.s32 $0x8000;
	[sflag:s20] =	ssyncadd.s32 $0xFFFF8000;
	s17 =	sadd.s32 s7, s0  }
0x82: {  	[hbm4b:s17+s2] =	stream.linear.scatter [tilespmem:s31], [sflag:$0x4], $0x400, $0x38;
	[tilespmem:$0x10000] =	vst v63  }
0x83: {  	s26 =	sadd.s32 $0x80, s17;
	s31 =	simm.s32 $0xA000  }
0x84: {  	[hbm4b:s26+s2] =	stream.linear.scatter [tilespmem:s31], [sflag:$0x4], $0x400, $0x38;
	[tilespmem:$0x10000] =	vst v63  }
0x85: {  	s26 =	sadd.s32 $0x100, s17;
	s31 =	simm.s32 $0xC000  }
0x86: {  	[hbm4b:s26+s2] =	stream.linear.scatter [tilespmem:s31], [sflag:$0x4], $0x400, $0x38;
	[tilespmem:$0x10000] =	vst v63  }
0x87: {  	s17 =	sadd.s32 $0x180, s17;
	s31 =	simm.s32 $0xE000  }
0x88: {  	[hbm4b:s17+s2] =	stream.linear.scatter [tilespmem:s31], [sflag:$0x4], $0x400, $0x38;
	[tilespmem:$0x10000] =	vst v63  }
0x89: {  	s17 =	sadd.s32 s0, s16;
	s31 =	simm.s32 $0x8400  }
0x8a: {  	[hbm4b:s17+s2] =	stream.linear.scatter [tilespmem:s31], [sflag:$0x4], $0x400, $0x38;
	[tilespmem:$0x10000] =	vst v63  }
0x8b: {  	s26 =	sadd.s32 $0x80, s17;
	s31 =	simm.s32 $0xA400  }
0x8c: {  	[hbm4b:s26+s2] =	stream.linear.scatter [tilespmem:s31], [sflag:$0x4], $0x400, $0x38;
	[tilespmem:$0x10000] =	vst v63  }
0x8d: {  	s26 =	sadd.s32 $0x100, s17;
	s31 =	simm.s32 $0xC400  }
0x8e: {  	[hbm4b:s26+s2] =	stream.linear.scatter [tilespmem:s31], [sflag:$0x4], $0x400, $0x38;
	[tilespmem:$0x10000] =	vst v63  }
0x8f: {  	s17 =	sadd.s32 $0x180, s17;
	s31 =	simm.s32 $0xE400  }
0x90: {  	[hbm4b:s17+s2] =	stream.linear.scatter [tilespmem:s31], [sflag:$0x4], $0x400, $0x38;
	[tilespmem:$0x10000] =	vst v63  }
0x91: {  	s17 =	sadd.s32 s0, s18;
	s31 =	simm.s32 $0x8800  }
0x92: {  	[hbm4b:s17+s2] =	stream.linear.scatter [tilespmem:s31], [sflag:$0x4], $0x400, $0x38;
	[tilespmem:$0x10000] =	vst v63  }
0x93: {  	s26 =	sadd.s32 $0x80, s17;
	s31 =	simm.s32 $0xA800  }
0x94: {  	[hbm4b:s26+s2] =	stream.linear.scatter [tilespmem:s31], [sflag:$0x4], $0x400, $0x38;
	[tilespmem:$0x10000] =	vst v63  }
0x95: {  	s26 =	sadd.s32 $0x100, s17;
	s31 =	simm.s32 $0xC800  }
0x96: {  	[hbm4b:s26+s2] =	stream.linear.scatter [tilespmem:s31], [sflag:$0x4], $0x400, $0x38;
	[tilespmem:$0x10000] =	vst v63  }
0x97: {  	s17 =	sadd.s32 $0x180, s17;
	s31 =	simm.s32 $0xE800  }
0x98: {  	[hbm4b:s17+s2] =	stream.linear.scatter [tilespmem:s31], [sflag:$0x4], $0x400, $0x38;
	[tilespmem:$0x10000] =	vst v63  }
0x99: {  	s17 =	sadd.s32 s0, s19;
	s31 =	simm.s32 $0x8C00  }
0x9a: {  	[hbm4b:s17+s2] =	stream.linear.scatter [tilespmem:s31], [sflag:$0x4], $0x400, $0x38;
	[tilespmem:$0x10000] =	vst v63  }
0x9b: {  	s26 =	sadd.s32 $0x80, s17;
	s31 =	simm.s32 $0xAC00  }
0x9c: {  	[hbm4b:s26+s2] =	stream.linear.scatter [tilespmem:s31], [sflag:$0x4], $0x400, $0x38;
	[tilespmem:$0x10000] =	vst v63  }
0x9d: {  	s26 =	sadd.s32 $0x100, s17;
	s31 =	simm.s32 $0xCC00  }
0x9e: {  	[hbm4b:s26+s2] =	stream.linear.scatter [tilespmem:s31], [sflag:$0x4], $0x400, $0x38;
	[tilespmem:$0x10000] =	vst v63  }
0x9f: {  	s17 =	sadd.s32 $0x180, s17;
	s31 =	simm.s32 $0xEC00  }
0xa0: {  	[hbm4b:s17+s2] =	stream.linear.scatter [tilespmem:s31], [sflag:$0x4], $0x400, $0x38;
	[tilespmem:$0x10000] =	vst v63  }
0xa1: {  	s17 =	sadd.s32 s0, s21;
	s31 =	simm.s32 $0x9000  }
0xa2: {  	[hbm4b:s17+s2] =	stream.linear.scatter [tilespmem:s31], [sflag:$0x4], $0x400, $0x38;
	[tilespmem:$0x10000] =	vst v63  }
0xa3: {  	s26 =	sadd.s32 $0x80, s17;
	s31 =	simm.s32 $0xB000  }
0xa4: {  	[hbm4b:s26+s2] =	stream.linear.scatter [tilespmem:s31], [sflag:$0x4], $0x400, $0x38;
	[tilespmem:$0x10000] =	vst v63  }
0xa5: {  	s26 =	sadd.s32 $0x100, s17;
	s31 =	simm.s32 $0xD000  }
0xa6: {  	[hbm4b:s26+s2] =	stream.linear.scatter [tilespmem:s31], [sflag:$0x4], $0x400, $0x38;
	[tilespmem:$0x10000] =	vst v63  }
0xa7: {  	s17 =	sadd.s32 $0x180, s17;
	s31 =	simm.s32 $0xF000  }
0xa8: {  	[hbm4b:s17+s2] =	stream.linear.scatter [tilespmem:s31], [sflag:$0x4], $0x400, $0x38;
	[tilespmem:$0x10000] =	vst v63  }
0xa9: {  	s17 =	sadd.s32 s0, s22;
	s31 =	simm.s32 $0x9400  }
0xaa: {  	[hbm4b:s17+s2] =	stream.linear.scatter [tilespmem:s31], [sflag:$0x4], $0x400, $0x38;
	[tilespmem:$0x10000] =	vst v63  }
0xab: {  	s26 =	sadd.s32 $0x80, s17;
	s31 =	simm.s32 $0xB400  }
0xac: {  	[hbm4b:s26+s2] =	stream.linear.scatter [tilespmem:s31], [sflag:$0x4], $0x400, $0x38;
	[tilespmem:$0x10000] =	vst v63  }
0xad: {  	s26 =	sadd.s32 $0x100, s17;
	s31 =	simm.s32 $0xD400  }
0xae: {  	[hbm4b:s26+s2] =	stream.linear.scatter [tilespmem:s31], [sflag:$0x4], $0x400, $0x38;
	[tilespmem:$0x10000] =	vst v63  }
0xaf: {  	s17 =	sadd.s32 $0x180, s17;
	s31 =	simm.s32 $0xF400  }
0xb0: {  	[hbm4b:s17+s2] =	stream.linear.scatter [tilespmem:s31], [sflag:$0x4], $0x400, $0x38;
	[tilespmem:$0x10000] =	vst v63  }
0xb1: {  	s17 =	sadd.s32 s0, s24;
	s31 =	simm.s32 $0x9800  }
0xb2: {  	[hbm4b:s17+s2] =	stream.linear.scatter [tilespmem:s31], [sflag:$0x4], $0x400, $0x38;
	[tilespmem:$0x10000] =	vst v63  }
0xb3: {  	s26 =	sadd.s32 $0x80, s17;
	s31 =	simm.s32 $0xB800  }
0xb4: {  	[hbm4b:s26+s2] =	stream.linear.scatter [tilespmem:s31], [sflag:$0x4], $0x400, $0x38;
	[tilespmem:$0x10000] =	vst v63  }
0xb5: {  	s26 =	sadd.s32 $0x100, s17;
	s31 =	simm.s32 $0xD800  }
0xb6: {  	[hbm4b:s26+s2] =	stream.linear.scatter [tilespmem:s31], [sflag:$0x4], $0x400, $0x38;
	[tilespmem:$0x10000] =	vst v63  }
0xb7: {  	s17 =	sadd.s32 $0x180, s17;
	s31 =	simm.s32 $0xF800  }
0xb8: {  	[hbm4b:s17+s2] =	stream.linear.scatter [tilespmem:s31], [sflag:$0x4], $0x400, $0x38;
	[tilespmem:$0x10000] =	vst v63  }
0xb9: {  	s0 =	sadd.s32 s0, s25;
	s31 =	simm.s32 $0x9C00  }
0xba: {  	[hbm4b:s0+s2] =	stream.linear.scatter [tilespmem:s31], [sflag:$0x4], $0x400, $0x38;
	[tilespmem:$0x10000] =	vst v63  }
0xbb: {  	s26 =	sadd.s32 $0x80, s0;
	s31 =	simm.s32 $0xBC00  }
0xbc: {  	[hbm4b:s26+s2] =	stream.linear.scatter [tilespmem:s31], [sflag:$0x4], $0x400, $0x38;
	[tilespmem:$0x10000] =	vst v63  }
0xbd: {  	s26 =	sadd.s32 $0x100, s0;
	s31 =	simm.s32 $0xDC00  }
0xbe: {  	[hbm4b:s26+s2] =	stream.linear.scatter [tilespmem:s31], [sflag:$0x4], $0x400, $0x38;
	[tilespmem:$0x10000] =	vst v63  }
0xbf: {  	s0 =	sadd.s32 $0x180, s0;
	s31 =	simm.s32 $0xFC00  }
0xc0: {  	[hbm4b:s0+s2] =	stream.linear.scatter [tilespmem:s31], [sflag:$0x4], $0x400, $0x38;
	[tilespmem:$0x10000] =	vst v63  }
0xc1: {  	_ =	swait.ge [sflag:s23], $0x1000  }
0xc2: {  	[sflag:s23] =	ssyncset.done $0x0  }
0xc3: {  	[sflag:s23] =	ssyncadd.s32 $0xFFFFF000  }
0xc4: {  	_ =	swait.ge [sflag:s23], $0x1000  }
0xc5: {  	[sflag:s23] =	ssyncset.done $0x0  }
0xc6: {  	[sflag:s23] =	ssyncadd.s32 $0xFFFFF000  }
0xc7: {  	_ =	swait.ge [sflag:s23], $0x1000  }
0xc8: {  	[sflag:s23] =	ssyncset.done $0x0  }
0xc9: {  	[sflag:s23] =	ssyncadd.s32 $0xFFFFF000  }
0xca: {  	_ =	swait.ge [sflag:s23], $0x1000  }
0xcb: {  	[sflag:s23] =	ssyncset.done $0x0  }
0xcc: {  	[sflag:s23] =	ssyncadd.s32 $0xFFFFF000  }
0xcd: {  	_ =	swait.ge [sflag:s23], $0x1000  }
0xce: {  	[sflag:s23] =	ssyncset.done $0x0  }
0xcf: {  	[sflag:s23] =	ssyncadd.s32 $0xFFFFF000  }
0xd0: {  	_ =	swait.ge [sflag:s23], $0x1000  }
0xd1: {  	[sflag:s23] =	ssyncset.done $0x0  }
0xd2: {  	[sflag:s23] =	ssyncadd.s32 $0xFFFFF000  }
0xd3: {  	p1 =	seq.s32 s29, $0x3C;
	_ =	swait.ge [sflag:s23], $0x1000  }
.Ltmp3:
0xd4: {  	[sflag:s23] =	ssyncset.done $0x0;
	(pc) =	sbr.rel @p1 .LBB2_8-.Ltmp3, $4  }
0xd5: {  	[sflag:s23] =	ssyncadd.s32 $0xFFFFF000  }
0xd6: {  	_ =	swait.ge [sflag:s23], $0x1000  }
0xd7: {  	[sflag:s23] =	ssyncset.done $0x0  }
0xd8: {  	[sflag:s23] =	ssyncadd.s32 $0xFFFFF000  }
0xd9: {  	s0 =	sadd.s32 $0x2, s30  }
0xda: {  	p1 =	sgt.u32 s0, $0x3CF  }
0xdb: {  	s0 =	simm.s32 @p1 $0x0;
	s17 =	simm.s32 @!p1 $0x2000  }
0xdc: {  	[tilespmem:s0], [sflag:$0x1] =	stream.linear.gather @p1 [hbm4b:s5+s0], $0x8000, $0x38;
	[tilespmem:$0x10000] =	vst v63  }
0xdd: {  	s26 =	simm.s32 @!p1 $0x7A1400;
	s31 =	simm.s32 @!p1 $0x0;
	s0 =	sadd.s32 @!p1 $0xFFFFFC00, s8  }
0xde: {  	[tilespmem:s31], [sflag:$0x1] =	stream.strided.gather @!p1 [hbm4b:s0+s17], $0x8000, s26, s17, $0x38;
	[tilespmem:$0x10000] =	vst v63  }
0xdf: {  	_ =	swait.ge [sflag:s28], $0x1000  }
0xe0: {  	[sflag:s28] =	ssyncset.done $0x0  }
0xe1: {  	[sflag:s28] =	ssyncadd.s32 $0xFFFFF000  }
0xe2: {  	_ =	swait.ge [sflag:s28], $0x1000  }
0xe3: {  	[sflag:s28] =	ssyncset.done $0x0  }
0xe4: {  	[sflag:s28] =	ssyncadd.s32 $0xFFFFF000  }
0xe5: {  	_ =	swait.ge [sflag:s28], $0x1000  }
0xe6: {  	[sflag:s28] =	ssyncset.done $0x0  }
0xe7: {  	[sflag:s28] =	ssyncadd.s32 $0xFFFFF000  }
0xe8: {  	_ =	swait.ge [sflag:s28], $0x1000  }
0xe9: {  	[sflag:s28] =	ssyncset.done $0x0  }
0xea: {  	[sflag:s28] =	ssyncadd.s32 $0xFFFFF000  }
0xeb: {  	_ =	swait.ge [sflag:s28], $0x1000  }
0xec: {  	[sflag:s28] =	ssyncset.done $0x0  }
0xed: {  	[sflag:s28] =	ssyncadd.s32 $0xFFFFF000  }
0xee: {  	_ =	swait.ge [sflag:s28], $0x1000  }
0xef: {  	[sflag:s28] =	ssyncset.done $0x0  }
0xf0: {  	[sflag:s28] =	ssyncadd.s32 $0xFFFFF000  }
0xf1: {  	_ =	swait.ge [sflag:s28], $0x1000  }
0xf2: {  	[sflag:s28] =	ssyncset.done $0x0  }
0xf3: {  	s31 =	sadd.s32 $0x3, s30;
	[sflag:s28] =	ssyncadd.s32 $0xFFFFF000  }
0xf4: {  	p1 =	sgt.u32 s31, $0x3CF;
	_ =	swait.ge [sflag:s28], $0x1000  }
0xf5: {  	s0 =	simm.s32 @p1 $0x0;
	[sflag:s28] =	ssyncset.done $0x0  }
.Ltmp4:
0xf6: {  	s17 =	simm.s32 @p1 $0x8000;
	[sflag:s28] =	ssyncadd.s32 $0xFFFFF000;
	(pc) =	sbr.rel .LBB2_6-.Ltmp4, $4  }
0xf7: {  	[tilespmem:s17], [sflag:$0x2] =	stream.linear.gather @p1 [hbm4b:s5+s0], $0x8000, $0x38;
	[tilespmem:$0x10000] =	vst v63  }
0xf8: {  	s26 =	simm.s32 @!p1 $0x8000;
	s0 =	simm.s32 @!p1 $0x2000;
	s17 =	simm.s32 @!p1 $0x7A1400  }
0xf9: {  	[tilespmem:s26], [sflag:$0x2] =	stream.strided.gather @!p1 [hbm4b:s8+s0], $0x8000, s17, s0, $0x38;
	[tilespmem:$0x10000] =	vst v63  }
0xfa: {  	s29 =	sadd.s32 $0x2, s29;
	s8 =	sadd.s32 $0x800, s8  }
.LBB2_2:
0xfb: {  	s0 =	rddreg [dreg:$0x4];
	s8 =	simm.s32 $0x2000;
	s17 =	simm.s32 $0x7A1400  }
0xfc: {  	[tilespmem:s29], [sflag:$0x1] =	stream.strided.gather [hbm4b:s0+s8], $0x8000, s17, s8, $0x38;
	[tilespmem:$0x10000] =	vst v63  }
0xfd: {  	s31 =	rddreg [dreg:$0x5];
	s26 =	simm.s32 $0x8000  }
0xfe: {  	[tilespmem:s26], [sflag:$0x2] =	stream.strided.gather [hbm4b:s31+s8], $0x8000, s17, s8, $0x38;
	[tilespmem:$0x10000] =	vst v63  }
0xff: {  	s8 =	rddreg [dreg:$0x9]  }
.LBB2_3:
0x100: {  	s31 =	sadd.s32 s29, s4  }
0x101: {  	p1 =	slt.s32 s31, $0x3D0;
	s30 =	smov.u32 s31  }
0x102: {  	_ =	swait.ge [sflag:s1], $0x8000;
	s30 =	simm.s32 @!p1 $0x3D0  }
0x103: {  	[sflag:s1] =	ssyncset.done $0x0;
	s30 =	sshll.u32 s30, $0xC  }
0x104: {  	[sflag:s1] =	ssyncadd.s32 $0xFFFF8000;
	s26 =	sadd.s32 s6, s30  }
0x105: {  	[hbm4b:s26+s2] =	stream.linear.scatter [tilespmem:s2], [sflag:$0x3], $0x400, $0x38;
	[tilespmem:$0x10000] =	vst v63  }
0x106: {  	s17 =	simm.s32 $0x2000;
	s0 =	sadd.s32 $0x80, s26  }
0x107: {  	[hbm4b:s0+s2] =	stream.linear.scatter [tilespmem:s17], [sflag:$0x3], $0x400, $0x38;
	[tilespmem:$0x10000] =	vst v63  }
0x108: {  	s0 =	sadd.s32 $0x100, s26;
	s17 =	simm.s32 $0x4000  }
0x109: {  	[hbm4b:s0+s2] =	stream.linear.scatter [tilespmem:s17], [sflag:$0x3], $0x400, $0x38;
	[tilespmem:$0x10000] =	vst v63  }
0x10a: {  	s17 =	sadd.s32 $0x180, s26;
	s26 =	simm.s32 $0x6000  }
0x10b: {  	[hbm4b:s17+s2] =	stream.linear.scatter [tilespmem:s26], [sflag:$0x3], $0x400, $0x38;
	[tilespmem:$0x10000] =	vst v63  }
0x10c: {  	s0 =	sadd.s32 s30, s9;
	s26 =	simm.s32 $0x400  }
0x10d: {  	[hbm4b:s0+s2] =	stream.linear.scatter [tilespmem:s26], [sflag:$0x3], $0x400, $0x38;
	[tilespmem:$0x10000] =	vst v63  }
0x10e: {  	s17 =	simm.s32 $0x2400;
	s26 =	sadd.s32 $0x80, s0  }
0x10f: {  	[hbm4b:s26+s2] =	stream.linear.scatter [tilespmem:s17], [sflag:$0x3], $0x400, $0x38;
	[tilespmem:$0x10000] =	vst v63  }
0x110: {  	s26 =	sadd.s32 $0x100, s0;
	s17 =	simm.s32 $0x4400  }
0x111: {  	[hbm4b:s26+s2] =	stream.linear.scatter [tilespmem:s17], [sflag:$0x3], $0x400, $0x38;
	[tilespmem:$0x10000] =	vst v63  }
0x112: {  	s0 =	sadd.s32 $0x180, s0;
	s26 =	simm.s32 $0x6400  }
0x113: {  	[hbm4b:s0+s2] =	stream.linear.scatter [tilespmem:s26], [sflag:$0x3], $0x400, $0x38;
	[tilespmem:$0x10000] =	vst v63  }
0x114: {  	s0 =	sadd.s32 s30, s10;
	s26 =	simm.s32 $0x800  }
0x115: {  	[hbm4b:s0+s2] =	stream.linear.scatter [tilespmem:s26], [sflag:$0x3], $0x400, $0x38;
	[tilespmem:$0x10000] =	vst v63  }
0x116: {  	s17 =	simm.s32 $0x2800;
	s26 =	sadd.s32 $0x80, s0  }
0x117: {  	[hbm4b:s26+s2] =	stream.linear.scatter [tilespmem:s17], [sflag:$0x3], $0x400, $0x38;
	[tilespmem:$0x10000] =	vst v63  }
0x118: {  	s26 =	sadd.s32 $0x100, s0;
	s17 =	simm.s32 $0x4800  }
0x119: {  	[hbm4b:s26+s2] =	stream.linear.scatter [tilespmem:s17], [sflag:$0x3], $0x400, $0x38;
	[tilespmem:$0x10000] =	vst v63  }
0x11a: {  	s0 =	sadd.s32 $0x180, s0;
	s26 =	simm.s32 $0x6800  }
0x11b: {  	[hbm4b:s0+s2] =	stream.linear.scatter [tilespmem:s26], [sflag:$0x3], $0x400, $0x38;
	[tilespmem:$0x10000] =	vst v63  }
0x11c: {  	s0 =	sadd.s32 s30, s11;
	s26 =	simm.s32 $0xC00  }
0x11d: {  	[hbm4b:s0+s2] =	stream.linear.scatter [tilespmem:s26], [sflag:$0x3], $0x400, $0x38;
	[tilespmem:$0x10000] =	vst v63  }
0x11e: {  	s17 =	simm.s32 $0x2C00;
	s26 =	sadd.s32 $0x80, s0  }
0x11f: {  	[hbm4b:s26+s2] =	stream.linear.scatter [tilespmem:s17], [sflag:$0x3], $0x400, $0x38;
	[tilespmem:$0x10000] =	vst v63  }
0x120: {  	s26 =	sadd.s32 $0x100, s0;
	s17 =	simm.s32 $0x4C00  }
0x121: {  	[hbm4b:s26+s2] =	stream.linear.scatter [tilespmem:s17], [sflag:$0x3], $0x400, $0x38;
	[tilespmem:$0x10000] =	vst v63  }
0x122: {  	s0 =	sadd.s32 $0x180, s0;
	s26 =	simm.s32 $0x6C00  }
0x123: {  	[hbm4b:s0+s2] =	stream.linear.scatter [tilespmem:s26], [sflag:$0x3], $0x400, $0x38;
	[tilespmem:$0x10000] =	vst v63  }
0x124: {  	s0 =	sadd.s32 s30, s12;
	s26 =	simm.s32 $0x1000  }
0x125: {  	[hbm4b:s0+s2] =	stream.linear.scatter [tilespmem:s26], [sflag:$0x3], $0x400, $0x38;
	[tilespmem:$0x10000] =	vst v63  }
0x126: {  	s17 =	simm.s32 $0x3000;
	s26 =	sadd.s32 $0x80, s0  }
0x127: {  	[hbm4b:s26+s2] =	stream.linear.scatter [tilespmem:s17], [sflag:$0x3], $0x400, $0x38;
	[tilespmem:$0x10000] =	vst v63  }
0x128: {  	s26 =	sadd.s32 $0x100, s0;
	s17 =	simm.s32 $0x5000  }
0x129: {  	[hbm4b:s26+s2] =	stream.linear.scatter [tilespmem:s17], [sflag:$0x3], $0x400, $0x38;
	[tilespmem:$0x10000] =	vst v63  }
0x12a: {  	s0 =	sadd.s32 $0x180, s0;
	s26 =	simm.s32 $0x7000  }
0x12b: {  	[hbm4b:s0+s2] =	stream.linear.scatter [tilespmem:s26], [sflag:$0x3], $0x400, $0x38;
	[tilespmem:$0x10000] =	vst v63  }
0x12c: {  	s0 =	sadd.s32 s30, s13;
	s26 =	simm.s32 $0x1400  }
0x12d: {  	[hbm4b:s0+s2] =	stream.linear.scatter [tilespmem:s26], [sflag:$0x3], $0x400, $0x38;
	[tilespmem:$0x10000] =	vst v63  }
0x12e: {  	s17 =	simm.s32 $0x3400;
	s26 =	sadd.s32 $0x80, s0  }
0x12f: {  	[hbm4b:s26+s2] =	stream.linear.scatter [tilespmem:s17], [sflag:$0x3], $0x400, $0x38;
	[tilespmem:$0x10000] =	vst v63  }
0x130: {  	s26 =	sadd.s32 $0x100, s0;
	s17 =	simm.s32 $0x5400  }
0x131: {  	[hbm4b:s26+s2] =	stream.linear.scatter [tilespmem:s17], [sflag:$0x3], $0x400, $0x38;
	[tilespmem:$0x10000] =	vst v63  }
0x132: {  	s0 =	sadd.s32 $0x180, s0;
	s26 =	simm.s32 $0x7400  }
0x133: {  	[hbm4b:s0+s2] =	stream.linear.scatter [tilespmem:s26], [sflag:$0x3], $0x400, $0x38;
	[tilespmem:$0x10000] =	vst v63  }
0x134: {  	s0 =	sadd.s32 s30, s14;
	s26 =	simm.s32 $0x1800  }
0x135: {  	[hbm4b:s0+s2] =	stream.linear.scatter [tilespmem:s26], [sflag:$0x3], $0x400, $0x38;
	[tilespmem:$0x10000] =	vst v63  }
0x136: {  	s17 =	simm.s32 $0x3800;
	s26 =	sadd.s32 $0x80, s0  }
0x137: {  	[hbm4b:s26+s2] =	stream.linear.scatter [tilespmem:s17], [sflag:$0x3], $0x400, $0x38;
	[tilespmem:$0x10000] =	vst v63  }
0x138: {  	s26 =	sadd.s32 $0x100, s0;
	s17 =	simm.s32 $0x5800  }
0x139: {  	[hbm4b:s26+s2] =	stream.linear.scatter [tilespmem:s17], [sflag:$0x3], $0x400, $0x38;
	[tilespmem:$0x10000] =	vst v63  }
0x13a: {  	s0 =	sadd.s32 $0x180, s0;
	s26 =	simm.s32 $0x7800  }
0x13b: {  	[hbm4b:s0+s2] =	stream.linear.scatter [tilespmem:s26], [sflag:$0x3], $0x400, $0x38;
	[tilespmem:$0x10000] =	vst v63  }
0x13c: {  	s0 =	sadd.s32 s30, s15;
	s30 =	simm.s32 $0x1C00  }
0x13d: {  	[hbm4b:s0+s2] =	stream.linear.scatter [tilespmem:s30], [sflag:$0x3], $0x400, $0x38;
	[tilespmem:$0x10000] =	vst v63  }
0x13e: {  	s17 =	sadd.s32 $0x80, s0;
	s30 =	simm.s32 $0x3C00  }
0x13f: {  	[hbm4b:s17+s2] =	stream.linear.scatter [tilespmem:s30], [sflag:$0x3], $0x400, $0x38;
	[tilespmem:$0x10000] =	vst v63  }
0x140: {  	s17 =	sadd.s32 $0x100, s0;
	s30 =	simm.s32 $0x5C00  }
0x141: {  	[hbm4b:s17+s2] =	stream.linear.scatter [tilespmem:s30], [sflag:$0x3], $0x400, $0x38;
	[tilespmem:$0x10000] =	vst v63  }
0x142: {  	s26 =	simm.s32 $0x7C00;
	s0 =	sadd.s32 $0x180, s0  }
0x143: {  	[hbm4b:s0+s2] =	stream.linear.scatter [tilespmem:s26], [sflag:$0x3], $0x400, $0x38;
	[tilespmem:$0x10000] =	vst v63  }
0x144: {  	s0 =	sadd.s32 $0x1, s31  }
0x145: {  	p1 =	slt.s32 s0, $0x3D0  }
0x146: {  	_ =	swait.ge [sflag:s20], $0x8000;
	s0 =	simm.s32 @!p1 $0x3D0  }
0x147: {  	[sflag:s20] =	ssyncset.done $0x0;
	s0 =	sshll.u32 s0, $0xC  }
0x148: {  	s30 =	simm.s32 $0x8000;
	[sflag:s20] =	ssyncadd.s32 $0xFFFF8000;
	s26 =	sadd.s32 s6, s0  }
0x149: {  	[hbm4b:s26+s2] =	stream.linear.scatter [tilespmem:s30], [sflag:$0x4], $0x400, $0x38;
	[tilespmem:$0x10000] =	vst v63  }
0x14a: {  	s17 =	simm.s32 $0xA000;
	s30 =	sadd.s32 $0x80, s26  }
0x14b: {  	[hbm4b:s30+s2] =	stream.linear.scatter [tilespmem:s17], [sflag:$0x4], $0x400, $0x38;
	[tilespmem:$0x10000] =	vst v63  }
0x14c: {  	s30 =	sadd.s32 $0x100, s26;
	s17 =	simm.s32 $0xC000  }
0x14d: {  	[hbm4b:s30+s2] =	stream.linear.scatter [tilespmem:s17], [sflag:$0x4], $0x400, $0x38;
	[tilespmem:$0x10000] =	vst v63  }
0x14e: {  	s26 =	sadd.s32 $0x180, s26;
	s30 =	simm.s32 $0xE000  }
0x14f: {  	[hbm4b:s26+s2] =	stream.linear.scatter [tilespmem:s30], [sflag:$0x4], $0x400, $0x38;
	[tilespmem:$0x10000] =	vst v63  }
0x150: {  	s26 =	sadd.s32 s0, s9;
	s30 =	simm.s32 $0x8400  }
0x151: {  	[hbm4b:s26+s2] =	stream.linear.scatter [tilespmem:s30], [sflag:$0x4], $0x400, $0x38;
	[tilespmem:$0x10000] =	vst v63  }
0x152: {  	s17 =	simm.s32 $0xA400;
	s30 =	sadd.s32 $0x80, s26  }
0x153: {  	[hbm4b:s30+s2] =	stream.linear.scatter [tilespmem:s17], [sflag:$0x4], $0x400, $0x38;
	[tilespmem:$0x10000] =	vst v63  }
0x154: {  	s30 =	sadd.s32 $0x100, s26;
	s17 =	simm.s32 $0xC400  }
0x155: {  	[hbm4b:s30+s2] =	stream.linear.scatter [tilespmem:s17], [sflag:$0x4], $0x400, $0x38;
	[tilespmem:$0x10000] =	vst v63  }
0x156: {  	s26 =	sadd.s32 $0x180, s26;
	s30 =	simm.s32 $0xE400  }
0x157: {  	[hbm4b:s26+s2] =	stream.linear.scatter [tilespmem:s30], [sflag:$0x4], $0x400, $0x38;
	[tilespmem:$0x10000] =	vst v63  }
0x158: {  	s26 =	sadd.s32 s0, s10;
	s30 =	simm.s32 $0x8800  }
0x159: {  	[hbm4b:s26+s2] =	stream.linear.scatter [tilespmem:s30], [sflag:$0x4], $0x400, $0x38;
	[tilespmem:$0x10000] =	vst v63  }
0x15a: {  	s17 =	simm.s32 $0xA800;
	s30 =	sadd.s32 $0x80, s26  }
0x15b: {  	[hbm4b:s30+s2] =	stream.linear.scatter [tilespmem:s17], [sflag:$0x4], $0x400, $0x38;
	[tilespmem:$0x10000] =	vst v63  }
0x15c: {  	s30 =	sadd.s32 $0x100, s26;
	s17 =	simm.s32 $0xC800  }
0x15d: {  	[hbm4b:s30+s2] =	stream.linear.scatter [tilespmem:s17], [sflag:$0x4], $0x400, $0x38;
	[tilespmem:$0x10000] =	vst v63  }
0x15e: {  	s26 =	sadd.s32 $0x180, s26;
	s30 =	simm.s32 $0xE800  }
0x15f: {  	[hbm4b:s26+s2] =	stream.linear.scatter [tilespmem:s30], [sflag:$0x4], $0x400, $0x38;
	[tilespmem:$0x10000] =	vst v63  }
0x160: {  	s26 =	sadd.s32 s0, s11;
	s30 =	simm.s32 $0x8C00  }
0x161: {  	[hbm4b:s26+s2] =	stream.linear.scatter [tilespmem:s30], [sflag:$0x4], $0x400, $0x38;
	[tilespmem:$0x10000] =	vst v63  }
0x162: {  	s17 =	simm.s32 $0xAC00;
	s30 =	sadd.s32 $0x80, s26  }
0x163: {  	[hbm4b:s30+s2] =	stream.linear.scatter [tilespmem:s17], [sflag:$0x4], $0x400, $0x38;
	[tilespmem:$0x10000] =	vst v63  }
0x164: {  	s30 =	sadd.s32 $0x100, s26;
	s17 =	simm.s32 $0xCC00  }
0x165: {  	[hbm4b:s30+s2] =	stream.linear.scatter [tilespmem:s17], [sflag:$0x4], $0x400, $0x38;
	[tilespmem:$0x10000] =	vst v63  }
0x166: {  	s26 =	sadd.s32 $0x180, s26;
	s30 =	simm.s32 $0xEC00  }
0x167: {  	[hbm4b:s26+s2] =	stream.linear.scatter [tilespmem:s30], [sflag:$0x4], $0x400, $0x38;
	[tilespmem:$0x10000] =	vst v63  }
0x168: {  	s26 =	sadd.s32 s0, s12;
	s30 =	simm.s32 $0x9000  }
0x169: {  	[hbm4b:s26+s2] =	stream.linear.scatter [tilespmem:s30], [sflag:$0x4], $0x400, $0x38;
	[tilespmem:$0x10000] =	vst v63  }
0x16a: {  	s17 =	simm.s32 $0xB000;
	s30 =	sadd.s32 $0x80, s26  }
0x16b: {  	[hbm4b:s30+s2] =	stream.linear.scatter [tilespmem:s17], [sflag:$0x4], $0x400, $0x38;
	[tilespmem:$0x10000] =	vst v63  }
0x16c: {  	s30 =	sadd.s32 $0x100, s26;
	s17 =	simm.s32 $0xD000  }
0x16d: {  	[hbm4b:s30+s2] =	stream.linear.scatter [tilespmem:s17], [sflag:$0x4], $0x400, $0x38;
	[tilespmem:$0x10000] =	vst v63  }
0x16e: {  	s26 =	sadd.s32 $0x180, s26;
	s30 =	simm.s32 $0xF000  }
0x16f: {  	[hbm4b:s26+s2] =	stream.linear.scatter [tilespmem:s30], [sflag:$0x4], $0x400, $0x38;
	[tilespmem:$0x10000] =	vst v63  }
0x170: {  	s26 =	sadd.s32 s0, s13;
	s30 =	simm.s32 $0x9400  }
0x171: {  	[hbm4b:s26+s2] =	stream.linear.scatter [tilespmem:s30], [sflag:$0x4], $0x400, $0x38;
	[tilespmem:$0x10000] =	vst v63  }
0x172: {  	s17 =	simm.s32 $0xB400;
	s30 =	sadd.s32 $0x80, s26  }
0x173: {  	[hbm4b:s30+s2] =	stream.linear.scatter [tilespmem:s17], [sflag:$0x4], $0x400, $0x38;
	[tilespmem:$0x10000] =	vst v63  }
0x174: {  	s30 =	sadd.s32 $0x100, s26;
	s17 =	simm.s32 $0xD400  }
0x175: {  	[hbm4b:s30+s2] =	stream.linear.scatter [tilespmem:s17], [sflag:$0x4], $0x400, $0x38;
	[tilespmem:$0x10000] =	vst v63  }
0x176: {  	s26 =	sadd.s32 $0x180, s26;
	s30 =	simm.s32 $0xF400  }
0x177: {  	[hbm4b:s26+s2] =	stream.linear.scatter [tilespmem:s30], [sflag:$0x4], $0x400, $0x38;
	[tilespmem:$0x10000] =	vst v63  }
0x178: {  	s26 =	sadd.s32 s0, s14;
	s30 =	simm.s32 $0x9800  }
0x179: {  	[hbm4b:s26+s2] =	stream.linear.scatter [tilespmem:s30], [sflag:$0x4], $0x400, $0x38;
	[tilespmem:$0x10000] =	vst v63  }
0x17a: {  	s17 =	simm.s32 $0xB800;
	s30 =	sadd.s32 $0x80, s26  }
0x17b: {  	[hbm4b:s30+s2] =	stream.linear.scatter [tilespmem:s17], [sflag:$0x4], $0x400, $0x38;
	[tilespmem:$0x10000] =	vst v63  }
0x17c: {  	s30 =	sadd.s32 $0x100, s26;
	s17 =	simm.s32 $0xD800  }
0x17d: {  	[hbm4b:s30+s2] =	stream.linear.scatter [tilespmem:s17], [sflag:$0x4], $0x400, $0x38;
	[tilespmem:$0x10000] =	vst v63  }
0x17e: {  	s26 =	sadd.s32 $0x180, s26;
	s30 =	simm.s32 $0xF800  }
0x17f: {  	[hbm4b:s26+s2] =	stream.linear.scatter [tilespmem:s30], [sflag:$0x4], $0x400, $0x38;
	[tilespmem:$0x10000] =	vst v63  }
0x180: {  	s0 =	sadd.s32 s0, s15;
	s30 =	simm.s32 $0x9C00  }
0x181: {  	[hbm4b:s0+s2] =	stream.linear.scatter [tilespmem:s30], [sflag:$0x4], $0x400, $0x38;
	[tilespmem:$0x10000] =	vst v63  }
0x182: {  	s17 =	sadd.s32 $0x80, s0;
	s30 =	simm.s32 $0xBC00  }
0x183: {  	[hbm4b:s17+s2] =	stream.linear.scatter [tilespmem:s30], [sflag:$0x4], $0x400, $0x38;
	[tilespmem:$0x10000] =	vst v63  }
0x184: {  	s17 =	sadd.s32 $0x100, s0;
	s30 =	simm.s32 $0xDC00  }
0x185: {  	[hbm4b:s17+s2] =	stream.linear.scatter [tilespmem:s30], [sflag:$0x4], $0x400, $0x38;
	[tilespmem:$0x10000] =	vst v63  }
0x186: {  	s0 =	sadd.s32 $0x180, s0;
	s30 =	simm.s32 $0xFC00  }
0x187: {  	[hbm4b:s0+s2] =	stream.linear.scatter [tilespmem:s30], [sflag:$0x4], $0x400, $0x38;
	[tilespmem:$0x10000] =	vst v63  }
0x188: {  	_ =	swait.ge [sflag:s23], $0x1000  }
0x189: {  	[sflag:s23] =	ssyncset.done $0x0  }
0x18a: {  	[sflag:s23] =	ssyncadd.s32 $0xFFFFF000  }
0x18b: {  	_ =	swait.ge [sflag:s23], $0x1000  }
0x18c: {  	[sflag:s23] =	ssyncset.done $0x0  }
0x18d: {  	[sflag:s23] =	ssyncadd.s32 $0xFFFFF000  }
0x18e: {  	_ =	swait.ge [sflag:s23], $0x1000  }
0x18f: {  	[sflag:s23] =	ssyncset.done $0x0  }
0x190: {  	[sflag:s23] =	ssyncadd.s32 $0xFFFFF000  }
0x191: {  	_ =	swait.ge [sflag:s23], $0x1000  }
0x192: {  	[sflag:s23] =	ssyncset.done $0x0  }
0x193: {  	[sflag:s23] =	ssyncadd.s32 $0xFFFFF000  }
0x194: {  	_ =	swait.ge [sflag:s23], $0x1000  }
0x195: {  	[sflag:s23] =	ssyncset.done $0x0  }
0x196: {  	[sflag:s23] =	ssyncadd.s32 $0xFFFFF000  }
0x197: {  	_ =	swait.ge [sflag:s23], $0x1000  }
0x198: {  	[sflag:s23] =	ssyncset.done $0x0  }
0x199: {  	[sflag:s23] =	ssyncadd.s32 $0xFFFFF000  }
0x19a: {  	p1 =	seq.s32 s29, $0x3C;
	_ =	swait.ge [sflag:s23], $0x1000  }
.Ltmp5:
0x19b: {  	[sflag:s23] =	ssyncset.done $0x0;
	(pc) =	sbr.rel @p1 .LBB2_8-.Ltmp5, $4  }
0x19c: {  	[sflag:s23] =	ssyncadd.s32 $0xFFFFF000  }
0x19d: {  	_ =	swait.ge [sflag:s23], $0x1000  }
0x19e: {  	[sflag:s23] =	ssyncset.done $0x0  }
0x19f: {  	[sflag:s23] =	ssyncadd.s32 $0xFFFFF000  }
0x1a0: {  	s0 =	sadd.s32 $0x2, s31  }
0x1a1: {  	p1 =	sgt.u32 s0, $0x3CF  }
0x1a2: {  	s0 =	simm.s32 @p1 $0x0;
	s26 =	simm.s32 @!p1 $0x2000  }
0x1a3: {  	[tilespmem:s0], [sflag:$0x1] =	stream.linear.gather @p1 [hbm4b:s3+s0], $0x8000, $0x38;
	[tilespmem:$0x10000] =	vst v63  }
0x1a4: {  	s30 =	simm.s32 @!p1 $0x7A1400;
	s17 =	simm.s32 @!p1 $0x0;
	s0 =	sadd.s32 @!p1 $0xFFFFFC00, s8  }
0x1a5: {  	[tilespmem:s17], [sflag:$0x1] =	stream.strided.gather @!p1 [hbm4b:s0+s26], $0x8000, s30, s26, $0x38;
	[tilespmem:$0x10000] =	vst v63  }
0x1a6: {  	_ =	swait.ge [sflag:s28], $0x1000  }
0x1a7: {  	[sflag:s28] =	ssyncset.done $0x0  }
0x1a8: {  	[sflag:s28] =	ssyncadd.s32 $0xFFFFF000  }
0x1a9: {  	_ =	swait.ge [sflag:s28], $0x1000  }
0x1aa: {  	[sflag:s28] =	ssyncset.done $0x0  }
0x1ab: {  	[sflag:s28] =	ssyncadd.s32 $0xFFFFF000  }
0x1ac: {  	_ =	swait.ge [sflag:s28], $0x1000  }
0x1ad: {  	[sflag:s28] =	ssyncset.done $0x0  }
0x1ae: {  	[sflag:s28] =	ssyncadd.s32 $0xFFFFF000  }
0x1af: {  	_ =	swait.ge [sflag:s28], $0x1000  }
0x1b0: {  	[sflag:s28] =	ssyncset.done $0x0  }
0x1b1: {  	[sflag:s28] =	ssyncadd.s32 $0xFFFFF000  }
0x1b2: {  	_ =	swait.ge [sflag:s28], $0x1000  }
0x1b3: {  	[sflag:s28] =	ssyncset.done $0x0  }
0x1b4: {  	[sflag:s28] =	ssyncadd.s32 $0xFFFFF000  }
0x1b5: {  	_ =	swait.ge [sflag:s28], $0x1000  }
0x1b6: {  	[sflag:s28] =	ssyncset.done $0x0  }
0x1b7: {  	[sflag:s28] =	ssyncadd.s32 $0xFFFFF000  }
0x1b8: {  	_ =	swait.ge [sflag:s28], $0x1000  }
0x1b9: {  	[sflag:s28] =	ssyncset.done $0x0  }
0x1ba: {  	s31 =	sadd.s32 $0x3, s31;
	[sflag:s28] =	ssyncadd.s32 $0xFFFFF000  }
0x1bb: {  	p1 =	sgt.u32 s31, $0x3CF;
	_ =	swait.ge [sflag:s28], $0x1000  }
0x1bc: {  	s0 =	simm.s32 @p1 $0x0;
	[sflag:s28] =	ssyncset.done $0x0  }
.Ltmp6:
0x1bd: {  	s17 =	simm.s32 @p1 $0x8000;
	[sflag:s28] =	ssyncadd.s32 $0xFFFFF000;
	(pc) =	sbr.rel .LBB2_3-.Ltmp6, $4  }
0x1be: {  	[tilespmem:s17], [sflag:$0x2] =	stream.linear.gather @p1 [hbm4b:s3+s0], $0x8000, $0x38;
	[tilespmem:$0x10000] =	vst v63  }
0x1bf: {  	s26 =	simm.s32 @!p1 $0x8000;
	s0 =	simm.s32 @!p1 $0x2000;
	s17 =	simm.s32 @!p1 $0x7A1400  }
0x1c0: {  	[tilespmem:s26], [sflag:$0x2] =	stream.strided.gather @!p1 [hbm4b:s8+s0], $0x8000, s17, s0, $0x38;
	[tilespmem:$0x10000] =	vst v63  }
0x1c1: {  	s29 =	sadd.s32 $0x2, s29;
	s8 =	sadd.s32 $0x800, s8  }
.LBB2_9:
0x1c2: {  	_ =	sfence.sel $0x180000  }
0x1c3: {  	[bflag:$0x0] =	sbarrier.arrive $0xFFFF  }
0x1c4: {  	_ =	strace $0x90000047  }
0x1c5: {  	s0 =	stileid.u32;
	[bflag:$0x2] =	sbarrier.arrive $0xFFFF  }
0x1c6: {  	p0 =	sne.s32 s0, $0x0;
	s0 =	rddreg [dreg:$0x3]  }
0x1c7: {  	s0 =	sadd.s32 @!p0 $0x100000, s0  }
0x1c8: {  	[sflag:s0] =	ssyncadd.tile.s32 @!p0 $0x1;
	_ =	shalt  }
.Lfunc_end2:
_tile_overlayer_lowered:
.L_overlay_start_2:
0x1c9: {  	(tag) =	ssettag $0x2  }
0x1ca: {  	s0 =	rddreg [dreg:$0x0];
	s2 =	stileid.u32  }
0x1cb: {  	s1 =	rddreg [dreg:$0x1];
	p0 =	sne.s32 s2, $0x0  }
0x1cc: {  	s3 =	rddreg [dreg:$0x2];
	[bflag:$0x3] =	sbarrier.arrive $0xFFFF;
	s2 =	simm.s32 @!p0 $0x1C05  }
0x1cd: {  	[timem:s3], [sflag:s2] =	dma.local @!p0 [hbm:s0], s1  }
0x1ce: {  	s0 =	simm.s32 @!p0 $0x5  }
0x1cf: {  	_ =	swait.ge @!p0 [sflag:s0], s1  }
0x1d0: {  	s1 =	ssub.s32 @!p0 $0x0, s1;
	[sflag:s0] =	ssyncset.done @!p0 $0x0  }
0x1d1: {  	[sflag:s0] =	ssyncadd.s32 @!p0 s1  }
0x1d2: {  	[bflag:$0x3] =	sbarrier.arrive $0xFFFF  }
0x1d3: {  	_ =	shalt  }

// kernel: kernel.8.cloned.1.call-start
scs
__scs_entry_jumppad:
0x0: {  	(pc) =	sbr.rel $0x88, $3  }
0x1: {  	(tag) =	ssettag $0x0;
	lr =	simm.s32 $0x1  }
0x2: {  	[smem:$0x3F99] =	sst lr;
	_ =	strace $0xD0000000  }
0x3: {  	_ = 	snop  }
0x4: {  	_ = 	snop  }
0x5: {  	_ = 	snop  }
0x6: {  	_ = 	snop  }
0x7: {  	_ = 	snop  }
__scs_overlays_trampoline_lowered:
0x8: {  	[smem:$0x3FA8] =	sst s0  }
0x9: {  	[smem:$0x3FA9] =	sst s1  }
0xa: {  	[smem:$0x3FAA] =	sst s2  }
0xb: {  	[smem:$0x3FAB] =	sst s3  }
0xc: {  	[smem:$0x3FAC] =	sst s4  }
0xd: {  	[smem:$0x3FAD] =	sst s5  }
0xe: {  	[smem:$0x3FAE] =	sst s6  }
0xf: {  	[smem:$0x3FAF] =	sst s7  }
0x10: {  	[smem:$0x3FB0] =	sst s8  }
0x11: {  	[smem:$0x3FB1] =	sst s9;
	s0 =	simm.s32 @!p0 $0x0  }
0x12: {  	s1 =	sld [smem:$0x3F97];
	s0 =	simm.s32 @p0 $0x1  }
0x13: {  	[smem:$0x3FB2] =	sst s0;
	s0 =	simm.s32 @!p1 $0x0  }
0x14: {  	s2 =	sld [smem:$0x3F96];
	s0 =	simm.s32 @p1 $0x1  }
0x15: {  	[smem:$0x3FB3] =	sst s0;
	s0 =	simm.s32 @!p2 $0x0  }
0x16: {  	s3 =	sld [smem:$0x3FDB];
	s0 =	simm.s32 @p2 $0x1  }
0x17: {  	s4 =	simm.s32 $0x1BF5;
	[smem:$0x3FB5] =	sst s0  }
0x18: {  	s0 =	sld [smem:$0x3F98];
	_ =	swait.ge [sflag:s4], $0x0  }
0x19: {  	s7 =	sld [smem:$0x3F99]  }
0x1a: {  	s8 =	sadd.s32 $0xFFFFE003, lr  }
0x1b: {  	s9 =	sadd.s32 $0xFFFFFEF7, lr;
	s5 =	simm.s32 $0xFFFFFFFF;
	p2 =	slt.u32 s8, $0xFFFFF086  }
0x1c: {  	p1 =	slt.u32 s9, $0xF7A;
	s5 =	simm.s32 @!p2 $0x0  }
0x1d: {  	s5 =	simm.s32 @p1 $0x1;
	p0 =	seq.s32 s7, s2  }
0x1e: {  	s7 =	smul.u32 @!p0 $0xF7A, s2;
	p2 =	seq.s32 @!p0 s5, $0x0  }
0x1f: {  	s9 =	smul.u32 $0xF7A, s1;
	s8 =	simm.s32 @!p0 $0x1BF5;
	p2 =	por !p2, p0  }
0x20: {  	[sflag:s8] =	ssyncset.s32 @!p0 $0xFFFFF086;
	s6 =	sadd.s32 @!p0 s3, s7;
	s7 =	simm.s32 @!p0 $0x108  }
0x21: {  	s3 =	sadd.s32 s3, s9;
	s6 =	sadd.s32 @!p0 $0x88, s6;
	s7 =	simm.s32 @p2 $0x1082  }
0x22: {  	[simem:s7], [sflag:s8] =	dma.local @!p0 [hbm:s6], $0xF7A  }
0x23: {  	s9 =	sor.u32 $0xD0000000, s2;
	s6 =	simm.s32 $0x108;
	_ =	swait.ge @!p0 [sflag:s8], $0x0  }
0x24: {  	s3 =	sadd.s32 $0x88, s3;
	s6 =	simm.s32 @!p1 $0x1082;
	[sflag:s4] =	ssyncset.s32 $0xFFFFF086  }
0x25: {  	[simem:s6], [sflag:s4] =	dma.local [hbm:s3], $0xF7A  }
0x26: {  	[smem:$0x3F99] =	sst s1;
	(tag) =	ssettag s2;
	_ =	strace s9  }
0x27: {  	s1 =	sld [smem:$0x3FA9]  }
0x28: {  	s2 =	sld [smem:$0x3FAA]  }
0x29: {  	s4 =	sld [smem:$0x3FAC]  }
0x2a: {  	p0 =	seq.s32 s5, $0x0;
	s5 =	sld [smem:$0x3FAD]  }
0x2b: {  	s6 =	sld [smem:$0x3FAE]  }
0x2c: {  	s7 =	sld [smem:$0x3FAF]  }
0x2d: {  	s3 =	simm.s32 $0x108;
	s8 =	sld [smem:$0x3FB0]  }
0x2e: {  	s3 =	simm.s32 @!p0 $0x1082;
	s9 =	sld [smem:$0x3FB1]  }
0x2f: {  	lr =	sadd.s32 s0, s3;
	s0 =	sld [smem:$0x3FA8]  }
0x30: {  	s3 =	sld [smem:$0x3FAB]  }
0x31: {  	[smem:$0x3FB4] =	sst s10  }
0x32: {  	s10 =	sld [smem:$0x3FB2];
	_ =	sdelay $0x3  }
0x33: {  	p0 =	seq.s32 s10, $0x1;
	s10 =	sld [smem:$0x3FB4];
	_ =	sdelay $0x3  }
0x34: {  	[smem:$0x3FB4] =	sst s10  }
0x35: {  	s10 =	sld [smem:$0x3FB3];
	_ =	sdelay $0x3  }
0x36: {  	p1 =	seq.s32 s10, $0x1;
	s10 =	sld [smem:$0x3FB4];
	_ =	sdelay $0x3  }
0x37: {  	[smem:$0x3FB4] =	sst s10  }
0x38: {  	s10 =	sld [smem:$0x3FB5]  }
0x39: {  	_ = 	snop;
	(pc) =	sbr.ind lr, $3  }
0x3a: {  	_ = 	snop  }
0x3b: {  	_ = 	snop  }
0x3c: {  	p2 =	seq.s32 s10, $0x1;
	s10 =	sld [smem:$0x3FB4]  }
0x3d: {  	_ =	shalt  }
0x3e: {  	_ =	shalt  }
0x3f: {  	_ =	shalt  }
0x40: {  	_ =	shalt  }
0x41: {  	_ =	shalt  }
0x42: {  	_ =	shalt  }
0x43: {  	_ =	shalt  }
0x44: {  	_ =	shalt  }
0x45: {  	_ =	shalt  }
0x46: {  	_ =	shalt  }
0x47: {  	_ =	shalt  }
0x48: {  	_ =	shalt  }
0x49: {  	_ =	shalt  }
0x4a: {  	_ =	shalt  }
0x4b: {  	_ =	shalt  }
0x4c: {  	_ =	shalt  }
0x4d: {  	_ =	shalt  }
0x4e: {  	_ =	shalt  }
0x4f: {  	_ =	shalt  }
0x50: {  	_ =	shalt  }
0x51: {  	_ =	shalt  }
0x52: {  	_ =	shalt  }
0x53: {  	_ =	shalt  }
0x54: {  	_ =	shalt  }
0x55: {  	_ =	shalt  }
0x56: {  	_ =	shalt  }
0x57: {  	_ =	shalt  }
0x58: {  	_ =	shalt  }
0x59: {  	_ =	shalt  }
0x5a: {  	_ =	shalt  }
0x5b: {  	_ =	shalt  }
0x5c: {  	_ =	shalt  }
0x5d: {  	_ =	shalt  }
0x5e: {  	_ =	shalt  }
0x5f: {  	_ =	shalt  }
0x60: {  	_ =	shalt  }
0x61: {  	_ =	shalt  }
0x62: {  	_ =	shalt  }
0x63: {  	_ =	shalt  }
0x64: {  	_ =	shalt  }
0x65: {  	_ =	shalt  }
0x66: {  	_ =	shalt  }
0x67: {  	_ =	shalt  }
0x68: {  	_ =	shalt  }
0x69: {  	_ =	shalt  }
0x6a: {  	_ =	shalt  }
0x6b: {  	_ =	shalt  }
0x6c: {  	_ =	shalt  }
0x6d: {  	_ =	shalt  }
0x6e: {  	_ =	shalt  }
0x6f: {  	_ =	shalt  }
0x70: {  	_ =	shalt  }
0x71: {  	_ =	shalt  }
0x72: {  	_ =	shalt  }
0x73: {  	_ =	shalt  }
0x74: {  	_ =	shalt  }
0x75: {  	_ =	shalt  }
0x76: {  	_ =	shalt  }
0x77: {  	_ =	shalt  }
0x78: {  	_ =	shalt  }
0x79: {  	_ =	shalt  }
0x7a: {  	_ =	shalt  }
0x7b: {  	_ =	shalt  }
0x7c: {  	_ =	shalt  }
0x7d: {  	_ =	shalt  }
0x7e: {  	_ =	shalt  }
0x7f: {  	_ =	shalt  }
0x80: {  	_ =	shalt  }
0x81: {  	_ =	shalt  }
0x82: {  	_ =	shalt  }
0x83: {  	_ =	shalt  }
0x84: {  	_ =	shalt  }
0x85: {  	_ =	shalt  }
0x86: {  	_ =	shalt  }
0x87: {  	_ =	shalt  }
.Lfunc_end0:
.L_simem_size_0:
called_computation.1_lowered:
.L_overlay_start_0:
0x88: {  	s2 =	sld [smem:$0x3FD9]  }
0x89: {  	s3 =	sld [smem:$0x3FFE];
	_ =	sdelay $0x1  }
0x8a: {  	s1 =	srdreg.scid  }
0x8b: {  	s0 =	sand.u32 $0x1, s1  }
0x8c: {  	s17 =	sshll.u32 s0, $0xA;
	s2 =	sadd.s32 s3, s2  }
0x8d: {  	s2 =	sadd.s32 s2, s17  }
0x8e: {  	[smem:$0x3FC0] =	sst s2  }
0x8f: {  	_ = 	snop  }
0x90: {  	s2 =	sld [smem:$0x3FC9]  }
0x91: {  	s18 =	sld [smem:$0x3FC8];
	(tm) =	ssettm $0x1  }
0x92: {  	s4 =	sld [smem:$0x3FFB];
	_ =	sdelay $0x3  }
0x93: {  	_ =	strace s4  }
0x94: {  	s4 =	sld [smem:$0x3FFC];
	_ =	sdelay $0x3  }
0x95: {  	_ =	strace s4  }
0x96: {  	s4 =	sld [smem:$0x3FFD];
	_ =	sdelay $0x3  }
0x97: {  	_ =	strace s4  }
0x98: {  	_ =	strace $0x8FFFFFFF  }
0x99: {  	s19 =	sld [smem:$0x3FDB];
	_ =	sdelay $0x1  }
0x9a: {  	s5 =	simm.s32 $_scs_section_size  }
0x9b: {  	s6 =	simm.s32 $_size__tile_overlayer_lowered;
	s7 =	simm.s32 $_tile_overlayer_lowered  }
0x9c: {  	s22 =	simm.s32 $0x1BFF;
	s21 =	sshll.u32 s7, $0x1;
	s4 =	sadd.s32 s5, s19  }
0x9d: {  	s8 =	simm.s32 $0x0;
	s20 =	sshll.u32 s6, $0x1;
	s6 =	sadd.s32 s21, s4  }
0x9e: {  	[timem:s8], [sflag:s22] =	dma.local [hbm:s6], s20  }
0x9f: {  	_ =	swait.ge [sflag:s22], s20  }
0xa0: {  	s5 =	ssub.s32 $0x0, s20;
	[sflag:s22] =	ssyncset.done $0x0  }
0xa1: {  	[sflag:s22] =	ssyncadd.s32 s5;
	_ =	sdelay $0x1  }
0xa2: {  	s23 =	simm.s32 $0x1B8B  }
0xa3: {  	_ =	swait.ge [sflag:s23], $0x1  }
0xa4: {  	[sflag:s23] =	ssyncset.done $0x0  }
0xa5: {  	s25 =	simm.s32 $0x1B8E;
	s24 =	sld [smem:$0x3FFE];
	[sflag:s23] =	ssyncadd.s32 $0xFFFFFFFF  }
0xa6: {  	s26 =	simm.s32 $execute0_lowered;
	[smem:$0x3FD2] =	sst s25  }
0xa7: {  	s6 =	sshll.u32 s26, $0x1;
	_ =	strace $0x80000049;
	[dreg:$0x1] =	wrdreg $0xFFFFFFFF  }
0xa8: {  	s28 =	simm.s32 $_size_execute0_lowered;
	s4 =	sadd.s32 s4, s6;
	[dreg:$0x0] =	wrdreg $0x0  }
0xa9: {  	s6 =	sshll.u32 s28, $0x1;
	[dreg:$0x2] =	wrdreg s4  }
0xaa: {  	[dreg:$0x3] =	wrdreg s6  }
0xab: {  	[dreg:$0x4] =	wrdreg $0xC0  }
0xac: {  	_ =	task [dreg:s8], $0x5FFFF  }
0xad: {  	[dreg:$0x1] =	wrdreg $0xFFFFFFFF  }
0xae: {  	[dreg:$0x0] =	wrdreg $0x60  }
0xaf: {  	[dreg:$0x2] =	wrdreg s2  }
0xb0: {  	[dreg:$0x3] =	wrdreg s18  }
0xb1: {  	[dreg:$0x4] =	wrdreg s24  }
0xb2: {  	[dreg:$0x5] =	wrdreg $0x9  }
0xb3: {  	_ =	task.clear_ibuf [dreg:s8], $0x6FFFF;
	_ =	strace $0x90000049  }
0xb4: {  	s29 =	simm.s32 $0x9;
	_ =	strace $0x8000004B  }
0xb5: {  	_ =	swait.ge [sflag:s29], $0x1  }
0xb6: {  	[sflag:s29] =	ssyncadd.s32 $0xFFFFFFFF  }
0xb7: {  	_ =	strace $0x9000004B  }
0xb8: {  	_ =	sfence  }
0xb9: {  	s30 =	sld [smem:$0x0];
	_ =	sdelay $0x2  }
0xba: {  	s31 =	sshll.u32 s1, $0xD;
	s1 =	sshrl.u32 s1, $0x2  }
0xbb: {  	s3 =	sand.u32 $0x4000, s31;
	s1 =	sadd.s32 s1, s30  }
0xbc: {  	s0 =	sor.u32 s3, s0;
	s1 =	sshll.u32 s1, $0x11  }
0xbd: {  	s0 =	sor.u32 s1, s0  }
0xbe: {  	s0 =	sadd.s32 $0x8F2B, s0  }
0xbf: {  	[sflag:s0] =	ssyncadd.remote.s32 $0x1  }
0xc0: {  	_ =	sfence.sel $0xFFFF  }
0xc1: {  	[dreg:$0x0] =	wrdreg $0xFFFFFFFF;
	(pc) =	sbr.abs _section_cstart, $3  }
0xc2: {  	[dreg:$0x1] =	wrdreg $0xFFFFFFFF  }
0xc3: {  	_ =	task.clear_ibuf [dreg:s8], $0x2FFFF;
	_ =	strace $0x9FFFFFFF  }
0xc4: {  	(tm) =	ssettm $0x7FFFFFFF  }
0xc5: {  	_ =	shalt  }
tec
execute0_lowered:
.L_overlay_start_1:
0x0: {  	(tag) =	ssettag $0x1  }
0x1: {  	s5 =	rddreg [dreg:$0x0]  }
0x2: {  	s6 =	rddreg [dreg:$0x1]  }
0x3: {  	s7 =	rddreg [dreg:$0x2]  }
0x4: {  	s0 =	rddreg [dreg:$0x3];
	s2 =	simm.s32 $0x0  }
0x5: {  	s3 =	srdreg.scid;
	s1 =	stileid.u32;
	s12 =	simm.s32 $0x1  }
0x6: {  	s13 =	simm.s32 $0x2;
	s14 =	simm.s32 $0x8400;
	s15 =	simm.s32 $0xC400  }
0x7: {  	s16 =	simm.s32 $0x0;
	[smem:$0x7FF] =	sst s2;
	s4 =	sand.u32 $0x1, s3  }
0x8: {  	s8 =	sshll.u32 s1, $0x1;
	s3 =	sadd.s32 $0x3800, s7;
	_ =	strace $0x8000004A  }
0x9: {  	s8 =	sor.u32 s4, s8;
	s9 =	ssub.s32 $0x2, s4;
	s4 =	sadd.s32 $0x3D4800, s7  }
0xa: {  	v0 =	vlaneseq.u32;
	s10 =	sshll.u32 s8, $0xB;
	s11 =	sshrl.u32 s9, $0x1;
	s31 =	sshll.u32 s8, $0x6  }
0xb: {  	v0 =	vmul.u32 $0x80, v0;
	s10 =	sadd.s32 s10, s7;
	s9 =	ssub.s32 s9, s11;
	s5 =	sadd.s32 s5, s31  }
0xc: {  	s6 =	sadd.s32 s6, s31;
	s11 =	simm.s32 $0x200;
	s7 =	sadd.s32 $0x7A5800, s10  }
0xd: {  	v1 =	vor.u32 $0x800, v0;
	s8 =	sadd.s32 $0x7B5800, s10;
	s9 =	smax.u32 s9, $0x1;
	s10 =	simm.s32 $0x3  }
.LBB2_1:
0xe: {  	[tilespmem:s2], [sflag:$0x3] =	stream.linear.gather [hbm4b:s5+s2], $0x200, $0x38;
	[tilespmem:$0x10400] =	vst v63  }
0xf: {  	_ =	swait.ge [sflag:s10], $0x200  }
0x10: {  	[sflag:s10] =	ssyncset.done $0x0  }
0x11: {  	[sflag:s10] =	ssyncadd.s32 $0xFFFFFE00  }
0x12: {  	[tilespmem:s11], [sflag:$0x3] =	stream.linear.gather [hbm4b:s6+s2], $0x200, $0x38;
	[tilespmem:$0x10400] =	vst v63  }
0x13: {  	_ =	swait.ge [sflag:s10], $0x200  }
0x14: {  	[sflag:s10] =	ssyncset.done $0x0  }
0x15: {  	s17 =	simm.s32 $0x0;
	[sflag:s10] =	ssyncadd.s32 $0xFFFFFE00  }
0x16: {  	v2 =	vld [tilespmem:s17+$0x0];
	_ =	sdelay $0x1  }
0x17: {  	v3 =	vld [tilespmem:s17+$0x200];
	_ =	sdelay $0x2  }
0x18: {  	v4 =	vshll.u32 v2, $0x5  }
0x19: {  	v2 =	vand.u32 $0x7F, v2;
	v4 =	vand.u32 $0xFFFFF000, v4  }
0x1a: {  	v2 =	vor.u32 v2, v4;
	v4 =	vshll.u32 v3, $0x5  }
0x1b: {  	v3 =	vand.u32 $0x7F, v3;
	v4 =	vand.u32 $0xFFFFF000, v4;
	v5 =	vbroadcast v2, $0x0  }
0x1c: {  	v19 =	vor.u32 v3, v4  }
0x1d: {  	s18 =	simm.s32 $0x500;
	v3 =	vor.u32 v0, v5;
	v4 =	vbroadcast v19, $0x0  }
0x1e: {  	v5 =	vor.u32 v1, v5;
	[tilespmem:s18+$0xFFFFFF00] =	vst v3  }
0x1f: {  	s17 =	simm.s32 $0x4500;
	v3 =	vbroadcast v2, $0x1;
	[tilespmem:s18+$0xFFFFFF10] =	vst v5;
	v5 =	vor.u32 v0, v4  }
0x20: {  	v4 =	vor.u32 v1, v4;
	[tilespmem:s17+$0xFFFFFF00] =	vst v5  }
0x21: {  	v5 =	vbroadcast v19, $0x1;
	[tilespmem:s17+$0xFFFFFF10] =	vst v4;
	v4 =	vor.u32 v0, v3  }
0x22: {  	v3 =	vor.u32 v1, v3;
	[tilespmem:s18+$0xFFFFFF20] =	vst v4  }
0x23: {  	v4 =	vbroadcast v2, $0x2;
	[tilespmem:s18+$0xFFFFFF30] =	vst v3;
	v3 =	vor.u32 v0, v5  }
0x24: {  	v5 =	vor.u32 v1, v5;
	[tilespmem:s17+$0xFFFFFF20] =	vst v3  }
0x25: {  	v3 =	vbroadcast v19, $0x2;
	[tilespmem:s17+$0xFFFFFF30] =	vst v5;
	v5 =	vor.u32 v0, v4  }
0x26: {  	v4 =	vor.u32 v1, v4;
	[tilespmem:s18+$0xFFFFFF40] =	vst v5  }
0x27: {  	v5 =	vbroadcast v2, $0x3;
	[tilespmem:s18+$0xFFFFFF50] =	vst v4;
	v4 =	vor.u32 v0, v3  }
0x28: {  	v3 =	vor.u32 v1, v3;
	[tilespmem:s17+$0xFFFFFF40] =	vst v4  }
0x29: {  	v4 =	vbroadcast v19, $0x3;
	[tilespmem:s17+$0xFFFFFF50] =	vst v3;
	v3 =	vor.u32 v0, v5  }
0x2a: {  	v5 =	vor.u32 v1, v5;
	[tilespmem:s18+$0xFFFFFF60] =	vst v3  }
0x2b: {  	v3 =	vbroadcast v2, $0x4;
	[tilespmem:s18+$0xFFFFFF70] =	vst v5;
	v5 =	vor.u32 v0, v4  }
0x2c: {  	v4 =	vor.u32 v1, v4;
	[tilespmem:s17+$0xFFFFFF60] =	vst v5  }
0x2d: {  	v5 =	vbroadcast v19, $0x4;
	[tilespmem:s17+$0xFFFFFF70] =	vst v4;
	v4 =	vor.u32 v0, v3  }
0x2e: {  	v3 =	vor.u32 v1, v3;
	[tilespmem:s18+$0xFFFFFF80] =	vst v4  }
0x2f: {  	v4 =	vbroadcast v2, $0x5;
	[tilespmem:s18+$0xFFFFFF90] =	vst v3;
	v3 =	vor.u32 v0, v5  }
0x30: {  	v5 =	vor.u32 v1, v5;
	[tilespmem:s17+$0xFFFFFF80] =	vst v3  }
0x31: {  	v3 =	vbroadcast v19, $0x5;
	[tilespmem:s17+$0xFFFFFF90] =	vst v5;
	v5 =	vor.u32 v0, v4  }
0x32: {  	v6 =	vbroadcast v2, $0x6;
	v8 =	vbroadcast v2, $0x8;
	v4 =	vor.u32 v1, v4;
	[tilespmem:s18+$0xFFFFFFA0] =	vst v5  }
0x33: {  	v14 =	vbroadcast v2, $0x9;
	v13 =	vbroadcast v2, $0xA;
	[tilespmem:s18+$0xFFFFFFB0] =	vst v4;
	v4 =	vor.u32 v0, v3  }
0x34: {  	v11 =	vbroadcast v2, $0xB;
	v9 =	vbroadcast v2, $0xC;
	v3 =	vor.u32 v1, v3;
	[tilespmem:s17+$0xFFFFFFA0] =	vst v4  }
0x35: {  	v7 =	vbroadcast v19, $0x6;
	v20 =	vbroadcast v19, $0x7;
	[tilespmem:s17+$0xFFFFFFB0] =	vst v3;
	v3 =	vor.u32 v0, v6  }
0x36: {  	v16 =	vbroadcast v19, $0x8;
	v18 =	vor.u32 v0, v8;
	v4 =	vor.u32 v1, v6;
	[tilespmem:s18+$0xFFFFFFC0] =	vst v3  }
0x37: {  	v17 =	vor.u32 v1, v8;
	v5 =	vbroadcast v2, $0x7;
	[tilespmem:s18+$0xFFFFFFD0] =	vst v4;
	v3 =	vor.u32 v0, v7  }
0x38: {  	v15 =	vbroadcast v19, $0x9;
	v12 =	vbroadcast v19, $0xA;
	v4 =	vor.u32 v1, v7;
	[tilespmem:s17+$0xFFFFFFC0] =	vst v3  }
0x39: {  	v10 =	vbroadcast v19, $0xB;
	v8 =	vbroadcast v19, $0xC;
	[tilespmem:s17+$0xFFFFFFD0] =	vst v4;
	v3 =	vor.u32 v0, v5  }
0x3a: {  	v6 =	vbroadcast v19, $0xD;
	v21 =	vor.u32 v1, v5;
	v7 =	vbroadcast v2, $0xD;
	[tilespmem:s18+$0xFFFFFFE0] =	vst v3  }
0x3b: {  	v63 =	vor.u32 v0, v20;
	v5 =	vbroadcast v2, $0xE;
	v4 =	vbroadcast v19, $0xE;
	[tilespmem:s18+$0xFFFFFFF0] =	vst v21  }
0x3c: {  	s20 =	simm.s32 $0x40;
	s21 =	simm.s32 $0x4500;
	s19 =	simm.s32 $0x500;
	v3 =	vbroadcast v2, $0xF;
	v2 =	vbroadcast v19, $0xF;
	v19 =	vor.u32 v1, v20;
	[tilespmem:s17+$0xFFFFFFE0] =	vst v63  }
.LBB2_2:
0x3d: {  	p0 =	sne.s32 s20, $0x7C0;
	[tilespmem:s17+$0xFFFFFFF0] =	vst v19;
	s18 =	sadd.s32 $0x200, s18;
	s21 =	sadd.s32 $0x200, s21  }
0x3e: {  	s22 =	smov.u32 s20;
	s20 =	sadd.s32 $0x40, s20;
	[tilespmem:s19+$0x0] =	vst v18  }
0x3f: {  	[tilespmem:s19+$0x10] =	vst v17;
	v17 =	vor.u32 v0, v16;
	v16 =	vor.u32 v1, v16  }
0x40: {  	[tilespmem:s17+$0x0] =	vst v17  }
0x41: {  	[tilespmem:s17+$0x10] =	vst v16;
	v16 =	vor.u32 v0, v14;
	v14 =	vor.u32 v1, v14  }
0x42: {  	[tilespmem:s19+$0x20] =	vst v16  }
0x43: {  	[tilespmem:s19+$0x30] =	vst v14;
	v14 =	vor.u32 v0, v15;
	v15 =	vor.u32 v1, v15  }
0x44: {  	[tilespmem:s17+$0x20] =	vst v14  }
0x45: {  	v14 =	vor.u32 v0, v13;
	v13 =	vor.u32 v1, v13;
	[tilespmem:s17+$0x30] =	vst v15  }
0x46: {  	[tilespmem:s19+$0x40] =	vst v14  }
0x47: {  	[tilespmem:s19+$0x50] =	vst v13;
	v13 =	vor.u32 v0, v12;
	v12 =	vor.u32 v1, v12  }
0x48: {  	[tilespmem:s17+$0x40] =	vst v13  }
0x49: {  	[tilespmem:s17+$0x50] =	vst v12;
	v12 =	vor.u32 v0, v11;
	v11 =	vor.u32 v1, v11  }
0x4a: {  	[tilespmem:s19+$0x60] =	vst v12  }
0x4b: {  	[tilespmem:s19+$0x70] =	vst v11;
	v11 =	vor.u32 v0, v10;
	v10 =	vor.u32 v1, v10  }
0x4c: {  	[tilespmem:s17+$0x60] =	vst v11  }
0x4d: {  	[tilespmem:s17+$0x70] =	vst v10;
	v10 =	vor.u32 v0, v9;
	v9 =	vor.u32 v1, v9  }
0x4e: {  	[tilespmem:s19+$0x80] =	vst v10  }
0x4f: {  	[tilespmem:s19+$0x90] =	vst v9;
	v9 =	vor.u32 v0, v8;
	v8 =	vor.u32 v1, v8  }
0x50: {  	[tilespmem:s17+$0x80] =	vst v9  }
0x51: {  	[tilespmem:s17+$0x90] =	vst v8;
	v8 =	vor.u32 v0, v7;
	v7 =	vor.u32 v1, v7  }
0x52: {  	[tilespmem:s19+$0xA0] =	vst v8  }
0x53: {  	[tilespmem:s19+$0xB0] =	vst v7;
	v7 =	vor.u32 v0, v6;
	v6 =	vor.u32 v1, v6  }
0x54: {  	[tilespmem:s17+$0xA0] =	vst v7  }
0x55: {  	[tilespmem:s17+$0xB0] =	vst v6;
	v6 =	vor.u32 v0, v5;
	v5 =	vor.u32 v1, v5  }
0x56: {  	[tilespmem:s19+$0xC0] =	vst v6  }
0x57: {  	[tilespmem:s19+$0xD0] =	vst v5;
	v5 =	vor.u32 v0, v4;
	v4 =	vor.u32 v1, v4  }
0x58: {  	[tilespmem:s17+$0xC0] =	vst v5  }
0x59: {  	[tilespmem:s17+$0xD0] =	vst v4;
	v4 =	vor.u32 v0, v3;
	v3 =	vor.u32 v1, v3  }
0x5a: {  	[tilespmem:s19+$0xE0] =	vst v4  }
0x5b: {  	[tilespmem:s19+$0xF0] =	vst v3;
	v3 =	vor.u32 v0, v2;
	v2 =	vor.u32 v1, v2;
	s19 =	smov.u32 s18  }
0x5c: {  	[tilespmem:s17+$0xE0] =	vst v3  }
0x5d: {  	s22 =	sshra.s32 s22, $0x2;
	[tilespmem:s17+$0xF0] =	vst v2;
	s17 =	smov.u32 s21  }
0x5e: {  	v2 =	vld [tilespmem:s22+$0x0];
	_ =	sdelay $0x1  }
0x5f: {  	v3 =	vld [tilespmem:s22+$0x200];
	_ =	sdelay $0x2  }
0x60: {  	v4 =	vshll.u32 v2, $0x5  }
0x61: {  	v2 =	vand.u32 $0x7F, v2;
	v4 =	vand.u32 $0xFFFFF000, v4  }
0x62: {  	v2 =	vor.u32 v2, v4;
	v4 =	vshll.u32 v3, $0x5  }
0x63: {  	v3 =	vand.u32 $0x7F, v3;
	v4 =	vand.u32 $0xFFFFF000, v4;
	v5 =	vbroadcast v2, $0x0  }
0x64: {  	v19 =	vor.u32 v3, v4;
	v3 =	vbroadcast v2, $0x1;
	v4 =	vbroadcast v2, $0x2  }
0x65: {  	v6 =	vor.u32 v0, v5;
	v5 =	vor.u32 v1, v5;
	v7 =	vbroadcast v19, $0x0  }
0x66: {  	v8 =	vbroadcast v19, $0x2;
	[tilespmem:s18+$0xFFFFFF00] =	vst v6;
	v6 =	vbroadcast v19, $0x1  }
0x67: {  	v9 =	vbroadcast v2, $0x3;
	[tilespmem:s18+$0xFFFFFF10] =	vst v5;
	v5 =	vor.u32 v0, v7;
	v7 =	vor.u32 v1, v7  }
0x68: {  	v20 =	vbroadcast v2, $0x4;
	[tilespmem:s21+$0xFFFFFF00] =	vst v5;
	v5 =	vbroadcast v19, $0x3  }
0x69: {  	v21 =	vbroadcast v19, $0x4;
	[tilespmem:s21+$0xFFFFFF10] =	vst v7;
	v7 =	vor.u32 v0, v3;
	v3 =	vor.u32 v1, v3  }
0x6a: {  	v22 =	vbroadcast v2, $0x5;
	v23 =	vbroadcast v19, $0x5;
	[tilespmem:s18+$0xFFFFFF20] =	vst v7  }
0x6b: {  	v24 =	vbroadcast v2, $0x6;
	[tilespmem:s18+$0xFFFFFF30] =	vst v3;
	v3 =	vor.u32 v0, v6;
	v6 =	vor.u32 v1, v6  }
0x6c: {  	v26 =	vbroadcast v2, $0x7;
	v25 =	vbroadcast v19, $0x6;
	[tilespmem:s21+$0xFFFFFF20] =	vst v3  }
0x6d: {  	v27 =	vbroadcast v19, $0x7;
	v3 =	vor.u32 v0, v4;
	v4 =	vor.u32 v1, v4;
	[tilespmem:s21+$0xFFFFFF30] =	vst v6  }
0x6e: {  	v16 =	vbroadcast v19, $0x8;
	[tilespmem:s18+$0xFFFFFF40] =	vst v3;
	v3 =	vbroadcast v2, $0x8  }
0x6f: {  	v14 =	vbroadcast v2, $0x9;
	v6 =	vor.u32 v1, v8;
	[tilespmem:s18+$0xFFFFFF50] =	vst v4;
	v4 =	vor.u32 v0, v8  }
0x70: {  	v15 =	vbroadcast v19, $0x9;
	[tilespmem:s21+$0xFFFFFF40] =	vst v4;
	v18 =	vor.u32 v0, v3;
	v17 =	vor.u32 v1, v3  }
0x71: {  	v13 =	vbroadcast v2, $0xA;
	v3 =	vor.u32 v0, v9;
	v4 =	vor.u32 v1, v9;
	[tilespmem:s21+$0xFFFFFF50] =	vst v6  }
0x72: {  	v11 =	vbroadcast v2, $0xB;
	v12 =	vbroadcast v19, $0xA;
	[tilespmem:s18+$0xFFFFFF60] =	vst v3  }
0x73: {  	v10 =	vbroadcast v19, $0xB;
	v3 =	vor.u32 v0, v5;
	[tilespmem:s18+$0xFFFFFF70] =	vst v4;
	v4 =	vor.u32 v1, v5  }
0x74: {  	v8 =	vbroadcast v19, $0xC;
	v9 =	vbroadcast v2, $0xC;
	[tilespmem:s21+$0xFFFFFF60] =	vst v3  }
0x75: {  	v7 =	vbroadcast v2, $0xD;
	v3 =	vor.u32 v0, v20;
	[tilespmem:s21+$0xFFFFFF70] =	vst v4;
	v4 =	vor.u32 v1, v20  }
0x76: {  	v6 =	vbroadcast v19, $0xD;
	v5 =	vbroadcast v2, $0xE;
	[tilespmem:s18+$0xFFFFFF80] =	vst v3  }
0x77: {  	v20 =	vor.u32 v1, v21;
	v3 =	vor.u32 v0, v21;
	[tilespmem:s18+$0xFFFFFF90] =	vst v4;
	v4 =	vbroadcast v19, $0xE  }
0x78: {  	[tilespmem:s21+$0xFFFFFF80] =	vst v3;
	v3 =	vbroadcast v2, $0xF;
	v2 =	vbroadcast v19, $0xF  }
0x79: {  	v19 =	vor.u32 v0, v22;
	[tilespmem:s21+$0xFFFFFF90] =	vst v20;
	v20 =	vor.u32 v1, v22  }
0x7a: {  	[tilespmem:s18+$0xFFFFFFA0] =	vst v19  }
0x7b: {  	v19 =	vor.u32 v0, v23;
	[tilespmem:s18+$0xFFFFFFB0] =	vst v20;
	v20 =	vor.u32 v1, v23  }
0x7c: {  	[tilespmem:s21+$0xFFFFFFA0] =	vst v19  }
0x7d: {  	v19 =	vor.u32 v0, v24;
	[tilespmem:s21+$0xFFFFFFB0] =	vst v20;
	v20 =	vor.u32 v1, v24  }
0x7e: {  	[tilespmem:s18+$0xFFFFFFC0] =	vst v19  }
0x7f: {  	v19 =	vor.u32 v0, v25;
	[tilespmem:s18+$0xFFFFFFD0] =	vst v20;
	v20 =	vor.u32 v1, v25  }
.Ltmp0:
0x80: {  	[tilespmem:s21+$0xFFFFFFC0] =	vst v19;
	(pc) =	sbr.rel @p0 .LBB2_2-.Ltmp0, $4  }
0x81: {  	v19 =	vor.u32 v0, v26;
	[tilespmem:s21+$0xFFFFFFD0] =	vst v20;
	v20 =	vor.u32 v1, v26  }
0x82: {  	[tilespmem:s18+$0xFFFFFFE0] =	vst v19  }
0x83: {  	v19 =	vor.u32 v1, v27;
	[tilespmem:s18+$0xFFFFFFF0] =	vst v20;
	v20 =	vor.u32 v0, v27  }
0x84: {  	[tilespmem:s21+$0xFFFFFFE0] =	vst v20  }
0x85: {  	[tilespmem:s17+$0xFFFFFFF0] =	vst v19  }
0x86: {  	[tilespmem:s19+$0x0] =	vst v18  }
0x87: {  	v37 =	vor.u32 v0, v16;
	[tilespmem:s19+$0x10] =	vst v17  }
0x88: {  	v38 =	vor.u32 v1, v16;
	[tilespmem:s17+$0x0] =	vst v37  }
0x89: {  	v39 =	vor.u32 v0, v14;
	[tilespmem:s17+$0x10] =	vst v38  }
0x8a: {  	v40 =	vor.u32 v1, v14;
	[tilespmem:s19+$0x20] =	vst v39  }
0x8b: {  	v41 =	vor.u32 v0, v15;
	[tilespmem:s19+$0x30] =	vst v40  }
0x8c: {  	v42 =	vor.u32 v1, v15;
	[tilespmem:s17+$0x20] =	vst v41  }
0x8d: {  	v43 =	vor.u32 v0, v13;
	[tilespmem:s17+$0x30] =	vst v42  }
0x8e: {  	v44 =	vor.u32 v1, v13;
	[tilespmem:s19+$0x40] =	vst v43  }
0x8f: {  	v45 =	vor.u32 v0, v12;
	[tilespmem:s19+$0x50] =	vst v44  }
0x90: {  	v46 =	vor.u32 v1, v12;
	[tilespmem:s17+$0x40] =	vst v45  }
0x91: {  	v47 =	vor.u32 v0, v11;
	[tilespmem:s17+$0x50] =	vst v46  }
0x92: {  	v48 =	vor.u32 v1, v11;
	[tilespmem:s19+$0x60] =	vst v47  }
0x93: {  	v49 =	vor.u32 v0, v10;
	[tilespmem:s19+$0x70] =	vst v48  }
0x94: {  	v50 =	vor.u32 v1, v10;
	[tilespmem:s17+$0x60] =	vst v49  }
0x95: {  	v51 =	vor.u32 v0, v9;
	[tilespmem:s17+$0x70] =	vst v50  }
0x96: {  	v52 =	vor.u32 v1, v9;
	[tilespmem:s19+$0x80] =	vst v51  }
0x97: {  	v53 =	vor.u32 v0, v8;
	[tilespmem:s19+$0x90] =	vst v52  }
0x98: {  	v54 =	vor.u32 v1, v8;
	[tilespmem:s17+$0x80] =	vst v53  }
0x99: {  	v55 =	vor.u32 v0, v7;
	[tilespmem:s17+$0x90] =	vst v54  }
0x9a: {  	v56 =	vor.u32 v1, v7;
	[tilespmem:s19+$0xA0] =	vst v55  }
0x9b: {  	v57 =	vor.u32 v0, v6;
	[tilespmem:s19+$0xB0] =	vst v56  }
0x9c: {  	v58 =	vor.u32 v1, v6;
	[tilespmem:s17+$0xA0] =	vst v57  }
0x9d: {  	v59 =	vor.u32 v0, v5;
	[tilespmem:s17+$0xB0] =	vst v58  }
0x9e: {  	v60 =	vor.u32 v1, v5;
	[tilespmem:s19+$0xC0] =	vst v59  }
0x9f: {  	v61 =	vor.u32 v0, v4;
	[tilespmem:s19+$0xD0] =	vst v60  }
0xa0: {  	v62 =	vor.u32 v1, v4;
	[tilespmem:s17+$0xC0] =	vst v61  }
0xa1: {  	v63 =	vor.u32 v0, v3;
	[tilespmem:s17+$0xD0] =	vst v62  }
0xa2: {  	v3 =	vor.u32 v1, v3;
	[tilespmem:s19+$0xE0] =	vst v63  }
0xa3: {  	[tilespmem:s19+$0xF0] =	vst v3;
	v3 =	vor.u32 v0, v2  }
0xa4: {  	v2 =	vor.u32 v1, v2;
	[tilespmem:s17+$0xE0] =	vst v3  }
0xa5: {  	s18 =	simm.s32 $0x8400;
	s31 =	simm.s32 $0x400;
	[tilespmem:s17+$0xF0] =	vst v2;
	s17 =	simm.s32 $0x80  }
0xa6: {  	[tilespmem:s18], [sflag:$0x1] =	stream.indirect.gather [hbm4b:s3+s17], $0x1, s31, s17, $0xb8;
	[tilespmem:$0x10400] =	vst v63  }
0xa7: {  	s20 =	simm.s32 $0x4400;
	s19 =	simm.s32 $0xC400;
	s18 =	simm.s32 $0x200  }
.LBB2_4:
0xa8: {  	[tilespmem:s19], [sflag:$0x2] =	stream.indirect.gather [hbm4b:s4+s17], $0x1, s20, s17, $0xb8;
	[tilespmem:$0x10400] =	vst v63  }
0xa9: {  	s19 =	smov.u32 s18;
	p0 =	sne.s32 s18, $0xFE00  }
.Ltmp1:
0xaa: {  	s18 =	sadd.s32 $0x200, s18;
	(pc) =	sbr.rel @p0 .LBB2_4-.Ltmp1, $4  }
0xab: {  	s20 =	sshra.s32 s19, $0x2  }
0xac: {  	s19 =	sadd.s32 $0x8400, s20;
	s21 =	sadd.s32 $0x400, s20  }
0xad: {  	[tilespmem:s19], [sflag:$0x1] =	stream.indirect.gather [hbm4b:s3+s17], $0x1, s21, s17, $0xb8;
	[tilespmem:$0x10400] =	vst v63  }
0xae: {  	s19 =	sadd.s32 $0xC400, s20;
	s20 =	sadd.s32 $0x4400, s20  }
0xaf: {  	[tilespmem:s19], [sflag:$0x2] =	stream.indirect.gather [hbm4b:s4+s17], $0x1, s20, s17, $0xb8;
	[tilespmem:$0x10400] =	vst v63  }
0xb0: {  	_ =	swait.ge [sflag:s12], $0x80  }
0xb1: {  	[sflag:s12] =	ssyncset.done $0x0  }
0xb2: {  	[sflag:s12] =	ssyncadd.s32 $0xFFFFFF80  }
0xb3: {  	_ =	swait.ge [sflag:s13], $0x80  }
0xb4: {  	s17 =	simm.s32 $0x7F;
	[sflag:s13] =	ssyncset.done $0x0  }
.LBB2_6:
0xb5: {  	p0 =	sne.s32 s17, $0x1;
	s17 =	sadd.s32 $0xFFFFFFFF, s17;
	[sflag:s13] =	ssyncadd.s32 $0xFFFFFF80  }
.Ltmp2:
0xb6: {  	_ =	swait.ge [sflag:s12], $0x80;
	(pc) =	sbr.rel @p0 .LBB2_6-.Ltmp2, $4  }
0xb7: {  	[sflag:s12] =	ssyncset.done $0x0  }
0xb8: {  	[sflag:s12] =	ssyncadd.s32 $0xFFFFFF80  }
0xb9: {  	_ =	swait.ge [sflag:s13], $0x80  }
0xba: {  	[sflag:s13] =	ssyncset.done $0x0  }
0xbb: {  	[sflag:s13] =	ssyncadd.s32 $0xFFFFFF80  }
0xbc: {  	[hbm4b:s7+s2] =	stream.linear.scatter [tilespmem:s14], [sflag:$0x3], $0x4000, $0x38;
	[tilespmem:$0x10400] =	vst v63  }
0xbd: {  	s16 =	sadd.s32 $0x1, s16;
	_ =	swait.ge [sflag:s10], $0x4000  }
0xbe: {  	p0 =	sne.s32 s16, s9;
	[sflag:s10] =	ssyncset.done $0x0  }
.Ltmp3:
0xbf: {  	[sflag:s10] =	ssyncadd.s32 $0xFFFFC000;
	(pc) =	sbr.rel @p0 .LBB2_1-.Ltmp3, $4  }
0xc0: {  	[hbm4b:s8+s2] =	stream.linear.scatter [tilespmem:s15], [sflag:$0x3], $0x4000, $0x38;
	[tilespmem:$0x10400] =	vst v63  }
0xc1: {  	_ =	swait.ge [sflag:s10], $0x4000  }
0xc2: {  	[sflag:s10] =	ssyncset.done $0x0  }
0xc3: {  	[sflag:s10] =	ssyncadd.s32 $0xFFFFC000  }
0xc4: {  	_ =	sfence.sel $0x180000  }
0xc5: {  	[bflag:$0x0] =	sbarrier.arrive $0xFFFF  }
0xc6: {  	p0 =	sne.s32 s1, $0x0;
	_ =	strace $0x9000004A  }
0xc7: {  	s0 =	sadd.s32 @!p0 $0x100000, s0;
	[bflag:$0x2] =	sbarrier.arrive $0xFFFF  }
0xc8: {  	[sflag:s0] =	ssyncadd.tile.s32 @!p0 $0x1;
	_ =	shalt  }
.Lfunc_end2:
_tile_overlayer_lowered:
.L_overlay_start_2:
0xc9: {  	(tag) =	ssettag $0x2  }
0xca: {  	s0 =	rddreg [dreg:$0x0];
	s2 =	stileid.u32  }
0xcb: {  	s1 =	rddreg [dreg:$0x1];
	p0 =	sne.s32 s2, $0x0  }
0xcc: {  	s3 =	rddreg [dreg:$0x2];
	[bflag:$0x3] =	sbarrier.arrive $0xFFFF;
	s2 =	simm.s32 @!p0 $0x1C03  }
0xcd: {  	[timem:s3], [sflag:s2] =	dma.local @!p0 [hbm:s0], s1  }
0xce: {  	s0 =	simm.s32 @!p0 $0x3  }
0xcf: {  	_ =	swait.ge @!p0 [sflag:s0], s1  }
0xd0: {  	s1 =	ssub.s32 @!p0 $0x0, s1;
	[sflag:s0] =	ssyncset.done @!p0 $0x0  }
0xd1: {  	[sflag:s0] =	ssyncadd.s32 @!p0 s1  }
0xd2: {  	[bflag:$0x3] =	sbarrier.arrive $0xFFFF  }
0xd3: {  	_ =	shalt  }

</sc_bundles>
